<compile_context>
chip_gen: v7x
topology: tpu7x:2x2x1
jax: 0.10.2.dev20260603
libtpu: 0.0.44.dev20260713+nightly
codegen_flags: <defaults>
</compile_context>

<pallas_src>
import functools

import jax
import jax.numpy as jnp
from jax import lax
from jax.experimental import pallas as pl
from jax.experimental.pallas import tpu as pltpu
from jax.experimental.pallas import tpu_sc as plsc

HD = 32
CED = 4
_NB = 1000
_EB = 1024
_F32 = jnp.float32


def _fullspec(a):
    r = a.ndim
    return pl.BlockSpec(a.shape, lambda i, _r=r: (0,) * _r)


def _rowspec(rows, cols):
    return pl.BlockSpec((rows, cols), lambda i: (i, 0))


def _ln(h, g, b):
    m = jnp.mean(h, axis=-1, keepdims=True)
    v = jnp.mean((h - m) ** 2, axis=-1, keepdims=True)
    return (h - m) * lax.rsqrt(v + 1e-5) * g + b


def _dot(a, b):
    return jnp.dot(a, b, preferred_element_type=_F32)



def _enc_flat(p):
    return [p["W1"], p["b1"].reshape(1, -1), p["W2"], p["b2"].reshape(1, -1),
            p["g"].reshape(1, -1), p["be"].reshape(1, -1)]


def _enc_apply(inp, W1, b1, W2, b2, g, be):
    h = jnp.maximum(_dot(inp, W1[...]) + b1[...], 0.0)
    h = _dot(h, W2[...]) + b2[...]
    return _ln(h, g[...], be[...])


def _encoder_stage(x, cc, tc, params, n, ci1p):
    weights = []
    for name in ("cve", "cte", "tve", "tte", "time", "fusion"):
        weights += _enc_flat(params[name])

    def body(x_r, cc_r, tc_r, *rest):
        wr = rest[:36]
        cf_o, ex_o = rest[36:]
        cv = _enc_apply(cc_r[:, 0:1], *wr[0:6])
        ct = _enc_apply(cc_r[:, 1:2], *wr[6:12])
        tv = _enc_apply(tc_r[:, 0:1], *wr[12:18])
        tt = _enc_apply(tc_r[:, 1:2], *wr[18:24])
        tm = _enc_apply(jnp.concatenate([cc_r[:, 2:3], tc_r[:, 2:3]], axis=1),
                        *wr[24:30])
        cf = jnp.concatenate([cv, ct, tv, tt, tm], axis=1)
        fused = _enc_apply(cf, *wr[30:36])
        cf_o[...] = cf
        pad = jnp.zeros((cf.shape[0], ci1p - 3 - HD), _F32)
        ex_o[...] = jnp.concatenate([x_r[...], fused, pad], axis=1)

    grid = (n // _NB,)
    in_specs = [_rowspec(_NB, 3), _rowspec(_NB, 3), _rowspec(_NB, 3)]
    in_specs += [_fullspec(w) for w in weights]
    return pl.pallas_call(
        body,
        grid=grid,
        in_specs=in_specs,
        out_specs=[_rowspec(_NB, 5 * CED), _rowspec(_NB, ci1p)],
        out_shape=[jax.ShapeDtypeStruct((n, 5 * CED), _F32),
                   jax.ShapeDtypeStruct((n, ci1p), _F32)],
    )(x, cc, tc, *weights)



def _sc_gather(table, idx2d, ep):
    d = table.shape[1]
    pw = ep // 32
    nch = pw // 128
    tb = 1024
    nout = pw // tb
    mesh = plsc.VectorSubcoreMesh(core_axis_name="c", subcore_axis_name="s",
                                   num_cores=2, num_subcores=16)

    @functools.partial(
        pl.kernel,
        out_type=jax.ShapeDtypeStruct((ep, d), _F32),
        mesh=mesh,
        compiler_params=pltpu.CompilerParams(use_tc_tiling_on_sc=False),
        scratch_types=[pltpu.VMEM((nch, 128), jnp.int32),
                       pltpu.VMEM((tb, d), _F32),
                       pltpu.SemaphoreType.DMA],
    )
    def k(table_hbm, idx_hbm, out_hbm, idx_v, rows_v, sem):
        w = lax.axis_index("s") * 2 + lax.axis_index("c")
        pltpu.sync_copy(idx_hbm.at[pl.ds(w * nch, nch)], idx_v)

        def outer(t, carry):
            cps = [
                pltpu.async_copy(table_hbm.at[idx_v.at[t * (tb // 128) + g]],
                                 rows_v.at[pl.ds(g * 128, 128)], sem)
                for g in range(tb // 128)
            ]
            for cp in cps:
                cp.wait()
            pltpu.sync_copy(rows_v, out_hbm.at[pl.ds(w * pw + t * tb, tb)])
            return carry

        lax.fori_loop(0, nout, outer, 0)

    return k(table, idx2d)


def _sc_scatter(msg, idx2d, z32, ep, npad, with_counts, zc=None, ones=None):
    pw = ep // 32
    nch = pw // 128
    tb = 1024
    nout = pw // tb
    pt = npad // 16
    mesh = plsc.VectorSubcoreMesh(core_axis_name="c", subcore_axis_name="s",
                                   num_cores=2, num_subcores=16)

    out_type = [jax.ShapeDtypeStruct((2 * npad, 32), _F32)]
    scratch = [pltpu.VMEM((nch, 128), jnp.int32),
               pltpu.VMEM((tb, 32), _F32),
               pltpu.VMEM_SHARED((npad, 32), _F32)]
    if with_counts:
        out_type.append(jax.ShapeDtypeStruct((2 * npad, 16), _F32))
        scratch += [pltpu.VMEM((128, 16), _F32),
                    pltpu.VMEM((pt, 16), _F32),
                    pltpu.VMEM_SHARED((npad, 16), _F32)]

    @functools.partial(pl.kernel, out_type=out_type, mesh=mesh,
                       compiler_params=pltpu.CompilerParams(
                           use_tc_tiling_on_sc=False),
                       scratch_types=scratch)
    def k(*refs):
        if with_counts:
            (msg_hbm, idx_hbm, z_hbm, zc_hbm, ones_hbm, p_hbm, pc_hbm,
             idx_v, rows_v, acc_sh, ones_v, cbuf, cnt_sh) = refs
        else:
            msg_hbm, idx_hbm, z_hbm, p_hbm, idx_v, rows_v, acc_sh = refs
        c = lax.axis_index("c")
        s = lax.axis_index("s")
        w = s * 2 + c

        pltpu.sync_copy(z_hbm.at[pl.ds(s * pt, pt)], rows_v.at[pl.ds(0, pt)])
        pltpu.sync_copy(rows_v.at[pl.ds(0, pt)], acc_sh.at[pl.ds(s * pt, pt)])
        if with_counts:
            pltpu.sync_copy(zc_hbm.at[pl.ds(s * pt, pt)], cbuf)
            pltpu.sync_copy(cbuf, cnt_sh.at[pl.ds(s * pt, pt)])
            pltpu.sync_copy(ones_hbm, ones_v)
        plsc.subcore_barrier()

        pltpu.sync_copy(idx_hbm.at[pl.ds(w * nch, nch)], idx_v)

        def outer(t, carry):
            pltpu.sync_copy(msg_hbm.at[pl.ds(w * pw + t * tb, tb)], rows_v)
            for g in range(tb // 128):
                row = idx_v.at[t * (tb // 128) + g]
                pltpu.sync_copy(rows_v.at[pl.ds(g * 128, 128)],
                                acc_sh.at[row], add=True)
                if with_counts:
                    pltpu.sync_copy(ones_v, cnt_sh.at[row], add=True)
            return carry

        lax.fori_loop(0, nout, outer, 0)
        plsc.subcore_barrier()

        pltpu.sync_copy(acc_sh.at[pl.ds(s * pt, pt)], rows_v.at[pl.ds(0, pt)])
        pltpu.sync_copy(rows_v.at[pl.ds(0, pt)],
                        p_hbm.at[pl.ds(c * npad + s * pt, pt)])
        if with_counts:
            pltpu.sync_copy(cnt_sh.at[pl.ds(s * pt, pt)], cbuf)
            pltpu.sync_copy(cbuf, pc_hbm.at[pl.ds(c * npad + s * pt, pt)])

    if with_counts:
        return tuple(k(msg, idx2d, z32, zc, ones))
    return tuple(k(msg, idx2d, z32))



def _msg_stage(ea, xs, a2p, r_mat, s_mat, bp, nw1, nb1, ep):
    d = xs.shape[1]

    def body(ea_r, xs_r, a2_r, r_r, s_r, b_r, w1_r, b1_r, out_r):
        h = jnp.maximum(ea_r[...] * w1_r[...] + b1_r[...], 0.0)
        p = _dot(xs_r[...], a2_r[...])
        hr = _dot(h, r_r[...])
        out_r[...] = _dot(p * hr, s_r[...]) + _dot(xs_r[...], b_r[...])

    return pl.pallas_call(
        body,
        grid=(ep // _EB,),
        in_specs=[_rowspec(_EB, 1), _rowspec(_EB, d), _fullspec(a2p),
                  _fullspec(r_mat), _fullspec(s_mat), _fullspec(bp),
                  _fullspec(nw1), _fullspec(nb1)],
        out_specs=_rowspec(_EB, HD),
        out_shape=jax.ShapeDtypeStruct((ep, HD), _F32),
    )(ea, xs, a2p, r_mat, s_mat, bp, nw1, nb1)



def _aggr(p0, p1, c0, c1):
    cnt = jnp.maximum(c0[...] + c1[...], 1.0)
    return (p0[...] + p1[...]) / cnt


def _ep_first(p0, p1, c0, c1, ex, root, bias, g, be, n):
    def body(p0_r, p1_r, c0_r, c1_r, ex_r, rt_r, b_r, g_r, be_r, out_r):
        o = _aggr(p0_r, p1_r, c0_r, c1_r) + _dot(ex_r[...], rt_r[...]) + b_r[...]
        out_r[...] = jnp.maximum(_ln(o, g_r[...], be_r[...]), 0.0)

    d = ex.shape[1]
    return pl.pallas_call(
        body,
        grid=(n // _NB,),
        in_specs=[_rowspec(_NB, HD), _rowspec(_NB, HD), _rowspec(_NB, 1),
                  _rowspec(_NB, 1), _rowspec(_NB, d), _fullspec(root),
                  _fullspec(bias), _fullspec(g), _fullspec(be)],
        out_specs=_rowspec(_NB, HD),
        out_shape=jax.ShapeDtypeStruct((n, HD), _F32),
    )(p0, p1, c0, c1, ex, root, bias, g, be)


def _ep_mid(p0, p1, c0, c1, h, root, bias, g, be, n):
    def body(p0_r, p1_r, c0_r, c1_r, h_r, rt_r, b_r, g_r, be_r, out_r):
        o = _aggr(p0_r, p1_r, c0_r, c1_r) + _dot(h_r[...], rt_r[...]) + b_r[...]
        out_r[...] = jnp.maximum(_ln(o, g_r[...], be_r[...]), 0.0) + h_r[...]

    return pl.pallas_call(
        body,
        grid=(n // _NB,),
        in_specs=[_rowspec(_NB, HD), _rowspec(_NB, HD), _rowspec(_NB, 1),
                  _rowspec(_NB, 1), _rowspec(_NB, HD), _fullspec(root),
                  _fullspec(bias), _fullspec(g), _fullspec(be)],
        out_specs=_rowspec(_NB, HD),
        out_shape=jax.ShapeDtypeStruct((n, HD), _F32),
    )(p0, p1, c0, c1, h, root, bias, g, be)


def _ep_last(p0, p1, c0, c1, h, root, bias, cf, x, pred, n):
    pw = []
    for W, b in pred:
        pw += [W, b.reshape(1, -1)]

    def body(p0_r, p1_r, c0_r, c1_r, h_r, rt_r, b_r, cf_r, x_r, *rest):
        wr = rest[:-1]
        out_r = rest[-1]
        hh = _aggr(p0_r, p1_r, c0_r, c1_r) + _dot(h_r[...], rt_r[...]) + b_r[...]
        d = jnp.concatenate([hh, cf_r[...]], axis=1)
        nlayer = len(wr) // 2
        for i in range(nlayer):
            d = _dot(d, wr[2 * i][...]) + wr[2 * i + 1][...]
            if i < nlayer - 1:
                d = jnp.maximum(d, 0.0)
        out_r[...] = x_r[...] + d

    return pl.pallas_call(
        body,
        grid=(n // _NB,),
        in_specs=[_rowspec(_NB, HD), _rowspec(_NB, HD), _rowspec(_NB, 1),
                  _rowspec(_NB, 1), _rowspec(_NB, HD), _fullspec(root),
                  _fullspec(bias), _rowspec(_NB, 5 * CED), _rowspec(_NB, 3)]
        + [_fullspec(w) for w in pw],
        out_specs=_rowspec(_NB, 3),
        out_shape=jax.ShapeDtypeStruct((n, 3), _F32),
    )(p0, p1, c0, c1, h, root, bias, cf, x, *pw)



def _conv_weights(p, ci, cip):
    co = HD
    a2 = p["nW2"].reshape(HD, ci, co).transpose(1, 0, 2).reshape(ci, HD * co)
    a2p = jnp.zeros((cip, HD * co), _F32).at[:ci].set(a2)
    bp = jnp.zeros((cip, co), _F32).at[:ci].set(p["nb2"].reshape(ci, co))
    rootp = jnp.zeros((cip, co), _F32).at[:ci].set(p["root"])
    return (a2p, bp, rootp, p["nW1"].reshape(1, HD),
            p["nb1"].reshape(1, HD), p["bias"].reshape(1, HD))


def kernel(x, edge_index, edge_attr, current_conditions, target_conditions,
           params):
    n = x.shape[0]
    e = edge_index.shape[1]
    ep = ((e + 32767) // 32768) * 32768
    npad = ((n + 127) // 128) * 128
    ci1 = 3 + HD
    ci1p = 48

    co = HD
    j = jnp.arange(HD * co, dtype=jnp.int32)
    r_mat = (j[None, :] // co == jnp.arange(HD, dtype=jnp.int32)[:, None]
             ).astype(_F32)
    s_mat = (j[:, None] % co == jnp.arange(co, dtype=jnp.int32)[None, :]
             ).astype(_F32)

    src = edge_index[0]
    dst = edge_index[1]
    pad = ep - e
    src2d = jnp.concatenate([src, jnp.zeros((pad,), jnp.int32)]
                            ).reshape(ep // 128, 128)
    dst2d = jnp.concatenate([dst, jnp.full((pad,), n, jnp.int32)]
                            ).reshape(ep // 128, 128)
    ea = jnp.concatenate([edge_attr, jnp.zeros((pad, 1), _F32)])
    z32 = jnp.zeros((npad, 32), _F32)
    zc = jnp.zeros((npad, 16), _F32)
    ones = jnp.ones((128, 16), _F32)

    cf, ex = _encoder_stage(x, current_conditions, target_conditions,
                            params, n, ci1p)

    convs = [
        (params["icv"], ci1, ci1p, ex),
        (params["hcv"][0], HD, HD, None),
        (params["ocv"], HD, HD, None),
    ]

    h = None
    out = None
    c0 = c1 = None
    for li, (cp, ci, cip, table0) in enumerate(convs):
        table = table0 if table0 is not None else h
        a2p, bp, rootp, nw1, nb1, bias = _conv_weights(cp, ci, cip)
        xs = _sc_gather(table, src2d, ep)
        msg = _msg_stage(ea, xs, a2p, r_mat, s_mat, bp, nw1, nb1, ep)
        if li == 0:
            p, pc = _sc_scatter(msg, dst2d, z32, ep, npad, True, zc, ones)
            c0 = pc[:n, 0:1]
            c1 = pc[npad:npad + n, 0:1]
        else:
            (p,) = _sc_scatter(msg, dst2d, z32, ep, npad, False)
        p0 = p[:n]
        p1 = p[npad:npad + n]
        if li == 0:
            g = params["ibn"]["g"].reshape(1, -1)
            be = params["ibn"]["be"].reshape(1, -1)
            h = _ep_first(p0, p1, c0, c1, ex, rootp, bias, g, be, n)
        elif li == 1:
            g = params["hbn"][0]["g"].reshape(1, -1)
            be = params["hbn"][0]["be"].reshape(1, -1)
            h = _ep_mid(p0, p1, c0, c1, h, rootp, bias, g, be, n)
        else:
            out = _ep_last(p0, p1, c0, c1, h, rootp, bias, cf, x,
                           params["pred"], n)
    return out

# --- scband reference (transcript-rebuilt; emitter-appended) ---
"""Pipeline reference for scband-memristor-cycle-gnn-63127429317284 (READ-ONLY COPY).

The authoritative reference and input builder live on the scoring server;
editing this copy changes nothing except your own understanding.
"""

import jax, jax.numpy as jnp
import numpy as np

N = 10000
E = 160000
HD = 32
CED = 4

def _lin(key, fi, fo):
    k1, k2 = jax.random.split(key)
    s = 1.0 / np.sqrt(fi)
    W = jax.random.uniform(k1, (fi, fo), minval=-s, maxval=s, dtype=jnp.float32)
    b = jax.random.uniform(k2, (fo,), minval=-s, maxval=s, dtype=jnp.float32)
    return W, b

def _enc(key, fi, fo):
    k1, k2 = jax.random.split(key)
    W1, b1 = _lin(k1, fi, fo)
    W2, b2 = _lin(k2, fo, fo)
    return {"W1": W1, "b1": b1, "W2": W2, "b2": b2, "g": jnp.ones((fo,), jnp.float32), "be": jnp.zeros((fo,), jnp.float32)}

def _conv(key, edim, hd, ci, co):
    k1, k2, k3 = jax.random.split(key, 3)
    nW1, nb1 = _lin(k1, edim, hd)
    nW2, nb2 = _lin(k2, hd, ci * co)
    s = 1.0 / np.sqrt(ci)
    root = jax.random.uniform(k3, (ci, co), minval=-s, maxval=s, dtype=jnp.float32)
    return {"nW1": nW1, "nb1": nb1, "nW2": nW2, "nb2": nb2, "root": root, "bias": jnp.zeros((co,), jnp.float32)}

def _ln(h, g, b):
    m = h.mean(-1, keepdims=True)
    v = ((h - m) ** 2).mean(-1, keepdims=True)
    return (h - m) / jnp.sqrt(v + 1e-5) * g + b

def _mlp_ln(h, p):
    h = jax.nn.relu(h @ p["W1"] + p["b1"]) @ p["W2"] + p["b2"]
    return _ln(h, p["g"], p["be"])

def _nnconv(x, src, dst, ea, p, ci, co):
    w = jax.nn.relu(ea @ p["nW1"] + p["nb1"]) @ p["nW2"] + p["nb2"]
    we = w.reshape(-1, ci, co)
    msg = jnp.einsum('ei,eio->eo', x[src], we)
    s = jax.ops.segment_sum(msg, dst, num_segments=N)
    c = jax.ops.segment_sum(jnp.ones((dst.shape[0],), x.dtype), dst, num_segments=N)
    aggr = s / jnp.clip(c, 1.0)[:, None]
    return aggr + x @ p["root"] + p["bias"]

def _make_params(key):
    ks = jax.random.split(key, 10)
    params = {
        "cve": _enc(ks[0], 1, CED),
        "cte": _enc(ks[1], 1, CED),
        "tve": _enc(ks[2], 1, CED),
        "tte": _enc(ks[3], 1, CED),
        "time": _enc(ks[4], 2, CED),
        "fusion": _enc(ks[5], 5 * CED, HD),
        "icv": _conv(ks[6], 1, HD, 3 + HD, HD),
        "ibn": {"g": jnp.ones((HD,), jnp.float32), "be": jnp.zeros((HD,), jnp.float32)},
        "hcv": [_conv(ks[7], 1, HD, HD, HD)],
        "hbn": [{"g": jnp.ones((HD,), jnp.float32), "be": jnp.zeros((HD,), jnp.float32)}],
        "ocv": _conv(ks[8], 1, HD, HD, HD),
    }
    dims = [(HD + 5 * CED, HD), (HD, HD // 2), (HD // 2, HD // 4), (HD // 4, HD // 8), (HD // 8, 3)]
    pred = []
    for i, (fi, fo) in enumerate(dims):
        pred.append(_lin(jax.random.fold_in(ks[9], i), fi, fo))
    params["pred"] = pred
    return params

def setup_inputs(seed: int = 0):
    key = jax.random.key(seed)
    ks = jax.random.split(key, 6)
    x = jax.random.normal(ks[0], (N, 3), dtype=jnp.float32)
    edge_index = jax.random.randint(ks[1], (2, E), 0, N, dtype=jnp.int32)
    edge_attr = jax.random.normal(ks[2], (E, 1), dtype=jnp.float32)
    cc = jax.random.normal(ks[3], (N, 3), dtype=jnp.float32)
    tc = jax.random.normal(ks[4], (N, 3), dtype=jnp.float32)
    params = _make_params(ks[5])
    return {"x": x, "edge_index": edge_index, "edge_attr": edge_attr, "current_conditions": cc, "target_conditions": tc, "params": params}

def _forward(x, edge_index, edge_attr, cc, tc, params):
    src = edge_index[0]
    dst = edge_index[1]
    cv = _mlp_ln(cc[:, 0:1], params["cve"])
    ct = _mlp_ln(cc[:, 1:2], params["cte"])
    tv = _mlp_ln(tc[:, 0:1], params["tve"])
    tt = _mlp_ln(tc[:, 1:2], params["tte"])
    tm = _mlp_ln(jnp.concatenate([cc[:, 2:3], tc[:, 2:3]], axis=1), params["time"])
    cf = jnp.concatenate([cv, ct, tv, tt, tm], axis=1)
    fused = _mlp_ln(cf, params["fusion"])
    ex = jnp.concatenate([x, fused], axis=1)
    h = _nnconv(ex, src, dst, edge_attr, params["icv"], 3 + HD, HD)
    h = jax.nn.relu(_ln(h, params["ibn"]["g"], params["ibn"]["be"]))
    for cp, bp in zip(params["hcv"], params["hbn"]):
        res = h
        h2 = _nnconv(h, src, dst, edge_attr, cp, HD, HD)
        h2 = jax.nn.relu(_ln(h2, bp["g"], bp["be"]))
        h = h2 + res
    h = _nnconv(h, src, dst, edge_attr, params["ocv"], HD, HD)
    ff = jnp.concatenate([h, cf], axis=1)
    d = ff
    for i, (W, b) in enumerate(params["pred"]):
        d = d @ W + b
        if i < len(params["pred"]) - 1:
            d = jax.nn.relu(d)
    return x + d

def reference(x, edge_index, edge_attr, current_conditions, target_conditions, params):
    return _forward(x, edge_index, edge_attr, current_conditions, target_conditions, params)

if __name__ == "__main__":
    import jax
    _d = setup_inputs()
    print(jax.jit(kernel)(*tuple(_d.values())))

</pallas_src>

<mosaic_0001>
#map = affine_map<(d0, d1) -> (0, 0)>
module attributes {stable_mosaic.version = 14 : i64} {
  func.func @k(%arg0: i32, %arg1: i32, %arg2: memref<163840x32xf32, #tpu.memory_space<hbm>>, %arg3: memref<1280x128xi32, #tpu.memory_space<hbm>>, %arg4: memref<10112x32xf32, #tpu.memory_space<hbm>>, %arg5: memref<20224x32xf32, #tpu.memory_space<hbm>>, %arg6: memref<40x128xi32, #tpu.memory_space<vmem>>, %arg7: memref<1024x32xf32, #tpu.memory_space<vmem>>, %arg8: memref<10112x32xf32, #tpu.memory_space<vmem_shared>>) attributes {dimension_semantics = [#tpu.dimension_semantics<core_parallel>, #tpu.dimension_semantics<subcore_parallel>], iteration_bounds = array<i64: 2, 16>, scalar_prefetch = 0 : i64, scratch_operands = 3 : i64, tpu.core_type = #tpu.core_type<sc_vector_subcore>, window_params = [{transform_indices = #map}, {transform_indices = #map}, {transform_indices = #map}, {transform_indices = #map}]} {
    %mul3A = arith.constant 2 : i32
    %mul3A_0 = arith.muli %arg1, %mul3A : i32
    %add3A = arith.addi %mul3A_0, %arg0 : i32
    %mul3A_1 = arith.constant 632 : i32
    %mul3A_2 = arith.muli %arg1, %mul3A_1 : i32
    "tpu.region"() ({
      %run_scoped3A = tpu.sem_alloc : memref<!tpu.dma_semaphore, #tpu.memory_space<semaphore_mem>>
      %dma_start3A = arith.constant 0 : i32
      %dma_start3A_20 = arith.constant 0 : i32
      %dma_start3A_21 = tpu.memref_slice %arg7[%dma_start3A, %dma_start3A_20] : memref<1024x32xf32, #tpu.memory_space<vmem>> -> memref<632x32xf32, #tpu.memory_space<vmem>>
      %dma_start3A_22 = arith.constant 0 : i32
      %dma_start3A_23 = tpu.memref_slice %arg4[%mul3A_2, %dma_start3A_22] : memref<10112x32xf32, #tpu.memory_space<hbm>> -> memref<632x32xf32, #tpu.memory_space<hbm>>
      %dma_start3A_24 = arith.constant 0 : i32
      %dma_start3A_25 = arith.constant 0 : i32
      %dma_start3A_26 = tpu.memref_slice %arg7[%dma_start3A_24, %dma_start3A_25] : memref<1024x32xf32, #tpu.memory_space<vmem>> -> memref<632x32xf32, #tpu.memory_space<vmem>>
      %dma_start3A_27 = arith.constant 0 : i32
      %dma_start3A_28 = tpu.memref_slice %arg4[%mul3A_2, %dma_start3A_27] : memref<10112x32xf32, #tpu.memory_space<hbm>> -> memref<632x32xf32, #tpu.memory_space<hbm>>
      tpu.enqueue_dma source(%dma_start3A_28 : memref<632x32xf32, #tpu.memory_space<hbm>>) target(%dma_start3A_26 : memref<632x32xf32, #tpu.memory_space<vmem>>) target_semaphore(%run_scoped3A : memref<!tpu.dma_semaphore, #tpu.memory_space<semaphore_mem>>)
      %dma_wait3A = arith.constant 0 : i32
      %dma_wait3A_29 = arith.constant 0 : i32
      %dma_wait3A_30 = tpu.memref_slice %arg7[%dma_wait3A, %dma_wait3A_29] : memref<1024x32xf32, #tpu.memory_space<vmem>> -> memref<632x32xf32, #tpu.memory_space<vmem>>
      %dma_wait3A_31 = arith.constant 0 : i32
      %dma_wait3A_32 = tpu.memref_slice %arg4[%mul3A_2, %dma_wait3A_31] : memref<10112x32xf32, #tpu.memory_space<hbm>> -> memref<632x32xf32, #tpu.memory_space<hbm>>
      %dma_wait3A_33 = arith.constant 0 : i32
      %dma_wait3A_34 = arith.constant 0 : i32
      %dma_wait3A_35 = tpu.memref_slice %arg7[%dma_wait3A_33, %dma_wait3A_34] : memref<1024x32xf32, #tpu.memory_space<vmem>> -> memref<632x32xf32, #tpu.memory_space<vmem>>
      %dma_wait3A_36 = arith.constant 0 : i32
      %dma_wait3A_37 = tpu.memref_slice %arg4[%mul3A_2, %dma_wait3A_36] : memref<10112x32xf32, #tpu.memory_space<hbm>> -> memref<632x32xf32, #tpu.memory_space<hbm>>
      tpu.wait_dma2 semaphore(%run_scoped3A : memref<!tpu.dma_semaphore, #tpu.memory_space<semaphore_mem>>) src(%dma_wait3A_37 : memref<632x32xf32, #tpu.memory_space<hbm>>) dst(%dma_wait3A_35 : memref<632x32xf32, #tpu.memory_space<vmem>>)
      tpu.yield
    }) : () -> ()
    %mul3A_3 = arith.constant 632 : i32
    %mul3A_4 = arith.muli %arg1, %mul3A_3 : i32
    "tpu.region"() ({
      %run_scoped3A = tpu.sem_alloc : memref<!tpu.dma_semaphore, #tpu.memory_space<semaphore_mem>>
      %dma_start3A = arith.constant 0 : i32
      %dma_start3A_20 = arith.constant 0 : i32
      %dma_start3A_21 = tpu.memref_slice %arg7[%dma_start3A, %dma_start3A_20] : memref<1024x32xf32, #tpu.memory_space<vmem>> -> memref<632x32xf32, #tpu.memory_space<vmem>>
      %dma_start3A_22 = arith.constant 0 : i32
      %dma_start3A_23 = tpu.memref_slice %arg8[%mul3A_4, %dma_start3A_22] : memref<10112x32xf32, #tpu.memory_space<vmem_shared>> -> memref<632x32xf32, #tpu.memory_space<vmem_shared>>
      %dma_start3A_24 = arith.constant 0 : i32
      %dma_start3A_25 = tpu.memref_slice %arg8[%mul3A_4, %dma_start3A_24] : memref<10112x32xf32, #tpu.memory_space<vmem_shared>> -> memref<632x32xf32, #tpu.memory_space<vmem_shared>>
      %dma_start3A_26 = arith.constant 0 : i32
      %dma_start3A_27 = arith.constant 0 : i32
      %dma_start3A_28 = tpu.memref_slice %arg7[%dma_start3A_26, %dma_start3A_27] : memref<1024x32xf32, #tpu.memory_space<vmem>> -> memref<632x32xf32, #tpu.memory_space<vmem>>
      tpu.enqueue_dma source(%dma_start3A_28 : memref<632x32xf32, #tpu.memory_space<vmem>>) target(%dma_start3A_25 : memref<632x32xf32, #tpu.memory_space<vmem_shared>>) target_semaphore(%run_scoped3A : memref<!tpu.dma_semaphore, #tpu.memory_space<semaphore_mem>>)
      %dma_wait3A = arith.constant 0 : i32
      %dma_wait3A_29 = arith.constant 0 : i32
      %dma_wait3A_30 = tpu.memref_slice %arg7[%dma_wait3A, %dma_wait3A_29] : memref<1024x32xf32, #tpu.memory_space<vmem>> -> memref<632x32xf32, #tpu.memory_space<vmem>>
      %dma_wait3A_31 = arith.constant 0 : i32
      %dma_wait3A_32 = tpu.memref_slice %arg8[%mul3A_4, %dma_wait3A_31] : memref<10112x32xf32, #tpu.memory_space<vmem_shared>> -> memref<632x32xf32, #tpu.memory_space<vmem_shared>>
      %dma_wait3A_33 = arith.constant 0 : i32
      %dma_wait3A_34 = tpu.memref_slice %arg8[%mul3A_4, %dma_wait3A_33] : memref<10112x32xf32, #tpu.memory_space<vmem_shared>> -> memref<632x32xf32, #tpu.memory_space<vmem_shared>>
      %dma_wait3A_35 = arith.constant 0 : i32
      %dma_wait3A_36 = arith.constant 0 : i32
      %dma_wait3A_37 = tpu.memref_slice %arg7[%dma_wait3A_35, %dma_wait3A_36] : memref<1024x32xf32, #tpu.memory_space<vmem>> -> memref<632x32xf32, #tpu.memory_space<vmem>>
      tpu.wait_dma2 semaphore(%run_scoped3A : memref<!tpu.dma_semaphore, #tpu.memory_space<semaphore_mem>>) src(%dma_wait3A_37 : memref<632x32xf32, #tpu.memory_space<vmem>>) dst(%dma_wait3A_34 : memref<632x32xf32, #tpu.memory_space<vmem_shared>>)
      tpu.yield
    }) : () -> ()
    %barrier3A = arith.constant 0 : index
    tpu.barrier barrier_id(%barrier3A)
    %mul3A_5 = arith.constant 40 : i32
    %mul3A_6 = arith.muli %add3A, %mul3A_5 : i32
    "tpu.region"() ({
      %run_scoped3A = tpu.sem_alloc : memref<!tpu.dma_semaphore, #tpu.memory_space<semaphore_mem>>
      %dma_start3A = arith.constant 0 : i32
      %dma_start3A_20 = tpu.memref_slice %arg3[%mul3A_6, %dma_start3A] : memref<1280x128xi32, #tpu.memory_space<hbm>> -> memref<40x128xi32, #tpu.memory_space<hbm>>
      %dma_start3A_21 = arith.constant 0 : i32
      %dma_start3A_22 = tpu.memref_slice %arg3[%mul3A_6, %dma_start3A_21] : memref<1280x128xi32, #tpu.memory_space<hbm>> -> memref<40x128xi32, #tpu.memory_space<hbm>>
      tpu.enqueue_dma source(%dma_start3A_22 : memref<40x128xi32, #tpu.memory_space<hbm>>) target(%arg6 : memref<40x128xi32, #tpu.memory_space<vmem>>) target_semaphore(%run_scoped3A : memref<!tpu.dma_semaphore, #tpu.memory_space<semaphore_mem>>)
      %dma_wait3A = arith.constant 0 : i32
      %dma_wait3A_23 = tpu.memref_slice %arg3[%mul3A_6, %dma_wait3A] : memref<1280x128xi32, #tpu.memory_space<hbm>> -> memref<40x128xi32, #tpu.memory_space<hbm>>
      %dma_wait3A_24 = arith.constant 0 : i32
      %dma_wait3A_25 = tpu.memref_slice %arg3[%mul3A_6, %dma_wait3A_24] : memref<1280x128xi32, #tpu.memory_space<hbm>> -> memref<40x128xi32, #tpu.memory_space<hbm>>
      tpu.wait_dma2 semaphore(%run_scoped3A : memref<!tpu.dma_semaphore, #tpu.memory_space<semaphore_mem>>) src(%dma_wait3A_25 : memref<40x128xi32, #tpu.memory_space<hbm>>) dst(%arg6 : memref<40x128xi32, #tpu.memory_space<vmem>>)
      tpu.yield
    }) : () -> ()
    %scan3A = arith.constant 0 : i32
    %scan3A_7 = arith.constant 0 : i32
    %scan3A_8 = arith.constant 5 : i32
    %scan3A_9 = arith.addi %scan3A_7, %scan3A_8 : i32
    %scan3A_10 = arith.constant 1 : i32
    scf.for %scan3A_20 = %scan3A_7 to %scan3A_9 step %scan3A_10  : i32 {
      %mul3A_21 = arith.constant 5120 : i32
      %mul3A_22 = arith.muli %add3A, %mul3A_21 : i32
      %mul3A_23 = arith.constant 1024 : i32
      %mul3A_24 = arith.muli %scan3A_20, %mul3A_23 : i32
      %add3A_25 = arith.addi %mul3A_22, %mul3A_24 : i32
      "tpu.region"() ({
        %run_scoped3A = tpu.sem_alloc : memref<!tpu.dma_semaphore, #tpu.memory_space<semaphore_mem>>
        %dma_start3A = arith.constant 0 : i32
        %dma_start3A_58 = tpu.memref_slice %arg2[%add3A_25, %dma_start3A] : memref<163840x32xf32, #tpu.memory_space<hbm>> -> memref<1024x32xf32, #tpu.memory_space<hbm>>
        %dma_start3A_59 = arith.constant 0 : i32
        %dma_start3A_60 = tpu.memref_slice %arg2[%add3A_25, %dma_start3A_59] : memref<163840x32xf32, #tpu.memory_space<hbm>> -> memref<1024x32xf32, #tpu.memory_space<hbm>>
        tpu.enqueue_dma source(%dma_start3A_60 : memref<1024x32xf32, #tpu.memory_space<hbm>>) target(%arg7 : memref<1024x32xf32, #tpu.memory_space<vmem>>) target_semaphore(%run_scoped3A : memref<!tpu.dma_semaphore, #tpu.memory_space<semaphore_mem>>)
        %dma_wait3A = arith.constant 0 : i32
        %dma_wait3A_61 = tpu.memref_slice %arg2[%add3A_25, %dma_wait3A] : memref<163840x32xf32, #tpu.memory_space<hbm>> -> memref<1024x32xf32, #tpu.memory_space<hbm>>
        %dma_wait3A_62 = arith.constant 0 : i32
        %dma_wait3A_63 = tpu.memref_slice %arg2[%add3A_25, %dma_wait3A_62] : memref<163840x32xf32, #tpu.memory_space<hbm>> -> memref<1024x32xf32, #tpu.memory_space<hbm>>
        tpu.wait_dma2 semaphore(%run_scoped3A : memref<!tpu.dma_semaphore, #tpu.memory_space<semaphore_mem>>) src(%dma_wait3A_63 : memref<1024x32xf32, #tpu.memory_space<hbm>>) dst(%arg7 : memref<1024x32xf32, #tpu.memory_space<vmem>>)
        tpu.yield
      }) : () -> ()
      %mul3A_26 = arith.constant 8 : i32
      %mul3A_27 = arith.muli %scan3A_20, %mul3A_26 : i32
      %add3A_28 = arith.constant 0 : i32
      %add3A_29 = arith.addi %mul3A_27, %add3A_28 : i32
      "tpu.region"() ({
        %run_scoped3A = tpu.sem_alloc : memref<!tpu.dma_semaphore, #tpu.memory_space<semaphore_mem>>
        %dma_start3A = arith.constant 0 : i32
        %dma_start3A_58 = arith.constant 0 : i32
        %dma_start3A_59 = tpu.memref_slice %arg7[%dma_start3A, %dma_start3A_58] : memref<1024x32xf32, #tpu.memory_space<vmem>> -> memref<128x32xf32, #tpu.memory_space<vmem>>
        %dma_start3A_60 = arith.constant 0 : i32
        %dma_start3A_61 = tpu.memref_slice %arg6[%add3A_29, %dma_start3A_60] : memref<40x128xi32, #tpu.memory_space<vmem>> -> memref<1x128xi32, #tpu.memory_space<vmem>>
        %dma_start3A_62 = tpu.memref_squeeze %dma_start3A_61 : memref<1x128xi32, #tpu.memory_space<vmem>> -> memref<128xi32, #tpu.memory_space<vmem>>
        %dma_start3A_63 = arith.constant 0 : i32
        %dma_start3A_64 = arith.constant 0 : i32
        %dma_start3A_65 = tpu.memref_slice %arg8[%dma_start3A_63, %dma_start3A_64] : memref<10112x32xf32, #tpu.memory_space<vmem_shared>> -> memref<10112x32xf32, #tpu.memory_space<vmem_shared>>
        tpu.enqueue_indirect_dma source(%dma_start3A_59 : memref<128x32xf32, #tpu.memory_space<vmem>>) target(%dma_start3A_65 : memref<10112x32xf32, #tpu.memory_space<vmem_shared>>) offsets(%dma_start3A_62 : memref<128xi32, #tpu.memory_space<vmem>>) semaphore(%run_scoped3A : memref<!tpu.dma_semaphore, #tpu.memory_space<semaphore_mem>>) {add = true}
        %dma_wait3A = arith.constant 0 : i32
        %dma_wait3A_66 = arith.constant 0 : i32
        %dma_wait3A_67 = tpu.memref_slice %arg7[%dma_wait3A, %dma_wait3A_66] : memref<1024x32xf32, #tpu.memory_space<vmem>> -> memref<128x32xf32, #tpu.memory_space<vmem>>
        %dma_wait3A_68 = arith.constant 0 : i32
        %dma_wait3A_69 = tpu.memref_slice %arg6[%add3A_29, %dma_wait3A_68] : memref<40x128xi32, #tpu.memory_space<vmem>> -> memref<1x128xi32, #tpu.memory_space<vmem>>
        %dma_wait3A_70 = tpu.memref_squeeze %dma_wait3A_69 : memref<1x128xi32, #tpu.memory_space<vmem>> -> memref<128xi32, #tpu.memory_space<vmem>>
        %dma_wait3A_71 = arith.constant 0 : i32
        %dma_wait3A_72 = arith.constant 0 : i32
        %dma_wait3A_73 = tpu.memref_slice %arg8[%dma_wait3A_71, %dma_wait3A_72] : memref<10112x32xf32, #tpu.memory_space<vmem_shared>> -> memref<10112x32xf32, #tpu.memory_space<vmem_shared>>
        tpu.wait_indirect_dma semaphore(%run_scoped3A : memref<!tpu.dma_semaphore, #tpu.memory_space<semaphore_mem>>) src(%dma_wait3A_67 : memref<128x32xf32, #tpu.memory_space<vmem>>) dst(%dma_wait3A_73 : memref<10112x32xf32, #tpu.memory_space<vmem_shared>>)
        tpu.yield
      }) : () -> ()
      %mul3A_30 = arith.constant 8 : i32
      %mul3A_31 = arith.muli %scan3A_20, %mul3A_30 : i32
      %add3A_32 = arith.constant 1 : i32
      %add3A_33 = arith.addi %mul3A_31, %add3A_32 : i32
      "tpu.region"() ({
        %run_scoped3A = tpu.sem_alloc : memref<!tpu.dma_semaphore, #tpu.memory_space<semaphore_mem>>
        %dma_start3A = arith.constant 128 : i32
        %dma_start3A_58 = arith.constant 0 : i32
        %dma_start3A_59 = tpu.memref_slice %arg7[%dma_start3A, %dma_start3A_58] : memref<1024x32xf32, #tpu.memory_space<vmem>> -> memref<128x32xf32, #tpu.memory_space<vmem>>
        %dma_start3A_60 = arith.constant 0 : i32
        %dma_start3A_61 = tpu.memref_slice %arg6[%add3A_33, %dma_start3A_60] : memref<40x128xi32, #tpu.memory_space<vmem>> -> memref<1x128xi32, #tpu.memory_space<vmem>>
        %dma_start3A_62 = tpu.memref_squeeze %dma_start3A_61 : memref<1x128xi32, #tpu.memory_space<vmem>> -> memref<128xi32, #tpu.memory_space<vmem>>
        %dma_start3A_63 = arith.constant 0 : i32
        %dma_start3A_64 = arith.constant 0 : i32
        %dma_start3A_65 = tpu.memref_slice %arg8[%dma_start3A_63, %dma_start3A_64] : memref<10112x32xf32, #tpu.memory_space<vmem_shared>> -> memref<10112x32xf32, #tpu.memory_space<vmem_shared>>
        tpu.enqueue_indirect_dma source(%dma_start3A_59 : memref<128x32xf32, #tpu.memory_space<vmem>>) target(%dma_start3A_65 : memref<10112x32xf32, #tpu.memory_space<vmem_shared>>) offsets(%dma_start3A_62 : memref<128xi32, #tpu.memory_space<vmem>>) semaphore(%run_scoped3A : memref<!tpu.dma_semaphore, #tpu.memory_space<semaphore_mem>>) {add = true}
        %dma_wait3A = arith.constant 128 : i32
        %dma_wait3A_66 = arith.constant 0 : i32
        %dma_wait3A_67 = tpu.memref_slice %arg7[%dma_wait3A, %dma_wait3A_66] : memref<1024x32xf32, #tpu.memory_space<vmem>> -> memref<128x32xf32, #tpu.memory_space<vmem>>
        %dma_wait3A_68 = arith.constant 0 : i32
        %dma_wait3A_69 = tpu.memref_slice %arg6[%add3A_33, %dma_wait3A_68] : memref<40x128xi32, #tpu.memory_space<vmem>> -> memref<1x128xi32, #tpu.memory_space<vmem>>
        %dma_wait3A_70 = tpu.memref_squeeze %dma_wait3A_69 : memref<1x128xi32, #tpu.memory_space<vmem>> -> memref<128xi32, #tpu.memory_space<vmem>>
        %dma_wait3A_71 = arith.constant 0 : i32
        %dma_wait3A_72 = arith.constant 0 : i32
        %dma_wait3A_73 = tpu.memref_slice %arg8[%dma_wait3A_71, %dma_wait3A_72] : memref<10112x32xf32, #tpu.memory_space<vmem_shared>> -> memref<10112x32xf32, #tpu.memory_space<vmem_shared>>
        tpu.wait_indirect_dma semaphore(%run_scoped3A : memref<!tpu.dma_semaphore, #tpu.memory_space<semaphore_mem>>) src(%dma_wait3A_67 : memref<128x32xf32, #tpu.memory_space<vmem>>) dst(%dma_wait3A_73 : memref<10112x32xf32, #tpu.memory_space<vmem_shared>>)
        tpu.yield
      }) : () -> ()
      %mul3A_34 = arith.constant 8 : i32
      %mul3A_35 = arith.muli %scan3A_20, %mul3A_34 : i32
      %add3A_36 = arith.constant 2 : i32
      %add3A_37 = arith.addi %mul3A_35, %add3A_36 : i32
      "tpu.region"() ({
        %run_scoped3A = tpu.sem_alloc : memref<!tpu.dma_semaphore, #tpu.memory_space<semaphore_mem>>
        %dma_start3A = arith.constant 256 : i32
        %dma_start3A_58 = arith.constant 0 : i32
        %dma_start3A_59 = tpu.memref_slice %arg7[%dma_start3A, %dma_start3A_58] : memref<1024x32xf32, #tpu.memory_space<vmem>> -> memref<128x32xf32, #tpu.memory_space<vmem>>
        %dma_start3A_60 = arith.constant 0 : i32
        %dma_start3A_61 = tpu.memref_slice %arg6[%add3A_37, %dma_start3A_60] : memref<40x128xi32, #tpu.memory_space<vmem>> -> memref<1x128xi32, #tpu.memory_space<vmem>>
        %dma_start3A_62 = tpu.memref_squeeze %dma_start3A_61 : memref<1x128xi32, #tpu.memory_space<vmem>> -> memref<128xi32, #tpu.memory_space<vmem>>
        %dma_start3A_63 = arith.constant 0 : i32
        %dma_start3A_64 = arith.constant 0 : i32
        %dma_start3A_65 = tpu.memref_slice %arg8[%dma_start3A_63, %dma_start3A_64] : memref<10112x32xf32, #tpu.memory_space<vmem_shared>> -> memref<10112x32xf32, #tpu.memory_space<vmem_shared>>
        tpu.enqueue_indirect_dma source(%dma_start3A_59 : memref<128x32xf32, #tpu.memory_space<vmem>>) target(%dma_start3A_65 : memref<10112x32xf32, #tpu.memory_space<vmem_shared>>) offsets(%dma_start3A_62 : memref<128xi32, #tpu.memory_space<vmem>>) semaphore(%run_scoped3A : memref<!tpu.dma_semaphore, #tpu.memory_space<semaphore_mem>>) {add = true}
        %dma_wait3A = arith.constant 256 : i32
        %dma_wait3A_66 = arith.constant 0 : i32
        %dma_wait3A_67 = tpu.memref_slice %arg7[%dma_wait3A, %dma_wait3A_66] : memref<1024x32xf32, #tpu.memory_space<vmem>> -> memref<128x32xf32, #tpu.memory_space<vmem>>
        %dma_wait3A_68 = arith.constant 0 : i32
        %dma_wait3A_69 = tpu.memref_slice %arg6[%add3A_37, %dma_wait3A_68] : memref<40x128xi32, #tpu.memory_space<vmem>> -> memref<1x128xi32, #tpu.memory_space<vmem>>
        %dma_wait3A_70 = tpu.memref_squeeze %dma_wait3A_69 : memref<1x128xi32, #tpu.memory_space<vmem>> -> memref<128xi32, #tpu.memory_space<vmem>>
        %dma_wait3A_71 = arith.constant 0 : i32
        %dma_wait3A_72 = arith.constant 0 : i32
        %dma_wait3A_73 = tpu.memref_slice %arg8[%dma_wait3A_71, %dma_wait3A_72] : memref<10112x32xf32, #tpu.memory_space<vmem_shared>> -> memref<10112x32xf32, #tpu.memory_space<vmem_shared>>
        tpu.wait_indirect_dma semaphore(%run_scoped3A : memref<!tpu.dma_semaphore, #tpu.memory_space<semaphore_mem>>) src(%dma_wait3A_67 : memref<128x32xf32, #tpu.memory_space<vmem>>) dst(%dma_wait3A_73 : memref<10112x32xf32, #tpu.memory_space<vmem_shared>>)
        tpu.yield
      }) : () -> ()
      %mul3A_38 = arith.constant 8 : i32
      %mul3A_39 = arith.muli %scan3A_20, %mul3A_38 : i32
      %add3A_40 = arith.constant 3 : i32
      %add3A_41 = arith.addi %mul3A_39, %add3A_40 : i32
      "tpu.region"() ({
        %run_scoped3A = tpu.sem_alloc : memref<!tpu.dma_semaphore, #tpu.memory_space<semaphore_mem>>
        %dma_start3A = arith.constant 384 : i32
        %dma_start3A_58 = arith.constant 0 : i32
        %dma_start3A_59 = tpu.memref_slice %arg7[%dma_start3A, %dma_start3A_58] : memref<1024x32xf32, #tpu.memory_space<vmem>> -> memref<128x32xf32, #tpu.memory_space<vmem>>
        %dma_start3A_60 = arith.constant 0 : i32
        %dma_start3A_61 = tpu.memref_slice %arg6[%add3A_41, %dma_start3A_60] : memref<40x128xi32, #tpu.memory_space<vmem>> -> memref<1x128xi32, #tpu.memory_space<vmem>>
        %dma_start3A_62 = tpu.memref_squeeze %dma_start3A_61 : memref<1x128xi32, #tpu.memory_space<vmem>> -> memref<128xi32, #tpu.memory_space<vmem>>
        %dma_start3A_63 = arith.constant 0 : i32
        %dma_start3A_64 = arith.constant 0 : i32
        %dma_start3A_65 = tpu.memref_slice %arg8[%dma_start3A_63, %dma_start3A_64] : memref<10112x32xf32, #tpu.memory_space<vmem_shared>> -> memref<10112x32xf32, #tpu.memory_space<vmem_shared>>
        tpu.enqueue_indirect_dma source(%dma_start3A_59 : memref<128x32xf32, #tpu.memory_space<vmem>>) target(%dma_start3A_65 : memref<10112x32xf32, #tpu.memory_space<vmem_shared>>) offsets(%dma_start3A_62 : memref<128xi32, #tpu.memory_space<vmem>>) semaphore(%run_scoped3A : memref<!tpu.dma_semaphore, #tpu.memory_space<semaphore_mem>>) {add = true}
        %dma_wait3A = arith.constant 384 : i32
        %dma_wait3A_66 = arith.constant 0 : i32
        %dma_wait3A_67 = tpu.memref_slice %arg7[%dma_wait3A, %dma_wait3A_66] : memref<1024x32xf32, #tpu.memory_space<vmem>> -> memref<128x32xf32, #tpu.memory_space<vmem>>
        %dma_wait3A_68 = arith.constant 0 : i32
        %dma_wait3A_69 = tpu.memref_slice %arg6[%add3A_41, %dma_wait3A_68] : memref<40x128xi32, #tpu.memory_space<vmem>> -> memref<1x128xi32, #tpu.memory_space<vmem>>
        %dma_wait3A_70 = tpu.memref_squeeze %dma_wait3A_69 : memref<1x128xi32, #tpu.memory_space<vmem>> -> memref<128xi32, #tpu.memory_space<vmem>>
        %dma_wait3A_71 = arith.constant 0 : i32
        %dma_wait3A_72 = arith.constant 0 : i32
        %dma_wait3A_73 = tpu.memref_slice %arg8[%dma_wait3A_71, %dma_wait3A_72] : memref<10112x32xf32, #tpu.memory_space<vmem_shared>> -> memref<10112x32xf32, #tpu.memory_space<vmem_shared>>
        tpu.wait_indirect_dma semaphore(%run_scoped3A : memref<!tpu.dma_semaphore, #tpu.memory_space<semaphore_mem>>) src(%dma_wait3A_67 : memref<128x32xf32, #tpu.memory_space<vmem>>) dst(%dma_wait3A_73 : memref<10112x32xf32, #tpu.memory_space<vmem_shared>>)
        tpu.yield
      }) : () -> ()
      %mul3A_42 = arith.constant 8 : i32
      %mul3A_43 = arith.muli %scan3A_20, %mul3A_42 : i32
      %add3A_44 = arith.constant 4 : i32
      %add3A_45 = arith.addi %mul3A_43, %add3A_44 : i32
      "tpu.region"() ({
        %run_scoped3A = tpu.sem_alloc : memref<!tpu.dma_semaphore, #tpu.memory_space<semaphore_mem>>
        %dma_start3A = arith.constant 512 : i32
        %dma_start3A_58 = arith.constant 0 : i32
        %dma_start3A_59 = tpu.memref_slice %arg7[%dma_start3A, %dma_start3A_58] : memref<1024x32xf32, #tpu.memory_space<vmem>> -> memref<128x32xf32, #tpu.memory_space<vmem>>
        %dma_start3A_60 = arith.constant 0 : i32
        %dma_start3A_61 = tpu.memref_slice %arg6[%add3A_45, %dma_start3A_60] : memref<40x128xi32, #tpu.memory_space<vmem>> -> memref<1x128xi32, #tpu.memory_space<vmem>>
        %dma_start3A_62 = tpu.memref_squeeze %dma_start3A_61 : memref<1x128xi32, #tpu.memory_space<vmem>> -> memref<128xi32, #tpu.memory_space<vmem>>
        %dma_start3A_63 = arith.constant 0 : i32
        %dma_start3A_64 = arith.constant 0 : i32
        %dma_start3A_65 = tpu.memref_slice %arg8[%dma_start3A_63, %dma_start3A_64] : memref<10112x32xf32, #tpu.memory_space<vmem_shared>> -> memref<10112x32xf32, #tpu.memory_space<vmem_shared>>
        tpu.enqueue_indirect_dma source(%dma_start3A_59 : memref<128x32xf32, #tpu.memory_space<vmem>>) target(%dma_start3A_65 : memref<10112x32xf32, #tpu.memory_space<vmem_shared>>) offsets(%dma_start3A_62 : memref<128xi32, #tpu.memory_space<vmem>>) semaphore(%run_scoped3A : memref<!tpu.dma_semaphore, #tpu.memory_space<semaphore_mem>>) {add = true}
        %dma_wait3A = arith.constant 512 : i32
        %dma_wait3A_66 = arith.constant 0 : i32
        %dma_wait3A_67 = tpu.memref_slice %arg7[%dma_wait3A, %dma_wait3A_66] : memref<1024x32xf32, #tpu.memory_space<vmem>> -> memref<128x32xf32, #tpu.memory_space<vmem>>
        %dma_wait3A_68 = arith.constant 0 : i32
        %dma_wait3A_69 = tpu.memref_slice %arg6[%add3A_45, %dma_wait3A_68] : memref<40x128xi32, #tpu.memory_space<vmem>> -> memref<1x128xi32, #tpu.memory_space<vmem>>
        %dma_wait3A_70 = tpu.memref_squeeze %dma_wait3A_69 : memref<1x128xi32, #tpu.memory_space<vmem>> -> memref<128xi32, #tpu.memory_space<vmem>>
        %dma_wait3A_71 = arith.constant 0 : i32
        %dma_wait3A_72 = arith.constant 0 : i32
        %dma_wait3A_73 = tpu.memref_slice %arg8[%dma_wait3A_71, %dma_wait3A_72] : memref<10112x32xf32, #tpu.memory_space<vmem_shared>> -> memref<10112x32xf32, #tpu.memory_space<vmem_shared>>
        tpu.wait_indirect_dma semaphore(%run_scoped3A : memref<!tpu.dma_semaphore, #tpu.memory_space<semaphore_mem>>) src(%dma_wait3A_67 : memref<128x32xf32, #tpu.memory_space<vmem>>) dst(%dma_wait3A_73 : memref<10112x32xf32, #tpu.memory_space<vmem_shared>>)
        tpu.yield
      }) : () -> ()
      %mul3A_46 = arith.constant 8 : i32
      %mul3A_47 = arith.muli %scan3A_20, %mul3A_46 : i32
      %add3A_48 = arith.constant 5 : i32
      %add3A_49 = arith.addi %mul3A_47, %add3A_48 : i32
      "tpu.region"() ({
        %run_scoped3A = tpu.sem_alloc : memref<!tpu.dma_semaphore, #tpu.memory_space<semaphore_mem>>
        %dma_start3A = arith.constant 640 : i32
        %dma_start3A_58 = arith.constant 0 : i32
        %dma_start3A_59 = tpu.memref_slice %arg7[%dma_start3A, %dma_start3A_58] : memref<1024x32xf32, #tpu.memory_space<vmem>> -> memref<128x32xf32, #tpu.memory_space<vmem>>
        %dma_start3A_60 = arith.constant 0 : i32
        %dma_start3A_61 = tpu.memref_slice %arg6[%add3A_49, %dma_start3A_60] : memref<40x128xi32, #tpu.memory_space<vmem>> -> memref<1x128xi32, #tpu.memory_space<vmem>>
        %dma_start3A_62 = tpu.memref_squeeze %dma_start3A_61 : memref<1x128xi32, #tpu.memory_space<vmem>> -> memref<128xi32, #tpu.memory_space<vmem>>
        %dma_start3A_63 = arith.constant 0 : i32
        %dma_start3A_64 = arith.constant 0 : i32
        %dma_start3A_65 = tpu.memref_slice %arg8[%dma_start3A_63, %dma_start3A_64] : memref<10112x32xf32, #tpu.memory_space<vmem_shared>> -> memref<10112x32xf32, #tpu.memory_space<vmem_shared>>
        tpu.enqueue_indirect_dma source(%dma_start3A_59 : memref<128x32xf32, #tpu.memory_space<vmem>>) target(%dma_start3A_65 : memref<10112x32xf32, #tpu.memory_space<vmem_shared>>) offsets(%dma_start3A_62 : memref<128xi32, #tpu.memory_space<vmem>>) semaphore(%run_scoped3A : memref<!tpu.dma_semaphore, #tpu.memory_space<semaphore_mem>>) {add = true}
        %dma_wait3A = arith.constant 640 : i32
        %dma_wait3A_66 = arith.constant 0 : i32
        %dma_wait3A_67 = tpu.memref_slice %arg7[%dma_wait3A, %dma_wait3A_66] : memref<1024x32xf32, #tpu.memory_space<vmem>> -> memref<128x32xf32, #tpu.memory_space<vmem>>
        %dma_wait3A_68 = arith.constant 0 : i32
        %dma_wait3A_69 = tpu.memref_slice %arg6[%add3A_49, %dma_wait3A_68] : memref<40x128xi32, #tpu.memory_space<vmem>> -> memref<1x128xi32, #tpu.memory_space<vmem>>
        %dma_wait3A_70 = tpu.memref_squeeze %dma_wait3A_69 : memref<1x128xi32, #tpu.memory_space<vmem>> -> memref<128xi32, #tpu.memory_space<vmem>>
        %dma_wait3A_71 = arith.constant 0 : i32
        %dma_wait3A_72 = arith.constant 0 : i32
        %dma_wait3A_73 = tpu.memref_slice %arg8[%dma_wait3A_71, %dma_wait3A_72] : memref<10112x32xf32, #tpu.memory_space<vmem_shared>> -> memref<10112x32xf32, #tpu.memory_space<vmem_shared>>
        tpu.wait_indirect_dma semaphore(%run_scoped3A : memref<!tpu.dma_semaphore, #tpu.memory_space<semaphore_mem>>) src(%dma_wait3A_67 : memref<128x32xf32, #tpu.memory_space<vmem>>) dst(%dma_wait3A_73 : memref<10112x32xf32, #tpu.memory_space<vmem_shared>>)
        tpu.yield
      }) : () -> ()
      %mul3A_50 = arith.constant 8 : i32
      %mul3A_51 = arith.muli %scan3A_20, %mul3A_50 : i32
      %add3A_52 = arith.constant 6 : i32
      %add3A_53 = arith.addi %mul3A_51, %add3A_52 : i32
      "tpu.region"() ({
        %run_scoped3A = tpu.sem_alloc : memref<!tpu.dma_semaphore, #tpu.memory_space<semaphore_mem>>
        %dma_start3A = arith.constant 768 : i32
        %dma_start3A_58 = arith.constant 0 : i32
        %dma_start3A_59 = tpu.memref_slice %arg7[%dma_start3A, %dma_start3A_58] : memref<1024x32xf32, #tpu.memory_space<vmem>> -> memref<128x32xf32, #tpu.memory_space<vmem>>
        %dma_start3A_60 = arith.constant 0 : i32
        %dma_start3A_61 = tpu.memref_slice %arg6[%add3A_53, %dma_start3A_60] : memref<40x128xi32, #tpu.memory_space<vmem>> -> memref<1x128xi32, #tpu.memory_space<vmem>>
        %dma_start3A_62 = tpu.memref_squeeze %dma_start3A_61 : memref<1x128xi32, #tpu.memory_space<vmem>> -> memref<128xi32, #tpu.memory_space<vmem>>
        %dma_start3A_63 = arith.constant 0 : i32
        %dma_start3A_64 = arith.constant 0 : i32
        %dma_start3A_65 = tpu.memref_slice %arg8[%dma_start3A_63, %dma_start3A_64] : memref<10112x32xf32, #tpu.memory_space<vmem_shared>> -> memref<10112x32xf32, #tpu.memory_space<vmem_shared>>
        tpu.enqueue_indirect_dma source(%dma_start3A_59 : memref<128x32xf32, #tpu.memory_space<vmem>>) target(%dma_start3A_65 : memref<10112x32xf32, #tpu.memory_space<vmem_shared>>) offsets(%dma_start3A_62 : memref<128xi32, #tpu.memory_space<vmem>>) semaphore(%run_scoped3A : memref<!tpu.dma_semaphore, #tpu.memory_space<semaphore_mem>>) {add = true}
        %dma_wait3A = arith.constant 768 : i32
        %dma_wait3A_66 = arith.constant 0 : i32
        %dma_wait3A_67 = tpu.memref_slice %arg7[%dma_wait3A, %dma_wait3A_66] : memref<1024x32xf32, #tpu.memory_space<vmem>> -> memref<128x32xf32, #tpu.memory_space<vmem>>
        %dma_wait3A_68 = arith.constant 0 : i32
        %dma_wait3A_69 = tpu.memref_slice %arg6[%add3A_53, %dma_wait3A_68] : memref<40x128xi32, #tpu.memory_space<vmem>> -> memref<1x128xi32, #tpu.memory_space<vmem>>
        %dma_wait3A_70 = tpu.memref_squeeze %dma_wait3A_69 : memref<1x128xi32, #tpu.memory_space<vmem>> -> memref<128xi32, #tpu.memory_space<vmem>>
        %dma_wait3A_71 = arith.constant 0 : i32
        %dma_wait3A_72 = arith.constant 0 : i32
        %dma_wait3A_73 = tpu.memref_slice %arg8[%dma_wait3A_71, %dma_wait3A_72] : memref<10112x32xf32, #tpu.memory_space<vmem_shared>> -> memref<10112x32xf32, #tpu.memory_space<vmem_shared>>
        tpu.wait_indirect_dma semaphore(%run_scoped3A : memref<!tpu.dma_semaphore, #tpu.memory_space<semaphore_mem>>) src(%dma_wait3A_67 : memref<128x32xf32, #tpu.memory_space<vmem>>) dst(%dma_wait3A_73 : memref<10112x32xf32, #tpu.memory_space<vmem_shared>>)
        tpu.yield
      }) : () -> ()
      %mul3A_54 = arith.constant 8 : i32
      %mul3A_55 = arith.muli %scan3A_20, %mul3A_54 : i32
      %add3A_56 = arith.constant 7 : i32
      %add3A_57 = arith.addi %mul3A_55, %add3A_56 : i32
      "tpu.region"() ({
        %run_scoped3A = tpu.sem_alloc : memref<!tpu.dma_semaphore, #tpu.memory_space<semaphore_mem>>
        %dma_start3A = arith.constant 896 : i32
        %dma_start3A_58 = arith.constant 0 : i32
        %dma_start3A_59 = tpu.memref_slice %arg7[%dma_start3A, %dma_start3A_58] : memref<1024x32xf32, #tpu.memory_space<vmem>> -> memref<128x32xf32, #tpu.memory_space<vmem>>
        %dma_start3A_60 = arith.constant 0 : i32
        %dma_start3A_61 = tpu.memref_slice %arg6[%add3A_57, %dma_start3A_60] : memref<40x128xi32, #tpu.memory_space<vmem>> -> memref<1x128xi32, #tpu.memory_space<vmem>>
        %dma_start3A_62 = tpu.memref_squeeze %dma_start3A_61 : memref<1x128xi32, #tpu.memory_space<vmem>> -> memref<128xi32, #tpu.memory_space<vmem>>
        %dma_start3A_63 = arith.constant 0 : i32
        %dma_start3A_64 = arith.constant 0 : i32
        %dma_start3A_65 = tpu.memref_slice %arg8[%dma_start3A_63, %dma_start3A_64] : memref<10112x32xf32, #tpu.memory_space<vmem_shared>> -> memref<10112x32xf32, #tpu.memory_space<vmem_shared>>
        tpu.enqueue_indirect_dma source(%dma_start3A_59 : memref<128x32xf32, #tpu.memory_space<vmem>>) target(%dma_start3A_65 : memref<10112x32xf32, #tpu.memory_space<vmem_shared>>) offsets(%dma_start3A_62 : memref<128xi32, #tpu.memory_space<vmem>>) semaphore(%run_scoped3A : memref<!tpu.dma_semaphore, #tpu.memory_space<semaphore_mem>>) {add = true}
        %dma_wait3A = arith.constant 896 : i32
        %dma_wait3A_66 = arith.constant 0 : i32
        %dma_wait3A_67 = tpu.memref_slice %arg7[%dma_wait3A, %dma_wait3A_66] : memref<1024x32xf32, #tpu.memory_space<vmem>> -> memref<128x32xf32, #tpu.memory_space<vmem>>
        %dma_wait3A_68 = arith.constant 0 : i32
        %dma_wait3A_69 = tpu.memref_slice %arg6[%add3A_57, %dma_wait3A_68] : memref<40x128xi32, #tpu.memory_space<vmem>> -> memref<1x128xi32, #tpu.memory_space<vmem>>
        %dma_wait3A_70 = tpu.memref_squeeze %dma_wait3A_69 : memref<1x128xi32, #tpu.memory_space<vmem>> -> memref<128xi32, #tpu.memory_space<vmem>>
        %dma_wait3A_71 = arith.constant 0 : i32
        %dma_wait3A_72 = arith.constant 0 : i32
        %dma_wait3A_73 = tpu.memref_slice %arg8[%dma_wait3A_71, %dma_wait3A_72] : memref<10112x32xf32, #tpu.memory_space<vmem_shared>> -> memref<10112x32xf32, #tpu.memory_space<vmem_shared>>
        tpu.wait_indirect_dma semaphore(%run_scoped3A : memref<!tpu.dma_semaphore, #tpu.memory_space<semaphore_mem>>) src(%dma_wait3A_67 : memref<128x32xf32, #tpu.memory_space<vmem>>) dst(%dma_wait3A_73 : memref<10112x32xf32, #tpu.memory_space<vmem_shared>>)
        tpu.yield
      }) : () -> ()
    }
    %scan3A_11 = arith.constant 5 : i32
    %barrier3A_12 = arith.constant 0 : index
    tpu.barrier barrier_id(%barrier3A_12)
    %mul3A_13 = arith.constant 632 : i32
    %mul3A_14 = arith.muli %arg1, %mul3A_13 : i32
    "tpu.region"() ({
      %run_scoped3A = tpu.sem_alloc : memref<!tpu.dma_semaphore, #tpu.memory_space<semaphore_mem>>
      %dma_start3A = arith.constant 0 : i32
      %dma_start3A_20 = arith.constant 0 : i32
      %dma_start3A_21 = tpu.memref_slice %arg7[%dma_start3A, %dma_start3A_20] : memref<1024x32xf32, #tpu.memory_space<vmem>> -> memref<632x32xf32, #tpu.memory_space<vmem>>
      %dma_start3A_22 = arith.constant 0 : i32
      %dma_start3A_23 = tpu.memref_slice %arg8[%mul3A_14, %dma_start3A_22] : memref<10112x32xf32, #tpu.memory_space<vmem_shared>> -> memref<632x32xf32, #tpu.memory_space<vmem_shared>>
      %dma_start3A_24 = arith.constant 0 : i32
      %dma_start3A_25 = arith.constant 0 : i32
      %dma_start3A_26 = tpu.memref_slice %arg7[%dma_start3A_24, %dma_start3A_25] : memref<1024x32xf32, #tpu.memory_space<vmem>> -> memref<632x32xf32, #tpu.memory_space<vmem>>
      %dma_start3A_27 = arith.constant 0 : i32
      %dma_start3A_28 = tpu.memref_slice %arg8[%mul3A_14, %dma_start3A_27] : memref<10112x32xf32, #tpu.memory_space<vmem_shared>> -> memref<632x32xf32, #tpu.memory_space<vmem_shared>>
      tpu.enqueue_dma source(%dma_start3A_28 : memref<632x32xf32, #tpu.memory_space<vmem_shared>>) target(%dma_start3A_26 : memref<632x32xf32, #tpu.memory_space<vmem>>) target_semaphore(%run_scoped3A : memref<!tpu.dma_semaphore, #tpu.memory_space<semaphore_mem>>)
      %dma_wait3A = arith.constant 0 : i32
      %dma_wait3A_29 = arith.constant 0 : i32
      %dma_wait3A_30 = tpu.memref_slice %arg7[%dma_wait3A, %dma_wait3A_29] : memref<1024x32xf32, #tpu.memory_space<vmem>> -> memref<632x32xf32, #tpu.memory_space<vmem>>
      %dma_wait3A_31 = arith.constant 0 : i32
      %dma_wait3A_32 = tpu.memref_slice %arg8[%mul3A_14, %dma_wait3A_31] : memref<10112x32xf32, #tpu.memory_space<vmem_shared>> -> memref<632x32xf32, #tpu.memory_space<vmem_shared>>
      %dma_wait3A_33 = arith.constant 0 : i32
      %dma_wait3A_34 = arith.constant 0 : i32
      %dma_wait3A_35 = tpu.memref_slice %arg7[%dma_wait3A_33, %dma_wait3A_34] : memref<1024x32xf32, #tpu.memory_space<vmem>> -> memref<632x32xf32, #tpu.memory_space<vmem>>
      %dma_wait3A_36 = arith.constant 0 : i32
      %dma_wait3A_37 = tpu.memref_slice %arg8[%mul3A_14, %dma_wait3A_36] : memref<10112x32xf32, #tpu.memory_space<vmem_shared>> -> memref<632x32xf32, #tpu.memory_space<vmem_shared>>
      tpu.wait_dma2 semaphore(%run_scoped3A : memref<!tpu.dma_semaphore, #tpu.memory_space<semaphore_mem>>) src(%dma_wait3A_37 : memref<632x32xf32, #tpu.memory_space<vmem_shared>>) dst(%dma_wait3A_35 : memref<632x32xf32, #tpu.memory_space<vmem>>)
      tpu.yield
    }) : () -> ()
    %mul3A_15 = arith.constant 10112 : i32
    %mul3A_16 = arith.muli %arg0, %mul3A_15 : i32
    %mul3A_17 = arith.constant 632 : i32
    %mul3A_18 = arith.muli %arg1, %mul3A_17 : i32
    %add3A_19 = arith.addi %mul3A_16, %mul3A_18 : i32
    "tpu.region"() ({
      %run_scoped3A = tpu.sem_alloc : memref<!tpu.dma_semaphore, #tpu.memory_space<semaphore_mem>>
      %dma_start3A = arith.constant 0 : i32
      %dma_start3A_20 = arith.constant 0 : i32
      %dma_start3A_21 = tpu.memref_slice %arg7[%dma_start3A, %dma_start3A_20] : memref<1024x32xf32, #tpu.memory_space<vmem>> -> memref<632x32xf32, #tpu.memory_space<vmem>>
      %dma_start3A_22 = arith.constant 0 : i32
      %dma_start3A_23 = tpu.memref_slice %arg5[%add3A_19, %dma_start3A_22] : memref<20224x32xf32, #tpu.memory_space<hbm>> -> memref<632x32xf32, #tpu.memory_space<hbm>>
      %dma_start3A_24 = arith.constant 0 : i32
      %dma_start3A_25 = tpu.memref_slice %arg5[%add3A_19, %dma_start3A_24] : memref<20224x32xf32, #tpu.memory_space<hbm>> -> memref<632x32xf32, #tpu.memory_space<hbm>>
      %dma_start3A_26 = arith.constant 0 : i32
      %dma_start3A_27 = arith.constant 0 : i32
      %dma_start3A_28 = tpu.memref_slice %arg7[%dma_start3A_26, %dma_start3A_27] : memref<1024x32xf32, #tpu.memory_space<vmem>> -> memref<632x32xf32, #tpu.memory_space<vmem>>
      tpu.enqueue_dma source(%dma_start3A_28 : memref<632x32xf32, #tpu.memory_space<vmem>>) target(%dma_start3A_25 : memref<632x32xf32, #tpu.memory_space<hbm>>) target_semaphore(%run_scoped3A : memref<!tpu.dma_semaphore, #tpu.memory_space<semaphore_mem>>)
      %dma_wait3A = arith.constant 0 : i32
      %dma_wait3A_29 = arith.constant 0 : i32
      %dma_wait3A_30 = tpu.memref_slice %arg7[%dma_wait3A, %dma_wait3A_29] : memref<1024x32xf32, #tpu.memory_space<vmem>> -> memref<632x32xf32, #tpu.memory_space<vmem>>
      %dma_wait3A_31 = arith.constant 0 : i32
      %dma_wait3A_32 = tpu.memref_slice %arg5[%add3A_19, %dma_wait3A_31] : memref<20224x32xf32, #tpu.memory_space<hbm>> -> memref<632x32xf32, #tpu.memory_space<hbm>>
      %dma_wait3A_33 = arith.constant 0 : i32
      %dma_wait3A_34 = tpu.memref_slice %arg5[%add3A_19, %dma_wait3A_33] : memref<20224x32xf32, #tpu.memory_space<hbm>> -> memref<632x32xf32, #tpu.memory_space<hbm>>
      %dma_wait3A_35 = arith.constant 0 : i32
      %dma_wait3A_36 = arith.constant 0 : i32
      %dma_wait3A_37 = tpu.memref_slice %arg7[%dma_wait3A_35, %dma_wait3A_36] : memref<1024x32xf32, #tpu.memory_space<vmem>> -> memref<632x32xf32, #tpu.memory_space<vmem>>
      tpu.wait_dma2 semaphore(%run_scoped3A : memref<!tpu.dma_semaphore, #tpu.memory_space<semaphore_mem>>) src(%dma_wait3A_37 : memref<632x32xf32, #tpu.memory_space<vmem>>) dst(%dma_wait3A_34 : memref<632x32xf32, #tpu.memory_space<hbm>>)
      tpu.yield
    }) : () -> ()
    return
  }
}

#map = affine_map<(d0, d1) -> (0, 0)>
module attributes {stable_mosaic.version = 14 : i64} {
  func.func @k(%arg0: i32, %arg1: i32, %arg2: memref<10000x48xf32, #tpu.memory_space<hbm>>, %arg3: memref<1280x128xi32, #tpu.memory_space<hbm>>, %arg4: memref<163840x48xf32, #tpu.memory_space<hbm>>, %arg5: memref<40x128xi32, #tpu.memory_space<vmem>>, %arg6: memref<1024x48xf32, #tpu.memory_space<vmem>>, %arg7: memref<!tpu.dma_semaphore, #tpu.memory_space<semaphore_mem>>) attributes {dimension_semantics = [#tpu.dimension_semantics<core_parallel>, #tpu.dimension_semantics<subcore_parallel>], iteration_bounds = array<i64: 2, 16>, scalar_prefetch = 0 : i64, scratch_operands = 3 : i64, tpu.core_type = #tpu.core_type<sc_vector_subcore>, window_params = [{transform_indices = #map}, {transform_indices = #map}, {transform_indices = #map}]} {
    %mul3A = arith.constant 2 : i32
    %mul3A_0 = arith.muli %arg1, %mul3A : i32
    %add3A = arith.addi %mul3A_0, %arg0 : i32
    %mul3A_1 = arith.constant 40 : i32
    %mul3A_2 = arith.muli %add3A, %mul3A_1 : i32
    "tpu.region"() ({
      %run_scoped3A = tpu.sem_alloc : memref<!tpu.dma_semaphore, #tpu.memory_space<semaphore_mem>>
      %dma_start3A = arith.constant 0 : i32
      %dma_start3A_8 = tpu.memref_slice %arg3[%mul3A_2, %dma_start3A] : memref<1280x128xi32, #tpu.memory_space<hbm>> -> memref<40x128xi32, #tpu.memory_space<hbm>>
      %dma_start3A_9 = arith.constant 0 : i32
      %dma_start3A_10 = tpu.memref_slice %arg3[%mul3A_2, %dma_start3A_9] : memref<1280x128xi32, #tpu.memory_space<hbm>> -> memref<40x128xi32, #tpu.memory_space<hbm>>
      tpu.enqueue_dma source(%dma_start3A_10 : memref<40x128xi32, #tpu.memory_space<hbm>>) target(%arg5 : memref<40x128xi32, #tpu.memory_space<vmem>>) target_semaphore(%run_scoped3A : memref<!tpu.dma_semaphore, #tpu.memory_space<semaphore_mem>>)
      %dma_wait3A = arith.constant 0 : i32
      %dma_wait3A_11 = tpu.memref_slice %arg3[%mul3A_2, %dma_wait3A] : memref<1280x128xi32, #tpu.memory_space<hbm>> -> memref<40x128xi32, #tpu.memory_space<hbm>>
      %dma_wait3A_12 = arith.constant 0 : i32
      %dma_wait3A_13 = tpu.memref_slice %arg3[%mul3A_2, %dma_wait3A_12] : memref<1280x128xi32, #tpu.memory_space<hbm>> -> memref<40x128xi32, #tpu.memory_space<hbm>>
      tpu.wait_dma2 semaphore(%run_scoped3A : memref<!tpu.dma_semaphore, #tpu.memory_space<semaphore_mem>>) src(%dma_wait3A_13 : memref<40x128xi32, #tpu.memory_space<hbm>>) dst(%arg5 : memref<40x128xi32, #tpu.memory_space<vmem>>)
      tpu.yield
    }) : () -> ()
    %scan3A = arith.constant 0 : i32
    %scan3A_3 = arith.constant 0 : i32
    %scan3A_4 = arith.constant 5 : i32
    %scan3A_5 = arith.addi %scan3A_3, %scan3A_4 : i32
    %scan3A_6 = arith.constant 1 : i32
    scf.for %scan3A_8 = %scan3A_3 to %scan3A_5 step %scan3A_6  : i32 {
      %mul3A_9 = arith.constant 8 : i32
      %mul3A_10 = arith.muli %scan3A_8, %mul3A_9 : i32
      %add3A_11 = arith.constant 0 : i32
      %add3A_12 = arith.addi %mul3A_10, %add3A_11 : i32
      %dma_start3A = arith.constant 0 : i32
      %dma_start3A_13 = arith.constant 0 : i32
      %dma_start3A_14 = tpu.memref_slice %arg6[%dma_start3A, %dma_start3A_13] : memref<1024x48xf32, #tpu.memory_space<vmem>> -> memref<128x48xf32, #tpu.memory_space<vmem>>
      %dma_start3A_15 = arith.constant 0 : i32
      %dma_start3A_16 = tpu.memref_slice %arg5[%add3A_12, %dma_start3A_15] : memref<40x128xi32, #tpu.memory_space<vmem>> -> memref<1x128xi32, #tpu.memory_space<vmem>>
      %dma_start3A_17 = tpu.memref_squeeze %dma_start3A_16 : memref<1x128xi32, #tpu.memory_space<vmem>> -> memref<128xi32, #tpu.memory_space<vmem>>
      %dma_start3A_18 = arith.constant 0 : i32
      %dma_start3A_19 = arith.constant 0 : i32
      %dma_start3A_20 = tpu.memref_slice %arg2[%dma_start3A_18, %dma_start3A_19] : memref<10000x48xf32, #tpu.memory_space<hbm>> -> memref<10000x48xf32, #tpu.memory_space<hbm>>
      tpu.enqueue_indirect_dma source(%dma_start3A_20 : memref<10000x48xf32, #tpu.memory_space<hbm>>) target(%dma_start3A_14 : memref<128x48xf32, #tpu.memory_space<vmem>>) offsets(%dma_start3A_17 : memref<128xi32, #tpu.memory_space<vmem>>) semaphore(%arg7 : memref<!tpu.dma_semaphore, #tpu.memory_space<semaphore_mem>>)
      %mul3A_21 = arith.constant 8 : i32
      %mul3A_22 = arith.muli %scan3A_8, %mul3A_21 : i32
      %add3A_23 = arith.constant 1 : i32
      %add3A_24 = arith.addi %mul3A_22, %add3A_23 : i32
      %dma_start3A_25 = arith.constant 128 : i32
      %dma_start3A_26 = arith.constant 0 : i32
      %dma_start3A_27 = tpu.memref_slice %arg6[%dma_start3A_25, %dma_start3A_26] : memref<1024x48xf32, #tpu.memory_space<vmem>> -> memref<128x48xf32, #tpu.memory_space<vmem>>
      %dma_start3A_28 = arith.constant 0 : i32
      %dma_start3A_29 = tpu.memref_slice %arg5[%add3A_24, %dma_start3A_28] : memref<40x128xi32, #tpu.memory_space<vmem>> -> memref<1x128xi32, #tpu.memory_space<vmem>>
      %dma_start3A_30 = tpu.memref_squeeze %dma_start3A_29 : memref<1x128xi32, #tpu.memory_space<vmem>> -> memref<128xi32, #tpu.memory_space<vmem>>
      %dma_start3A_31 = arith.constant 0 : i32
      %dma_start3A_32 = arith.constant 0 : i32
      %dma_start3A_33 = tpu.memref_slice %arg2[%dma_start3A_31, %dma_start3A_32] : memref<10000x48xf32, #tpu.memory_space<hbm>> -> memref<10000x48xf32, #tpu.memory_space<hbm>>
      tpu.enqueue_indirect_dma source(%dma_start3A_33 : memref<10000x48xf32, #tpu.memory_space<hbm>>) target(%dma_start3A_27 : memref<128x48xf32, #tpu.memory_space<vmem>>) offsets(%dma_start3A_30 : memref<128xi32, #tpu.memory_space<vmem>>) semaphore(%arg7 : memref<!tpu.dma_semaphore, #tpu.memory_space<semaphore_mem>>)
      %mul3A_34 = arith.constant 8 : i32
      %mul3A_35 = arith.muli %scan3A_8, %mul3A_34 : i32
      %add3A_36 = arith.constant 2 : i32
      %add3A_37 = arith.addi %mul3A_35, %add3A_36 : i32
      %dma_start3A_38 = arith.constant 256 : i32
      %dma_start3A_39 = arith.constant 0 : i32
      %dma_start3A_40 = tpu.memref_slice %arg6[%dma_start3A_38, %dma_start3A_39] : memref<1024x48xf32, #tpu.memory_space<vmem>> -> memref<128x48xf32, #tpu.memory_space<vmem>>
      %dma_start3A_41 = arith.constant 0 : i32
      %dma_start3A_42 = tpu.memref_slice %arg5[%add3A_37, %dma_start3A_41] : memref<40x128xi32, #tpu.memory_space<vmem>> -> memref<1x128xi32, #tpu.memory_space<vmem>>
      %dma_start3A_43 = tpu.memref_squeeze %dma_start3A_42 : memref<1x128xi32, #tpu.memory_space<vmem>> -> memref<128xi32, #tpu.memory_space<vmem>>
      %dma_start3A_44 = arith.constant 0 : i32
      %dma_start3A_45 = arith.constant 0 : i32
      %dma_start3A_46 = tpu.memref_slice %arg2[%dma_start3A_44, %dma_start3A_45] : memref<10000x48xf32, #tpu.memory_space<hbm>> -> memref<10000x48xf32, #tpu.memory_space<hbm>>
      tpu.enqueue_indirect_dma source(%dma_start3A_46 : memref<10000x48xf32, #tpu.memory_space<hbm>>) target(%dma_start3A_40 : memref<128x48xf32, #tpu.memory_space<vmem>>) offsets(%dma_start3A_43 : memref<128xi32, #tpu.memory_space<vmem>>) semaphore(%arg7 : memref<!tpu.dma_semaphore, #tpu.memory_space<semaphore_mem>>)
      %mul3A_47 = arith.constant 8 : i32
      %mul3A_48 = arith.muli %scan3A_8, %mul3A_47 : i32
      %add3A_49 = arith.constant 3 : i32
      %add3A_50 = arith.addi %mul3A_48, %add3A_49 : i32
      %dma_start3A_51 = arith.constant 384 : i32
      %dma_start3A_52 = arith.constant 0 : i32
      %dma_start3A_53 = tpu.memref_slice %arg6[%dma_start3A_51, %dma_start3A_52] : memref<1024x48xf32, #tpu.memory_space<vmem>> -> memref<128x48xf32, #tpu.memory_space<vmem>>
      %dma_start3A_54 = arith.constant 0 : i32
      %dma_start3A_55 = tpu.memref_slice %arg5[%add3A_50, %dma_start3A_54] : memref<40x128xi32, #tpu.memory_space<vmem>> -> memref<1x128xi32, #tpu.memory_space<vmem>>
      %dma_start3A_56 = tpu.memref_squeeze %dma_start3A_55 : memref<1x128xi32, #tpu.memory_space<vmem>> -> memref<128xi32, #tpu.memory_space<vmem>>
      %dma_start3A_57 = arith.constant 0 : i32
      %dma_start3A_58 = arith.constant 0 : i32
      %dma_start3A_59 = tpu.memref_slice %arg2[%dma_start3A_57, %dma_start3A_58] : memref<10000x48xf32, #tpu.memory_space<hbm>> -> memref<10000x48xf32, #tpu.memory_space<hbm>>
      tpu.enqueue_indirect_dma source(%dma_start3A_59 : memref<10000x48xf32, #tpu.memory_space<hbm>>) target(%dma_start3A_53 : memref<128x48xf32, #tpu.memory_space<vmem>>) offsets(%dma_start3A_56 : memref<128xi32, #tpu.memory_space<vmem>>) semaphore(%arg7 : memref<!tpu.dma_semaphore, #tpu.memory_space<semaphore_mem>>)
      %mul3A_60 = arith.constant 8 : i32
      %mul3A_61 = arith.muli %scan3A_8, %mul3A_60 : i32
      %add3A_62 = arith.constant 4 : i32
      %add3A_63 = arith.addi %mul3A_61, %add3A_62 : i32
      %dma_start3A_64 = arith.constant 512 : i32
      %dma_start3A_65 = arith.constant 0 : i32
      %dma_start3A_66 = tpu.memref_slice %arg6[%dma_start3A_64, %dma_start3A_65] : memref<1024x48xf32, #tpu.memory_space<vmem>> -> memref<128x48xf32, #tpu.memory_space<vmem>>
      %dma_start3A_67 = arith.constant 0 : i32
      %dma_start3A_68 = tpu.memref_slice %arg5[%add3A_63, %dma_start3A_67] : memref<40x128xi32, #tpu.memory_space<vmem>> -> memref<1x128xi32, #tpu.memory_space<vmem>>
      %dma_start3A_69 = tpu.memref_squeeze %dma_start3A_68 : memref<1x128xi32, #tpu.memory_space<vmem>> -> memref<128xi32, #tpu.memory_space<vmem>>
      %dma_start3A_70 = arith.constant 0 : i32
      %dma_start3A_71 = arith.constant 0 : i32
      %dma_start3A_72 = tpu.memref_slice %arg2[%dma_start3A_70, %dma_start3A_71] : memref<10000x48xf32, #tpu.memory_space<hbm>> -> memref<10000x48xf32, #tpu.memory_space<hbm>>
      tpu.enqueue_indirect_dma source(%dma_start3A_72 : memref<10000x48xf32, #tpu.memory_space<hbm>>) target(%dma_start3A_66 : memref<128x48xf32, #tpu.memory_space<vmem>>) offsets(%dma_start3A_69 : memref<128xi32, #tpu.memory_space<vmem>>) semaphore(%arg7 : memref<!tpu.dma_semaphore, #tpu.memory_space<semaphore_mem>>)
      %mul3A_73 = arith.constant 8 : i32
      %mul3A_74 = arith.muli %scan3A_8, %mul3A_73 : i32
      %add3A_75 = arith.constant 5 : i32
      %add3A_76 = arith.addi %mul3A_74, %add3A_75 : i32
      %dma_start3A_77 = arith.constant 640 : i32
      %dma_start3A_78 = arith.constant 0 : i32
      %dma_start3A_79 = tpu.memref_slice %arg6[%dma_start3A_77, %dma_start3A_78] : memref<1024x48xf32, #tpu.memory_space<vmem>> -> memref<128x48xf32, #tpu.memory_space<vmem>>
      %dma_start3A_80 = arith.constant 0 : i32
      %dma_start3A_81 = tpu.memref_slice %arg5[%add3A_76, %dma_start3A_80] : memref<40x128xi32, #tpu.memory_space<vmem>> -> memref<1x128xi32, #tpu.memory_space<vmem>>
      %dma_start3A_82 = tpu.memref_squeeze %dma_start3A_81 : memref<1x128xi32, #tpu.memory_space<vmem>> -> memref<128xi32, #tpu.memory_space<vmem>>
      %dma_start3A_83 = arith.constant 0 : i32
      %dma_start3A_84 = arith.constant 0 : i32
      %dma_start3A_85 = tpu.memref_slice %arg2[%dma_start3A_83, %dma_start3A_84] : memref<10000x48xf32, #tpu.memory_space<hbm>> -> memref<10000x48xf32, #tpu.memory_space<hbm>>
      tpu.enqueue_indirect_dma source(%dma_start3A_85 : memref<10000x48xf32, #tpu.memory_space<hbm>>) target(%dma_start3A_79 : memref<128x48xf32, #tpu.memory_space<vmem>>) offsets(%dma_start3A_82 : memref<128xi32, #tpu.memory_space<vmem>>) semaphore(%arg7 : memref<!tpu.dma_semaphore, #tpu.memory_space<semaphore_mem>>)
      %mul3A_86 = arith.constant 8 : i32
      %mul3A_87 = arith.muli %scan3A_8, %mul3A_86 : i32
      %add3A_88 = arith.constant 6 : i32
      %add3A_89 = arith.addi %mul3A_87, %add3A_88 : i32
      %dma_start3A_90 = arith.constant 768 : i32
      %dma_start3A_91 = arith.constant 0 : i32
      %dma_start3A_92 = tpu.memref_slice %arg6[%dma_start3A_90, %dma_start3A_91] : memref<1024x48xf32, #tpu.memory_space<vmem>> -> memref<128x48xf32, #tpu.memory_space<vmem>>
      %dma_start3A_93 = arith.constant 0 : i32
      %dma_start3A_94 = tpu.memref_slice %arg5[%add3A_89, %dma_start3A_93] : memref<40x128xi32, #tpu.memory_space<vmem>> -> memref<1x128xi32, #tpu.memory_space<vmem>>
      %dma_start3A_95 = tpu.memref_squeeze %dma_start3A_94 : memref<1x128xi32, #tpu.memory_space<vmem>> -> memref<128xi32, #tpu.memory_space<vmem>>
      %dma_start3A_96 = arith.constant 0 : i32
      %dma_start3A_97 = arith.constant 0 : i32
      %dma_start3A_98 = tpu.memref_slice %arg2[%dma_start3A_96, %dma_start3A_97] : memref<10000x48xf32, #tpu.memory_space<hbm>> -> memref<10000x48xf32, #tpu.memory_space<hbm>>
      tpu.enqueue_indirect_dma source(%dma_start3A_98 : memref<10000x48xf32, #tpu.memory_space<hbm>>) target(%dma_start3A_92 : memref<128x48xf32, #tpu.memory_space<vmem>>) offsets(%dma_start3A_95 : memref<128xi32, #tpu.memory_space<vmem>>) semaphore(%arg7 : memref<!tpu.dma_semaphore, #tpu.memory_space<semaphore_mem>>)
      %mul3A_99 = arith.constant 8 : i32
      %mul3A_100 = arith.muli %scan3A_8, %mul3A_99 : i32
      %add3A_101 = arith.constant 7 : i32
      %add3A_102 = arith.addi %mul3A_100, %add3A_101 : i32
      %dma_start3A_103 = arith.constant 896 : i32
      %dma_start3A_104 = arith.constant 0 : i32
      %dma_start3A_105 = tpu.memref_slice %arg6[%dma_start3A_103, %dma_start3A_104] : memref<1024x48xf32, #tpu.memory_space<vmem>> -> memref<128x48xf32, #tpu.memory_space<vmem>>
      %dma_start3A_106 = arith.constant 0 : i32
      %dma_start3A_107 = tpu.memref_slice %arg5[%add3A_102, %dma_start3A_106] : memref<40x128xi32, #tpu.memory_space<vmem>> -> memref<1x128xi32, #tpu.memory_space<vmem>>
      %dma_start3A_108 = tpu.memref_squeeze %dma_start3A_107 : memref<1x128xi32, #tpu.memory_space<vmem>> -> memref<128xi32, #tpu.memory_space<vmem>>
      %dma_start3A_109 = arith.constant 0 : i32
      %dma_start3A_110 = arith.constant 0 : i32
      %dma_start3A_111 = tpu.memref_slice %arg2[%dma_start3A_109, %dma_start3A_110] : memref<10000x48xf32, #tpu.memory_space<hbm>> -> memref<10000x48xf32, #tpu.memory_space<hbm>>
      tpu.enqueue_indirect_dma source(%dma_start3A_111 : memref<10000x48xf32, #tpu.memory_space<hbm>>) target(%dma_start3A_105 : memref<128x48xf32, #tpu.memory_space<vmem>>) offsets(%dma_start3A_108 : memref<128xi32, #tpu.memory_space<vmem>>) semaphore(%arg7 : memref<!tpu.dma_semaphore, #tpu.memory_space<semaphore_mem>>)
      %dma_wait3A = arith.constant 0 : i32
      %dma_wait3A_112 = arith.constant 0 : i32
      %dma_wait3A_113 = tpu.memref_slice %arg6[%dma_wait3A, %dma_wait3A_112] : memref<1024x48xf32, #tpu.memory_space<vmem>> -> memref<128x48xf32, #tpu.memory_space<vmem>>
      %dma_wait3A_114 = arith.constant 0 : i32
      %dma_wait3A_115 = tpu.memref_slice %arg5[%add3A_12, %dma_wait3A_114] : memref<40x128xi32, #tpu.memory_space<vmem>> -> memref<1x128xi32, #tpu.memory_space<vmem>>
      %dma_wait3A_116 = tpu.memref_squeeze %dma_wait3A_115 : memref<1x128xi32, #tpu.memory_space<vmem>> -> memref<128xi32, #tpu.memory_space<vmem>>
      %dma_wait3A_117 = arith.constant 0 : i32
      %dma_wait3A_118 = arith.constant 0 : i32
      %dma_wait3A_119 = tpu.memref_slice %arg2[%dma_wait3A_117, %dma_wait3A_118] : memref<10000x48xf32, #tpu.memory_space<hbm>> -> memref<10000x48xf32, #tpu.memory_space<hbm>>
      tpu.wait_indirect_dma semaphore(%arg7 : memref<!tpu.dma_semaphore, #tpu.memory_space<semaphore_mem>>) src(%dma_wait3A_119 : memref<10000x48xf32, #tpu.memory_space<hbm>>) dst(%dma_wait3A_113 : memref<128x48xf32, #tpu.memory_space<vmem>>)
      %dma_wait3A_120 = arith.constant 128 : i32
      %dma_wait3A_121 = arith.constant 0 : i32
      %dma_wait3A_122 = tpu.memref_slice %arg6[%dma_wait3A_120, %dma_wait3A_121] : memref<1024x48xf32, #tpu.memory_space<vmem>> -> memref<128x48xf32, #tpu.memory_space<vmem>>
      %dma_wait3A_123 = arith.constant 0 : i32
      %dma_wait3A_124 = tpu.memref_slice %arg5[%add3A_24, %dma_wait3A_123] : memref<40x128xi32, #tpu.memory_space<vmem>> -> memref<1x128xi32, #tpu.memory_space<vmem>>
      %dma_wait3A_125 = tpu.memref_squeeze %dma_wait3A_124 : memref<1x128xi32, #tpu.memory_space<vmem>> -> memref<128xi32, #tpu.memory_space<vmem>>
      %dma_wait3A_126 = arith.constant 0 : i32
      %dma_wait3A_127 = arith.constant 0 : i32
      %dma_wait3A_128 = tpu.memref_slice %arg2[%dma_wait3A_126, %dma_wait3A_127] : memref<10000x48xf32, #tpu.memory_space<hbm>> -> memref<10000x48xf32, #tpu.memory_space<hbm>>
      tpu.wait_indirect_dma semaphore(%arg7 : memref<!tpu.dma_semaphore, #tpu.memory_space<semaphore_mem>>) src(%dma_wait3A_128 : memref<10000x48xf32, #tpu.memory_space<hbm>>) dst(%dma_wait3A_122 : memref<128x48xf32, #tpu.memory_space<vmem>>)
      %dma_wait3A_129 = arith.constant 256 : i32
      %dma_wait3A_130 = arith.constant 0 : i32
      %dma_wait3A_131 = tpu.memref_slice %arg6[%dma_wait3A_129, %dma_wait3A_130] : memref<1024x48xf32, #tpu.memory_space<vmem>> -> memref<128x48xf32, #tpu.memory_space<vmem>>
      %dma_wait3A_132 = arith.constant 0 : i32
      %dma_wait3A_133 = tpu.memref_slice %arg5[%add3A_37, %dma_wait3A_132] : memref<40x128xi32, #tpu.memory_space<vmem>> -> memref<1x128xi32, #tpu.memory_space<vmem>>
      %dma_wait3A_134 = tpu.memref_squeeze %dma_wait3A_133 : memref<1x128xi32, #tpu.memory_space<vmem>> -> memref<128xi32, #tpu.memory_space<vmem>>
      %dma_wait3A_135 = arith.constant 0 : i32
      %dma_wait3A_136 = arith.constant 0 : i32
      %dma_wait3A_137 = tpu.memref_slice %arg2[%dma_wait3A_135, %dma_wait3A_136] : memref<10000x48xf32, #tpu.memory_space<hbm>> -> memref<10000x48xf32, #tpu.memory_space<hbm>>
      tpu.wait_indirect_dma semaphore(%arg7 : memref<!tpu.dma_semaphore, #tpu.memory_space<semaphore_mem>>) src(%dma_wait3A_137 : memref<10000x48xf32, #tpu.memory_space<hbm>>) dst(%dma_wait3A_131 : memref<128x48xf32, #tpu.memory_space<vmem>>)
      %dma_wait3A_138 = arith.constant 384 : i32
      %dma_wait3A_139 = arith.constant 0 : i32
      %dma_wait3A_140 = tpu.memref_slice %arg6[%dma_wait3A_138, %dma_wait3A_139] : memref<1024x48xf32, #tpu.memory_space<vmem>> -> memref<128x48xf32, #tpu.memory_space<vmem>>
      %dma_wait3A_141 = arith.constant 0 : i32
      %dma_wait3A_142 = tpu.memref_slice %arg5[%add3A_50, %dma_wait3A_141] : memref<40x128xi32, #tpu.memory_space<vmem>> -> memref<1x128xi32, #tpu.memory_space<vmem>>
      %dma_wait3A_143 = tpu.memref_squeeze %dma_wait3A_142 : memref<1x128xi32, #tpu.memory_space<vmem>> -> memref<128xi32, #tpu.memory_space<vmem>>
      %dma_wait3A_144 = arith.constant 0 : i32
      %dma_wait3A_145 = arith.constant 0 : i32
      %dma_wait3A_146 = tpu.memref_slice %arg2[%dma_wait3A_144, %dma_wait3A_145] : memref<10000x48xf32, #tpu.memory_space<hbm>> -> memref<10000x48xf32, #tpu.memory_space<hbm>>
      tpu.wait_indirect_dma semaphore(%arg7 : memref<!tpu.dma_semaphore, #tpu.memory_space<semaphore_mem>>) src(%dma_wait3A_146 : memref<10000x48xf32, #tpu.memory_space<hbm>>) dst(%dma_wait3A_140 : memref<128x48xf32, #tpu.memory_space<vmem>>)
      %dma_wait3A_147 = arith.constant 512 : i32
      %dma_wait3A_148 = arith.constant 0 : i32
      %dma_wait3A_149 = tpu.memref_slice %arg6[%dma_wait3A_147, %dma_wait3A_148] : memref<1024x48xf32, #tpu.memory_space<vmem>> -> memref<128x48xf32, #tpu.memory_space<vmem>>
      %dma_wait3A_150 = arith.constant 0 : i32
      %dma_wait3A_151 = tpu.memref_slice %arg5[%add3A_63, %dma_wait3A_150] : memref<40x128xi32, #tpu.memory_space<vmem>> -> memref<1x128xi32, #tpu.memory_space<vmem>>
      %dma_wait3A_152 = tpu.memref_squeeze %dma_wait3A_151 : memref<1x128xi32, #tpu.memory_space<vmem>> -> memref<128xi32, #tpu.memory_space<vmem>>
      %dma_wait3A_153 = arith.constant 0 : i32
      %dma_wait3A_154 = arith.constant 0 : i32
      %dma_wait3A_155 = tpu.memref_slice %arg2[%dma_wait3A_153, %dma_wait3A_154] : memref<10000x48xf32, #tpu.memory_space<hbm>> -> memref<10000x48xf32, #tpu.memory_space<hbm>>
      tpu.wait_indirect_dma semaphore(%arg7 : memref<!tpu.dma_semaphore, #tpu.memory_space<semaphore_mem>>) src(%dma_wait3A_155 : memref<10000x48xf32, #tpu.memory_space<hbm>>) dst(%dma_wait3A_149 : memref<128x48xf32, #tpu.memory_space<vmem>>)
      %dma_wait3A_156 = arith.constant 640 : i32
      %dma_wait3A_157 = arith.constant 0 : i32
      %dma_wait3A_158 = tpu.memref_slice %arg6[%dma_wait3A_156, %dma_wait3A_157] : memref<1024x48xf32, #tpu.memory_space<vmem>> -> memref<128x48xf32, #tpu.memory_space<vmem>>
      %dma_wait3A_159 = arith.constant 0 : i32
      %dma_wait3A_160 = tpu.memref_slice %arg5[%add3A_76, %dma_wait3A_159] : memref<40x128xi32, #tpu.memory_space<vmem>> -> memref<1x128xi32, #tpu.memory_space<vmem>>
      %dma_wait3A_161 = tpu.memref_squeeze %dma_wait3A_160 : memref<1x128xi32, #tpu.memory_space<vmem>> -> memref<128xi32, #tpu.memory_space<vmem>>
      %dma_wait3A_162 = arith.constant 0 : i32
      %dma_wait3A_163 = arith.constant 0 : i32
      %dma_wait3A_164 = tpu.memref_slice %arg2[%dma_wait3A_162, %dma_wait3A_163] : memref<10000x48xf32, #tpu.memory_space<hbm>> -> memref<10000x48xf32, #tpu.memory_space<hbm>>
      tpu.wait_indirect_dma semaphore(%arg7 : memref<!tpu.dma_semaphore, #tpu.memory_space<semaphore_mem>>) src(%dma_wait3A_164 : memref<10000x48xf32, #tpu.memory_space<hbm>>) dst(%dma_wait3A_158 : memref<128x48xf32, #tpu.memory_space<vmem>>)
      %dma_wait3A_165 = arith.constant 768 : i32
      %dma_wait3A_166 = arith.constant 0 : i32
      %dma_wait3A_167 = tpu.memref_slice %arg6[%dma_wait3A_165, %dma_wait3A_166] : memref<1024x48xf32, #tpu.memory_space<vmem>> -> memref<128x48xf32, #tpu.memory_space<vmem>>
      %dma_wait3A_168 = arith.constant 0 : i32
      %dma_wait3A_169 = tpu.memref_slice %arg5[%add3A_89, %dma_wait3A_168] : memref<40x128xi32, #tpu.memory_space<vmem>> -> memref<1x128xi32, #tpu.memory_space<vmem>>
      %dma_wait3A_170 = tpu.memref_squeeze %dma_wait3A_169 : memref<1x128xi32, #tpu.memory_space<vmem>> -> memref<128xi32, #tpu.memory_space<vmem>>
      %dma_wait3A_171 = arith.constant 0 : i32
      %dma_wait3A_172 = arith.constant 0 : i32
      %dma_wait3A_173 = tpu.memref_slice %arg2[%dma_wait3A_171, %dma_wait3A_172] : memref<10000x48xf32, #tpu.memory_space<hbm>> -> memref<10000x48xf32, #tpu.memory_space<hbm>>
      tpu.wait_indirect_dma semaphore(%arg7 : memref<!tpu.dma_semaphore, #tpu.memory_space<semaphore_mem>>) src(%dma_wait3A_173 : memref<10000x48xf32, #tpu.memory_space<hbm>>) dst(%dma_wait3A_167 : memref<128x48xf32, #tpu.memory_space<vmem>>)
      %dma_wait3A_174 = arith.constant 896 : i32
      %dma_wait3A_175 = arith.constant 0 : i32
      %dma_wait3A_176 = tpu.memref_slice %arg6[%dma_wait3A_174, %dma_wait3A_175] : memref<1024x48xf32, #tpu.memory_space<vmem>> -> memref<128x48xf32, #tpu.memory_space<vmem>>
      %dma_wait3A_177 = arith.constant 0 : i32
      %dma_wait3A_178 = tpu.memref_slice %arg5[%add3A_102, %dma_wait3A_177] : memref<40x128xi32, #tpu.memory_space<vmem>> -> memref<1x128xi32, #tpu.memory_space<vmem>>
      %dma_wait3A_179 = tpu.memref_squeeze %dma_wait3A_178 : memref<1x128xi32, #tpu.memory_space<vmem>> -> memref<128xi32, #tpu.memory_space<vmem>>
      %dma_wait3A_180 = arith.constant 0 : i32
      %dma_wait3A_181 = arith.constant 0 : i32
      %dma_wait3A_182 = tpu.memref_slice %arg2[%dma_wait3A_180, %dma_wait3A_181] : memref<10000x48xf32, #tpu.memory_space<hbm>> -> memref<10000x48xf32, #tpu.memory_space<hbm>>
      tpu.wait_indirect_dma semaphore(%arg7 : memref<!tpu.dma_semaphore, #tpu.memory_space<semaphore_mem>>) src(%dma_wait3A_182 : memref<10000x48xf32, #tpu.memory_space<hbm>>) dst(%dma_wait3A_176 : memref<128x48xf32, #tpu.memory_space<vmem>>)
      %mul3A_183 = arith.constant 5120 : i32
      %mul3A_184 = arith.muli %add3A, %mul3A_183 : i32
      %mul3A_185 = arith.constant 1024 : i32
      %mul3A_186 = arith.muli %scan3A_8, %mul3A_185 : i32
      %add3A_187 = arith.addi %mul3A_184, %mul3A_186 : i32
      "tpu.region"() ({
        %run_scoped3A = tpu.sem_alloc : memref<!tpu.dma_semaphore, #tpu.memory_space<semaphore_mem>>
        %dma_start3A_188 = arith.constant 0 : i32
        %dma_start3A_189 = tpu.memref_slice %arg4[%add3A_187, %dma_start3A_188] : memref<163840x48xf32, #tpu.memory_space<hbm>> -> memref<1024x48xf32, #tpu.memory_space<hbm>>
        %dma_start3A_190 = arith.constant 0 : i32
        %dma_start3A_191 = tpu.memref_slice %arg4[%add3A_187, %dma_start3A_190] : memref<163840x48xf32, #tpu.memory_space<hbm>> -> memref<1024x48xf32, #tpu.memory_space<hbm>>
        tpu.enqueue_dma source(%arg6 : memref<1024x48xf32, #tpu.memory_space<vmem>>) target(%dma_start3A_191 : memref<1024x48xf32, #tpu.memory_space<hbm>>) target_semaphore(%run_scoped3A : memref<!tpu.dma_semaphore, #tpu.memory_space<semaphore_mem>>)
        %dma_wait3A_192 = arith.constant 0 : i32
        %dma_wait3A_193 = tpu.memref_slice %arg4[%add3A_187, %dma_wait3A_192] : memref<163840x48xf32, #tpu.memory_space<hbm>> -> memref<1024x48xf32, #tpu.memory_space<hbm>>
        %dma_wait3A_194 = arith.constant 0 : i32
        %dma_wait3A_195 = tpu.memref_slice %arg4[%add3A_187, %dma_wait3A_194] : memref<163840x48xf32, #tpu.memory_space<hbm>> -> memref<1024x48xf32, #tpu.memory_space<hbm>>
        tpu.wait_dma2 semaphore(%run_scoped3A : memref<!tpu.dma_semaphore, #tpu.memory_space<semaphore_mem>>) src(%arg6 : memref<1024x48xf32, #tpu.memory_space<vmem>>) dst(%dma_wait3A_195 : memref<1024x48xf32, #tpu.memory_space<hbm>>)
        tpu.yield
      }) : () -> ()
    }
    %scan3A_7 = arith.constant 5 : i32
    return
  }
}

#map = affine_map<(d0, d1) -> (0, 0)>
module attributes {stable_mosaic.version = 14 : i64} {
  func.func @k(%arg0: i32, %arg1: i32, %arg2: memref<10000x32xf32, #tpu.memory_space<hbm>>, %arg3: memref<1280x128xi32, #tpu.memory_space<hbm>>, %arg4: memref<163840x32xf32, #tpu.memory_space<hbm>>, %arg5: memref<40x128xi32, #tpu.memory_space<vmem>>, %arg6: memref<1024x32xf32, #tpu.memory_space<vmem>>, %arg7: memref<!tpu.dma_semaphore, #tpu.memory_space<semaphore_mem>>) attributes {dimension_semantics = [#tpu.dimension_semantics<core_parallel>, #tpu.dimension_semantics<subcore_parallel>], iteration_bounds = array<i64: 2, 16>, scalar_prefetch = 0 : i64, scratch_operands = 3 : i64, tpu.core_type = #tpu.core_type<sc_vector_subcore>, window_params = [{transform_indices = #map}, {transform_indices = #map}, {transform_indices = #map}]} {
    %mul3A = arith.constant 2 : i32
    %mul3A_0 = arith.muli %arg1, %mul3A : i32
    %add3A = arith.addi %mul3A_0, %arg0 : i32
    %mul3A_1 = arith.constant 40 : i32
    %mul3A_2 = arith.muli %add3A, %mul3A_1 : i32
    "tpu.region"() ({
      %run_scoped3A = tpu.sem_alloc : memref<!tpu.dma_semaphore, #tpu.memory_space<semaphore_mem>>
      %dma_start3A = arith.constant 0 : i32
      %dma_start3A_8 = tpu.memref_slice %arg3[%mul3A_2, %dma_start3A] : memref<1280x128xi32, #tpu.memory_space<hbm>> -> memref<40x128xi32, #tpu.memory_space<hbm>>
      %dma_start3A_9 = arith.constant 0 : i32
      %dma_start3A_10 = tpu.memref_slice %arg3[%mul3A_2, %dma_start3A_9] : memref<1280x128xi32, #tpu.memory_space<hbm>> -> memref<40x128xi32, #tpu.memory_space<hbm>>
      tpu.enqueue_dma source(%dma_start3A_10 : memref<40x128xi32, #tpu.memory_space<hbm>>) target(%arg5 : memref<40x128xi32, #tpu.memory_space<vmem>>) target_semaphore(%run_scoped3A : memref<!tpu.dma_semaphore, #tpu.memory_space<semaphore_mem>>)
      %dma_wait3A = arith.constant 0 : i32
      %dma_wait3A_11 = tpu.memref_slice %arg3[%mul3A_2, %dma_wait3A] : memref<1280x128xi32, #tpu.memory_space<hbm>> -> memref<40x128xi32, #tpu.memory_space<hbm>>
      %dma_wait3A_12 = arith.constant 0 : i32
      %dma_wait3A_13 = tpu.memref_slice %arg3[%mul3A_2, %dma_wait3A_12] : memref<1280x128xi32, #tpu.memory_space<hbm>> -> memref<40x128xi32, #tpu.memory_space<hbm>>
      tpu.wait_dma2 semaphore(%run_scoped3A : memref<!tpu.dma_semaphore, #tpu.memory_space<semaphore_mem>>) src(%dma_wait3A_13 : memref<40x128xi32, #tpu.memory_space<hbm>>) dst(%arg5 : memref<40x128xi32, #tpu.memory_space<vmem>>)
      tpu.yield
    }) : () -> ()
    %scan3A = arith.constant 0 : i32
    %scan3A_3 = arith.constant 0 : i32
    %scan3A_4 = arith.constant 5 : i32
    %scan3A_5 = arith.addi %scan3A_3, %scan3A_4 : i32
    %scan3A_6 = arith.constant 1 : i32
    scf.for %scan3A_8 = %scan3A_3 to %scan3A_5 step %scan3A_6  : i32 {
      %mul3A_9 = arith.constant 8 : i32
      %mul3A_10 = arith.muli %scan3A_8, %mul3A_9 : i32
      %add3A_11 = arith.constant 0 : i32
      %add3A_12 = arith.addi %mul3A_10, %add3A_11 : i32
      %dma_start3A = arith.constant 0 : i32
      %dma_start3A_13 = arith.constant 0 : i32
      %dma_start3A_14 = tpu.memref_slice %arg6[%dma_start3A, %dma_start3A_13] : memref<1024x32xf32, #tpu.memory_space<vmem>> -> memref<128x32xf32, #tpu.memory_space<vmem>>
      %dma_start3A_15 = arith.constant 0 : i32
      %dma_start3A_16 = tpu.memref_slice %arg5[%add3A_12, %dma_start3A_15] : memref<40x128xi32, #tpu.memory_space<vmem>> -> memref<1x128xi32, #tpu.memory_space<vmem>>
      %dma_start3A_17 = tpu.memref_squeeze %dma_start3A_16 : memref<1x128xi32, #tpu.memory_space<vmem>> -> memref<128xi32, #tpu.memory_space<vmem>>
      %dma_start3A_18 = arith.constant 0 : i32
      %dma_start3A_19 = arith.constant 0 : i32
      %dma_start3A_20 = tpu.memref_slice %arg2[%dma_start3A_18, %dma_start3A_19] : memref<10000x32xf32, #tpu.memory_space<hbm>> -> memref<10000x32xf32, #tpu.memory_space<hbm>>
      tpu.enqueue_indirect_dma source(%dma_start3A_20 : memref<10000x32xf32, #tpu.memory_space<hbm>>) target(%dma_start3A_14 : memref<128x32xf32, #tpu.memory_space<vmem>>) offsets(%dma_start3A_17 : memref<128xi32, #tpu.memory_space<vmem>>) semaphore(%arg7 : memref<!tpu.dma_semaphore, #tpu.memory_space<semaphore_mem>>)
      %mul3A_21 = arith.constant 8 : i32
      %mul3A_22 = arith.muli %scan3A_8, %mul3A_21 : i32
      %add3A_23 = arith.constant 1 : i32
      %add3A_24 = arith.addi %mul3A_22, %add3A_23 : i32
      %dma_start3A_25 = arith.constant 128 : i32
      %dma_start3A_26 = arith.constant 0 : i32
      %dma_start3A_27 = tpu.memref_slice %arg6[%dma_start3A_25, %dma_start3A_26] : memref<1024x32xf32, #tpu.memory_space<vmem>> -> memref<128x32xf32, #tpu.memory_space<vmem>>
      %dma_start3A_28 = arith.constant 0 : i32
      %dma_start3A_29 = tpu.memref_slice %arg5[%add3A_24, %dma_start3A_28] : memref<40x128xi32, #tpu.memory_space<vmem>> -> memref<1x128xi32, #tpu.memory_space<vmem>>
      %dma_start3A_30 = tpu.memref_squeeze %dma_start3A_29 : memref<1x128xi32, #tpu.memory_space<vmem>> -> memref<128xi32, #tpu.memory_space<vmem>>
      %dma_start3A_31 = arith.constant 0 : i32
      %dma_start3A_32 = arith.constant 0 : i32
      %dma_start3A_33 = tpu.memref_slice %arg2[%dma_start3A_31, %dma_start3A_32] : memref<10000x32xf32, #tpu.memory_space<hbm>> -> memref<10000x32xf32, #tpu.memory_space<hbm>>
      tpu.enqueue_indirect_dma source(%dma_start3A_33 : memref<10000x32xf32, #tpu.memory_space<hbm>>) target(%dma_start3A_27 : memref<128x32xf32, #tpu.memory_space<vmem>>) offsets(%dma_start3A_30 : memref<128xi32, #tpu.memory_space<vmem>>) semaphore(%arg7 : memref<!tpu.dma_semaphore, #tpu.memory_space<semaphore_mem>>)
      %mul3A_34 = arith.constant 8 : i32
      %mul3A_35 = arith.muli %scan3A_8, %mul3A_34 : i32
      %add3A_36 = arith.constant 2 : i32
      %add3A_37 = arith.addi %mul3A_35, %add3A_36 : i32
      %dma_start3A_38 = arith.constant 256 : i32
      %dma_start3A_39 = arith.constant 0 : i32
      %dma_start3A_40 = tpu.memref_slice %arg6[%dma_start3A_38, %dma_start3A_39] : memref<1024x32xf32, #tpu.memory_space<vmem>> -> memref<128x32xf32, #tpu.memory_space<vmem>>
      %dma_start3A_41 = arith.constant 0 : i32
      %dma_start3A_42 = tpu.memref_slice %arg5[%add3A_37, %dma_start3A_41] : memref<40x128xi32, #tpu.memory_space<vmem>> -> memref<1x128xi32, #tpu.memory_space<vmem>>
      %dma_start3A_43 = tpu.memref_squeeze %dma_start3A_42 : memref<1x128xi32, #tpu.memory_space<vmem>> -> memref<128xi32, #tpu.memory_space<vmem>>
      %dma_start3A_44 = arith.constant 0 : i32
      %dma_start3A_45 = arith.constant 0 : i32
      %dma_start3A_46 = tpu.memref_slice %arg2[%dma_start3A_44, %dma_start3A_45] : memref<10000x32xf32, #tpu.memory_space<hbm>> -> memref<10000x32xf32, #tpu.memory_space<hbm>>
      tpu.enqueue_indirect_dma source(%dma_start3A_46 : memref<10000x32xf32, #tpu.memory_space<hbm>>) target(%dma_start3A_40 : memref<128x32xf32, #tpu.memory_space<vmem>>) offsets(%dma_start3A_43 : memref<128xi32, #tpu.memory_space<vmem>>) semaphore(%arg7 : memref<!tpu.dma_semaphore, #tpu.memory_space<semaphore_mem>>)
      %mul3A_47 = arith.constant 8 : i32
      %mul3A_48 = arith.muli %scan3A_8, %mul3A_47 : i32
      %add3A_49 = arith.constant 3 : i32
      %add3A_50 = arith.addi %mul3A_48, %add3A_49 : i32
      %dma_start3A_51 = arith.constant 384 : i32
      %dma_start3A_52 = arith.constant 0 : i32
      %dma_start3A_53 = tpu.memref_slice %arg6[%dma_start3A_51, %dma_start3A_52] : memref<1024x32xf32, #tpu.memory_space<vmem>> -> memref<128x32xf32, #tpu.memory_space<vmem>>
      %dma_start3A_54 = arith.constant 0 : i32
      %dma_start3A_55 = tpu.memref_slice %arg5[%add3A_50, %dma_start3A_54] : memref<40x128xi32, #tpu.memory_space<vmem>> -> memref<1x128xi32, #tpu.memory_space<vmem>>
      %dma_start3A_56 = tpu.memref_squeeze %dma_start3A_55 : memref<1x128xi32, #tpu.memory_space<vmem>> -> memref<128xi32, #tpu.memory_space<vmem>>
      %dma_start3A_57 = arith.constant 0 : i32
      %dma_start3A_58 = arith.constant 0 : i32
      %dma_start3A_59 = tpu.memref_slice %arg2[%dma_start3A_57, %dma_start3A_58] : memref<10000x32xf32, #tpu.memory_space<hbm>> -> memref<10000x32xf32, #tpu.memory_space<hbm>>
      tpu.enqueue_indirect_dma source(%dma_start3A_59 : memref<10000x32xf32, #tpu.memory_space<hbm>>) target(%dma_start3A_53 : memref<128x32xf32, #tpu.memory_space<vmem>>) offsets(%dma_start3A_56 : memref<128xi32, #tpu.memory_space<vmem>>) semaphore(%arg7 : memref<!tpu.dma_semaphore, #tpu.memory_space<semaphore_mem>>)
      %mul3A_60 = arith.constant 8 : i32
      %mul3A_61 = arith.muli %scan3A_8, %mul3A_60 : i32
      %add3A_62 = arith.constant 4 : i32
      %add3A_63 = arith.addi %mul3A_61, %add3A_62 : i32
      %dma_start3A_64 = arith.constant 512 : i32
      %dma_start3A_65 = arith.constant 0 : i32
      %dma_start3A_66 = tpu.memref_slice %arg6[%dma_start3A_64, %dma_start3A_65] : memref<1024x32xf32, #tpu.memory_space<vmem>> -> memref<128x32xf32, #tpu.memory_space<vmem>>
      %dma_start3A_67 = arith.constant 0 : i32
      %dma_start3A_68 = tpu.memref_slice %arg5[%add3A_63, %dma_start3A_67] : memref<40x128xi32, #tpu.memory_space<vmem>> -> memref<1x128xi32, #tpu.memory_space<vmem>>
      %dma_start3A_69 = tpu.memref_squeeze %dma_start3A_68 : memref<1x128xi32, #tpu.memory_space<vmem>> -> memref<128xi32, #tpu.memory_space<vmem>>
      %dma_start3A_70 = arith.constant 0 : i32
      %dma_start3A_71 = arith.constant 0 : i32
      %dma_start3A_72 = tpu.memref_slice %arg2[%dma_start3A_70, %dma_start3A_71] : memref<10000x32xf32, #tpu.memory_space<hbm>> -> memref<10000x32xf32, #tpu.memory_space<hbm>>
      tpu.enqueue_indirect_dma source(%dma_start3A_72 : memref<10000x32xf32, #tpu.memory_space<hbm>>) target(%dma_start3A_66 : memref<128x32xf32, #tpu.memory_space<vmem>>) offsets(%dma_start3A_69 : memref<128xi32, #tpu.memory_space<vmem>>) semaphore(%arg7 : memref<!tpu.dma_semaphore, #tpu.memory_space<semaphore_mem>>)
      %mul3A_73 = arith.constant 8 : i32
      %mul3A_74 = arith.muli %scan3A_8, %mul3A_73 : i32
      %add3A_75 = arith.constant 5 : i32
      %add3A_76 = arith.addi %mul3A_74, %add3A_75 : i32
      %dma_start3A_77 = arith.constant 640 : i32
      %dma_start3A_78 = arith.constant 0 : i32
      %dma_start3A_79 = tpu.memref_slice %arg6[%dma_start3A_77, %dma_start3A_78] : memref<1024x32xf32, #tpu.memory_space<vmem>> -> memref<128x32xf32, #tpu.memory_space<vmem>>
      %dma_start3A_80 = arith.constant 0 : i32
      %dma_start3A_81 = tpu.memref_slice %arg5[%add3A_76, %dma_start3A_80] : memref<40x128xi32, #tpu.memory_space<vmem>> -> memref<1x128xi32, #tpu.memory_space<vmem>>
      %dma_start3A_82 = tpu.memref_squeeze %dma_start3A_81 : memref<1x128xi32, #tpu.memory_space<vmem>> -> memref<128xi32, #tpu.memory_space<vmem>>
      %dma_start3A_83 = arith.constant 0 : i32
      %dma_start3A_84 = arith.constant 0 : i32
      %dma_start3A_85 = tpu.memref_slice %arg2[%dma_start3A_83, %dma_start3A_84] : memref<10000x32xf32, #tpu.memory_space<hbm>> -> memref<10000x32xf32, #tpu.memory_space<hbm>>
      tpu.enqueue_indirect_dma source(%dma_start3A_85 : memref<10000x32xf32, #tpu.memory_space<hbm>>) target(%dma_start3A_79 : memref<128x32xf32, #tpu.memory_space<vmem>>) offsets(%dma_start3A_82 : memref<128xi32, #tpu.memory_space<vmem>>) semaphore(%arg7 : memref<!tpu.dma_semaphore, #tpu.memory_space<semaphore_mem>>)
      %mul3A_86 = arith.constant 8 : i32
      %mul3A_87 = arith.muli %scan3A_8, %mul3A_86 : i32
      %add3A_88 = arith.constant 6 : i32
      %add3A_89 = arith.addi %mul3A_87, %add3A_88 : i32
      %dma_start3A_90 = arith.constant 768 : i32
      %dma_start3A_91 = arith.constant 0 : i32
      %dma_start3A_92 = tpu.memref_slice %arg6[%dma_start3A_90, %dma_start3A_91] : memref<1024x32xf32, #tpu.memory_space<vmem>> -> memref<128x32xf32, #tpu.memory_space<vmem>>
      %dma_start3A_93 = arith.constant 0 : i32
      %dma_start3A_94 = tpu.memref_slice %arg5[%add3A_89, %dma_start3A_93] : memref<40x128xi32, #tpu.memory_space<vmem>> -> memref<1x128xi32, #tpu.memory_space<vmem>>
      %dma_start3A_95 = tpu.memref_squeeze %dma_start3A_94 : memref<1x128xi32, #tpu.memory_space<vmem>> -> memref<128xi32, #tpu.memory_space<vmem>>
      %dma_start3A_96 = arith.constant 0 : i32
      %dma_start3A_97 = arith.constant 0 : i32
      %dma_start3A_98 = tpu.memref_slice %arg2[%dma_start3A_96, %dma_start3A_97] : memref<10000x32xf32, #tpu.memory_space<hbm>> -> memref<10000x32xf32, #tpu.memory_space<hbm>>
      tpu.enqueue_indirect_dma source(%dma_start3A_98 : memref<10000x32xf32, #tpu.memory_space<hbm>>) target(%dma_start3A_92 : memref<128x32xf32, #tpu.memory_space<vmem>>) offsets(%dma_start3A_95 : memref<128xi32, #tpu.memory_space<vmem>>) semaphore(%arg7 : memref<!tpu.dma_semaphore, #tpu.memory_space<semaphore_mem>>)
      %mul3A_99 = arith.constant 8 : i32
      %mul3A_100 = arith.muli %scan3A_8, %mul3A_99 : i32
      %add3A_101 = arith.constant 7 : i32
      %add3A_102 = arith.addi %mul3A_100, %add3A_101 : i32
      %dma_start3A_103 = arith.constant 896 : i32
      %dma_start3A_104 = arith.constant 0 : i32
      %dma_start3A_105 = tpu.memref_slice %arg6[%dma_start3A_103, %dma_start3A_104] : memref<1024x32xf32, #tpu.memory_space<vmem>> -> memref<128x32xf32, #tpu.memory_space<vmem>>
      %dma_start3A_106 = arith.constant 0 : i32
      %dma_start3A_107 = tpu.memref_slice %arg5[%add3A_102, %dma_start3A_106] : memref<40x128xi32, #tpu.memory_space<vmem>> -> memref<1x128xi32, #tpu.memory_space<vmem>>
      %dma_start3A_108 = tpu.memref_squeeze %dma_start3A_107 : memref<1x128xi32, #tpu.memory_space<vmem>> -> memref<128xi32, #tpu.memory_space<vmem>>
      %dma_start3A_109 = arith.constant 0 : i32
      %dma_start3A_110 = arith.constant 0 : i32
      %dma_start3A_111 = tpu.memref_slice %arg2[%dma_start3A_109, %dma_start3A_110] : memref<10000x32xf32, #tpu.memory_space<hbm>> -> memref<10000x32xf32, #tpu.memory_space<hbm>>
      tpu.enqueue_indirect_dma source(%dma_start3A_111 : memref<10000x32xf32, #tpu.memory_space<hbm>>) target(%dma_start3A_105 : memref<128x32xf32, #tpu.memory_space<vmem>>) offsets(%dma_start3A_108 : memref<128xi32, #tpu.memory_space<vmem>>) semaphore(%arg7 : memref<!tpu.dma_semaphore, #tpu.memory_space<semaphore_mem>>)
      %dma_wait3A = arith.constant 0 : i32
      %dma_wait3A_112 = arith.constant 0 : i32
      %dma_wait3A_113 = tpu.memref_slice %arg6[%dma_wait3A, %dma_wait3A_112] : memref<1024x32xf32, #tpu.memory_space<vmem>> -> memref<128x32xf32, #tpu.memory_space<vmem>>
      %dma_wait3A_114 = arith.constant 0 : i32
      %dma_wait3A_115 = tpu.memref_slice %arg5[%add3A_12, %dma_wait3A_114] : memref<40x128xi32, #tpu.memory_space<vmem>> -> memref<1x128xi32, #tpu.memory_space<vmem>>
      %dma_wait3A_116 = tpu.memref_squeeze %dma_wait3A_115 : memref<1x128xi32, #tpu.memory_space<vmem>> -> memref<128xi32, #tpu.memory_space<vmem>>
      %dma_wait3A_117 = arith.constant 0 : i32
      %dma_wait3A_118 = arith.constant 0 : i32
      %dma_wait3A_119 = tpu.memref_slice %arg2[%dma_wait3A_117, %dma_wait3A_118] : memref<10000x32xf32, #tpu.memory_space<hbm>> -> memref<10000x32xf32, #tpu.memory_space<hbm>>
      tpu.wait_indirect_dma semaphore(%arg7 : memref<!tpu.dma_semaphore, #tpu.memory_space<semaphore_mem>>) src(%dma_wait3A_119 : memref<10000x32xf32, #tpu.memory_space<hbm>>) dst(%dma_wait3A_113 : memref<128x32xf32, #tpu.memory_space<vmem>>)
      %dma_wait3A_120 = arith.constant 128 : i32
      %dma_wait3A_121 = arith.constant 0 : i32
      %dma_wait3A_122 = tpu.memref_slice %arg6[%dma_wait3A_120, %dma_wait3A_121] : memref<1024x32xf32, #tpu.memory_space<vmem>> -> memref<128x32xf32, #tpu.memory_space<vmem>>
      %dma_wait3A_123 = arith.constant 0 : i32
      %dma_wait3A_124 = tpu.memref_slice %arg5[%add3A_24, %dma_wait3A_123] : memref<40x128xi32, #tpu.memory_space<vmem>> -> memref<1x128xi32, #tpu.memory_space<vmem>>
      %dma_wait3A_125 = tpu.memref_squeeze %dma_wait3A_124 : memref<1x128xi32, #tpu.memory_space<vmem>> -> memref<128xi32, #tpu.memory_space<vmem>>
      %dma_wait3A_126 = arith.constant 0 : i32
      %dma_wait3A_127 = arith.constant 0 : i32
      %dma_wait3A_128 = tpu.memref_slice %arg2[%dma_wait3A_126, %dma_wait3A_127] : memref<10000x32xf32, #tpu.memory_space<hbm>> -> memref<10000x32xf32, #tpu.memory_space<hbm>>
      tpu.wait_indirect_dma semaphore(%arg7 : memref<!tpu.dma_semaphore, #tpu.memory_space<semaphore_mem>>) src(%dma_wait3A_128 : memref<10000x32xf32, #tpu.memory_space<hbm>>) dst(%dma_wait3A_122 : memref<128x32xf32, #tpu.memory_space<vmem>>)
      %dma_wait3A_129 = arith.constant 256 : i32
      %dma_wait3A_130 = arith.constant 0 : i32
      %dma_wait3A_131 = tpu.memref_slice %arg6[%dma_wait3A_129, %dma_wait3A_130] : memref<1024x32xf32, #tpu.memory_space<vmem>> -> memref<128x32xf32, #tpu.memory_space<vmem>>
      %dma_wait3A_132 = arith.constant 0 : i32
      %dma_wait3A_133 = tpu.memref_slice %arg5[%add3A_37, %dma_wait3A_132] : memref<40x128xi32, #tpu.memory_space<vmem>> -> memref<1x128xi32, #tpu.memory_space<vmem>>
      %dma_wait3A_134 = tpu.memref_squeeze %dma_wait3A_133 : memref<1x128xi32, #tpu.memory_space<vmem>> -> memref<128xi32, #tpu.memory_space<vmem>>
      %dma_wait3A_135 = arith.constant 0 : i32
      %dma_wait3A_136 = arith.constant 0 : i32
      %dma_wait3A_137 = tpu.memref_slice %arg2[%dma_wait3A_135, %dma_wait3A_136] : memref<10000x32xf32, #tpu.memory_space<hbm>> -> memref<10000x32xf32, #tpu.memory_space<hbm>>
      tpu.wait_indirect_dma semaphore(%arg7 : memref<!tpu.dma_semaphore, #tpu.memory_space<semaphore_mem>>) src(%dma_wait3A_137 : memref<10000x32xf32, #tpu.memory_space<hbm>>) dst(%dma_wait3A_131 : memref<128x32xf32, #tpu.memory_space<vmem>>)
      %dma_wait3A_138 = arith.constant 384 : i32
      %dma_wait3A_139 = arith.constant 0 : i32
      %dma_wait3A_140 = tpu.memref_slice %arg6[%dma_wait3A_138, %dma_wait3A_139] : memref<1024x32xf32, #tpu.memory_space<vmem>> -> memref<128x32xf32, #tpu.memory_space<vmem>>
      %dma_wait3A_141 = arith.constant 0 : i32
      %dma_wait3A_142 = tpu.memref_slice %arg5[%add3A_50, %dma_wait3A_141] : memref<40x128xi32, #tpu.memory_space<vmem>> -> memref<1x128xi32, #tpu.memory_space<vmem>>
      %dma_wait3A_143 = tpu.memref_squeeze %dma_wait3A_142 : memref<1x128xi32, #tpu.memory_space<vmem>> -> memref<128xi32, #tpu.memory_space<vmem>>
      %dma_wait3A_144 = arith.constant 0 : i32
      %dma_wait3A_145 = arith.constant 0 : i32
      %dma_wait3A_146 = tpu.memref_slice %arg2[%dma_wait3A_144, %dma_wait3A_145] : memref<10000x32xf32, #tpu.memory_space<hbm>> -> memref<10000x32xf32, #tpu.memory_space<hbm>>
      tpu.wait_indirect_dma semaphore(%arg7 : memref<!tpu.dma_semaphore, #tpu.memory_space<semaphore_mem>>) src(%dma_wait3A_146 : memref<10000x32xf32, #tpu.memory_space<hbm>>) dst(%dma_wait3A_140 : memref<128x32xf32, #tpu.memory_space<vmem>>)
      %dma_wait3A_147 = arith.constant 512 : i32
      %dma_wait3A_148 = arith.constant 0 : i32
      %dma_wait3A_149 = tpu.memref_slice %arg6[%dma_wait3A_147, %dma_wait3A_148] : memref<1024x32xf32, #tpu.memory_space<vmem>> -> memref<128x32xf32, #tpu.memory_space<vmem>>
      %dma_wait3A_150 = arith.constant 0 : i32
      %dma_wait3A_151 = tpu.memref_slice %arg5[%add3A_63, %dma_wait3A_150] : memref<40x128xi32, #tpu.memory_space<vmem>> -> memref<1x128xi32, #tpu.memory_space<vmem>>
      %dma_wait3A_152 = tpu.memref_squeeze %dma_wait3A_151 : memref<1x128xi32, #tpu.memory_space<vmem>> -> memref<128xi32, #tpu.memory_space<vmem>>
      %dma_wait3A_153 = arith.constant 0 : i32
      %dma_wait3A_154 = arith.constant 0 : i32
      %dma_wait3A_155 = tpu.memref_slice %arg2[%dma_wait3A_153, %dma_wait3A_154] : memref<10000x32xf32, #tpu.memory_space<hbm>> -> memref<10000x32xf32, #tpu.memory_space<hbm>>
      tpu.wait_indirect_dma semaphore(%arg7 : memref<!tpu.dma_semaphore, #tpu.memory_space<semaphore_mem>>) src(%dma_wait3A_155 : memref<10000x32xf32, #tpu.memory_space<hbm>>) dst(%dma_wait3A_149 : memref<128x32xf32, #tpu.memory_space<vmem>>)
      %dma_wait3A_156 = arith.constant 640 : i32
      %dma_wait3A_157 = arith.constant 0 : i32
      %dma_wait3A_158 = tpu.memref_slice %arg6[%dma_wait3A_156, %dma_wait3A_157] : memref<1024x32xf32, #tpu.memory_space<vmem>> -> memref<128x32xf32, #tpu.memory_space<vmem>>
      %dma_wait3A_159 = arith.constant 0 : i32
      %dma_wait3A_160 = tpu.memref_slice %arg5[%add3A_76, %dma_wait3A_159] : memref<40x128xi32, #tpu.memory_space<vmem>> -> memref<1x128xi32, #tpu.memory_space<vmem>>
      %dma_wait3A_161 = tpu.memref_squeeze %dma_wait3A_160 : memref<1x128xi32, #tpu.memory_space<vmem>> -> memref<128xi32, #tpu.memory_space<vmem>>
      %dma_wait3A_162 = arith.constant 0 : i32
      %dma_wait3A_163 = arith.constant 0 : i32
      %dma_wait3A_164 = tpu.memref_slice %arg2[%dma_wait3A_162, %dma_wait3A_163] : memref<10000x32xf32, #tpu.memory_space<hbm>> -> memref<10000x32xf32, #tpu.memory_space<hbm>>
      tpu.wait_indirect_dma semaphore(%arg7 : memref<!tpu.dma_semaphore, #tpu.memory_space<semaphore_mem>>) src(%dma_wait3A_164 : memref<10000x32xf32, #tpu.memory_space<hbm>>) dst(%dma_wait3A_158 : memref<128x32xf32, #tpu.memory_space<vmem>>)
      %dma_wait3A_165 = arith.constant 768 : i32
      %dma_wait3A_166 = arith.constant 0 : i32
      %dma_wait3A_167 = tpu.memref_slice %arg6[%dma_wait3A_165, %dma_wait3A_166] : memref<1024x32xf32, #tpu.memory_space<vmem>> -> memref<128x32xf32, #tpu.memory_space<vmem>>
      %dma_wait3A_168 = arith.constant 0 : i32
      %dma_wait3A_169 = tpu.memref_slice %arg5[%add3A_89, %dma_wait3A_168] : memref<40x128xi32, #tpu.memory_space<vmem>> -> memref<1x128xi32, #tpu.memory_space<vmem>>
      %dma_wait3A_170 = tpu.memref_squeeze %dma_wait3A_169 : memref<1x128xi32, #tpu.memory_space<vmem>> -> memref<128xi32, #tpu.memory_space<vmem>>
      %dma_wait3A_171 = arith.constant 0 : i32
      %dma_wait3A_172 = arith.constant 0 : i32
      %dma_wait3A_173 = tpu.memref_slice %arg2[%dma_wait3A_171, %dma_wait3A_172] : memref<10000x32xf32, #tpu.memory_space<hbm>> -> memref<10000x32xf32, #tpu.memory_space<hbm>>
      tpu.wait_indirect_dma semaphore(%arg7 : memref<!tpu.dma_semaphore, #tpu.memory_space<semaphore_mem>>) src(%dma_wait3A_173 : memref<10000x32xf32, #tpu.memory_space<hbm>>) dst(%dma_wait3A_167 : memref<128x32xf32, #tpu.memory_space<vmem>>)
      %dma_wait3A_174 = arith.constant 896 : i32
      %dma_wait3A_175 = arith.constant 0 : i32
      %dma_wait3A_176 = tpu.memref_slice %arg6[%dma_wait3A_174, %dma_wait3A_175] : memref<1024x32xf32, #tpu.memory_space<vmem>> -> memref<128x32xf32, #tpu.memory_space<vmem>>
      %dma_wait3A_177 = arith.constant 0 : i32
      %dma_wait3A_178 = tpu.memref_slice %arg5[%add3A_102, %dma_wait3A_177] : memref<40x128xi32, #tpu.memory_space<vmem>> -> memref<1x128xi32, #tpu.memory_space<vmem>>
      %dma_wait3A_179 = tpu.memref_squeeze %dma_wait3A_178 : memref<1x128xi32, #tpu.memory_space<vmem>> -> memref<128xi32, #tpu.memory_space<vmem>>
      %dma_wait3A_180 = arith.constant 0 : i32
      %dma_wait3A_181 = arith.constant 0 : i32
      %dma_wait3A_182 = tpu.memref_slice %arg2[%dma_wait3A_180, %dma_wait3A_181] : memref<10000x32xf32, #tpu.memory_space<hbm>> -> memref<10000x32xf32, #tpu.memory_space<hbm>>
      tpu.wait_indirect_dma semaphore(%arg7 : memref<!tpu.dma_semaphore, #tpu.memory_space<semaphore_mem>>) src(%dma_wait3A_182 : memref<10000x32xf32, #tpu.memory_space<hbm>>) dst(%dma_wait3A_176 : memref<128x32xf32, #tpu.memory_space<vmem>>)
      %mul3A_183 = arith.constant 5120 : i32
      %mul3A_184 = arith.muli %add3A, %mul3A_183 : i32
      %mul3A_185 = arith.constant 1024 : i32
      %mul3A_186 = arith.muli %scan3A_8, %mul3A_185 : i32
      %add3A_187 = arith.addi %mul3A_184, %mul3A_186 : i32
      "tpu.region"() ({
        %run_scoped3A = tpu.sem_alloc : memref<!tpu.dma_semaphore, #tpu.memory_space<semaphore_mem>>
        %dma_start3A_188 = arith.constant 0 : i32
        %dma_start3A_189 = tpu.memref_slice %arg4[%add3A_187, %dma_start3A_188] : memref<163840x32xf32, #tpu.memory_space<hbm>> -> memref<1024x32xf32, #tpu.memory_space<hbm>>
        %dma_start3A_190 = arith.constant 0 : i32
        %dma_start3A_191 = tpu.memref_slice %arg4[%add3A_187, %dma_start3A_190] : memref<163840x32xf32, #tpu.memory_space<hbm>> -> memref<1024x32xf32, #tpu.memory_space<hbm>>
        tpu.enqueue_dma source(%arg6 : memref<1024x32xf32, #tpu.memory_space<vmem>>) target(%dma_start3A_191 : memref<1024x32xf32, #tpu.memory_space<hbm>>) target_semaphore(%run_scoped3A : memref<!tpu.dma_semaphore, #tpu.memory_space<semaphore_mem>>)
        %dma_wait3A_192 = arith.constant 0 : i32
        %dma_wait3A_193 = tpu.memref_slice %arg4[%add3A_187, %dma_wait3A_192] : memref<163840x32xf32, #tpu.memory_space<hbm>> -> memref<1024x32xf32, #tpu.memory_space<hbm>>
        %dma_wait3A_194 = arith.constant 0 : i32
        %dma_wait3A_195 = tpu.memref_slice %arg4[%add3A_187, %dma_wait3A_194] : memref<163840x32xf32, #tpu.memory_space<hbm>> -> memref<1024x32xf32, #tpu.memory_space<hbm>>
        tpu.wait_dma2 semaphore(%run_scoped3A : memref<!tpu.dma_semaphore, #tpu.memory_space<semaphore_mem>>) src(%arg6 : memref<1024x32xf32, #tpu.memory_space<vmem>>) dst(%dma_wait3A_195 : memref<1024x32xf32, #tpu.memory_space<hbm>>)
        tpu.yield
      }) : () -> ()
    }
    %scan3A_7 = arith.constant 5 : i32
    return
  }
}

#map = affine_map<(d0, d1) -> (0, 0)>
module attributes {stable_mosaic.version = 14 : i64} {
  func.func @k(%arg0: i32, %arg1: i32, %arg2: memref<163840x32xf32, #tpu.memory_space<hbm>>, %arg3: memref<1280x128xi32, #tpu.memory_space<hbm>>, %arg4: memref<10112x32xf32, #tpu.memory_space<hbm>>, %arg5: memref<10112x16xf32, #tpu.memory_space<hbm>>, %arg6: memref<128x16xf32, #tpu.memory_space<hbm>>, %arg7: memref<20224x32xf32, #tpu.memory_space<hbm>>, %arg8: memref<20224x16xf32, #tpu.memory_space<hbm>>, %arg9: memref<40x128xi32, #tpu.memory_space<vmem>>, %arg10: memref<1024x32xf32, #tpu.memory_space<vmem>>, %arg11: memref<10112x32xf32, #tpu.memory_space<vmem_shared>>, %arg12: memref<128x16xf32, #tpu.memory_space<vmem>>, %arg13: memref<632x16xf32, #tpu.memory_space<vmem>>, %arg14: memref<10112x16xf32, #tpu.memory_space<vmem_shared>>) attributes {dimension_semantics = [#tpu.dimension_semantics<core_parallel>, #tpu.dimension_semantics<subcore_parallel>], iteration_bounds = array<i64: 2, 16>, scalar_prefetch = 0 : i64, scratch_operands = 6 : i64, tpu.core_type = #tpu.core_type<sc_vector_subcore>, window_params = [{transform_indices = #map}, {transform_indices = #map}, {transform_indices = #map}, {transform_indices = #map}, {transform_indices = #map}, {transform_indices = #map}, {transform_indices = #map}]} {
    %mul3A = arith.constant 2 : i32
    %mul3A_0 = arith.muli %arg1, %mul3A : i32
    %add3A = arith.addi %mul3A_0, %arg0 : i32
    %mul3A_1 = arith.constant 632 : i32
    %mul3A_2 = arith.muli %arg1, %mul3A_1 : i32
    "tpu.region"() ({
      %run_scoped3A = tpu.sem_alloc : memref<!tpu.dma_semaphore, #tpu.memory_space<semaphore_mem>>
      %dma_start3A = arith.constant 0 : i32
      %dma_start3A_31 = arith.constant 0 : i32
      %dma_start3A_32 = tpu.memref_slice %arg10[%dma_start3A, %dma_start3A_31] : memref<1024x32xf32, #tpu.memory_space<vmem>> -> memref<632x32xf32, #tpu.memory_space<vmem>>
      %dma_start3A_33 = arith.constant 0 : i32
      %dma_start3A_34 = tpu.memref_slice %arg4[%mul3A_2, %dma_start3A_33] : memref<10112x32xf32, #tpu.memory_space<hbm>> -> memref<632x32xf32, #tpu.memory_space<hbm>>
      %dma_start3A_35 = arith.constant 0 : i32
      %dma_start3A_36 = arith.constant 0 : i32
      %dma_start3A_37 = tpu.memref_slice %arg10[%dma_start3A_35, %dma_start3A_36] : memref<1024x32xf32, #tpu.memory_space<vmem>> -> memref<632x32xf32, #tpu.memory_space<vmem>>
      %dma_start3A_38 = arith.constant 0 : i32
      %dma_start3A_39 = tpu.memref_slice %arg4[%mul3A_2, %dma_start3A_38] : memref<10112x32xf32, #tpu.memory_space<hbm>> -> memref<632x32xf32, #tpu.memory_space<hbm>>
      tpu.enqueue_dma source(%dma_start3A_39 : memref<632x32xf32, #tpu.memory_space<hbm>>) target(%dma_start3A_37 : memref<632x32xf32, #tpu.memory_space<vmem>>) target_semaphore(%run_scoped3A : memref<!tpu.dma_semaphore, #tpu.memory_space<semaphore_mem>>)
      %dma_wait3A = arith.constant 0 : i32
      %dma_wait3A_40 = arith.constant 0 : i32
      %dma_wait3A_41 = tpu.memref_slice %arg10[%dma_wait3A, %dma_wait3A_40] : memref<1024x32xf32, #tpu.memory_space<vmem>> -> memref<632x32xf32, #tpu.memory_space<vmem>>
      %dma_wait3A_42 = arith.constant 0 : i32
      %dma_wait3A_43 = tpu.memref_slice %arg4[%mul3A_2, %dma_wait3A_42] : memref<10112x32xf32, #tpu.memory_space<hbm>> -> memref<632x32xf32, #tpu.memory_space<hbm>>
      %dma_wait3A_44 = arith.constant 0 : i32
      %dma_wait3A_45 = arith.constant 0 : i32
      %dma_wait3A_46 = tpu.memref_slice %arg10[%dma_wait3A_44, %dma_wait3A_45] : memref<1024x32xf32, #tpu.memory_space<vmem>> -> memref<632x32xf32, #tpu.memory_space<vmem>>
      %dma_wait3A_47 = arith.constant 0 : i32
      %dma_wait3A_48 = tpu.memref_slice %arg4[%mul3A_2, %dma_wait3A_47] : memref<10112x32xf32, #tpu.memory_space<hbm>> -> memref<632x32xf32, #tpu.memory_space<hbm>>
      tpu.wait_dma2 semaphore(%run_scoped3A : memref<!tpu.dma_semaphore, #tpu.memory_space<semaphore_mem>>) src(%dma_wait3A_48 : memref<632x32xf32, #tpu.memory_space<hbm>>) dst(%dma_wait3A_46 : memref<632x32xf32, #tpu.memory_space<vmem>>)
      tpu.yield
    }) : () -> ()
    %mul3A_3 = arith.constant 632 : i32
    %mul3A_4 = arith.muli %arg1, %mul3A_3 : i32
    "tpu.region"() ({
      %run_scoped3A = tpu.sem_alloc : memref<!tpu.dma_semaphore, #tpu.memory_space<semaphore_mem>>
      %dma_start3A = arith.constant 0 : i32
      %dma_start3A_31 = arith.constant 0 : i32
      %dma_start3A_32 = tpu.memref_slice %arg10[%dma_start3A, %dma_start3A_31] : memref<1024x32xf32, #tpu.memory_space<vmem>> -> memref<632x32xf32, #tpu.memory_space<vmem>>
      %dma_start3A_33 = arith.constant 0 : i32
      %dma_start3A_34 = tpu.memref_slice %arg11[%mul3A_4, %dma_start3A_33] : memref<10112x32xf32, #tpu.memory_space<vmem_shared>> -> memref<632x32xf32, #tpu.memory_space<vmem_shared>>
      %dma_start3A_35 = arith.constant 0 : i32
      %dma_start3A_36 = tpu.memref_slice %arg11[%mul3A_4, %dma_start3A_35] : memref<10112x32xf32, #tpu.memory_space<vmem_shared>> -> memref<632x32xf32, #tpu.memory_space<vmem_shared>>
      %dma_start3A_37 = arith.constant 0 : i32
      %dma_start3A_38 = arith.constant 0 : i32
      %dma_start3A_39 = tpu.memref_slice %arg10[%dma_start3A_37, %dma_start3A_38] : memref<1024x32xf32, #tpu.memory_space<vmem>> -> memref<632x32xf32, #tpu.memory_space<vmem>>
      tpu.enqueue_dma source(%dma_start3A_39 : memref<632x32xf32, #tpu.memory_space<vmem>>) target(%dma_start3A_36 : memref<632x32xf32, #tpu.memory_space<vmem_shared>>) target_semaphore(%run_scoped3A : memref<!tpu.dma_semaphore, #tpu.memory_space<semaphore_mem>>)
      %dma_wait3A = arith.constant 0 : i32
      %dma_wait3A_40 = arith.constant 0 : i32
      %dma_wait3A_41 = tpu.memref_slice %arg10[%dma_wait3A, %dma_wait3A_40] : memref<1024x32xf32, #tpu.memory_space<vmem>> -> memref<632x32xf32, #tpu.memory_space<vmem>>
      %dma_wait3A_42 = arith.constant 0 : i32
      %dma_wait3A_43 = tpu.memref_slice %arg11[%mul3A_4, %dma_wait3A_42] : memref<10112x32xf32, #tpu.memory_space<vmem_shared>> -> memref<632x32xf32, #tpu.memory_space<vmem_shared>>
      %dma_wait3A_44 = arith.constant 0 : i32
      %dma_wait3A_45 = tpu.memref_slice %arg11[%mul3A_4, %dma_wait3A_44] : memref<10112x32xf32, #tpu.memory_space<vmem_shared>> -> memref<632x32xf32, #tpu.memory_space<vmem_shared>>
      %dma_wait3A_46 = arith.constant 0 : i32
      %dma_wait3A_47 = arith.constant 0 : i32
      %dma_wait3A_48 = tpu.memref_slice %arg10[%dma_wait3A_46, %dma_wait3A_47] : memref<1024x32xf32, #tpu.memory_space<vmem>> -> memref<632x32xf32, #tpu.memory_space<vmem>>
      tpu.wait_dma2 semaphore(%run_scoped3A : memref<!tpu.dma_semaphore, #tpu.memory_space<semaphore_mem>>) src(%dma_wait3A_48 : memref<632x32xf32, #tpu.memory_space<vmem>>) dst(%dma_wait3A_45 : memref<632x32xf32, #tpu.memory_space<vmem_shared>>)
      tpu.yield
    }) : () -> ()
    %mul3A_5 = arith.constant 632 : i32
    %mul3A_6 = arith.muli %arg1, %mul3A_5 : i32
    "tpu.region"() ({
      %run_scoped3A = tpu.sem_alloc : memref<!tpu.dma_semaphore, #tpu.memory_space<semaphore_mem>>
      %dma_start3A = arith.constant 0 : i32
      %dma_start3A_31 = tpu.memref_slice %arg5[%mul3A_6, %dma_start3A] : memref<10112x16xf32, #tpu.memory_space<hbm>> -> memref<632x16xf32, #tpu.memory_space<hbm>>
      %dma_start3A_32 = arith.constant 0 : i32
      %dma_start3A_33 = tpu.memref_slice %arg5[%mul3A_6, %dma_start3A_32] : memref<10112x16xf32, #tpu.memory_space<hbm>> -> memref<632x16xf32, #tpu.memory_space<hbm>>
      tpu.enqueue_dma source(%dma_start3A_33 : memref<632x16xf32, #tpu.memory_space<hbm>>) target(%arg13 : memref<632x16xf32, #tpu.memory_space<vmem>>) target_semaphore(%run_scoped3A : memref<!tpu.dma_semaphore, #tpu.memory_space<semaphore_mem>>)
      %dma_wait3A = arith.constant 0 : i32
      %dma_wait3A_34 = tpu.memref_slice %arg5[%mul3A_6, %dma_wait3A] : memref<10112x16xf32, #tpu.memory_space<hbm>> -> memref<632x16xf32, #tpu.memory_space<hbm>>
      %dma_wait3A_35 = arith.constant 0 : i32
      %dma_wait3A_36 = tpu.memref_slice %arg5[%mul3A_6, %dma_wait3A_35] : memref<10112x16xf32, #tpu.memory_space<hbm>> -> memref<632x16xf32, #tpu.memory_space<hbm>>
      tpu.wait_dma2 semaphore(%run_scoped3A : memref<!tpu.dma_semaphore, #tpu.memory_space<semaphore_mem>>) src(%dma_wait3A_36 : memref<632x16xf32, #tpu.memory_space<hbm>>) dst(%arg13 : memref<632x16xf32, #tpu.memory_space<vmem>>)
      tpu.yield
    }) : () -> ()
    %mul3A_7 = arith.constant 632 : i32
    %mul3A_8 = arith.muli %arg1, %mul3A_7 : i32
    "tpu.region"() ({
      %run_scoped3A = tpu.sem_alloc : memref<!tpu.dma_semaphore, #tpu.memory_space<semaphore_mem>>
      %dma_start3A = arith.constant 0 : i32
      %dma_start3A_31 = tpu.memref_slice %arg14[%mul3A_8, %dma_start3A] : memref<10112x16xf32, #tpu.memory_space<vmem_shared>> -> memref<632x16xf32, #tpu.memory_space<vmem_shared>>
      %dma_start3A_32 = arith.constant 0 : i32
      %dma_start3A_33 = tpu.memref_slice %arg14[%mul3A_8, %dma_start3A_32] : memref<10112x16xf32, #tpu.memory_space<vmem_shared>> -> memref<632x16xf32, #tpu.memory_space<vmem_shared>>
      tpu.enqueue_dma source(%arg13 : memref<632x16xf32, #tpu.memory_space<vmem>>) target(%dma_start3A_33 : memref<632x16xf32, #tpu.memory_space<vmem_shared>>) target_semaphore(%run_scoped3A : memref<!tpu.dma_semaphore, #tpu.memory_space<semaphore_mem>>)
      %dma_wait3A = arith.constant 0 : i32
      %dma_wait3A_34 = tpu.memref_slice %arg14[%mul3A_8, %dma_wait3A] : memref<10112x16xf32, #tpu.memory_space<vmem_shared>> -> memref<632x16xf32, #tpu.memory_space<vmem_shared>>
      %dma_wait3A_35 = arith.constant 0 : i32
      %dma_wait3A_36 = tpu.memref_slice %arg14[%mul3A_8, %dma_wait3A_35] : memref<10112x16xf32, #tpu.memory_space<vmem_shared>> -> memref<632x16xf32, #tpu.memory_space<vmem_shared>>
      tpu.wait_dma2 semaphore(%run_scoped3A : memref<!tpu.dma_semaphore, #tpu.memory_space<semaphore_mem>>) src(%arg13 : memref<632x16xf32, #tpu.memory_space<vmem>>) dst(%dma_wait3A_36 : memref<632x16xf32, #tpu.memory_space<vmem_shared>>)
      tpu.yield
    }) : () -> ()
    "tpu.region"() ({
      %run_scoped3A = tpu.sem_alloc : memref<!tpu.dma_semaphore, #tpu.memory_space<semaphore_mem>>
      tpu.enqueue_dma source(%arg6 : memref<128x16xf32, #tpu.memory_space<hbm>>) target(%arg12 : memref<128x16xf32, #tpu.memory_space<vmem>>) target_semaphore(%run_scoped3A : memref<!tpu.dma_semaphore, #tpu.memory_space<semaphore_mem>>)
      tpu.wait_dma2 semaphore(%run_scoped3A : memref<!tpu.dma_semaphore, #tpu.memory_space<semaphore_mem>>) src(%arg6 : memref<128x16xf32, #tpu.memory_space<hbm>>) dst(%arg12 : memref<128x16xf32, #tpu.memory_space<vmem>>)
      tpu.yield
    }) : () -> ()
    %barrier3A = arith.constant 0 : index
    tpu.barrier barrier_id(%barrier3A)
    %mul3A_9 = arith.constant 40 : i32
    %mul3A_10 = arith.muli %add3A, %mul3A_9 : i32
    "tpu.region"() ({
      %run_scoped3A = tpu.sem_alloc : memref<!tpu.dma_semaphore, #tpu.memory_space<semaphore_mem>>
      %dma_start3A = arith.constant 0 : i32
      %dma_start3A_31 = tpu.memref_slice %arg3[%mul3A_10, %dma_start3A] : memref<1280x128xi32, #tpu.memory_space<hbm>> -> memref<40x128xi32, #tpu.memory_space<hbm>>
      %dma_start3A_32 = arith.constant 0 : i32
      %dma_start3A_33 = tpu.memref_slice %arg3[%mul3A_10, %dma_start3A_32] : memref<1280x128xi32, #tpu.memory_space<hbm>> -> memref<40x128xi32, #tpu.memory_space<hbm>>
      tpu.enqueue_dma source(%dma_start3A_33 : memref<40x128xi32, #tpu.memory_space<hbm>>) target(%arg9 : memref<40x128xi32, #tpu.memory_space<vmem>>) target_semaphore(%run_scoped3A : memref<!tpu.dma_semaphore, #tpu.memory_space<semaphore_mem>>)
      %dma_wait3A = arith.constant 0 : i32
      %dma_wait3A_34 = tpu.memref_slice %arg3[%mul3A_10, %dma_wait3A] : memref<1280x128xi32, #tpu.memory_space<hbm>> -> memref<40x128xi32, #tpu.memory_space<hbm>>
      %dma_wait3A_35 = arith.constant 0 : i32
      %dma_wait3A_36 = tpu.memref_slice %arg3[%mul3A_10, %dma_wait3A_35] : memref<1280x128xi32, #tpu.memory_space<hbm>> -> memref<40x128xi32, #tpu.memory_space<hbm>>
      tpu.wait_dma2 semaphore(%run_scoped3A : memref<!tpu.dma_semaphore, #tpu.memory_space<semaphore_mem>>) src(%dma_wait3A_36 : memref<40x128xi32, #tpu.memory_space<hbm>>) dst(%arg9 : memref<40x128xi32, #tpu.memory_space<vmem>>)
      tpu.yield
    }) : () -> ()
    %scan3A = arith.constant 0 : i32
    %scan3A_11 = arith.constant 0 : i32
    %scan3A_12 = arith.constant 5 : i32
    %scan3A_13 = arith.addi %scan3A_11, %scan3A_12 : i32
    %scan3A_14 = arith.constant 1 : i32
    scf.for %scan3A_31 = %scan3A_11 to %scan3A_13 step %scan3A_14  : i32 {
      %mul3A_32 = arith.constant 5120 : i32
      %mul3A_33 = arith.muli %add3A, %mul3A_32 : i32
      %mul3A_34 = arith.constant 1024 : i32
      %mul3A_35 = arith.muli %scan3A_31, %mul3A_34 : i32
      %add3A_36 = arith.addi %mul3A_33, %mul3A_35 : i32
      "tpu.region"() ({
        %run_scoped3A = tpu.sem_alloc : memref<!tpu.dma_semaphore, #tpu.memory_space<semaphore_mem>>
        %dma_start3A = arith.constant 0 : i32
        %dma_start3A_69 = tpu.memref_slice %arg2[%add3A_36, %dma_start3A] : memref<163840x32xf32, #tpu.memory_space<hbm>> -> memref<1024x32xf32, #tpu.memory_space<hbm>>
        %dma_start3A_70 = arith.constant 0 : i32
        %dma_start3A_71 = tpu.memref_slice %arg2[%add3A_36, %dma_start3A_70] : memref<163840x32xf32, #tpu.memory_space<hbm>> -> memref<1024x32xf32, #tpu.memory_space<hbm>>
        tpu.enqueue_dma source(%dma_start3A_71 : memref<1024x32xf32, #tpu.memory_space<hbm>>) target(%arg10 : memref<1024x32xf32, #tpu.memory_space<vmem>>) target_semaphore(%run_scoped3A : memref<!tpu.dma_semaphore, #tpu.memory_space<semaphore_mem>>)
        %dma_wait3A = arith.constant 0 : i32
        %dma_wait3A_72 = tpu.memref_slice %arg2[%add3A_36, %dma_wait3A] : memref<163840x32xf32, #tpu.memory_space<hbm>> -> memref<1024x32xf32, #tpu.memory_space<hbm>>
        %dma_wait3A_73 = arith.constant 0 : i32
        %dma_wait3A_74 = tpu.memref_slice %arg2[%add3A_36, %dma_wait3A_73] : memref<163840x32xf32, #tpu.memory_space<hbm>> -> memref<1024x32xf32, #tpu.memory_space<hbm>>
        tpu.wait_dma2 semaphore(%run_scoped3A : memref<!tpu.dma_semaphore, #tpu.memory_space<semaphore_mem>>) src(%dma_wait3A_74 : memref<1024x32xf32, #tpu.memory_space<hbm>>) dst(%arg10 : memref<1024x32xf32, #tpu.memory_space<vmem>>)
        tpu.yield
      }) : () -> ()
      %mul3A_37 = arith.constant 8 : i32
      %mul3A_38 = arith.muli %scan3A_31, %mul3A_37 : i32
      %add3A_39 = arith.constant 0 : i32
      %add3A_40 = arith.addi %mul3A_38, %add3A_39 : i32
      "tpu.region"() ({
        %run_scoped3A = tpu.sem_alloc : memref<!tpu.dma_semaphore, #tpu.memory_space<semaphore_mem>>
        %dma_start3A = arith.constant 0 : i32
        %dma_start3A_69 = arith.constant 0 : i32
        %dma_start3A_70 = tpu.memref_slice %arg10[%dma_start3A, %dma_start3A_69] : memref<1024x32xf32, #tpu.memory_space<vmem>> -> memref<128x32xf32, #tpu.memory_space<vmem>>
        %dma_start3A_71 = arith.constant 0 : i32
        %dma_start3A_72 = tpu.memref_slice %arg9[%add3A_40, %dma_start3A_71] : memref<40x128xi32, #tpu.memory_space<vmem>> -> memref<1x128xi32, #tpu.memory_space<vmem>>
        %dma_start3A_73 = tpu.memref_squeeze %dma_start3A_72 : memref<1x128xi32, #tpu.memory_space<vmem>> -> memref<128xi32, #tpu.memory_space<vmem>>
        %dma_start3A_74 = arith.constant 0 : i32
        %dma_start3A_75 = arith.constant 0 : i32
        %dma_start3A_76 = tpu.memref_slice %arg11[%dma_start3A_74, %dma_start3A_75] : memref<10112x32xf32, #tpu.memory_space<vmem_shared>> -> memref<10112x32xf32, #tpu.memory_space<vmem_shared>>
        tpu.enqueue_indirect_dma source(%dma_start3A_70 : memref<128x32xf32, #tpu.memory_space<vmem>>) target(%dma_start3A_76 : memref<10112x32xf32, #tpu.memory_space<vmem_shared>>) offsets(%dma_start3A_73 : memref<128xi32, #tpu.memory_space<vmem>>) semaphore(%run_scoped3A : memref<!tpu.dma_semaphore, #tpu.memory_space<semaphore_mem>>) {add = true}
        %dma_wait3A = arith.constant 0 : i32
        %dma_wait3A_77 = arith.constant 0 : i32
        %dma_wait3A_78 = tpu.memref_slice %arg10[%dma_wait3A, %dma_wait3A_77] : memref<1024x32xf32, #tpu.memory_space<vmem>> -> memref<128x32xf32, #tpu.memory_space<vmem>>
        %dma_wait3A_79 = arith.constant 0 : i32
        %dma_wait3A_80 = tpu.memref_slice %arg9[%add3A_40, %dma_wait3A_79] : memref<40x128xi32, #tpu.memory_space<vmem>> -> memref<1x128xi32, #tpu.memory_space<vmem>>
        %dma_wait3A_81 = tpu.memref_squeeze %dma_wait3A_80 : memref<1x128xi32, #tpu.memory_space<vmem>> -> memref<128xi32, #tpu.memory_space<vmem>>
        %dma_wait3A_82 = arith.constant 0 : i32
        %dma_wait3A_83 = arith.constant 0 : i32
        %dma_wait3A_84 = tpu.memref_slice %arg11[%dma_wait3A_82, %dma_wait3A_83] : memref<10112x32xf32, #tpu.memory_space<vmem_shared>> -> memref<10112x32xf32, #tpu.memory_space<vmem_shared>>
        tpu.wait_indirect_dma semaphore(%run_scoped3A : memref<!tpu.dma_semaphore, #tpu.memory_space<semaphore_mem>>) src(%dma_wait3A_78 : memref<128x32xf32, #tpu.memory_space<vmem>>) dst(%dma_wait3A_84 : memref<10112x32xf32, #tpu.memory_space<vmem_shared>>)
        tpu.yield
      }) : () -> ()
      "tpu.region"() ({
        %run_scoped3A = tpu.sem_alloc : memref<!tpu.dma_semaphore, #tpu.memory_space<semaphore_mem>>
        %dma_start3A = arith.constant 0 : i32
        %dma_start3A_69 = tpu.memref_slice %arg9[%add3A_40, %dma_start3A] : memref<40x128xi32, #tpu.memory_space<vmem>> -> memref<1x128xi32, #tpu.memory_space<vmem>>
        %dma_start3A_70 = tpu.memref_squeeze %dma_start3A_69 : memref<1x128xi32, #tpu.memory_space<vmem>> -> memref<128xi32, #tpu.memory_space<vmem>>
        %dma_start3A_71 = arith.constant 0 : i32
        %dma_start3A_72 = arith.constant 0 : i32
        %dma_start3A_73 = tpu.memref_slice %arg14[%dma_start3A_71, %dma_start3A_72] : memref<10112x16xf32, #tpu.memory_space<vmem_shared>> -> memref<10112x16xf32, #tpu.memory_space<vmem_shared>>
        tpu.enqueue_indirect_dma source(%arg12 : memref<128x16xf32, #tpu.memory_space<vmem>>) target(%dma_start3A_73 : memref<10112x16xf32, #tpu.memory_space<vmem_shared>>) offsets(%dma_start3A_70 : memref<128xi32, #tpu.memory_space<vmem>>) semaphore(%run_scoped3A : memref<!tpu.dma_semaphore, #tpu.memory_space<semaphore_mem>>) {add = true}
        %dma_wait3A = arith.constant 0 : i32
        %dma_wait3A_74 = tpu.memref_slice %arg9[%add3A_40, %dma_wait3A] : memref<40x128xi32, #tpu.memory_space<vmem>> -> memref<1x128xi32, #tpu.memory_space<vmem>>
        %dma_wait3A_75 = tpu.memref_squeeze %dma_wait3A_74 : memref<1x128xi32, #tpu.memory_space<vmem>> -> memref<128xi32, #tpu.memory_space<vmem>>
        %dma_wait3A_76 = arith.constant 0 : i32
        %dma_wait3A_77 = arith.constant 0 : i32
        %dma_wait3A_78 = tpu.memref_slice %arg14[%dma_wait3A_76, %dma_wait3A_77] : memref<10112x16xf32, #tpu.memory_space<vmem_shared>> -> memref<10112x16xf32, #tpu.memory_space<vmem_shared>>
        tpu.wait_indirect_dma semaphore(%run_scoped3A : memref<!tpu.dma_semaphore, #tpu.memory_space<semaphore_mem>>) src(%arg12 : memref<128x16xf32, #tpu.memory_space<vmem>>) dst(%dma_wait3A_78 : memref<10112x16xf32, #tpu.memory_space<vmem_shared>>)
        tpu.yield
      }) : () -> ()
      %mul3A_41 = arith.constant 8 : i32
      %mul3A_42 = arith.muli %scan3A_31, %mul3A_41 : i32
      %add3A_43 = arith.constant 1 : i32
      %add3A_44 = arith.addi %mul3A_42, %add3A_43 : i32
      "tpu.region"() ({
        %run_scoped3A = tpu.sem_alloc : memref<!tpu.dma_semaphore, #tpu.memory_space<semaphore_mem>>
        %dma_start3A = arith.constant 128 : i32
        %dma_start3A_69 = arith.constant 0 : i32
        %dma_start3A_70 = tpu.memref_slice %arg10[%dma_start3A, %dma_start3A_69] : memref<1024x32xf32, #tpu.memory_space<vmem>> -> memref<128x32xf32, #tpu.memory_space<vmem>>
        %dma_start3A_71 = arith.constant 0 : i32
        %dma_start3A_72 = tpu.memref_slice %arg9[%add3A_44, %dma_start3A_71] : memref<40x128xi32, #tpu.memory_space<vmem>> -> memref<1x128xi32, #tpu.memory_space<vmem>>
        %dma_start3A_73 = tpu.memref_squeeze %dma_start3A_72 : memref<1x128xi32, #tpu.memory_space<vmem>> -> memref<128xi32, #tpu.memory_space<vmem>>
        %dma_start3A_74 = arith.constant 0 : i32
        %dma_start3A_75 = arith.constant 0 : i32
        %dma_start3A_76 = tpu.memref_slice %arg11[%dma_start3A_74, %dma_start3A_75] : memref<10112x32xf32, #tpu.memory_space<vmem_shared>> -> memref<10112x32xf32, #tpu.memory_space<vmem_shared>>
        tpu.enqueue_indirect_dma source(%dma_start3A_70 : memref<128x32xf32, #tpu.memory_space<vmem>>) target(%dma_start3A_76 : memref<10112x32xf32, #tpu.memory_space<vmem_shared>>) offsets(%dma_start3A_73 : memref<128xi32, #tpu.memory_space<vmem>>) semaphore(%run_scoped3A : memref<!tpu.dma_semaphore, #tpu.memory_space<semaphore_mem>>) {add = true}
        %dma_wait3A = arith.constant 128 : i32
        %dma_wait3A_77 = arith.constant 0 : i32
        %dma_wait3A_78 = tpu.memref_slice %arg10[%dma_wait3A, %dma_wait3A_77] : memref<1024x32xf32, #tpu.memory_space<vmem>> -> memref<128x32xf32, #tpu.memory_space<vmem>>
        %dma_wait3A_79 = arith.constant 0 : i32
        %dma_wait3A_80 = tpu.memref_slice %arg9[%add3A_44, %dma_wait3A_79] : memref<40x128xi32, #tpu.memory_space<vmem>> -> memref<1x128xi32, #tpu.memory_space<vmem>>
        %dma_wait3A_81 = tpu.memref_squeeze %dma_wait3A_80 : memref<1x128xi32, #tpu.memory_space<vmem>> -> memref<128xi32, #tpu.memory_space<vmem>>
        %dma_wait3A_82 = arith.constant 0 : i32
        %dma_wait3A_83 = arith.constant 0 : i32
        %dma_wait3A_84 = tpu.memref_slice %arg11[%dma_wait3A_82, %dma_wait3A_83] : memref<10112x32xf32, #tpu.memory_space<vmem_shared>> -> memref<10112x32xf32, #tpu.memory_space<vmem_shared>>
        tpu.wait_indirect_dma semaphore(%run_scoped3A : memref<!tpu.dma_semaphore, #tpu.memory_space<semaphore_mem>>) src(%dma_wait3A_78 : memref<128x32xf32, #tpu.memory_space<vmem>>) dst(%dma_wait3A_84 : memref<10112x32xf32, #tpu.memory_space<vmem_shared>>)
        tpu.yield
      }) : () -> ()
      "tpu.region"() ({
        %run_scoped3A = tpu.sem_alloc : memref<!tpu.dma_semaphore, #tpu.memory_space<semaphore_mem>>
        %dma_start3A = arith.constant 0 : i32
        %dma_start3A_69 = tpu.memref_slice %arg9[%add3A_44, %dma_start3A] : memref<40x128xi32, #tpu.memory_space<vmem>> -> memref<1x128xi32, #tpu.memory_space<vmem>>
        %dma_start3A_70 = tpu.memref_squeeze %dma_start3A_69 : memref<1x128xi32, #tpu.memory_space<vmem>> -> memref<128xi32, #tpu.memory_space<vmem>>
        %dma_start3A_71 = arith.constant 0 : i32
        %dma_start3A_72 = arith.constant 0 : i32
        %dma_start3A_73 = tpu.memref_slice %arg14[%dma_start3A_71, %dma_start3A_72] : memref<10112x16xf32, #tpu.memory_space<vmem_shared>> -> memref<10112x16xf32, #tpu.memory_space<vmem_shared>>
        tpu.enqueue_indirect_dma source(%arg12 : memref<128x16xf32, #tpu.memory_space<vmem>>) target(%dma_start3A_73 : memref<10112x16xf32, #tpu.memory_space<vmem_shared>>) offsets(%dma_start3A_70 : memref<128xi32, #tpu.memory_space<vmem>>) semaphore(%run_scoped3A : memref<!tpu.dma_semaphore, #tpu.memory_space<semaphore_mem>>) {add = true}
        %dma_wait3A = arith.constant 0 : i32
        %dma_wait3A_74 = tpu.memref_slice %arg9[%add3A_44, %dma_wait3A] : memref<40x128xi32, #tpu.memory_space<vmem>> -> memref<1x128xi32, #tpu.memory_space<vmem>>
        %dma_wait3A_75 = tpu.memref_squeeze %dma_wait3A_74 : memref<1x128xi32, #tpu.memory_space<vmem>> -> memref<128xi32, #tpu.memory_space<vmem>>
        %dma_wait3A_76 = arith.constant 0 : i32
        %dma_wait3A_77 = arith.constant 0 : i32
        %dma_wait3A_78 = tpu.memref_slice %arg14[%dma_wait3A_76, %dma_wait3A_77] : memref<10112x16xf32, #tpu.memory_space<vmem_shared>> -> memref<10112x16xf32, #tpu.memory_space<vmem_shared>>
        tpu.wait_indirect_dma semaphore(%run_scoped3A : memref<!tpu.dma_semaphore, #tpu.memory_space<semaphore_mem>>) src(%arg12 : memref<128x16xf32, #tpu.memory_space<vmem>>) dst(%dma_wait3A_78 : memref<10112x16xf32, #tpu.memory_space<vmem_shared>>)
        tpu.yield
      }) : () -> ()
      %mul3A_45 = arith.constant 8 : i32
      %mul3A_46 = arith.muli %scan3A_31, %mul3A_45 : i32
      %add3A_47 = arith.constant 2 : i32
      %add3A_48 = arith.addi %mul3A_46, %add3A_47 : i32
      "tpu.region"() ({
        %run_scoped3A = tpu.sem_alloc : memref<!tpu.dma_semaphore, #tpu.memory_space<semaphore_mem>>
        %dma_start3A = arith.constant 256 : i32
        %dma_start3A_69 = arith.constant 0 : i32
        %dma_start3A_70 = tpu.memref_slice %arg10[%dma_start3A, %dma_start3A_69] : memref<1024x32xf32, #tpu.memory_space<vmem>> -> memref<128x32xf32, #tpu.memory_space<vmem>>
        %dma_start3A_71 = arith.constant 0 : i32
        %dma_start3A_72 = tpu.memref_slice %arg9[%add3A_48, %dma_start3A_71] : memref<40x128xi32, #tpu.memory_space<vmem>> -> memref<1x128xi32, #tpu.memory_space<vmem>>
        %dma_start3A_73 = tpu.memref_squeeze %dma_start3A_72 : memref<1x128xi32, #tpu.memory_space<vmem>> -> memref<128xi32, #tpu.memory_space<vmem>>
        %dma_start3A_74 = arith.constant 0 : i32
        %dma_start3A_75 = arith.constant 0 : i32
        %dma_start3A_76 = tpu.memref_slice %arg11[%dma_start3A_74, %dma_start3A_75] : memref<10112x32xf32, #tpu.memory_space<vmem_shared>> -> memref<10112x32xf32, #tpu.memory_space<vmem_shared>>
        tpu.enqueue_indirect_dma source(%dma_start3A_70 : memref<128x32xf32, #tpu.memory_space<vmem>>) target(%dma_start3A_76 : memref<10112x32xf32, #tpu.memory_space<vmem_shared>>) offsets(%dma_start3A_73 : memref<128xi32, #tpu.memory_space<vmem>>) semaphore(%run_scoped3A : memref<!tpu.dma_semaphore, #tpu.memory_space<semaphore_mem>>) {add = true}
        %dma_wait3A = arith.constant 256 : i32
        %dma_wait3A_77 = arith.constant 0 : i32
        %dma_wait3A_78 = tpu.memref_slice %arg10[%dma_wait3A, %dma_wait3A_77] : memref<1024x32xf32, #tpu.memory_space<vmem>> -> memref<128x32xf32, #tpu.memory_space<vmem>>
        %dma_wait3A_79 = arith.constant 0 : i32
        %dma_wait3A_80 = tpu.memref_slice %arg9[%add3A_48, %dma_wait3A_79] : memref<40x128xi32, #tpu.memory_space<vmem>> -> memref<1x128xi32, #tpu.memory_space<vmem>>
        %dma_wait3A_81 = tpu.memref_squeeze %dma_wait3A_80 : memref<1x128xi32, #tpu.memory_space<vmem>> -> memref<128xi32, #tpu.memory_space<vmem>>
        %dma_wait3A_82 = arith.constant 0 : i32
        %dma_wait3A_83 = arith.constant 0 : i32
        %dma_wait3A_84 = tpu.memref_slice %arg11[%dma_wait3A_82, %dma_wait3A_83] : memref<10112x32xf32, #tpu.memory_space<vmem_shared>> -> memref<10112x32xf32, #tpu.memory_space<vmem_shared>>
        tpu.wait_indirect_dma semaphore(%run_scoped3A : memref<!tpu.dma_semaphore, #tpu.memory_space<semaphore_mem>>) src(%dma_wait3A_78 : memref<128x32xf32, #tpu.memory_space<vmem>>) dst(%dma_wait3A_84 : memref<10112x32xf32, #tpu.memory_space<vmem_shared>>)
        tpu.yield
      }) : () -> ()
      "tpu.region"() ({
        %run_scoped3A = tpu.sem_alloc : memref<!tpu.dma_semaphore, #tpu.memory_space<semaphore_mem>>
        %dma_start3A = arith.constant 0 : i32
        %dma_start3A_69 = tpu.memref_slice %arg9[%add3A_48, %dma_start3A] : memref<40x128xi32, #tpu.memory_space<vmem>> -> memref<1x128xi32, #tpu.memory_space<vmem>>
        %dma_start3A_70 = tpu.memref_squeeze %dma_start3A_69 : memref<1x128xi32, #tpu.memory_space<vmem>> -> memref<128xi32, #tpu.memory_space<vmem>>
        %dma_start3A_71 = arith.constant 0 : i32
        %dma_start3A_72 = arith.constant 0 : i32
        %dma_start3A_73 = tpu.memref_slice %arg14[%dma_start3A_71, %dma_start3A_72] : memref<10112x16xf32, #tpu.memory_space<vmem_shared>> -> memref<10112x16xf32, #tpu.memory_space<vmem_shared>>
        tpu.enqueue_indirect_dma source(%arg12 : memref<128x16xf32, #tpu.memory_space<vmem>>) target(%dma_start3A_73 : memref<10112x16xf32, #tpu.memory_space<vmem_shared>>) offsets(%dma_start3A_70 : memref<128xi32, #tpu.memory_space<vmem>>) semaphore(%run_scoped3A : memref<!tpu.dma_semaphore, #tpu.memory_space<semaphore_mem>>) {add = true}
        %dma_wait3A = arith.constant 0 : i32
        %dma_wait3A_74 = tpu.memref_slice %arg9[%add3A_48, %dma_wait3A] : memref<40x128xi32, #tpu.memory_space<vmem>> -> memref<1x128xi32, #tpu.memory_space<vmem>>
        %dma_wait3A_75 = tpu.memref_squeeze %dma_wait3A_74 : memref<1x128xi32, #tpu.memory_space<vmem>> -> memref<128xi32, #tpu.memory_space<vmem>>
        %dma_wait3A_76 = arith.constant 0 : i32
        %dma_wait3A_77 = arith.constant 0 : i32
        %dma_wait3A_78 = tpu.memref_slice %arg14[%dma_wait3A_76, %dma_wait3A_77] : memref<10112x16xf32, #tpu.memory_space<vmem_shared>> -> memref<10112x16xf32, #tpu.memory_space<vmem_shared>>
        tpu.wait_indirect_dma semaphore(%run_scoped3A : memref<!tpu.dma_semaphore, #tpu.memory_space<semaphore_mem>>) src(%arg12 : memref<128x16xf32, #tpu.memory_space<vmem>>) dst(%dma_wait3A_78 : memref<10112x16xf32, #tpu.memory_space<vmem_shared>>)
        tpu.yield
      }) : () -> ()
      %mul3A_49 = arith.constant 8 : i32
      %mul3A_50 = arith.muli %scan3A_31, %mul3A_49 : i32
      %add3A_51 = arith.constant 3 : i32
      %add3A_52 = arith.addi %mul3A_50, %add3A_51 : i32
      "tpu.region"() ({
        %run_scoped3A = tpu.sem_alloc : memref<!tpu.dma_semaphore, #tpu.memory_space<semaphore_mem>>
        %dma_start3A = arith.constant 384 : i32
        %dma_start3A_69 = arith.constant 0 : i32
        %dma_start3A_70 = tpu.memref_slice %arg10[%dma_start3A, %dma_start3A_69] : memref<1024x32xf32, #tpu.memory_space<vmem>> -> memref<128x32xf32, #tpu.memory_space<vmem>>
        %dma_start3A_71 = arith.constant 0 : i32
        %dma_start3A_72 = tpu.memref_slice %arg9[%add3A_52, %dma_start3A_71] : memref<40x128xi32, #tpu.memory_space<vmem>> -> memref<1x128xi32, #tpu.memory_space<vmem>>
        %dma_start3A_73 = tpu.memref_squeeze %dma_start3A_72 : memref<1x128xi32, #tpu.memory_space<vmem>> -> memref<128xi32, #tpu.memory_space<vmem>>
        %dma_start3A_74 = arith.constant 0 : i32
        %dma_start3A_75 = arith.constant 0 : i32
        %dma_start3A_76 = tpu.memref_slice %arg11[%dma_start3A_74, %dma_start3A_75] : memref<10112x32xf32, #tpu.memory_space<vmem_shared>> -> memref<10112x32xf32, #tpu.memory_space<vmem_shared>>
        tpu.enqueue_indirect_dma source(%dma_start3A_70 : memref<128x32xf32, #tpu.memory_space<vmem>>) target(%dma_start3A_76 : memref<10112x32xf32, #tpu.memory_space<vmem_shared>>) offsets(%dma_start3A_73 : memref<128xi32, #tpu.memory_space<vmem>>) semaphore(%run_scoped3A : memref<!tpu.dma_semaphore, #tpu.memory_space<semaphore_mem>>) {add = true}
        %dma_wait3A = arith.constant 384 : i32
        %dma_wait3A_77 = arith.constant 0 : i32
        %dma_wait3A_78 = tpu.memref_slice %arg10[%dma_wait3A, %dma_wait3A_77] : memref<1024x32xf32, #tpu.memory_space<vmem>> -> memref<128x32xf32, #tpu.memory_space<vmem>>
        %dma_wait3A_79 = arith.constant 0 : i32
        %dma_wait3A_80 = tpu.memref_slice %arg9[%add3A_52, %dma_wait3A_79] : memref<40x128xi32, #tpu.memory_space<vmem>> -> memref<1x128xi32, #tpu.memory_space<vmem>>
        %dma_wait3A_81 = tpu.memref_squeeze %dma_wait3A_80 : memref<1x128xi32, #tpu.memory_space<vmem>> -> memref<128xi32, #tpu.memory_space<vmem>>
        %dma_wait3A_82 = arith.constant 0 : i32
        %dma_wait3A_83 = arith.constant 0 : i32
        %dma_wait3A_84 = tpu.memref_slice %arg11[%dma_wait3A_82, %dma_wait3A_83] : memref<10112x32xf32, #tpu.memory_space<vmem_shared>> -> memref<10112x32xf32, #tpu.memory_space<vmem_shared>>
        tpu.wait_indirect_dma semaphore(%run_scoped3A : memref<!tpu.dma_semaphore, #tpu.memory_space<semaphore_mem>>) src(%dma_wait3A_78 : memref<128x32xf32, #tpu.memory_space<vmem>>) dst(%dma_wait3A_84 : memref<10112x32xf32, #tpu.memory_space<vmem_shared>>)
        tpu.yield
      }) : () -> ()
      "tpu.region"() ({
        %run_scoped3A = tpu.sem_alloc : memref<!tpu.dma_semaphore, #tpu.memory_space<semaphore_mem>>
        %dma_start3A = arith.constant 0 : i32
        %dma_start3A_69 = tpu.memref_slice %arg9[%add3A_52, %dma_start3A] : memref<40x128xi32, #tpu.memory_space<vmem>> -> memref<1x128xi32, #tpu.memory_space<vmem>>
        %dma_start3A_70 = tpu.memref_squeeze %dma_start3A_69 : memref<1x128xi32, #tpu.memory_space<vmem>> -> memref<128xi32, #tpu.memory_space<vmem>>
        %dma_start3A_71 = arith.constant 0 : i32
        %dma_start3A_72 = arith.constant 0 : i32
        %dma_start3A_73 = tpu.memref_slice %arg14[%dma_start3A_71, %dma_start3A_72] : memref<10112x16xf32, #tpu.memory_space<vmem_shared>> -> memref<10112x16xf32, #tpu.memory_space<vmem_shared>>
        tpu.enqueue_indirect_dma source(%arg12 : memref<128x16xf32, #tpu.memory_space<vmem>>) target(%dma_start3A_73 : memref<10112x16xf32, #tpu.memory_space<vmem_shared>>) offsets(%dma_start3A_70 : memref<128xi32, #tpu.memory_space<vmem>>) semaphore(%run_scoped3A : memref<!tpu.dma_semaphore, #tpu.memory_space<semaphore_mem>>) {add = true}
        %dma_wait3A = arith.constant 0 : i32
        %dma_wait3A_74 = tpu.memref_slice %arg9[%add3A_52, %dma_wait3A] : memref<40x128xi32, #tpu.memory_space<vmem>> -> memref<1x128xi32, #tpu.memory_space<vmem>>
        %dma_wait3A_75 = tpu.memref_squeeze %dma_wait3A_74 : memref<1x128xi32, #tpu.memory_space<vmem>> -> memref<128xi32, #tpu.memory_space<vmem>>
        %dma_wait3A_76 = arith.constant 0 : i32
        %dma_wait3A_77 = arith.constant 0 : i32
        %dma_wait3A_78 = tpu.memref_slice %arg14[%dma_wait3A_76, %dma_wait3A_77] : memref<10112x16xf32, #tpu.memory_space<vmem_shared>> -> memref<10112x16xf32, #tpu.memory_space<vmem_shared>>
        tpu.wait_indirect_dma semaphore(%run_scoped3A : memref<!tpu.dma_semaphore, #tpu.memory_space<semaphore_mem>>) src(%arg12 : memref<128x16xf32, #tpu.memory_space<vmem>>) dst(%dma_wait3A_78 : memref<10112x16xf32, #tpu.memory_space<vmem_shared>>)
        tpu.yield
      }) : () -> ()
      %mul3A_53 = arith.constant 8 : i32
      %mul3A_54 = arith.muli %scan3A_31, %mul3A_53 : i32
      %add3A_55 = arith.constant 4 : i32
      %add3A_56 = arith.addi %mul3A_54, %add3A_55 : i32
      "tpu.region"() ({
        %run_scoped3A = tpu.sem_alloc : memref<!tpu.dma_semaphore, #tpu.memory_space<semaphore_mem>>
        %dma_start3A = arith.constant 512 : i32
        %dma_start3A_69 = arith.constant 0 : i32
        %dma_start3A_70 = tpu.memref_slice %arg10[%dma_start3A, %dma_start3A_69] : memref<1024x32xf32, #tpu.memory_space<vmem>> -> memref<128x32xf32, #tpu.memory_space<vmem>>
        %dma_start3A_71 = arith.constant 0 : i32
        %dma_start3A_72 = tpu.memref_slice %arg9[%add3A_56, %dma_start3A_71] : memref<40x128xi32, #tpu.memory_space<vmem>> -> memref<1x128xi32, #tpu.memory_space<vmem>>
        %dma_start3A_73 = tpu.memref_squeeze %dma_start3A_72 : memref<1x128xi32, #tpu.memory_space<vmem>> -> memref<128xi32, #tpu.memory_space<vmem>>
        %dma_start3A_74 = arith.constant 0 : i32
        %dma_start3A_75 = arith.constant 0 : i32
        %dma_start3A_76 = tpu.memref_slice %arg11[%dma_start3A_74, %dma_start3A_75] : memref<10112x32xf32, #tpu.memory_space<vmem_shared>> -> memref<10112x32xf32, #tpu.memory_space<vmem_shared>>
        tpu.enqueue_indirect_dma source(%dma_start3A_70 : memref<128x32xf32, #tpu.memory_space<vmem>>) target(%dma_start3A_76 : memref<10112x32xf32, #tpu.memory_space<vmem_shared>>) offsets(%dma_start3A_73 : memref<128xi32, #tpu.memory_space<vmem>>) semaphore(%run_scoped3A : memref<!tpu.dma_semaphore, #tpu.memory_space<semaphore_mem>>) {add = true}
        %dma_wait3A = arith.constant 512 : i32
        %dma_wait3A_77 = arith.constant 0 : i32
        %dma_wait3A_78 = tpu.memref_slice %arg10[%dma_wait3A, %dma_wait3A_77] : memref<1024x32xf32, #tpu.memory_space<vmem>> -> memref<128x32xf32, #tpu.memory_space<vmem>>
        %dma_wait3A_79 = arith.constant 0 : i32
        %dma_wait3A_80 = tpu.memref_slice %arg9[%add3A_56, %dma_wait3A_79] : memref<40x128xi32, #tpu.memory_space<vmem>> -> memref<1x128xi32, #tpu.memory_space<vmem>>
        %dma_wait3A_81 = tpu.memref_squeeze %dma_wait3A_80 : memref<1x128xi32, #tpu.memory_space<vmem>> -> memref<128xi32, #tpu.memory_space<vmem>>
        %dma_wait3A_82 = arith.constant 0 : i32
        %dma_wait3A_83 = arith.constant 0 : i32
        %dma_wait3A_84 = tpu.memref_slice %arg11[%dma_wait3A_82, %dma_wait3A_83] : memref<10112x32xf32, #tpu.memory_space<vmem_shared>> -> memref<10112x32xf32, #tpu.memory_space<vmem_shared>>
        tpu.wait_indirect_dma semaphore(%run_scoped3A : memref<!tpu.dma_semaphore, #tpu.memory_space<semaphore_mem>>) src(%dma_wait3A_78 : memref<128x32xf32, #tpu.memory_space<vmem>>) dst(%dma_wait3A_84 : memref<10112x32xf32, #tpu.memory_space<vmem_shared>>)
        tpu.yield
      }) : () -> ()
      "tpu.region"() ({
        %run_scoped3A = tpu.sem_alloc : memref<!tpu.dma_semaphore, #tpu.memory_space<semaphore_mem>>
        %dma_start3A = arith.constant 0 : i32
        %dma_start3A_69 = tpu.memref_slice %arg9[%add3A_56, %dma_start3A] : memref<40x128xi32, #tpu.memory_space<vmem>> -> memref<1x128xi32, #tpu.memory_space<vmem>>
        %dma_start3A_70 = tpu.memref_squeeze %dma_start3A_69 : memref<1x128xi32, #tpu.memory_space<vmem>> -> memref<128xi32, #tpu.memory_space<vmem>>
        %dma_start3A_71 = arith.constant 0 : i32
        %dma_start3A_72 = arith.constant 0 : i32
        %dma_start3A_73 = tpu.memref_slice %arg14[%dma_start3A_71, %dma_start3A_72] : memref<10112x16xf32, #tpu.memory_space<vmem_shared>> -> memref<10112x16xf32, #tpu.memory_space<vmem_shared>>
        tpu.enqueue_indirect_dma source(%arg12 : memref<128x16xf32, #tpu.memory_space<vmem>>) target(%dma_start3A_73 : memref<10112x16xf32, #tpu.memory_space<vmem_shared>>) offsets(%dma_start3A_70 : memref<128xi32, #tpu.memory_space<vmem>>) semaphore(%run_scoped3A : memref<!tpu.dma_semaphore, #tpu.memory_space<semaphore_mem>>) {add = true}
        %dma_wait3A = arith.constant 0 : i32
        %dma_wait3A_74 = tpu.memref_slice %arg9[%add3A_56, %dma_wait3A] : memref<40x128xi32, #tpu.memory_space<vmem>> -> memref<1x128xi32, #tpu.memory_space<vmem>>
        %dma_wait3A_75 = tpu.memref_squeeze %dma_wait3A_74 : memref<1x128xi32, #tpu.memory_space<vmem>> -> memref<128xi32, #tpu.memory_space<vmem>>
        %dma_wait3A_76 = arith.constant 0 : i32
        %dma_wait3A_77 = arith.constant 0 : i32
        %dma_wait3A_78 = tpu.memref_slice %arg14[%dma_wait3A_76, %dma_wait3A_77] : memref<10112x16xf32, #tpu.memory_space<vmem_shared>> -> memref<10112x16xf32, #tpu.memory_space<vmem_shared>>
        tpu.wait_indirect_dma semaphore(%run_scoped3A : memref<!tpu.dma_semaphore, #tpu.memory_space<semaphore_mem>>) src(%arg12 : memref<128x16xf32, #tpu.memory_space<vmem>>) dst(%dma_wait3A_78 : memref<10112x16xf32, #tpu.memory_space<vmem_shared>>)
        tpu.yield
      }) : () -> ()
      %mul3A_57 = arith.constant 8 : i32
      %mul3A_58 = arith.muli %scan3A_31, %mul3A_57 : i32
      %add3A_59 = arith.constant 5 : i32
      %add3A_60 = arith.addi %mul3A_58, %add3A_59 : i32
      "tpu.region"() ({
        %run_scoped3A = tpu.sem_alloc : memref<!tpu.dma_semaphore, #tpu.memory_space<semaphore_mem>>
        %dma_start3A = arith.constant 640 : i32
        %dma_start3A_69 = arith.constant 0 : i32
        %dma_start3A_70 = tpu.memref_slice %arg10[%dma_start3A, %dma_start3A_69] : memref<1024x32xf32, #tpu.memory_space<vmem>> -> memref<128x32xf32, #tpu.memory_space<vmem>>
        %dma_start3A_71 = arith.constant 0 : i32
        %dma_start3A_72 = tpu.memref_slice %arg9[%add3A_60, %dma_start3A_71] : memref<40x128xi32, #tpu.memory_space<vmem>> -> memref<1x128xi32, #tpu.memory_space<vmem>>
        %dma_start3A_73 = tpu.memref_squeeze %dma_start3A_72 : memref<1x128xi32, #tpu.memory_space<vmem>> -> memref<128xi32, #tpu.memory_space<vmem>>
        %dma_start3A_74 = arith.constant 0 : i32
        %dma_start3A_75 = arith.constant 0 : i32
        %dma_start3A_76 = tpu.memref_slice %arg11[%dma_start3A_74, %dma_start3A_75] : memref<10112x32xf32, #tpu.memory_space<vmem_shared>> -> memref<10112x32xf32, #tpu.memory_space<vmem_shared>>
        tpu.enqueue_indirect_dma source(%dma_start3A_70 : memref<128x32xf32, #tpu.memory_space<vmem>>) target(%dma_start3A_76 : memref<10112x32xf32, #tpu.memory_space<vmem_shared>>) offsets(%dma_start3A_73 : memref<128xi32, #tpu.memory_space<vmem>>) semaphore(%run_scoped3A : memref<!tpu.dma_semaphore, #tpu.memory_space<semaphore_mem>>) {add = true}
        %dma_wait3A = arith.constant 640 : i32
        %dma_wait3A_77 = arith.constant 0 : i32
        %dma_wait3A_78 = tpu.memref_slice %arg10[%dma_wait3A, %dma_wait3A_77] : memref<1024x32xf32, #tpu.memory_space<vmem>> -> memref<128x32xf32, #tpu.memory_space<vmem>>
        %dma_wait3A_79 = arith.constant 0 : i32
        %dma_wait3A_80 = tpu.memref_slice %arg9[%add3A_60, %dma_wait3A_79] : memref<40x128xi32, #tpu.memory_space<vmem>> -> memref<1x128xi32, #tpu.memory_space<vmem>>
        %dma_wait3A_81 = tpu.memref_squeeze %dma_wait3A_80 : memref<1x128xi32, #tpu.memory_space<vmem>> -> memref<128xi32, #tpu.memory_space<vmem>>
        %dma_wait3A_82 = arith.constant 0 : i32
        %dma_wait3A_83 = arith.constant 0 : i32
        %dma_wait3A_84 = tpu.memref_slice %arg11[%dma_wait3A_82, %dma_wait3A_83] : memref<10112x32xf32, #tpu.memory_space<vmem_shared>> -> memref<10112x32xf32, #tpu.memory_space<vmem_shared>>
        tpu.wait_indirect_dma semaphore(%run_scoped3A : memref<!tpu.dma_semaphore, #tpu.memory_space<semaphore_mem>>) src(%dma_wait3A_78 : memref<128x32xf32, #tpu.memory_space<vmem>>) dst(%dma_wait3A_84 : memref<10112x32xf32, #tpu.memory_space<vmem_shared>>)
        tpu.yield
      }) : () -> ()
      "tpu.region"() ({
        %run_scoped3A = tpu.sem_alloc : memref<!tpu.dma_semaphore, #tpu.memory_space<semaphore_mem>>
        %dma_start3A = arith.constant 0 : i32
        %dma_start3A_69 = tpu.memref_slice %arg9[%add3A_60, %dma_start3A] : memref<40x128xi32, #tpu.memory_space<vmem>> -> memref<1x128xi32, #tpu.memory_space<vmem>>
        %dma_start3A_70 = tpu.memref_squeeze %dma_start3A_69 : memref<1x128xi32, #tpu.memory_space<vmem>> -> memref<128xi32, #tpu.memory_space<vmem>>
        %dma_start3A_71 = arith.constant 0 : i32
        %dma_start3A_72 = arith.constant 0 : i32
        %dma_start3A_73 = tpu.memref_slice %arg14[%dma_start3A_71, %dma_start3A_72] : memref<10112x16xf32, #tpu.memory_space<vmem_shared>> -> memref<10112x16xf32, #tpu.memory_space<vmem_shared>>
        tpu.enqueue_indirect_dma source(%arg12 : memref<128x16xf32, #tpu.memory_space<vmem>>) target(%dma_start3A_73 : memref<10112x16xf32, #tpu.memory_space<vmem_shared>>) offsets(%dma_start3A_70 : memref<128xi32, #tpu.memory_space<vmem>>) semaphore(%run_scoped3A : memref<!tpu.dma_semaphore, #tpu.memory_space<semaphore_mem>>) {add = true}
        %dma_wait3A = arith.constant 0 : i32
        %dma_wait3A_74 = tpu.memref_slice %arg9[%add3A_60, %dma_wait3A] : memref<40x128xi32, #tpu.memory_space<vmem>> -> memref<1x128xi32, #tpu.memory_space<vmem>>
        %dma_wait3A_75 = tpu.memref_squeeze %dma_wait3A_74 : memref<1x128xi32, #tpu.memory_space<vmem>> -> memref<128xi32, #tpu.memory_space<vmem>>
        %dma_wait3A_76 = arith.constant 0 : i32
        %dma_wait3A_77 = arith.constant 0 : i32
        %dma_wait3A_78 = tpu.memref_slice %arg14[%dma_wait3A_76, %dma_wait3A_77] : memref<10112x16xf32, #tpu.memory_space<vmem_shared>> -> memref<10112x16xf32, #tpu.memory_space<vmem_shared>>
        tpu.wait_indirect_dma semaphore(%run_scoped3A : memref<!tpu.dma_semaphore, #tpu.memory_space<semaphore_mem>>) src(%arg12 : memref<128x16xf32, #tpu.memory_space<vmem>>) dst(%dma_wait3A_78 : memref<10112x16xf32, #tpu.memory_space<vmem_shared>>)
        tpu.yield
      }) : () -> ()
      %mul3A_61 = arith.constant 8 : i32
      %mul3A_62 = arith.muli %scan3A_31, %mul3A_61 : i32
      %add3A_63 = arith.constant 6 : i32
      %add3A_64 = arith.addi %mul3A_62, %add3A_63 : i32
      "tpu.region"() ({
        %run_scoped3A = tpu.sem_alloc : memref<!tpu.dma_semaphore, #tpu.memory_space<semaphore_mem>>
        %dma_start3A = arith.constant 768 : i32
        %dma_start3A_69 = arith.constant 0 : i32
        %dma_start3A_70 = tpu.memref_slice %arg10[%dma_start3A, %dma_start3A_69] : memref<1024x32xf32, #tpu.memory_space<vmem>> -> memref<128x32xf32, #tpu.memory_space<vmem>>
        %dma_start3A_71 = arith.constant 0 : i32
        %dma_start3A_72 = tpu.memref_slice %arg9[%add3A_64, %dma_start3A_71] : memref<40x128xi32, #tpu.memory_space<vmem>> -> memref<1x128xi32, #tpu.memory_space<vmem>>
        %dma_start3A_73 = tpu.memref_squeeze %dma_start3A_72 : memref<1x128xi32, #tpu.memory_space<vmem>> -> memref<128xi32, #tpu.memory_space<vmem>>
        %dma_start3A_74 = arith.constant 0 : i32
        %dma_start3A_75 = arith.constant 0 : i32
        %dma_start3A_76 = tpu.memref_slice %arg11[%dma_start3A_74, %dma_start3A_75] : memref<10112x32xf32, #tpu.memory_space<vmem_shared>> -> memref<10112x32xf32, #tpu.memory_space<vmem_shared>>
        tpu.enqueue_indirect_dma source(%dma_start3A_70 : memref<128x32xf32, #tpu.memory_space<vmem>>) target(%dma_start3A_76 : memref<10112x32xf32, #tpu.memory_space<vmem_shared>>) offsets(%dma_start3A_73 : memref<128xi32, #tpu.memory_space<vmem>>) semaphore(%run_scoped3A : memref<!tpu.dma_semaphore, #tpu.memory_space<semaphore_mem>>) {add = true}
        %dma_wait3A = arith.constant 768 : i32
        %dma_wait3A_77 = arith.constant 0 : i32
        %dma_wait3A_78 = tpu.memref_slice %arg10[%dma_wait3A, %dma_wait3A_77] : memref<1024x32xf32, #tpu.memory_space<vmem>> -> memref<128x32xf32, #tpu.memory_space<vmem>>
        %dma_wait3A_79 = arith.constant 0 : i32
        %dma_wait3A_80 = tpu.memref_slice %arg9[%add3A_64, %dma_wait3A_79] : memref<40x128xi32, #tpu.memory_space<vmem>> -> memref<1x128xi32, #tpu.memory_space<vmem>>
        %dma_wait3A_81 = tpu.memref_squeeze %dma_wait3A_80 : memref<1x128xi32, #tpu.memory_space<vmem>> -> memref<128xi32, #tpu.memory_space<vmem>>
        %dma_wait3A_82 = arith.constant 0 : i32
        %dma_wait3A_83 = arith.constant 0 : i32
        %dma_wait3A_84 = tpu.memref_slice %arg11[%dma_wait3A_82, %dma_wait3A_83] : memref<10112x32xf32, #tpu.memory_space<vmem_shared>> -> memref<10112x32xf32, #tpu.memory_space<vmem_shared>>
        tpu.wait_indirect_dma semaphore(%run_scoped3A : memref<!tpu.dma_semaphore, #tpu.memory_space<semaphore_mem>>) src(%dma_wait3A_78 : memref<128x32xf32, #tpu.memory_space<vmem>>) dst(%dma_wait3A_84 : memref<10112x32xf32, #tpu.memory_space<vmem_shared>>)
        tpu.yield
      }) : () -> ()
      "tpu.region"() ({
        %run_scoped3A = tpu.sem_alloc : memref<!tpu.dma_semaphore, #tpu.memory_space<semaphore_mem>>
        %dma_start3A = arith.constant 0 : i32
        %dma_start3A_69 = tpu.memref_slice %arg9[%add3A_64, %dma_start3A] : memref<40x128xi32, #tpu.memory_space<vmem>> -> memref<1x128xi32, #tpu.memory_space<vmem>>
        %dma_start3A_70 = tpu.memref_squeeze %dma_start3A_69 : memref<1x128xi32, #tpu.memory_space<vmem>> -> memref<128xi32, #tpu.memory_space<vmem>>
        %dma_start3A_71 = arith.constant 0 : i32
        %dma_start3A_72 = arith.constant 0 : i32
        %dma_start3A_73 = tpu.memref_slice %arg14[%dma_start3A_71, %dma_start3A_72] : memref<10112x16xf32, #tpu.memory_space<vmem_shared>> -> memref<10112x16xf32, #tpu.memory_space<vmem_shared>>
        tpu.enqueue_indirect_dma source(%arg12 : memref<128x16xf32, #tpu.memory_space<vmem>>) target(%dma_start3A_73 : memref<10112x16xf32, #tpu.memory_space<vmem_shared>>) offsets(%dma_start3A_70 : memref<128xi32, #tpu.memory_space<vmem>>) semaphore(%run_scoped3A : memref<!tpu.dma_semaphore, #tpu.memory_space<semaphore_mem>>) {add = true}
        %dma_wait3A = arith.constant 0 : i32
        %dma_wait3A_74 = tpu.memref_slice %arg9[%add3A_64, %dma_wait3A] : memref<40x128xi32, #tpu.memory_space<vmem>> -> memref<1x128xi32, #tpu.memory_space<vmem>>
        %dma_wait3A_75 = tpu.memref_squeeze %dma_wait3A_74 : memref<1x128xi32, #tpu.memory_space<vmem>> -> memref<128xi32, #tpu.memory_space<vmem>>
        %dma_wait3A_76 = arith.constant 0 : i32
        %dma_wait3A_77 = arith.constant 0 : i32
        %dma_wait3A_78 = tpu.memref_slice %arg14[%dma_wait3A_76, %dma_wait3A_77] : memref<10112x16xf32, #tpu.memory_space<vmem_shared>> -> memref<10112x16xf32, #tpu.memory_space<vmem_shared>>
        tpu.wait_indirect_dma semaphore(%run_scoped3A : memref<!tpu.dma_semaphore, #tpu.memory_space<semaphore_mem>>) src(%arg12 : memref<128x16xf32, #tpu.memory_space<vmem>>) dst(%dma_wait3A_78 : memref<10112x16xf32, #tpu.memory_space<vmem_shared>>)
        tpu.yield
      }) : () -> ()
      %mul3A_65 = arith.constant 8 : i32
      %mul3A_66 = arith.muli %scan3A_31, %mul3A_65 : i32
      %add3A_67 = arith.constant 7 : i32
      %add3A_68 = arith.addi %mul3A_66, %add3A_67 : i32
      "tpu.region"() ({
        %run_scoped3A = tpu.sem_alloc : memref<!tpu.dma_semaphore, #tpu.memory_space<semaphore_mem>>
        %dma_start3A = arith.constant 896 : i32
        %dma_start3A_69 = arith.constant 0 : i32
        %dma_start3A_70 = tpu.memref_slice %arg10[%dma_start3A, %dma_start3A_69] : memref<1024x32xf32, #tpu.memory_space<vmem>> -> memref<128x32xf32, #tpu.memory_space<vmem>>
        %dma_start3A_71 = arith.constant 0 : i32
        %dma_start3A_72 = tpu.memref_slice %arg9[%add3A_68, %dma_start3A_71] : memref<40x128xi32, #tpu.memory_space<vmem>> -> memref<1x128xi32, #tpu.memory_space<vmem>>
        %dma_start3A_73 = tpu.memref_squeeze %dma_start3A_72 : memref<1x128xi32, #tpu.memory_space<vmem>> -> memref<128xi32, #tpu.memory_space<vmem>>
        %dma_start3A_74 = arith.constant 0 : i32
        %dma_start3A_75 = arith.constant 0 : i32
        %dma_start3A_76 = tpu.memref_slice %arg11[%dma_start3A_74, %dma_start3A_75] : memref<10112x32xf32, #tpu.memory_space<vmem_shared>> -> memref<10112x32xf32, #tpu.memory_space<vmem_shared>>
        tpu.enqueue_indirect_dma source(%dma_start3A_70 : memref<128x32xf32, #tpu.memory_space<vmem>>) target(%dma_start3A_76 : memref<10112x32xf32, #tpu.memory_space<vmem_shared>>) offsets(%dma_start3A_73 : memref<128xi32, #tpu.memory_space<vmem>>) semaphore(%run_scoped3A : memref<!tpu.dma_semaphore, #tpu.memory_space<semaphore_mem>>) {add = true}
        %dma_wait3A = arith.constant 896 : i32
        %dma_wait3A_77 = arith.constant 0 : i32
        %dma_wait3A_78 = tpu.memref_slice %arg10[%dma_wait3A, %dma_wait3A_77] : memref<1024x32xf32, #tpu.memory_space<vmem>> -> memref<128x32xf32, #tpu.memory_space<vmem>>
        %dma_wait3A_79 = arith.constant 0 : i32
        %dma_wait3A_80 = tpu.memref_slice %arg9[%add3A_68, %dma_wait3A_79] : memref<40x128xi32, #tpu.memory_space<vmem>> -> memref<1x128xi32, #tpu.memory_space<vmem>>
        %dma_wait3A_81 = tpu.memref_squeeze %dma_wait3A_80 : memref<1x128xi32, #tpu.memory_space<vmem>> -> memref<128xi32, #tpu.memory_space<vmem>>
        %dma_wait3A_82 = arith.constant 0 : i32
        %dma_wait3A_83 = arith.constant 0 : i32
        %dma_wait3A_84 = tpu.memref_slice %arg11[%dma_wait3A_82, %dma_wait3A_83] : memref<10112x32xf32, #tpu.memory_space<vmem_shared>> -> memref<10112x32xf32, #tpu.memory_space<vmem_shared>>
        tpu.wait_indirect_dma semaphore(%run_scoped3A : memref<!tpu.dma_semaphore, #tpu.memory_space<semaphore_mem>>) src(%dma_wait3A_78 : memref<128x32xf32, #tpu.memory_space<vmem>>) dst(%dma_wait3A_84 : memref<10112x32xf32, #tpu.memory_space<vmem_shared>>)
        tpu.yield
      }) : () -> ()
      "tpu.region"() ({
        %run_scoped3A = tpu.sem_alloc : memref<!tpu.dma_semaphore, #tpu.memory_space<semaphore_mem>>
        %dma_start3A = arith.constant 0 : i32
        %dma_start3A_69 = tpu.memref_slice %arg9[%add3A_68, %dma_start3A] : memref<40x128xi32, #tpu.memory_space<vmem>> -> memref<1x128xi32, #tpu.memory_space<vmem>>
        %dma_start3A_70 = tpu.memref_squeeze %dma_start3A_69 : memref<1x128xi32, #tpu.memory_space<vmem>> -> memref<128xi32, #tpu.memory_space<vmem>>
        %dma_start3A_71 = arith.constant 0 : i32
        %dma_start3A_72 = arith.constant 0 : i32
        %dma_start3A_73 = tpu.memref_slice %arg14[%dma_start3A_71, %dma_start3A_72] : memref<10112x16xf32, #tpu.memory_space<vmem_shared>> -> memref<10112x16xf32, #tpu.memory_space<vmem_shared>>
        tpu.enqueue_indirect_dma source(%arg12 : memref<128x16xf32, #tpu.memory_space<vmem>>) target(%dma_start3A_73 : memref<10112x16xf32, #tpu.memory_space<vmem_shared>>) offsets(%dma_start3A_70 : memref<128xi32, #tpu.memory_space<vmem>>) semaphore(%run_scoped3A : memref<!tpu.dma_semaphore, #tpu.memory_space<semaphore_mem>>) {add = true}
        %dma_wait3A = arith.constant 0 : i32
        %dma_wait3A_74 = tpu.memref_slice %arg9[%add3A_68, %dma_wait3A] : memref<40x128xi32, #tpu.memory_space<vmem>> -> memref<1x128xi32, #tpu.memory_space<vmem>>
        %dma_wait3A_75 = tpu.memref_squeeze %dma_wait3A_74 : memref<1x128xi32, #tpu.memory_space<vmem>> -> memref<128xi32, #tpu.memory_space<vmem>>
        %dma_wait3A_76 = arith.constant 0 : i32
        %dma_wait3A_77 = arith.constant 0 : i32
        %dma_wait3A_78 = tpu.memref_slice %arg14[%dma_wait3A_76, %dma_wait3A_77] : memref<10112x16xf32, #tpu.memory_space<vmem_shared>> -> memref<10112x16xf32, #tpu.memory_space<vmem_shared>>
        tpu.wait_indirect_dma semaphore(%run_scoped3A : memref<!tpu.dma_semaphore, #tpu.memory_space<semaphore_mem>>) src(%arg12 : memref<128x16xf32, #tpu.memory_space<vmem>>) dst(%dma_wait3A_78 : memref<10112x16xf32, #tpu.memory_space<vmem_shared>>)
        tpu.yield
      }) : () -> ()
    }
    %scan3A_15 = arith.constant 5 : i32
    %barrier3A_16 = arith.constant 0 : index
    tpu.barrier barrier_id(%barrier3A_16)
    %mul3A_17 = arith.constant 632 : i32
    %mul3A_18 = arith.muli %arg1, %mul3A_17 : i32
    "tpu.region"() ({
      %run_scoped3A = tpu.sem_alloc : memref<!tpu.dma_semaphore, #tpu.memory_space<semaphore_mem>>
      %dma_start3A = arith.constant 0 : i32
      %dma_start3A_31 = arith.constant 0 : i32
      %dma_start3A_32 = tpu.memref_slice %arg10[%dma_start3A, %dma_start3A_31] : memref<1024x32xf32, #tpu.memory_space<vmem>> -> memref<632x32xf32, #tpu.memory_space<vmem>>
      %dma_start3A_33 = arith.constant 0 : i32
      %dma_start3A_34 = tpu.memref_slice %arg11[%mul3A_18, %dma_start3A_33] : memref<10112x32xf32, #tpu.memory_space<vmem_shared>> -> memref<632x32xf32, #tpu.memory_space<vmem_shared>>
      %dma_start3A_35 = arith.constant 0 : i32
      %dma_start3A_36 = arith.constant 0 : i32
      %dma_start3A_37 = tpu.memref_slice %arg10[%dma_start3A_35, %dma_start3A_36] : memref<1024x32xf32, #tpu.memory_space<vmem>> -> memref<632x32xf32, #tpu.memory_space<vmem>>
      %dma_start3A_38 = arith.constant 0 : i32
      %dma_start3A_39 = tpu.memref_slice %arg11[%mul3A_18, %dma_start3A_38] : memref<10112x32xf32, #tpu.memory_space<vmem_shared>> -> memref<632x32xf32, #tpu.memory_space<vmem_shared>>
      tpu.enqueue_dma source(%dma_start3A_39 : memref<632x32xf32, #tpu.memory_space<vmem_shared>>) target(%dma_start3A_37 : memref<632x32xf32, #tpu.memory_space<vmem>>) target_semaphore(%run_scoped3A : memref<!tpu.dma_semaphore, #tpu.memory_space<semaphore_mem>>)
      %dma_wait3A = arith.constant 0 : i32
      %dma_wait3A_40 = arith.constant 0 : i32
      %dma_wait3A_41 = tpu.memref_slice %arg10[%dma_wait3A, %dma_wait3A_40] : memref<1024x32xf32, #tpu.memory_space<vmem>> -> memref<632x32xf32, #tpu.memory_space<vmem>>
      %dma_wait3A_42 = arith.constant 0 : i32
      %dma_wait3A_43 = tpu.memref_slice %arg11[%mul3A_18, %dma_wait3A_42] : memref<10112x32xf32, #tpu.memory_space<vmem_shared>> -> memref<632x32xf32, #tpu.memory_space<vmem_shared>>
      %dma_wait3A_44 = arith.constant 0 : i32
      %dma_wait3A_45 = arith.constant 0 : i32
      %dma_wait3A_46 = tpu.memref_slice %arg10[%dma_wait3A_44, %dma_wait3A_45] : memref<1024x32xf32, #tpu.memory_space<vmem>> -> memref<632x32xf32, #tpu.memory_space<vmem>>
      %dma_wait3A_47 = arith.constant 0 : i32
      %dma_wait3A_48 = tpu.memref_slice %arg11[%mul3A_18, %dma_wait3A_47] : memref<10112x32xf32, #tpu.memory_space<vmem_shared>> -> memref<632x32xf32, #tpu.memory_space<vmem_shared>>
      tpu.wait_dma2 semaphore(%run_scoped3A : memref<!tpu.dma_semaphore, #tpu.memory_space<semaphore_mem>>) src(%dma_wait3A_48 : memref<632x32xf32, #tpu.memory_space<vmem_shared>>) dst(%dma_wait3A_46 : memref<632x32xf32, #tpu.memory_space<vmem>>)
      tpu.yield
    }) : () -> ()
    %mul3A_19 = arith.constant 10112 : i32
    %mul3A_20 = arith.muli %arg0, %mul3A_19 : i32
    %mul3A_21 = arith.constant 632 : i32
    %mul3A_22 = arith.muli %arg1, %mul3A_21 : i32
    %add3A_23 = arith.addi %mul3A_20, %mul3A_22 : i32
    "tpu.region"() ({
      %run_scoped3A = tpu.sem_alloc : memref<!tpu.dma_semaphore, #tpu.memory_space<semaphore_mem>>
      %dma_start3A = arith.constant 0 : i32
      %dma_start3A_31 = arith.constant 0 : i32
      %dma_start3A_32 = tpu.memref_slice %arg10[%dma_start3A, %dma_start3A_31] : memref<1024x32xf32, #tpu.memory_space<vmem>> -> memref<632x32xf32, #tpu.memory_space<vmem>>
      %dma_start3A_33 = arith.constant 0 : i32
      %dma_start3A_34 = tpu.memref_slice %arg7[%add3A_23, %dma_start3A_33] : memref<20224x32xf32, #tpu.memory_space<hbm>> -> memref<632x32xf32, #tpu.memory_space<hbm>>
      %dma_start3A_35 = arith.constant 0 : i32
      %dma_start3A_36 = tpu.memref_slice %arg7[%add3A_23, %dma_start3A_35] : memref<20224x32xf32, #tpu.memory_space<hbm>> -> memref<632x32xf32, #tpu.memory_space<hbm>>
      %dma_start3A_37 = arith.constant 0 : i32
      %dma_start3A_38 = arith.constant 0 : i32
      %dma_start3A_39 = tpu.memref_slice %arg10[%dma_start3A_37, %dma_start3A_38] : memref<1024x32xf32, #tpu.memory_space<vmem>> -> memref<632x32xf32, #tpu.memory_space<vmem>>
      tpu.enqueue_dma source(%dma_start3A_39 : memref<632x32xf32, #tpu.memory_space<vmem>>) target(%dma_start3A_36 : memref<632x32xf32, #tpu.memory_space<hbm>>) target_semaphore(%run_scoped3A : memref<!tpu.dma_semaphore, #tpu.memory_space<semaphore_mem>>)
      %dma_wait3A = arith.constant 0 : i32
      %dma_wait3A_40 = arith.constant 0 : i32
      %dma_wait3A_41 = tpu.memref_slice %arg10[%dma_wait3A, %dma_wait3A_40] : memref<1024x32xf32, #tpu.memory_space<vmem>> -> memref<632x32xf32, #tpu.memory_space<vmem>>
      %dma_wait3A_42 = arith.constant 0 : i32
      %dma_wait3A_43 = tpu.memref_slice %arg7[%add3A_23, %dma_wait3A_42] : memref<20224x32xf32, #tpu.memory_space<hbm>> -> memref<632x32xf32, #tpu.memory_space<hbm>>
      %dma_wait3A_44 = arith.constant 0 : i32
      %dma_wait3A_45 = tpu.memref_slice %arg7[%add3A_23, %dma_wait3A_44] : memref<20224x32xf32, #tpu.memory_space<hbm>> -> memref<632x32xf32, #tpu.memory_space<hbm>>
      %dma_wait3A_46 = arith.constant 0 : i32
      %dma_wait3A_47 = arith.constant 0 : i32
      %dma_wait3A_48 = tpu.memref_slice %arg10[%dma_wait3A_46, %dma_wait3A_47] : memref<1024x32xf32, #tpu.memory_space<vmem>> -> memref<632x32xf32, #tpu.memory_space<vmem>>
      tpu.wait_dma2 semaphore(%run_scoped3A : memref<!tpu.dma_semaphore, #tpu.memory_space<semaphore_mem>>) src(%dma_wait3A_48 : memref<632x32xf32, #tpu.memory_space<vmem>>) dst(%dma_wait3A_45 : memref<632x32xf32, #tpu.memory_space<hbm>>)
      tpu.yield
    }) : () -> ()
    %mul3A_24 = arith.constant 632 : i32
    %mul3A_25 = arith.muli %arg1, %mul3A_24 : i32
    "tpu.region"() ({
      %run_scoped3A = tpu.sem_alloc : memref<!tpu.dma_semaphore, #tpu.memory_space<semaphore_mem>>
      %dma_start3A = arith.constant 0 : i32
      %dma_start3A_31 = tpu.memref_slice %arg14[%mul3A_25, %dma_start3A] : memref<10112x16xf32, #tpu.memory_space<vmem_shared>> -> memref<632x16xf32, #tpu.memory_space<vmem_shared>>
      %dma_start3A_32 = arith.constant 0 : i32
      %dma_start3A_33 = tpu.memref_slice %arg14[%mul3A_25, %dma_start3A_32] : memref<10112x16xf32, #tpu.memory_space<vmem_shared>> -> memref<632x16xf32, #tpu.memory_space<vmem_shared>>
      tpu.enqueue_dma source(%dma_start3A_33 : memref<632x16xf32, #tpu.memory_space<vmem_shared>>) target(%arg13 : memref<632x16xf32, #tpu.memory_space<vmem>>) target_semaphore(%run_scoped3A : memref<!tpu.dma_semaphore, #tpu.memory_space<semaphore_mem>>)
      %dma_wait3A = arith.constant 0 : i32
      %dma_wait3A_34 = tpu.memref_slice %arg14[%mul3A_25, %dma_wait3A] : memref<10112x16xf32, #tpu.memory_space<vmem_shared>> -> memref<632x16xf32, #tpu.memory_space<vmem_shared>>
      %dma_wait3A_35 = arith.constant 0 : i32
      %dma_wait3A_36 = tpu.memref_slice %arg14[%mul3A_25, %dma_wait3A_35] : memref<10112x16xf32, #tpu.memory_space<vmem_shared>> -> memref<632x16xf32, #tpu.memory_space<vmem_shared>>
      tpu.wait_dma2 semaphore(%run_scoped3A : memref<!tpu.dma_semaphore, #tpu.memory_space<semaphore_mem>>) src(%dma_wait3A_36 : memref<632x16xf32, #tpu.memory_space<vmem_shared>>) dst(%arg13 : memref<632x16xf32, #tpu.memory_space<vmem>>)
      tpu.yield
    }) : () -> ()
    %mul3A_26 = arith.constant 10112 : i32
    %mul3A_27 = arith.muli %arg0, %mul3A_26 : i32
    %mul3A_28 = arith.constant 632 : i32
    %mul3A_29 = arith.muli %arg1, %mul3A_28 : i32
    %add3A_30 = arith.addi %mul3A_27, %mul3A_29 : i32
    "tpu.region"() ({
      %run_scoped3A = tpu.sem_alloc : memref<!tpu.dma_semaphore, #tpu.memory_space<semaphore_mem>>
      %dma_start3A = arith.constant 0 : i32
      %dma_start3A_31 = tpu.memref_slice %arg8[%add3A_30, %dma_start3A] : memref<20224x16xf32, #tpu.memory_space<hbm>> -> memref<632x16xf32, #tpu.memory_space<hbm>>
      %dma_start3A_32 = arith.constant 0 : i32
      %dma_start3A_33 = tpu.memref_slice %arg8[%add3A_30, %dma_start3A_32] : memref<20224x16xf32, #tpu.memory_space<hbm>> -> memref<632x16xf32, #tpu.memory_space<hbm>>
      tpu.enqueue_dma source(%arg13 : memref<632x16xf32, #tpu.memory_space<vmem>>) target(%dma_start3A_33 : memref<632x16xf32, #tpu.memory_space<hbm>>) target_semaphore(%run_scoped3A : memref<!tpu.dma_semaphore, #tpu.memory_space<semaphore_mem>>)
      %dma_wait3A = arith.constant 0 : i32
      %dma_wait3A_34 = tpu.memref_slice %arg8[%add3A_30, %dma_wait3A] : memref<20224x16xf32, #tpu.memory_space<hbm>> -> memref<632x16xf32, #tpu.memory_space<hbm>>
      %dma_wait3A_35 = arith.constant 0 : i32
      %dma_wait3A_36 = tpu.memref_slice %arg8[%add3A_30, %dma_wait3A_35] : memref<20224x16xf32, #tpu.memory_space<hbm>> -> memref<632x16xf32, #tpu.memory_space<hbm>>
      tpu.wait_dma2 semaphore(%run_scoped3A : memref<!tpu.dma_semaphore, #tpu.memory_space<semaphore_mem>>) src(%arg13 : memref<632x16xf32, #tpu.memory_space<vmem>>) dst(%dma_wait3A_36 : memref<632x16xf32, #tpu.memory_space<hbm>>)
      tpu.yield
    }) : () -> ()
    return
  }
}

#map = affine_map<(d0, d1) -> (0, 0)>
module attributes {stable_mosaic.version = 14 : i64} {
  func.func @k(%arg0: i32, %arg1: i32, %arg2: memref<10000x32xf32, #tpu.memory_space<hbm>>, %arg3: memref<1280x128xi32, #tpu.memory_space<hbm>>, %arg4: memref<163840x32xf32, #tpu.memory_space<hbm>>, %arg5: memref<40x128xi32, #tpu.memory_space<vmem>>, %arg6: memref<1024x32xf32, #tpu.memory_space<vmem>>, %arg7: memref<!tpu.dma_semaphore, #tpu.memory_space<semaphore_mem>>) attributes {dimension_semantics = [#tpu.dimension_semantics<core_parallel>, #tpu.dimension_semantics<subcore_parallel>], iteration_bounds = array<i64: 2, 16>, scalar_prefetch = 0 : i64, scratch_operands = 3 : i64, tpu.core_type = #tpu.core_type<sc_vector_subcore>, window_params = [{transform_indices = #map}, {transform_indices = #map}, {transform_indices = #map}]} {
    %mul3A = arith.constant 2 : i32
    %mul3A_0 = arith.muli %arg1, %mul3A : i32
    %add3A = arith.addi %mul3A_0, %arg0 : i32
    %mul3A_1 = arith.constant 40 : i32
    %mul3A_2 = arith.muli %add3A, %mul3A_1 : i32
    "tpu.region"() ({
      %run_scoped3A = tpu.sem_alloc : memref<!tpu.dma_semaphore, #tpu.memory_space<semaphore_mem>>
      %dma_start3A = arith.constant 0 : i32
      %dma_start3A_8 = tpu.memref_slice %arg3[%mul3A_2, %dma_start3A] : memref<1280x128xi32, #tpu.memory_space<hbm>> -> memref<40x128xi32, #tpu.memory_space<hbm>>
      %dma_start3A_9 = arith.constant 0 : i32
      %dma_start3A_10 = tpu.memref_slice %arg3[%mul3A_2, %dma_start3A_9] : memref<1280x128xi32, #tpu.memory_space<hbm>> -> memref<40x128xi32, #tpu.memory_space<hbm>>
      tpu.enqueue_dma source(%dma_start3A_10 : memref<40x128xi32, #tpu.memory_space<hbm>>) target(%arg5 : memref<40x128xi32, #tpu.memory_space<vmem>>) target_semaphore(%run_scoped3A : memref<!tpu.dma_semaphore, #tpu.memory_space<semaphore_mem>>)
      %dma_wait3A = arith.constant 0 : i32
      %dma_wait3A_11 = tpu.memref_slice %arg3[%mul3A_2, %dma_wait3A] : memref<1280x128xi32, #tpu.memory_space<hbm>> -> memref<40x128xi32, #tpu.memory_space<hbm>>
      %dma_wait3A_12 = arith.constant 0 : i32
      %dma_wait3A_13 = tpu.memref_slice %arg3[%mul3A_2, %dma_wait3A_12] : memref<1280x128xi32, #tpu.memory_space<hbm>> -> memref<40x128xi32, #tpu.memory_space<hbm>>
      tpu.wait_dma2 semaphore(%run_scoped3A : memref<!tpu.dma_semaphore, #tpu.memory_space<semaphore_mem>>) src(%dma_wait3A_13 : memref<40x128xi32, #tpu.memory_space<hbm>>) dst(%arg5 : memref<40x128xi32, #tpu.memory_space<vmem>>)
      tpu.yield
    }) : () -> ()
    %scan3A = arith.constant 0 : i32
    %scan3A_3 = arith.constant 0 : i32
    %scan3A_4 = arith.constant 5 : i32
    %scan3A_5 = arith.addi %scan3A_3, %scan3A_4 : i32
    %scan3A_6 = arith.constant 1 : i32
    scf.for %scan3A_8 = %scan3A_3 to %scan3A_5 step %scan3A_6  : i32 {
      %mul3A_9 = arith.constant 8 : i32
      %mul3A_10 = arith.muli %scan3A_8, %mul3A_9 : i32
      %add3A_11 = arith.constant 0 : i32
      %add3A_12 = arith.addi %mul3A_10, %add3A_11 : i32
      %dma_start3A = arith.constant 0 : i32
      %dma_start3A_13 = arith.constant 0 : i32
      %dma_start3A_14 = tpu.memref_slice %arg6[%dma_start3A, %dma_start3A_13] : memref<1024x32xf32, #tpu.memory_space<vmem>> -> memref<128x32xf32, #tpu.memory_space<vmem>>
      %dma_start3A_15 = arith.constant 0 : i32
      %dma_start3A_16 = tpu.memref_slice %arg5[%add3A_12, %dma_start3A_15] : memref<40x128xi32, #tpu.memory_space<vmem>> -> memref<1x128xi32, #tpu.memory_space<vmem>>
      %dma_start3A_17 = tpu.memref_squeeze %dma_start3A_16 : memref<1x128xi32, #tpu.memory_space<vmem>> -> memref<128xi32, #tpu.memory_space<vmem>>
      %dma_start3A_18 = arith.constant 0 : i32
      %dma_start3A_19 = arith.constant 0 : i32
      %dma_start3A_20 = tpu.memref_slice %arg2[%dma_start3A_18, %dma_start3A_19] : memref<10000x32xf32, #tpu.memory_space<hbm>> -> memref<10000x32xf32, #tpu.memory_space<hbm>>
      tpu.enqueue_indirect_dma source(%dma_start3A_20 : memref<10000x32xf32, #tpu.memory_space<hbm>>) target(%dma_start3A_14 : memref<128x32xf32, #tpu.memory_space<vmem>>) offsets(%dma_start3A_17 : memref<128xi32, #tpu.memory_space<vmem>>) semaphore(%arg7 : memref<!tpu.dma_semaphore, #tpu.memory_space<semaphore_mem>>)
      %mul3A_21 = arith.constant 8 : i32
      %mul3A_22 = arith.muli %scan3A_8, %mul3A_21 : i32
      %add3A_23 = arith.constant 1 : i32
      %add3A_24 = arith.addi %mul3A_22, %add3A_23 : i32
      %dma_start3A_25 = arith.constant 128 : i32
      %dma_start3A_26 = arith.constant 0 : i32
      %dma_start3A_27 = tpu.memref_slice %arg6[%dma_start3A_25, %dma_start3A_26] : memref<1024x32xf32, #tpu.memory_space<vmem>> -> memref<128x32xf32, #tpu.memory_space<vmem>>
      %dma_start3A_28 = arith.constant 0 : i32
      %dma_start3A_29 = tpu.memref_slice %arg5[%add3A_24, %dma_start3A_28] : memref<40x128xi32, #tpu.memory_space<vmem>> -> memref<1x128xi32, #tpu.memory_space<vmem>>
      %dma_start3A_30 = tpu.memref_squeeze %dma_start3A_29 : memref<1x128xi32, #tpu.memory_space<vmem>> -> memref<128xi32, #tpu.memory_space<vmem>>
      %dma_start3A_31 = arith.constant 0 : i32
      %dma_start3A_32 = arith.constant 0 : i32
      %dma_start3A_33 = tpu.memref_slice %arg2[%dma_start3A_31, %dma_start3A_32] : memref<10000x32xf32, #tpu.memory_space<hbm>> -> memref<10000x32xf32, #tpu.memory_space<hbm>>
      tpu.enqueue_indirect_dma source(%dma_start3A_33 : memref<10000x32xf32, #tpu.memory_space<hbm>>) target(%dma_start3A_27 : memref<128x32xf32, #tpu.memory_space<vmem>>) offsets(%dma_start3A_30 : memref<128xi32, #tpu.memory_space<vmem>>) semaphore(%arg7 : memref<!tpu.dma_semaphore, #tpu.memory_space<semaphore_mem>>)
      %mul3A_34 = arith.constant 8 : i32
      %mul3A_35 = arith.muli %scan3A_8, %mul3A_34 : i32
      %add3A_36 = arith.constant 2 : i32
      %add3A_37 = arith.addi %mul3A_35, %add3A_36 : i32
      %dma_start3A_38 = arith.constant 256 : i32
      %dma_start3A_39 = arith.constant 0 : i32
      %dma_start3A_40 = tpu.memref_slice %arg6[%dma_start3A_38, %dma_start3A_39] : memref<1024x32xf32, #tpu.memory_space<vmem>> -> memref<128x32xf32, #tpu.memory_space<vmem>>
      %dma_start3A_41 = arith.constant 0 : i32
      %dma_start3A_42 = tpu.memref_slice %arg5[%add3A_37, %dma_start3A_41] : memref<40x128xi32, #tpu.memory_space<vmem>> -> memref<1x128xi32, #tpu.memory_space<vmem>>
      %dma_start3A_43 = tpu.memref_squeeze %dma_start3A_42 : memref<1x128xi32, #tpu.memory_space<vmem>> -> memref<128xi32, #tpu.memory_space<vmem>>
      %dma_start3A_44 = arith.constant 0 : i32
      %dma_start3A_45 = arith.constant 0 : i32
      %dma_start3A_46 = tpu.memref_slice %arg2[%dma_start3A_44, %dma_start3A_45] : memref<10000x32xf32, #tpu.memory_space<hbm>> -> memref<10000x32xf32, #tpu.memory_space<hbm>>
      tpu.enqueue_indirect_dma source(%dma_start3A_46 : memref<10000x32xf32, #tpu.memory_space<hbm>>) target(%dma_start3A_40 : memref<128x32xf32, #tpu.memory_space<vmem>>) offsets(%dma_start3A_43 : memref<128xi32, #tpu.memory_space<vmem>>) semaphore(%arg7 : memref<!tpu.dma_semaphore, #tpu.memory_space<semaphore_mem>>)
      %mul3A_47 = arith.constant 8 : i32
      %mul3A_48 = arith.muli %scan3A_8, %mul3A_47 : i32
      %add3A_49 = arith.constant 3 : i32
      %add3A_50 = arith.addi %mul3A_48, %add3A_49 : i32
      %dma_start3A_51 = arith.constant 384 : i32
      %dma_start3A_52 = arith.constant 0 : i32
      %dma_start3A_53 = tpu.memref_slice %arg6[%dma_start3A_51, %dma_start3A_52] : memref<1024x32xf32, #tpu.memory_space<vmem>> -> memref<128x32xf32, #tpu.memory_space<vmem>>
      %dma_start3A_54 = arith.constant 0 : i32
      %dma_start3A_55 = tpu.memref_slice %arg5[%add3A_50, %dma_start3A_54] : memref<40x128xi32, #tpu.memory_space<vmem>> -> memref<1x128xi32, #tpu.memory_space<vmem>>
      %dma_start3A_56 = tpu.memref_squeeze %dma_start3A_55 : memref<1x128xi32, #tpu.memory_space<vmem>> -> memref<128xi32, #tpu.memory_space<vmem>>
      %dma_start3A_57 = arith.constant 0 : i32
      %dma_start3A_58 = arith.constant 0 : i32
      %dma_start3A_59 = tpu.memref_slice %arg2[%dma_start3A_57, %dma_start3A_58] : memref<10000x32xf32, #tpu.memory_space<hbm>> -> memref<10000x32xf32, #tpu.memory_space<hbm>>
      tpu.enqueue_indirect_dma source(%dma_start3A_59 : memref<10000x32xf32, #tpu.memory_space<hbm>>) target(%dma_start3A_53 : memref<128x32xf32, #tpu.memory_space<vmem>>) offsets(%dma_start3A_56 : memref<128xi32, #tpu.memory_space<vmem>>) semaphore(%arg7 : memref<!tpu.dma_semaphore, #tpu.memory_space<semaphore_mem>>)
      %mul3A_60 = arith.constant 8 : i32
      %mul3A_61 = arith.muli %scan3A_8, %mul3A_60 : i32
      %add3A_62 = arith.constant 4 : i32
      %add3A_63 = arith.addi %mul3A_61, %add3A_62 : i32
      %dma_start3A_64 = arith.constant 512 : i32
      %dma_start3A_65 = arith.constant 0 : i32
      %dma_start3A_66 = tpu.memref_slice %arg6[%dma_start3A_64, %dma_start3A_65] : memref<1024x32xf32, #tpu.memory_space<vmem>> -> memref<128x32xf32, #tpu.memory_space<vmem>>
      %dma_start3A_67 = arith.constant 0 : i32
      %dma_start3A_68 = tpu.memref_slice %arg5[%add3A_63, %dma_start3A_67] : memref<40x128xi32, #tpu.memory_space<vmem>> -> memref<1x128xi32, #tpu.memory_space<vmem>>
      %dma_start3A_69 = tpu.memref_squeeze %dma_start3A_68 : memref<1x128xi32, #tpu.memory_space<vmem>> -> memref<128xi32, #tpu.memory_space<vmem>>
      %dma_start3A_70 = arith.constant 0 : i32
      %dma_start3A_71 = arith.constant 0 : i32
      %dma_start3A_72 = tpu.memref_slice %arg2[%dma_start3A_70, %dma_start3A_71] : memref<10000x32xf32, #tpu.memory_space<hbm>> -> memref<10000x32xf32, #tpu.memory_space<hbm>>
      tpu.enqueue_indirect_dma source(%dma_start3A_72 : memref<10000x32xf32, #tpu.memory_space<hbm>>) target(%dma_start3A_66 : memref<128x32xf32, #tpu.memory_space<vmem>>) offsets(%dma_start3A_69 : memref<128xi32, #tpu.memory_space<vmem>>) semaphore(%arg7 : memref<!tpu.dma_semaphore, #tpu.memory_space<semaphore_mem>>)
      %mul3A_73 = arith.constant 8 : i32
      %mul3A_74 = arith.muli %scan3A_8, %mul3A_73 : i32
      %add3A_75 = arith.constant 5 : i32
      %add3A_76 = arith.addi %mul3A_74, %add3A_75 : i32
      %dma_start3A_77 = arith.constant 640 : i32
      %dma_start3A_78 = arith.constant 0 : i32
      %dma_start3A_79 = tpu.memref_slice %arg6[%dma_start3A_77, %dma_start3A_78] : memref<1024x32xf32, #tpu.memory_space<vmem>> -> memref<128x32xf32, #tpu.memory_space<vmem>>
      %dma_start3A_80 = arith.constant 0 : i32
      %dma_start3A_81 = tpu.memref_slice %arg5[%add3A_76, %dma_start3A_80] : memref<40x128xi32, #tpu.memory_space<vmem>> -> memref<1x128xi32, #tpu.memory_space<vmem>>
      %dma_start3A_82 = tpu.memref_squeeze %dma_start3A_81 : memref<1x128xi32, #tpu.memory_space<vmem>> -> memref<128xi32, #tpu.memory_space<vmem>>
      %dma_start3A_83 = arith.constant 0 : i32
      %dma_start3A_84 = arith.constant 0 : i32
      %dma_start3A_85 = tpu.memref_slice %arg2[%dma_start3A_83, %dma_start3A_84] : memref<10000x32xf32, #tpu.memory_space<hbm>> -> memref<10000x32xf32, #tpu.memory_space<hbm>>
      tpu.enqueue_indirect_dma source(%dma_start3A_85 : memref<10000x32xf32, #tpu.memory_space<hbm>>) target(%dma_start3A_79 : memref<128x32xf32, #tpu.memory_space<vmem>>) offsets(%dma_start3A_82 : memref<128xi32, #tpu.memory_space<vmem>>) semaphore(%arg7 : memref<!tpu.dma_semaphore, #tpu.memory_space<semaphore_mem>>)
      %mul3A_86 = arith.constant 8 : i32
      %mul3A_87 = arith.muli %scan3A_8, %mul3A_86 : i32
      %add3A_88 = arith.constant 6 : i32
      %add3A_89 = arith.addi %mul3A_87, %add3A_88 : i32
      %dma_start3A_90 = arith.constant 768 : i32
      %dma_start3A_91 = arith.constant 0 : i32
      %dma_start3A_92 = tpu.memref_slice %arg6[%dma_start3A_90, %dma_start3A_91] : memref<1024x32xf32, #tpu.memory_space<vmem>> -> memref<128x32xf32, #tpu.memory_space<vmem>>
      %dma_start3A_93 = arith.constant 0 : i32
      %dma_start3A_94 = tpu.memref_slice %arg5[%add3A_89, %dma_start3A_93] : memref<40x128xi32, #tpu.memory_space<vmem>> -> memref<1x128xi32, #tpu.memory_space<vmem>>
      %dma_start3A_95 = tpu.memref_squeeze %dma_start3A_94 : memref<1x128xi32, #tpu.memory_space<vmem>> -> memref<128xi32, #tpu.memory_space<vmem>>
      %dma_start3A_96 = arith.constant 0 : i32
      %dma_start3A_97 = arith.constant 0 : i32
      %dma_start3A_98 = tpu.memref_slice %arg2[%dma_start3A_96, %dma_start3A_97] : memref<10000x32xf32, #tpu.memory_space<hbm>> -> memref<10000x32xf32, #tpu.memory_space<hbm>>
      tpu.enqueue_indirect_dma source(%dma_start3A_98 : memref<10000x32xf32, #tpu.memory_space<hbm>>) target(%dma_start3A_92 : memref<128x32xf32, #tpu.memory_space<vmem>>) offsets(%dma_start3A_95 : memref<128xi32, #tpu.memory_space<vmem>>) semaphore(%arg7 : memref<!tpu.dma_semaphore, #tpu.memory_space<semaphore_mem>>)
      %mul3A_99 = arith.constant 8 : i32
      %mul3A_100 = arith.muli %scan3A_8, %mul3A_99 : i32
      %add3A_101 = arith.constant 7 : i32
      %add3A_102 = arith.addi %mul3A_100, %add3A_101 : i32
      %dma_start3A_103 = arith.constant 896 : i32
      %dma_start3A_104 = arith.constant 0 : i32
      %dma_start3A_105 = tpu.memref_slice %arg6[%dma_start3A_103, %dma_start3A_104] : memref<1024x32xf32, #tpu.memory_space<vmem>> -> memref<128x32xf32, #tpu.memory_space<vmem>>
      %dma_start3A_106 = arith.constant 0 : i32
      %dma_start3A_107 = tpu.memref_slice %arg5[%add3A_102, %dma_start3A_106] : memref<40x128xi32, #tpu.memory_space<vmem>> -> memref<1x128xi32, #tpu.memory_space<vmem>>
      %dma_start3A_108 = tpu.memref_squeeze %dma_start3A_107 : memref<1x128xi32, #tpu.memory_space<vmem>> -> memref<128xi32, #tpu.memory_space<vmem>>
      %dma_start3A_109 = arith.constant 0 : i32
      %dma_start3A_110 = arith.constant 0 : i32
      %dma_start3A_111 = tpu.memref_slice %arg2[%dma_start3A_109, %dma_start3A_110] : memref<10000x32xf32, #tpu.memory_space<hbm>> -> memref<10000x32xf32, #tpu.memory_space<hbm>>
      tpu.enqueue_indirect_dma source(%dma_start3A_111 : memref<10000x32xf32, #tpu.memory_space<hbm>>) target(%dma_start3A_105 : memref<128x32xf32, #tpu.memory_space<vmem>>) offsets(%dma_start3A_108 : memref<128xi32, #tpu.memory_space<vmem>>) semaphore(%arg7 : memref<!tpu.dma_semaphore, #tpu.memory_space<semaphore_mem>>)
      %dma_wait3A = arith.constant 0 : i32
      %dma_wait3A_112 = arith.constant 0 : i32
      %dma_wait3A_113 = tpu.memref_slice %arg6[%dma_wait3A, %dma_wait3A_112] : memref<1024x32xf32, #tpu.memory_space<vmem>> -> memref<128x32xf32, #tpu.memory_space<vmem>>
      %dma_wait3A_114 = arith.constant 0 : i32
      %dma_wait3A_115 = tpu.memref_slice %arg5[%add3A_12, %dma_wait3A_114] : memref<40x128xi32, #tpu.memory_space<vmem>> -> memref<1x128xi32, #tpu.memory_space<vmem>>
      %dma_wait3A_116 = tpu.memref_squeeze %dma_wait3A_115 : memref<1x128xi32, #tpu.memory_space<vmem>> -> memref<128xi32, #tpu.memory_space<vmem>>
      %dma_wait3A_117 = arith.constant 0 : i32
      %dma_wait3A_118 = arith.constant 0 : i32
      %dma_wait3A_119 = tpu.memref_slice %arg2[%dma_wait3A_117, %dma_wait3A_118] : memref<10000x32xf32, #tpu.memory_space<hbm>> -> memref<10000x32xf32, #tpu.memory_space<hbm>>
      tpu.wait_indirect_dma semaphore(%arg7 : memref<!tpu.dma_semaphore, #tpu.memory_space<semaphore_mem>>) src(%dma_wait3A_119 : memref<10000x32xf32, #tpu.memory_space<hbm>>) dst(%dma_wait3A_113 : memref<128x32xf32, #tpu.memory_space<vmem>>)
      %dma_wait3A_120 = arith.constant 128 : i32
      %dma_wait3A_121 = arith.constant 0 : i32
      %dma_wait3A_122 = tpu.memref_slice %arg6[%dma_wait3A_120, %dma_wait3A_121] : memref<1024x32xf32, #tpu.memory_space<vmem>> -> memref<128x32xf32, #tpu.memory_space<vmem>>
      %dma_wait3A_123 = arith.constant 0 : i32
      %dma_wait3A_124 = tpu.memref_slice %arg5[%add3A_24, %dma_wait3A_123] : memref<40x128xi32, #tpu.memory_space<vmem>> -> memref<1x128xi32, #tpu.memory_space<vmem>>
      %dma_wait3A_125 = tpu.memref_squeeze %dma_wait3A_124 : memref<1x128xi32, #tpu.memory_space<vmem>> -> memref<128xi32, #tpu.memory_space<vmem>>
      %dma_wait3A_126 = arith.constant 0 : i32
      %dma_wait3A_127 = arith.constant 0 : i32
      %dma_wait3A_128 = tpu.memref_slice %arg2[%dma_wait3A_126, %dma_wait3A_127] : memref<10000x32xf32, #tpu.memory_space<hbm>> -> memref<10000x32xf32, #tpu.memory_space<hbm>>
      tpu.wait_indirect_dma semaphore(%arg7 : memref<!tpu.dma_semaphore, #tpu.memory_space<semaphore_mem>>) src(%dma_wait3A_128 : memref<10000x32xf32, #tpu.memory_space<hbm>>) dst(%dma_wait3A_122 : memref<128x32xf32, #tpu.memory_space<vmem>>)
      %dma_wait3A_129 = arith.constant 256 : i32
      %dma_wait3A_130 = arith.constant 0 : i32
      %dma_wait3A_131 = tpu.memref_slice %arg6[%dma_wait3A_129, %dma_wait3A_130] : memref<1024x32xf32, #tpu.memory_space<vmem>> -> memref<128x32xf32, #tpu.memory_space<vmem>>
      %dma_wait3A_132 = arith.constant 0 : i32
      %dma_wait3A_133 = tpu.memref_slice %arg5[%add3A_37, %dma_wait3A_132] : memref<40x128xi32, #tpu.memory_space<vmem>> -> memref<1x128xi32, #tpu.memory_space<vmem>>
      %dma_wait3A_134 = tpu.memref_squeeze %dma_wait3A_133 : memref<1x128xi32, #tpu.memory_space<vmem>> -> memref<128xi32, #tpu.memory_space<vmem>>
      %dma_wait3A_135 = arith.constant 0 : i32
      %dma_wait3A_136 = arith.constant 0 : i32
      %dma_wait3A_137 = tpu.memref_slice %arg2[%dma_wait3A_135, %dma_wait3A_136] : memref<10000x32xf32, #tpu.memory_space<hbm>> -> memref<10000x32xf32, #tpu.memory_space<hbm>>
      tpu.wait_indirect_dma semaphore(%arg7 : memref<!tpu.dma_semaphore, #tpu.memory_space<semaphore_mem>>) src(%dma_wait3A_137 : memref<10000x32xf32, #tpu.memory_space<hbm>>) dst(%dma_wait3A_131 : memref<128x32xf32, #tpu.memory_space<vmem>>)
      %dma_wait3A_138 = arith.constant 384 : i32
      %dma_wait3A_139 = arith.constant 0 : i32
      %dma_wait3A_140 = tpu.memref_slice %arg6[%dma_wait3A_138, %dma_wait3A_139] : memref<1024x32xf32, #tpu.memory_space<vmem>> -> memref<128x32xf32, #tpu.memory_space<vmem>>
      %dma_wait3A_141 = arith.constant 0 : i32
      %dma_wait3A_142 = tpu.memref_slice %arg5[%add3A_50, %dma_wait3A_141] : memref<40x128xi32, #tpu.memory_space<vmem>> -> memref<1x128xi32, #tpu.memory_space<vmem>>
      %dma_wait3A_143 = tpu.memref_squeeze %dma_wait3A_142 : memref<1x128xi32, #tpu.memory_space<vmem>> -> memref<128xi32, #tpu.memory_space<vmem>>
      %dma_wait3A_144 = arith.constant 0 : i32
      %dma_wait3A_145 = arith.constant 0 : i32
      %dma_wait3A_146 = tpu.memref_slice %arg2[%dma_wait3A_144, %dma_wait3A_145] : memref<10000x32xf32, #tpu.memory_space<hbm>> -> memref<10000x32xf32, #tpu.memory_space<hbm>>
      tpu.wait_indirect_dma semaphore(%arg7 : memref<!tpu.dma_semaphore, #tpu.memory_space<semaphore_mem>>) src(%dma_wait3A_146 : memref<10000x32xf32, #tpu.memory_space<hbm>>) dst(%dma_wait3A_140 : memref<128x32xf32, #tpu.memory_space<vmem>>)
      %dma_wait3A_147 = arith.constant 512 : i32
      %dma_wait3A_148 = arith.constant 0 : i32
      %dma_wait3A_149 = tpu.memref_slice %arg6[%dma_wait3A_147, %dma_wait3A_148] : memref<1024x32xf32, #tpu.memory_space<vmem>> -> memref<128x32xf32, #tpu.memory_space<vmem>>
      %dma_wait3A_150 = arith.constant 0 : i32
      %dma_wait3A_151 = tpu.memref_slice %arg5[%add3A_63, %dma_wait3A_150] : memref<40x128xi32, #tpu.memory_space<vmem>> -> memref<1x128xi32, #tpu.memory_space<vmem>>
      %dma_wait3A_152 = tpu.memref_squeeze %dma_wait3A_151 : memref<1x128xi32, #tpu.memory_space<vmem>> -> memref<128xi32, #tpu.memory_space<vmem>>
      %dma_wait3A_153 = arith.constant 0 : i32
      %dma_wait3A_154 = arith.constant 0 : i32
      %dma_wait3A_155 = tpu.memref_slice %arg2[%dma_wait3A_153, %dma_wait3A_154] : memref<10000x32xf32, #tpu.memory_space<hbm>> -> memref<10000x32xf32, #tpu.memory_space<hbm>>
      tpu.wait_indirect_dma semaphore(%arg7 : memref<!tpu.dma_semaphore, #tpu.memory_space<semaphore_mem>>) src(%dma_wait3A_155 : memref<10000x32xf32, #tpu.memory_space<hbm>>) dst(%dma_wait3A_149 : memref<128x32xf32, #tpu.memory_space<vmem>>)
      %dma_wait3A_156 = arith.constant 640 : i32
      %dma_wait3A_157 = arith.constant 0 : i32
      %dma_wait3A_158 = tpu.memref_slice %arg6[%dma_wait3A_156, %dma_wait3A_157] : memref<1024x32xf32, #tpu.memory_space<vmem>> -> memref<128x32xf32, #tpu.memory_space<vmem>>
      %dma_wait3A_159 = arith.constant 0 : i32
      %dma_wait3A_160 = tpu.memref_slice %arg5[%add3A_76, %dma_wait3A_159] : memref<40x128xi32, #tpu.memory_space<vmem>> -> memref<1x128xi32, #tpu.memory_space<vmem>>
      %dma_wait3A_161 = tpu.memref_squeeze %dma_wait3A_160 : memref<1x128xi32, #tpu.memory_space<vmem>> -> memref<128xi32, #tpu.memory_space<vmem>>
      %dma_wait3A_162 = arith.constant 0 : i32
      %dma_wait3A_163 = arith.constant 0 : i32
      %dma_wait3A_164 = tpu.memref_slice %arg2[%dma_wait3A_162, %dma_wait3A_163] : memref<10000x32xf32, #tpu.memory_space<hbm>> -> memref<10000x32xf32, #tpu.memory_space<hbm>>
      tpu.wait_indirect_dma semaphore(%arg7 : memref<!tpu.dma_semaphore, #tpu.memory_space<semaphore_mem>>) src(%dma_wait3A_164 : memref<10000x32xf32, #tpu.memory_space<hbm>>) dst(%dma_wait3A_158 : memref<128x32xf32, #tpu.memory_space<vmem>>)
      %dma_wait3A_165 = arith.constant 768 : i32
      %dma_wait3A_166 = arith.constant 0 : i32
      %dma_wait3A_167 = tpu.memref_slice %arg6[%dma_wait3A_165, %dma_wait3A_166] : memref<1024x32xf32, #tpu.memory_space<vmem>> -> memref<128x32xf32, #tpu.memory_space<vmem>>
      %dma_wait3A_168 = arith.constant 0 : i32
      %dma_wait3A_169 = tpu.memref_slice %arg5[%add3A_89, %dma_wait3A_168] : memref<40x128xi32, #tpu.memory_space<vmem>> -> memref<1x128xi32, #tpu.memory_space<vmem>>
      %dma_wait3A_170 = tpu.memref_squeeze %dma_wait3A_169 : memref<1x128xi32, #tpu.memory_space<vmem>> -> memref<128xi32, #tpu.memory_space<vmem>>
      %dma_wait3A_171 = arith.constant 0 : i32
      %dma_wait3A_172 = arith.constant 0 : i32
      %dma_wait3A_173 = tpu.memref_slice %arg2[%dma_wait3A_171, %dma_wait3A_172] : memref<10000x32xf32, #tpu.memory_space<hbm>> -> memref<10000x32xf32, #tpu.memory_space<hbm>>
      tpu.wait_indirect_dma semaphore(%arg7 : memref<!tpu.dma_semaphore, #tpu.memory_space<semaphore_mem>>) src(%dma_wait3A_173 : memref<10000x32xf32, #tpu.memory_space<hbm>>) dst(%dma_wait3A_167 : memref<128x32xf32, #tpu.memory_space<vmem>>)
      %dma_wait3A_174 = arith.constant 896 : i32
      %dma_wait3A_175 = arith.constant 0 : i32
      %dma_wait3A_176 = tpu.memref_slice %arg6[%dma_wait3A_174, %dma_wait3A_175] : memref<1024x32xf32, #tpu.memory_space<vmem>> -> memref<128x32xf32, #tpu.memory_space<vmem>>
      %dma_wait3A_177 = arith.constant 0 : i32
      %dma_wait3A_178 = tpu.memref_slice %arg5[%add3A_102, %dma_wait3A_177] : memref<40x128xi32, #tpu.memory_space<vmem>> -> memref<1x128xi32, #tpu.memory_space<vmem>>
      %dma_wait3A_179 = tpu.memref_squeeze %dma_wait3A_178 : memref<1x128xi32, #tpu.memory_space<vmem>> -> memref<128xi32, #tpu.memory_space<vmem>>
      %dma_wait3A_180 = arith.constant 0 : i32
      %dma_wait3A_181 = arith.constant 0 : i32
      %dma_wait3A_182 = tpu.memref_slice %arg2[%dma_wait3A_180, %dma_wait3A_181] : memref<10000x32xf32, #tpu.memory_space<hbm>> -> memref<10000x32xf32, #tpu.memory_space<hbm>>
      tpu.wait_indirect_dma semaphore(%arg7 : memref<!tpu.dma_semaphore, #tpu.memory_space<semaphore_mem>>) src(%dma_wait3A_182 : memref<10000x32xf32, #tpu.memory_space<hbm>>) dst(%dma_wait3A_176 : memref<128x32xf32, #tpu.memory_space<vmem>>)
      %mul3A_183 = arith.constant 5120 : i32
      %mul3A_184 = arith.muli %add3A, %mul3A_183 : i32
      %mul3A_185 = arith.constant 1024 : i32
      %mul3A_186 = arith.muli %scan3A_8, %mul3A_185 : i32
      %add3A_187 = arith.addi %mul3A_184, %mul3A_186 : i32
      "tpu.region"() ({
        %run_scoped3A = tpu.sem_alloc : memref<!tpu.dma_semaphore, #tpu.memory_space<semaphore_mem>>
        %dma_start3A_188 = arith.constant 0 : i32
        %dma_start3A_189 = tpu.memref_slice %arg4[%add3A_187, %dma_start3A_188] : memref<163840x32xf32, #tpu.memory_space<hbm>> -> memref<1024x32xf32, #tpu.memory_space<hbm>>
        %dma_start3A_190 = arith.constant 0 : i32
        %dma_start3A_191 = tpu.memref_slice %arg4[%add3A_187, %dma_start3A_190] : memref<163840x32xf32, #tpu.memory_space<hbm>> -> memref<1024x32xf32, #tpu.memory_space<hbm>>
        tpu.enqueue_dma source(%arg6 : memref<1024x32xf32, #tpu.memory_space<vmem>>) target(%dma_start3A_191 : memref<1024x32xf32, #tpu.memory_space<hbm>>) target_semaphore(%run_scoped3A : memref<!tpu.dma_semaphore, #tpu.memory_space<semaphore_mem>>)
        %dma_wait3A_192 = arith.constant 0 : i32
        %dma_wait3A_193 = tpu.memref_slice %arg4[%add3A_187, %dma_wait3A_192] : memref<163840x32xf32, #tpu.memory_space<hbm>> -> memref<1024x32xf32, #tpu.memory_space<hbm>>
        %dma_wait3A_194 = arith.constant 0 : i32
        %dma_wait3A_195 = tpu.memref_slice %arg4[%add3A_187, %dma_wait3A_194] : memref<163840x32xf32, #tpu.memory_space<hbm>> -> memref<1024x32xf32, #tpu.memory_space<hbm>>
        tpu.wait_dma2 semaphore(%run_scoped3A : memref<!tpu.dma_semaphore, #tpu.memory_space<semaphore_mem>>) src(%arg6 : memref<1024x32xf32, #tpu.memory_space<vmem>>) dst(%dma_wait3A_195 : memref<1024x32xf32, #tpu.memory_space<hbm>>)
        tpu.yield
      }) : () -> ()
    }
    %scan3A_7 = arith.constant 5 : i32
    return
  }
}

#map = affine_map<(d0, d1) -> (0, 0)>
module attributes {stable_mosaic.version = 14 : i64} {
  func.func @k(%arg0: i32, %arg1: i32, %arg2: memref<163840x32xf32, #tpu.memory_space<hbm>>, %arg3: memref<1280x128xi32, #tpu.memory_space<hbm>>, %arg4: memref<10112x32xf32, #tpu.memory_space<hbm>>, %arg5: memref<20224x32xf32, #tpu.memory_space<hbm>>, %arg6: memref<40x128xi32, #tpu.memory_space<vmem>>, %arg7: memref<1024x32xf32, #tpu.memory_space<vmem>>, %arg8: memref<10112x32xf32, #tpu.memory_space<vmem_shared>>) attributes {dimension_semantics = [#tpu.dimension_semantics<core_parallel>, #tpu.dimension_semantics<subcore_parallel>], iteration_bounds = array<i64: 2, 16>, scalar_prefetch = 0 : i64, scratch_operands = 3 : i64, tpu.core_type = #tpu.core_type<sc_vector_subcore>, window_params = [{transform_indices = #map}, {transform_indices = #map}, {transform_indices = #map}, {transform_indices = #map}]} {
    %mul3A = arith.constant 2 : i32
    %mul3A_0 = arith.muli %arg1, %mul3A : i32
    %add3A = arith.addi %mul3A_0, %arg0 : i32
    %mul3A_1 = arith.constant 632 : i32
    %mul3A_2 = arith.muli %arg1, %mul3A_1 : i32
    "tpu.region"() ({
      %run_scoped3A = tpu.sem_alloc : memref<!tpu.dma_semaphore, #tpu.memory_space<semaphore_mem>>
      %dma_start3A = arith.constant 0 : i32
      %dma_start3A_20 = arith.constant 0 : i32
      %dma_start3A_21 = tpu.memref_slice %arg7[%dma_start3A, %dma_start3A_20] : memref<1024x32xf32, #tpu.memory_space<vmem>> -> memref<632x32xf32, #tpu.memory_space<vmem>>
      %dma_start3A_22 = arith.constant 0 : i32
      %dma_start3A_23 = tpu.memref_slice %arg4[%mul3A_2, %dma_start3A_22] : memref<10112x32xf32, #tpu.memory_space<hbm>> -> memref<632x32xf32, #tpu.memory_space<hbm>>
      %dma_start3A_24 = arith.constant 0 : i32
      %dma_start3A_25 = arith.constant 0 : i32
      %dma_start3A_26 = tpu.memref_slice %arg7[%dma_start3A_24, %dma_start3A_25] : memref<1024x32xf32, #tpu.memory_space<vmem>> -> memref<632x32xf32, #tpu.memory_space<vmem>>
      %dma_start3A_27 = arith.constant 0 : i32
      %dma_start3A_28 = tpu.memref_slice %arg4[%mul3A_2, %dma_start3A_27] : memref<10112x32xf32, #tpu.memory_space<hbm>> -> memref<632x32xf32, #tpu.memory_space<hbm>>
      tpu.enqueue_dma source(%dma_start3A_28 : memref<632x32xf32, #tpu.memory_space<hbm>>) target(%dma_start3A_26 : memref<632x32xf32, #tpu.memory_space<vmem>>) target_semaphore(%run_scoped3A : memref<!tpu.dma_semaphore, #tpu.memory_space<semaphore_mem>>)
      %dma_wait3A = arith.constant 0 : i32
      %dma_wait3A_29 = arith.constant 0 : i32
      %dma_wait3A_30 = tpu.memref_slice %arg7[%dma_wait3A, %dma_wait3A_29] : memref<1024x32xf32, #tpu.memory_space<vmem>> -> memref<632x32xf32, #tpu.memory_space<vmem>>
      %dma_wait3A_31 = arith.constant 0 : i32
      %dma_wait3A_32 = tpu.memref_slice %arg4[%mul3A_2, %dma_wait3A_31] : memref<10112x32xf32, #tpu.memory_space<hbm>> -> memref<632x32xf32, #tpu.memory_space<hbm>>
      %dma_wait3A_33 = arith.constant 0 : i32
      %dma_wait3A_34 = arith.constant 0 : i32
      %dma_wait3A_35 = tpu.memref_slice %arg7[%dma_wait3A_33, %dma_wait3A_34] : memref<1024x32xf32, #tpu.memory_space<vmem>> -> memref<632x32xf32, #tpu.memory_space<vmem>>
      %dma_wait3A_36 = arith.constant 0 : i32
      %dma_wait3A_37 = tpu.memref_slice %arg4[%mul3A_2, %dma_wait3A_36] : memref<10112x32xf32, #tpu.memory_space<hbm>> -> memref<632x32xf32, #tpu.memory_space<hbm>>
      tpu.wait_dma2 semaphore(%run_scoped3A : memref<!tpu.dma_semaphore, #tpu.memory_space<semaphore_mem>>) src(%dma_wait3A_37 : memref<632x32xf32, #tpu.memory_space<hbm>>) dst(%dma_wait3A_35 : memref<632x32xf32, #tpu.memory_space<vmem>>)
      tpu.yield
    }) : () -> ()
    %mul3A_3 = arith.constant 632 : i32
    %mul3A_4 = arith.muli %arg1, %mul3A_3 : i32
    "tpu.region"() ({
      %run_scoped3A = tpu.sem_alloc : memref<!tpu.dma_semaphore, #tpu.memory_space<semaphore_mem>>
      %dma_start3A = arith.constant 0 : i32
      %dma_start3A_20 = arith.constant 0 : i32
      %dma_start3A_21 = tpu.memref_slice %arg7[%dma_start3A, %dma_start3A_20] : memref<1024x32xf32, #tpu.memory_space<vmem>> -> memref<632x32xf32, #tpu.memory_space<vmem>>
      %dma_start3A_22 = arith.constant 0 : i32
      %dma_start3A_23 = tpu.memref_slice %arg8[%mul3A_4, %dma_start3A_22] : memref<10112x32xf32, #tpu.memory_space<vmem_shared>> -> memref<632x32xf32, #tpu.memory_space<vmem_shared>>
      %dma_start3A_24 = arith.constant 0 : i32
      %dma_start3A_25 = tpu.memref_slice %arg8[%mul3A_4, %dma_start3A_24] : memref<10112x32xf32, #tpu.memory_space<vmem_shared>> -> memref<632x32xf32, #tpu.memory_space<vmem_shared>>
      %dma_start3A_26 = arith.constant 0 : i32
      %dma_start3A_27 = arith.constant 0 : i32
      %dma_start3A_28 = tpu.memref_slice %arg7[%dma_start3A_26, %dma_start3A_27] : memref<1024x32xf32, #tpu.memory_space<vmem>> -> memref<632x32xf32, #tpu.memory_space<vmem>>
      tpu.enqueue_dma source(%dma_start3A_28 : memref<632x32xf32, #tpu.memory_space<vmem>>) target(%dma_start3A_25 : memref<632x32xf32, #tpu.memory_space<vmem_shared>>) target_semaphore(%run_scoped3A : memref<!tpu.dma_semaphore, #tpu.memory_space<semaphore_mem>>)
      %dma_wait3A = arith.constant 0 : i32
      %dma_wait3A_29 = arith.constant 0 : i32
      %dma_wait3A_30 = tpu.memref_slice %arg7[%dma_wait3A, %dma_wait3A_29] : memref<1024x32xf32, #tpu.memory_space<vmem>> -> memref<632x32xf32, #tpu.memory_space<vmem>>
      %dma_wait3A_31 = arith.constant 0 : i32
      %dma_wait3A_32 = tpu.memref_slice %arg8[%mul3A_4, %dma_wait3A_31] : memref<10112x32xf32, #tpu.memory_space<vmem_shared>> -> memref<632x32xf32, #tpu.memory_space<vmem_shared>>
      %dma_wait3A_33 = arith.constant 0 : i32
      %dma_wait3A_34 = tpu.memref_slice %arg8[%mul3A_4, %dma_wait3A_33] : memref<10112x32xf32, #tpu.memory_space<vmem_shared>> -> memref<632x32xf32, #tpu.memory_space<vmem_shared>>
      %dma_wait3A_35 = arith.constant 0 : i32
      %dma_wait3A_36 = arith.constant 0 : i32
      %dma_wait3A_37 = tpu.memref_slice %arg7[%dma_wait3A_35, %dma_wait3A_36] : memref<1024x32xf32, #tpu.memory_space<vmem>> -> memref<632x32xf32, #tpu.memory_space<vmem>>
      tpu.wait_dma2 semaphore(%run_scoped3A : memref<!tpu.dma_semaphore, #tpu.memory_space<semaphore_mem>>) src(%dma_wait3A_37 : memref<632x32xf32, #tpu.memory_space<vmem>>) dst(%dma_wait3A_34 : memref<632x32xf32, #tpu.memory_space<vmem_shared>>)
      tpu.yield
    }) : () -> ()
    %barrier3A = arith.constant 0 : index
    tpu.barrier barrier_id(%barrier3A)
    %mul3A_5 = arith.constant 40 : i32
    %mul3A_6 = arith.muli %add3A, %mul3A_5 : i32
    "tpu.region"() ({
      %run_scoped3A = tpu.sem_alloc : memref<!tpu.dma_semaphore, #tpu.memory_space<semaphore_mem>>
      %dma_start3A = arith.constant 0 : i32
      %dma_start3A_20 = tpu.memref_slice %arg3[%mul3A_6, %dma_start3A] : memref<1280x128xi32, #tpu.memory_space<hbm>> -> memref<40x128xi32, #tpu.memory_space<hbm>>
      %dma_start3A_21 = arith.constant 0 : i32
      %dma_start3A_22 = tpu.memref_slice %arg3[%mul3A_6, %dma_start3A_21] : memref<1280x128xi32, #tpu.memory_space<hbm>> -> memref<40x128xi32, #tpu.memory_space<hbm>>
      tpu.enqueue_dma source(%dma_start3A_22 : memref<40x128xi32, #tpu.memory_space<hbm>>) target(%arg6 : memref<40x128xi32, #tpu.memory_space<vmem>>) target_semaphore(%run_scoped3A : memref<!tpu.dma_semaphore, #tpu.memory_space<semaphore_mem>>)
      %dma_wait3A = arith.constant 0 : i32
      %dma_wait3A_23 = tpu.memref_slice %arg3[%mul3A_6, %dma_wait3A] : memref<1280x128xi32, #tpu.memory_space<hbm>> -> memref<40x128xi32, #tpu.memory_space<hbm>>
      %dma_wait3A_24 = arith.constant 0 : i32
      %dma_wait3A_25 = tpu.memref_slice %arg3[%mul3A_6, %dma_wait3A_24] : memref<1280x128xi32, #tpu.memory_space<hbm>> -> memref<40x128xi32, #tpu.memory_space<hbm>>
      tpu.wait_dma2 semaphore(%run_scoped3A : memref<!tpu.dma_semaphore, #tpu.memory_space<semaphore_mem>>) src(%dma_wait3A_25 : memref<40x128xi32, #tpu.memory_space<hbm>>) dst(%arg6 : memref<40x128xi32, #tpu.memory_space<vmem>>)
      tpu.yield
    }) : () -> ()
    %scan3A = arith.constant 0 : i32
    %scan3A_7 = arith.constant 0 : i32
    %scan3A_8 = arith.constant 5 : i32
    %scan3A_9 = arith.addi %scan3A_7, %scan3A_8 : i32
    %scan3A_10 = arith.constant 1 : i32
    scf.for %scan3A_20 = %scan3A_7 to %scan3A_9 step %scan3A_10  : i32 {
      %mul3A_21 = arith.constant 5120 : i32
      %mul3A_22 = arith.muli %add3A, %mul3A_21 : i32
      %mul3A_23 = arith.constant 1024 : i32
      %mul3A_24 = arith.muli %scan3A_20, %mul3A_23 : i32
      %add3A_25 = arith.addi %mul3A_22, %mul3A_24 : i32
      "tpu.region"() ({
        %run_scoped3A = tpu.sem_alloc : memref<!tpu.dma_semaphore, #tpu.memory_space<semaphore_mem>>
        %dma_start3A = arith.constant 0 : i32
        %dma_start3A_58 = tpu.memref_slice %arg2[%add3A_25, %dma_start3A] : memref<163840x32xf32, #tpu.memory_space<hbm>> -> memref<1024x32xf32, #tpu.memory_space<hbm>>
        %dma_start3A_59 = arith.constant 0 : i32
        %dma_start3A_60 = tpu.memref_slice %arg2[%add3A_25, %dma_start3A_59] : memref<163840x32xf32, #tpu.memory_space<hbm>> -> memref<1024x32xf32, #tpu.memory_space<hbm>>
        tpu.enqueue_dma source(%dma_start3A_60 : memref<1024x32xf32, #tpu.memory_space<hbm>>) target(%arg7 : memref<1024x32xf32, #tpu.memory_space<vmem>>) target_semaphore(%run_scoped3A : memref<!tpu.dma_semaphore, #tpu.memory_space<semaphore_mem>>)
        %dma_wait3A = arith.constant 0 : i32
        %dma_wait3A_61 = tpu.memref_slice %arg2[%add3A_25, %dma_wait3A] : memref<163840x32xf32, #tpu.memory_space<hbm>> -> memref<1024x32xf32, #tpu.memory_space<hbm>>
        %dma_wait3A_62 = arith.constant 0 : i32
        %dma_wait3A_63 = tpu.memref_slice %arg2[%add3A_25, %dma_wait3A_62] : memref<163840x32xf32, #tpu.memory_space<hbm>> -> memref<1024x32xf32, #tpu.memory_space<hbm>>
        tpu.wait_dma2 semaphore(%run_scoped3A : memref<!tpu.dma_semaphore, #tpu.memory_space<semaphore_mem>>) src(%dma_wait3A_63 : memref<1024x32xf32, #tpu.memory_space<hbm>>) dst(%arg7 : memref<1024x32xf32, #tpu.memory_space<vmem>>)
        tpu.yield
      }) : () -> ()
      %mul3A_26 = arith.constant 8 : i32
      %mul3A_27 = arith.muli %scan3A_20, %mul3A_26 : i32
      %add3A_28 = arith.constant 0 : i32
      %add3A_29 = arith.addi %mul3A_27, %add3A_28 : i32
      "tpu.region"() ({
        %run_scoped3A = tpu.sem_alloc : memref<!tpu.dma_semaphore, #tpu.memory_space<semaphore_mem>>
        %dma_start3A = arith.constant 0 : i32
        %dma_start3A_58 = arith.constant 0 : i32
        %dma_start3A_59 = tpu.memref_slice %arg7[%dma_start3A, %dma_start3A_58] : memref<1024x32xf32, #tpu.memory_space<vmem>> -> memref<128x32xf32, #tpu.memory_space<vmem>>
        %dma_start3A_60 = arith.constant 0 : i32
        %dma_start3A_61 = tpu.memref_slice %arg6[%add3A_29, %dma_start3A_60] : memref<40x128xi32, #tpu.memory_space<vmem>> -> memref<1x128xi32, #tpu.memory_space<vmem>>
        %dma_start3A_62 = tpu.memref_squeeze %dma_start3A_61 : memref<1x128xi32, #tpu.memory_space<vmem>> -> memref<128xi32, #tpu.memory_space<vmem>>
        %dma_start3A_63 = arith.constant 0 : i32
        %dma_start3A_64 = arith.constant 0 : i32
        %dma_start3A_65 = tpu.memref_slice %arg8[%dma_start3A_63, %dma_start3A_64] : memref<10112x32xf32, #tpu.memory_space<vmem_shared>> -> memref<10112x32xf32, #tpu.memory_space<vmem_shared>>
        tpu.enqueue_indirect_dma source(%dma_start3A_59 : memref<128x32xf32, #tpu.memory_space<vmem>>) target(%dma_start3A_65 : memref<10112x32xf32, #tpu.memory_space<vmem_shared>>) offsets(%dma_start3A_62 : memref<128xi32, #tpu.memory_space<vmem>>) semaphore(%run_scoped3A : memref<!tpu.dma_semaphore, #tpu.memory_space<semaphore_mem>>) {add = true}
        %dma_wait3A = arith.constant 0 : i32
        %dma_wait3A_66 = arith.constant 0 : i32
        %dma_wait3A_67 = tpu.memref_slice %arg7[%dma_wait3A, %dma_wait3A_66] : memref<1024x32xf32, #tpu.memory_space<vmem>> -> memref<128x32xf32, #tpu.memory_space<vmem>>
        %dma_wait3A_68 = arith.constant 0 : i32
        %dma_wait3A_69 = tpu.memref_slice %arg6[%add3A_29, %dma_wait3A_68] : memref<40x128xi32, #tpu.memory_space<vmem>> -> memref<1x128xi32, #tpu.memory_space<vmem>>
        %dma_wait3A_70 = tpu.memref_squeeze %dma_wait3A_69 : memref<1x128xi32, #tpu.memory_space<vmem>> -> memref<128xi32, #tpu.memory_space<vmem>>
        %dma_wait3A_71 = arith.constant 0 : i32
        %dma_wait3A_72 = arith.constant 0 : i32
        %dma_wait3A_73 = tpu.memref_slice %arg8[%dma_wait3A_71, %dma_wait3A_72] : memref<10112x32xf32, #tpu.memory_space<vmem_shared>> -> memref<10112x32xf32, #tpu.memory_space<vmem_shared>>
        tpu.wait_indirect_dma semaphore(%run_scoped3A : memref<!tpu.dma_semaphore, #tpu.memory_space<semaphore_mem>>) src(%dma_wait3A_67 : memref<128x32xf32, #tpu.memory_space<vmem>>) dst(%dma_wait3A_73 : memref<10112x32xf32, #tpu.memory_space<vmem_shared>>)
        tpu.yield
      }) : () -> ()
      %mul3A_30 = arith.constant 8 : i32
      %mul3A_31 = arith.muli %scan3A_20, %mul3A_30 : i32
      %add3A_32 = arith.constant 1 : i32
      %add3A_33 = arith.addi %mul3A_31, %add3A_32 : i32
      "tpu.region"() ({
        %run_scoped3A = tpu.sem_alloc : memref<!tpu.dma_semaphore, #tpu.memory_space<semaphore_mem>>
        %dma_start3A = arith.constant 128 : i32
        %dma_start3A_58 = arith.constant 0 : i32
        %dma_start3A_59 = tpu.memref_slice %arg7[%dma_start3A, %dma_start3A_58] : memref<1024x32xf32, #tpu.memory_space<vmem>> -> memref<128x32xf32, #tpu.memory_space<vmem>>
        %dma_start3A_60 = arith.constant 0 : i32
        %dma_start3A_61 = tpu.memref_slice %arg6[%add3A_33, %dma_start3A_60] : memref<40x128xi32, #tpu.memory_space<vmem>> -> memref<1x128xi32, #tpu.memory_space<vmem>>
        %dma_start3A_62 = tpu.memref_squeeze %dma_start3A_61 : memref<1x128xi32, #tpu.memory_space<vmem>> -> memref<128xi32, #tpu.memory_space<vmem>>
        %dma_start3A_63 = arith.constant 0 : i32
        %dma_start3A_64 = arith.constant 0 : i32
        %dma_start3A_65 = tpu.memref_slice %arg8[%dma_start3A_63, %dma_start3A_64] : memref<10112x32xf32, #tpu.memory_space<vmem_shared>> -> memref<10112x32xf32, #tpu.memory_space<vmem_shared>>
        tpu.enqueue_indirect_dma source(%dma_start3A_59 : memref<128x32xf32, #tpu.memory_space<vmem>>) target(%dma_start3A_65 : memref<10112x32xf32, #tpu.memory_space<vmem_shared>>) offsets(%dma_start3A_62 : memref<128xi32, #tpu.memory_space<vmem>>) semaphore(%run_scoped3A : memref<!tpu.dma_semaphore, #tpu.memory_space<semaphore_mem>>) {add = true}
        %dma_wait3A = arith.constant 128 : i32
        %dma_wait3A_66 = arith.constant 0 : i32
        %dma_wait3A_67 = tpu.memref_slice %arg7[%dma_wait3A, %dma_wait3A_66] : memref<1024x32xf32, #tpu.memory_space<vmem>> -> memref<128x32xf32, #tpu.memory_space<vmem>>
        %dma_wait3A_68 = arith.constant 0 : i32
        %dma_wait3A_69 = tpu.memref_slice %arg6[%add3A_33, %dma_wait3A_68] : memref<40x128xi32, #tpu.memory_space<vmem>> -> memref<1x128xi32, #tpu.memory_space<vmem>>
        %dma_wait3A_70 = tpu.memref_squeeze %dma_wait3A_69 : memref<1x128xi32, #tpu.memory_space<vmem>> -> memref<128xi32, #tpu.memory_space<vmem>>
        %dma_wait3A_71 = arith.constant 0 : i32
        %dma_wait3A_72 = arith.constant 0 : i32
        %dma_wait3A_73 = tpu.memref_slice %arg8[%dma_wait3A_71, %dma_wait3A_72] : memref<10112x32xf32, #tpu.memory_space<vmem_shared>> -> memref<10112x32xf32, #tpu.memory_space<vmem_shared>>
        tpu.wait_indirect_dma semaphore(%run_scoped3A : memref<!tpu.dma_semaphore, #tpu.memory_space<semaphore_mem>>) src(%dma_wait3A_67 : memref<128x32xf32, #tpu.memory_space<vmem>>) dst(%dma_wait3A_73 : memref<10112x32xf32, #tpu.memory_space<vmem_shared>>)
        tpu.yield
      }) : () -> ()
      %mul3A_34 = arith.constant 8 : i32
      %mul3A_35 = arith.muli %scan3A_20, %mul3A_34 : i32
      %add3A_36 = arith.constant 2 : i32
      %add3A_37 = arith.addi %mul3A_35, %add3A_36 : i32
      "tpu.region"() ({
        %run_scoped3A = tpu.sem_alloc : memref<!tpu.dma_semaphore, #tpu.memory_space<semaphore_mem>>
        %dma_start3A = arith.constant 256 : i32
        %dma_start3A_58 = arith.constant 0 : i32
        %dma_start3A_59 = tpu.memref_slice %arg7[%dma_start3A, %dma_start3A_58] : memref<1024x32xf32, #tpu.memory_space<vmem>> -> memref<128x32xf32, #tpu.memory_space<vmem>>
        %dma_start3A_60 = arith.constant 0 : i32
        %dma_start3A_61 = tpu.memref_slice %arg6[%add3A_37, %dma_start3A_60] : memref<40x128xi32, #tpu.memory_space<vmem>> -> memref<1x128xi32, #tpu.memory_space<vmem>>
        %dma_start3A_62 = tpu.memref_squeeze %dma_start3A_61 : memref<1x128xi32, #tpu.memory_space<vmem>> -> memref<128xi32, #tpu.memory_space<vmem>>
        %dma_start3A_63 = arith.constant 0 : i32
        %dma_start3A_64 = arith.constant 0 : i32
        %dma_start3A_65 = tpu.memref_slice %arg8[%dma_start3A_63, %dma_start3A_64] : memref<10112x32xf32, #tpu.memory_space<vmem_shared>> -> memref<10112x32xf32, #tpu.memory_space<vmem_shared>>
        tpu.enqueue_indirect_dma source(%dma_start3A_59 : memref<128x32xf32, #tpu.memory_space<vmem>>) target(%dma_start3A_65 : memref<10112x32xf32, #tpu.memory_space<vmem_shared>>) offsets(%dma_start3A_62 : memref<128xi32, #tpu.memory_space<vmem>>) semaphore(%run_scoped3A : memref<!tpu.dma_semaphore, #tpu.memory_space<semaphore_mem>>) {add = true}
        %dma_wait3A = arith.constant 256 : i32
        %dma_wait3A_66 = arith.constant 0 : i32
        %dma_wait3A_67 = tpu.memref_slice %arg7[%dma_wait3A, %dma_wait3A_66] : memref<1024x32xf32, #tpu.memory_space<vmem>> -> memref<128x32xf32, #tpu.memory_space<vmem>>
        %dma_wait3A_68 = arith.constant 0 : i32
        %dma_wait3A_69 = tpu.memref_slice %arg6[%add3A_37, %dma_wait3A_68] : memref<40x128xi32, #tpu.memory_space<vmem>> -> memref<1x128xi32, #tpu.memory_space<vmem>>
        %dma_wait3A_70 = tpu.memref_squeeze %dma_wait3A_69 : memref<1x128xi32, #tpu.memory_space<vmem>> -> memref<128xi32, #tpu.memory_space<vmem>>
        %dma_wait3A_71 = arith.constant 0 : i32
        %dma_wait3A_72 = arith.constant 0 : i32
        %dma_wait3A_73 = tpu.memref_slice %arg8[%dma_wait3A_71, %dma_wait3A_72] : memref<10112x32xf32, #tpu.memory_space<vmem_shared>> -> memref<10112x32xf32, #tpu.memory_space<vmem_shared>>
        tpu.wait_indirect_dma semaphore(%run_scoped3A : memref<!tpu.dma_semaphore, #tpu.memory_space<semaphore_mem>>) src(%dma_wait3A_67 : memref<128x32xf32, #tpu.memory_space<vmem>>) dst(%dma_wait3A_73 : memref<10112x32xf32, #tpu.memory_space<vmem_shared>>)
        tpu.yield
      }) : () -> ()
      %mul3A_38 = arith.constant 8 : i32
      %mul3A_39 = arith.muli %scan3A_20, %mul3A_38 : i32
      %add3A_40 = arith.constant 3 : i32
      %add3A_41 = arith.addi %mul3A_39, %add3A_40 : i32
      "tpu.region"() ({
        %run_scoped3A = tpu.sem_alloc : memref<!tpu.dma_semaphore, #tpu.memory_space<semaphore_mem>>
        %dma_start3A = arith.constant 384 : i32
        %dma_start3A_58 = arith.constant 0 : i32
        %dma_start3A_59 = tpu.memref_slice %arg7[%dma_start3A, %dma_start3A_58] : memref<1024x32xf32, #tpu.memory_space<vmem>> -> memref<128x32xf32, #tpu.memory_space<vmem>>
        %dma_start3A_60 = arith.constant 0 : i32
        %dma_start3A_61 = tpu.memref_slice %arg6[%add3A_41, %dma_start3A_60] : memref<40x128xi32, #tpu.memory_space<vmem>> -> memref<1x128xi32, #tpu.memory_space<vmem>>
        %dma_start3A_62 = tpu.memref_squeeze %dma_start3A_61 : memref<1x128xi32, #tpu.memory_space<vmem>> -> memref<128xi32, #tpu.memory_space<vmem>>
        %dma_start3A_63 = arith.constant 0 : i32
        %dma_start3A_64 = arith.constant 0 : i32
        %dma_start3A_65 = tpu.memref_slice %arg8[%dma_start3A_63, %dma_start3A_64] : memref<10112x32xf32, #tpu.memory_space<vmem_shared>> -> memref<10112x32xf32, #tpu.memory_space<vmem_shared>>
        tpu.enqueue_indirect_dma source(%dma_start3A_59 : memref<128x32xf32, #tpu.memory_space<vmem>>) target(%dma_start3A_65 : memref<10112x32xf32, #tpu.memory_space<vmem_shared>>) offsets(%dma_start3A_62 : memref<128xi32, #tpu.memory_space<vmem>>) semaphore(%run_scoped3A : memref<!tpu.dma_semaphore, #tpu.memory_space<semaphore_mem>>) {add = true}
        %dma_wait3A = arith.constant 384 : i32
        %dma_wait3A_66 = arith.constant 0 : i32
        %dma_wait3A_67 = tpu.memref_slice %arg7[%dma_wait3A, %dma_wait3A_66] : memref<1024x32xf32, #tpu.memory_space<vmem>> -> memref<128x32xf32, #tpu.memory_space<vmem>>
        %dma_wait3A_68 = arith.constant 0 : i32
        %dma_wait3A_69 = tpu.memref_slice %arg6[%add3A_41, %dma_wait3A_68] : memref<40x128xi32, #tpu.memory_space<vmem>> -> memref<1x128xi32, #tpu.memory_space<vmem>>
        %dma_wait3A_70 = tpu.memref_squeeze %dma_wait3A_69 : memref<1x128xi32, #tpu.memory_space<vmem>> -> memref<128xi32, #tpu.memory_space<vmem>>
        %dma_wait3A_71 = arith.constant 0 : i32
        %dma_wait3A_72 = arith.constant 0 : i32
        %dma_wait3A_73 = tpu.memref_slice %arg8[%dma_wait3A_71, %dma_wait3A_72] : memref<10112x32xf32, #tpu.memory_space<vmem_shared>> -> memref<10112x32xf32, #tpu.memory_space<vmem_shared>>
        tpu.wait_indirect_dma semaphore(%run_scoped3A : memref<!tpu.dma_semaphore, #tpu.memory_space<semaphore_mem>>) src(%dma_wait3A_67 : memref<128x32xf32, #tpu.memory_space<vmem>>) dst(%dma_wait3A_73 : memref<10112x32xf32, #tpu.memory_space<vmem_shared>>)
        tpu.yield
      }) : () -> ()
      %mul3A_42 = arith.constant 8 : i32
      %mul3A_43 = arith.muli %scan3A_20, %mul3A_42 : i32
      %add3A_44 = arith.constant 4 : i32
      %add3A_45 = arith.addi %mul3A_43, %add3A_44 : i32
      "tpu.region"() ({
        %run_scoped3A = tpu.sem_alloc : memref<!tpu.dma_semaphore, #tpu.memory_space<semaphore_mem>>
        %dma_start3A = arith.constant 512 : i32
        %dma_start3A_58 = arith.constant 0 : i32
        %dma_start3A_59 = tpu.memref_slice %arg7[%dma_start3A, %dma_start3A_58] : memref<1024x32xf32, #tpu.memory_space<vmem>> -> memref<128x32xf32, #tpu.memory_space<vmem>>
        %dma_start3A_60 = arith.constant 0 : i32
        %dma_start3A_61 = tpu.memref_slice %arg6[%add3A_45, %dma_start3A_60] : memref<40x128xi32, #tpu.memory_space<vmem>> -> memref<1x128xi32, #tpu.memory_space<vmem>>
        %dma_start3A_62 = tpu.memref_squeeze %dma_start3A_61 : memref<1x128xi32, #tpu.memory_space<vmem>> -> memref<128xi32, #tpu.memory_space<vmem>>
        %dma_start3A_63 = arith.constant 0 : i32
        %dma_start3A_64 = arith.constant 0 : i32
        %dma_start3A_65 = tpu.memref_slice %arg8[%dma_start3A_63, %dma_start3A_64] : memref<10112x32xf32, #tpu.memory_space<vmem_shared>> -> memref<10112x32xf32, #tpu.memory_space<vmem_shared>>
        tpu.enqueue_indirect_dma source(%dma_start3A_59 : memref<128x32xf32, #tpu.memory_space<vmem>>) target(%dma_start3A_65 : memref<10112x32xf32, #tpu.memory_space<vmem_shared>>) offsets(%dma_start3A_62 : memref<128xi32, #tpu.memory_space<vmem>>) semaphore(%run_scoped3A : memref<!tpu.dma_semaphore, #tpu.memory_space<semaphore_mem>>) {add = true}
        %dma_wait3A = arith.constant 512 : i32
        %dma_wait3A_66 = arith.constant 0 : i32
        %dma_wait3A_67 = tpu.memref_slice %arg7[%dma_wait3A, %dma_wait3A_66] : memref<1024x32xf32, #tpu.memory_space<vmem>> -> memref<128x32xf32, #tpu.memory_space<vmem>>
        %dma_wait3A_68 = arith.constant 0 : i32
        %dma_wait3A_69 = tpu.memref_slice %arg6[%add3A_45, %dma_wait3A_68] : memref<40x128xi32, #tpu.memory_space<vmem>> -> memref<1x128xi32, #tpu.memory_space<vmem>>
        %dma_wait3A_70 = tpu.memref_squeeze %dma_wait3A_69 : memref<1x128xi32, #tpu.memory_space<vmem>> -> memref<128xi32, #tpu.memory_space<vmem>>
        %dma_wait3A_71 = arith.constant 0 : i32
        %dma_wait3A_72 = arith.constant 0 : i32
        %dma_wait3A_73 = tpu.memref_slice %arg8[%dma_wait3A_71, %dma_wait3A_72] : memref<10112x32xf32, #tpu.memory_space<vmem_shared>> -> memref<10112x32xf32, #tpu.memory_space<vmem_shared>>
        tpu.wait_indirect_dma semaphore(%run_scoped3A : memref<!tpu.dma_semaphore, #tpu.memory_space<semaphore_mem>>) src(%dma_wait3A_67 : memref<128x32xf32, #tpu.memory_space<vmem>>) dst(%dma_wait3A_73 : memref<10112x32xf32, #tpu.memory_space<vmem_shared>>)
        tpu.yield
      }) : () -> ()
      %mul3A_46 = arith.constant 8 : i32
      %mul3A_47 = arith.muli %scan3A_20, %mul3A_46 : i32
      %add3A_48 = arith.constant 5 : i32
      %add3A_49 = arith.addi %mul3A_47, %add3A_48 : i32
      "tpu.region"() ({
        %run_scoped3A = tpu.sem_alloc : memref<!tpu.dma_semaphore, #tpu.memory_space<semaphore_mem>>
        %dma_start3A = arith.constant 640 : i32
        %dma_start3A_58 = arith.constant 0 : i32
        %dma_start3A_59 = tpu.memref_slice %arg7[%dma_start3A, %dma_start3A_58] : memref<1024x32xf32, #tpu.memory_space<vmem>> -> memref<128x32xf32, #tpu.memory_space<vmem>>
        %dma_start3A_60 = arith.constant 0 : i32
        %dma_start3A_61 = tpu.memref_slice %arg6[%add3A_49, %dma_start3A_60] : memref<40x128xi32, #tpu.memory_space<vmem>> -> memref<1x128xi32, #tpu.memory_space<vmem>>
        %dma_start3A_62 = tpu.memref_squeeze %dma_start3A_61 : memref<1x128xi32, #tpu.memory_space<vmem>> -> memref<128xi32, #tpu.memory_space<vmem>>
        %dma_start3A_63 = arith.constant 0 : i32
        %dma_start3A_64 = arith.constant 0 : i32
        %dma_start3A_65 = tpu.memref_slice %arg8[%dma_start3A_63, %dma_start3A_64] : memref<10112x32xf32, #tpu.memory_space<vmem_shared>> -> memref<10112x32xf32, #tpu.memory_space<vmem_shared>>
        tpu.enqueue_indirect_dma source(%dma_start3A_59 : memref<128x32xf32, #tpu.memory_space<vmem>>) target(%dma_start3A_65 : memref<10112x32xf32, #tpu.memory_space<vmem_shared>>) offsets(%dma_start3A_62 : memref<128xi32, #tpu.memory_space<vmem>>) semaphore(%run_scoped3A : memref<!tpu.dma_semaphore, #tpu.memory_space<semaphore_mem>>) {add = true}
        %dma_wait3A = arith.constant 640 : i32
        %dma_wait3A_66 = arith.constant 0 : i32
        %dma_wait3A_67 = tpu.memref_slice %arg7[%dma_wait3A, %dma_wait3A_66] : memref<1024x32xf32, #tpu.memory_space<vmem>> -> memref<128x32xf32, #tpu.memory_space<vmem>>
        %dma_wait3A_68 = arith.constant 0 : i32
        %dma_wait3A_69 = tpu.memref_slice %arg6[%add3A_49, %dma_wait3A_68] : memref<40x128xi32, #tpu.memory_space<vmem>> -> memref<1x128xi32, #tpu.memory_space<vmem>>
        %dma_wait3A_70 = tpu.memref_squeeze %dma_wait3A_69 : memref<1x128xi32, #tpu.memory_space<vmem>> -> memref<128xi32, #tpu.memory_space<vmem>>
        %dma_wait3A_71 = arith.constant 0 : i32
        %dma_wait3A_72 = arith.constant 0 : i32
        %dma_wait3A_73 = tpu.memref_slice %arg8[%dma_wait3A_71, %dma_wait3A_72] : memref<10112x32xf32, #tpu.memory_space<vmem_shared>> -> memref<10112x32xf32, #tpu.memory_space<vmem_shared>>
        tpu.wait_indirect_dma semaphore(%run_scoped3A : memref<!tpu.dma_semaphore, #tpu.memory_space<semaphore_mem>>) src(%dma_wait3A_67 : memref<128x32xf32, #tpu.memory_space<vmem>>) dst(%dma_wait3A_73 : memref<10112x32xf32, #tpu.memory_space<vmem_shared>>)
        tpu.yield
      }) : () -> ()
      %mul3A_50 = arith.constant 8 : i32
      %mul3A_51 = arith.muli %scan3A_20, %mul3A_50 : i32
      %add3A_52 = arith.constant 6 : i32
      %add3A_53 = arith.addi %mul3A_51, %add3A_52 : i32
      "tpu.region"() ({
        %run_scoped3A = tpu.sem_alloc : memref<!tpu.dma_semaphore, #tpu.memory_space<semaphore_mem>>
        %dma_start3A = arith.constant 768 : i32
        %dma_start3A_58 = arith.constant 0 : i32
        %dma_start3A_59 = tpu.memref_slice %arg7[%dma_start3A, %dma_start3A_58] : memref<1024x32xf32, #tpu.memory_space<vmem>> -> memref<128x32xf32, #tpu.memory_space<vmem>>
        %dma_start3A_60 = arith.constant 0 : i32
        %dma_start3A_61 = tpu.memref_slice %arg6[%add3A_53, %dma_start3A_60] : memref<40x128xi32, #tpu.memory_space<vmem>> -> memref<1x128xi32, #tpu.memory_space<vmem>>
        %dma_start3A_62 = tpu.memref_squeeze %dma_start3A_61 : memref<1x128xi32, #tpu.memory_space<vmem>> -> memref<128xi32, #tpu.memory_space<vmem>>
        %dma_start3A_63 = arith.constant 0 : i32
        %dma_start3A_64 = arith.constant 0 : i32
        %dma_start3A_65 = tpu.memref_slice %arg8[%dma_start3A_63, %dma_start3A_64] : memref<10112x32xf32, #tpu.memory_space<vmem_shared>> -> memref<10112x32xf32, #tpu.memory_space<vmem_shared>>
        tpu.enqueue_indirect_dma source(%dma_start3A_59 : memref<128x32xf32, #tpu.memory_space<vmem>>) target(%dma_start3A_65 : memref<10112x32xf32, #tpu.memory_space<vmem_shared>>) offsets(%dma_start3A_62 : memref<128xi32, #tpu.memory_space<vmem>>) semaphore(%run_scoped3A : memref<!tpu.dma_semaphore, #tpu.memory_space<semaphore_mem>>) {add = true}
        %dma_wait3A = arith.constant 768 : i32
        %dma_wait3A_66 = arith.constant 0 : i32
        %dma_wait3A_67 = tpu.memref_slice %arg7[%dma_wait3A, %dma_wait3A_66] : memref<1024x32xf32, #tpu.memory_space<vmem>> -> memref<128x32xf32, #tpu.memory_space<vmem>>
        %dma_wait3A_68 = arith.constant 0 : i32
        %dma_wait3A_69 = tpu.memref_slice %arg6[%add3A_53, %dma_wait3A_68] : memref<40x128xi32, #tpu.memory_space<vmem>> -> memref<1x128xi32, #tpu.memory_space<vmem>>
        %dma_wait3A_70 = tpu.memref_squeeze %dma_wait3A_69 : memref<1x128xi32, #tpu.memory_space<vmem>> -> memref<128xi32, #tpu.memory_space<vmem>>
        %dma_wait3A_71 = arith.constant 0 : i32
        %dma_wait3A_72 = arith.constant 0 : i32
        %dma_wait3A_73 = tpu.memref_slice %arg8[%dma_wait3A_71, %dma_wait3A_72] : memref<10112x32xf32, #tpu.memory_space<vmem_shared>> -> memref<10112x32xf32, #tpu.memory_space<vmem_shared>>
        tpu.wait_indirect_dma semaphore(%run_scoped3A : memref<!tpu.dma_semaphore, #tpu.memory_space<semaphore_mem>>) src(%dma_wait3A_67 : memref<128x32xf32, #tpu.memory_space<vmem>>) dst(%dma_wait3A_73 : memref<10112x32xf32, #tpu.memory_space<vmem_shared>>)
        tpu.yield
      }) : () -> ()
      %mul3A_54 = arith.constant 8 : i32
      %mul3A_55 = arith.muli %scan3A_20, %mul3A_54 : i32
      %add3A_56 = arith.constant 7 : i32
      %add3A_57 = arith.addi %mul3A_55, %add3A_56 : i32
      "tpu.region"() ({
        %run_scoped3A = tpu.sem_alloc : memref<!tpu.dma_semaphore, #tpu.memory_space<semaphore_mem>>
        %dma_start3A = arith.constant 896 : i32
        %dma_start3A_58 = arith.constant 0 : i32
        %dma_start3A_59 = tpu.memref_slice %arg7[%dma_start3A, %dma_start3A_58] : memref<1024x32xf32, #tpu.memory_space<vmem>> -> memref<128x32xf32, #tpu.memory_space<vmem>>
        %dma_start3A_60 = arith.constant 0 : i32
        %dma_start3A_61 = tpu.memref_slice %arg6[%add3A_57, %dma_start3A_60] : memref<40x128xi32, #tpu.memory_space<vmem>> -> memref<1x128xi32, #tpu.memory_space<vmem>>
        %dma_start3A_62 = tpu.memref_squeeze %dma_start3A_61 : memref<1x128xi32, #tpu.memory_space<vmem>> -> memref<128xi32, #tpu.memory_space<vmem>>
        %dma_start3A_63 = arith.constant 0 : i32
        %dma_start3A_64 = arith.constant 0 : i32
        %dma_start3A_65 = tpu.memref_slice %arg8[%dma_start3A_63, %dma_start3A_64] : memref<10112x32xf32, #tpu.memory_space<vmem_shared>> -> memref<10112x32xf32, #tpu.memory_space<vmem_shared>>
        tpu.enqueue_indirect_dma source(%dma_start3A_59 : memref<128x32xf32, #tpu.memory_space<vmem>>) target(%dma_start3A_65 : memref<10112x32xf32, #tpu.memory_space<vmem_shared>>) offsets(%dma_start3A_62 : memref<128xi32, #tpu.memory_space<vmem>>) semaphore(%run_scoped3A : memref<!tpu.dma_semaphore, #tpu.memory_space<semaphore_mem>>) {add = true}
        %dma_wait3A = arith.constant 896 : i32
        %dma_wait3A_66 = arith.constant 0 : i32
        %dma_wait3A_67 = tpu.memref_slice %arg7[%dma_wait3A, %dma_wait3A_66] : memref<1024x32xf32, #tpu.memory_space<vmem>> -> memref<128x32xf32, #tpu.memory_space<vmem>>
        %dma_wait3A_68 = arith.constant 0 : i32
        %dma_wait3A_69 = tpu.memref_slice %arg6[%add3A_57, %dma_wait3A_68] : memref<40x128xi32, #tpu.memory_space<vmem>> -> memref<1x128xi32, #tpu.memory_space<vmem>>
        %dma_wait3A_70 = tpu.memref_squeeze %dma_wait3A_69 : memref<1x128xi32, #tpu.memory_space<vmem>> -> memref<128xi32, #tpu.memory_space<vmem>>
        %dma_wait3A_71 = arith.constant 0 : i32
        %dma_wait3A_72 = arith.constant 0 : i32
        %dma_wait3A_73 = tpu.memref_slice %arg8[%dma_wait3A_71, %dma_wait3A_72] : memref<10112x32xf32, #tpu.memory_space<vmem_shared>> -> memref<10112x32xf32, #tpu.memory_space<vmem_shared>>
        tpu.wait_indirect_dma semaphore(%run_scoped3A : memref<!tpu.dma_semaphore, #tpu.memory_space<semaphore_mem>>) src(%dma_wait3A_67 : memref<128x32xf32, #tpu.memory_space<vmem>>) dst(%dma_wait3A_73 : memref<10112x32xf32, #tpu.memory_space<vmem_shared>>)
        tpu.yield
      }) : () -> ()
    }
    %scan3A_11 = arith.constant 5 : i32
    %barrier3A_12 = arith.constant 0 : index
    tpu.barrier barrier_id(%barrier3A_12)
    %mul3A_13 = arith.constant 632 : i32
    %mul3A_14 = arith.muli %arg1, %mul3A_13 : i32
    "tpu.region"() ({
      %run_scoped3A = tpu.sem_alloc : memref<!tpu.dma_semaphore, #tpu.memory_space<semaphore_mem>>
      %dma_start3A = arith.constant 0 : i32
      %dma_start3A_20 = arith.constant 0 : i32
      %dma_start3A_21 = tpu.memref_slice %arg7[%dma_start3A, %dma_start3A_20] : memref<1024x32xf32, #tpu.memory_space<vmem>> -> memref<632x32xf32, #tpu.memory_space<vmem>>
      %dma_start3A_22 = arith.constant 0 : i32
      %dma_start3A_23 = tpu.memref_slice %arg8[%mul3A_14, %dma_start3A_22] : memref<10112x32xf32, #tpu.memory_space<vmem_shared>> -> memref<632x32xf32, #tpu.memory_space<vmem_shared>>
      %dma_start3A_24 = arith.constant 0 : i32
      %dma_start3A_25 = arith.constant 0 : i32
      %dma_start3A_26 = tpu.memref_slice %arg7[%dma_start3A_24, %dma_start3A_25] : memref<1024x32xf32, #tpu.memory_space<vmem>> -> memref<632x32xf32, #tpu.memory_space<vmem>>
      %dma_start3A_27 = arith.constant 0 : i32
      %dma_start3A_28 = tpu.memref_slice %arg8[%mul3A_14, %dma_start3A_27] : memref<10112x32xf32, #tpu.memory_space<vmem_shared>> -> memref<632x32xf32, #tpu.memory_space<vmem_shared>>
      tpu.enqueue_dma source(%dma_start3A_28 : memref<632x32xf32, #tpu.memory_space<vmem_shared>>) target(%dma_start3A_26 : memref<632x32xf32, #tpu.memory_space<vmem>>) target_semaphore(%run_scoped3A : memref<!tpu.dma_semaphore, #tpu.memory_space<semaphore_mem>>)
      %dma_wait3A = arith.constant 0 : i32
      %dma_wait3A_29 = arith.constant 0 : i32
      %dma_wait3A_30 = tpu.memref_slice %arg7[%dma_wait3A, %dma_wait3A_29] : memref<1024x32xf32, #tpu.memory_space<vmem>> -> memref<632x32xf32, #tpu.memory_space<vmem>>
      %dma_wait3A_31 = arith.constant 0 : i32
      %dma_wait3A_32 = tpu.memref_slice %arg8[%mul3A_14, %dma_wait3A_31] : memref<10112x32xf32, #tpu.memory_space<vmem_shared>> -> memref<632x32xf32, #tpu.memory_space<vmem_shared>>
      %dma_wait3A_33 = arith.constant 0 : i32
      %dma_wait3A_34 = arith.constant 0 : i32
      %dma_wait3A_35 = tpu.memref_slice %arg7[%dma_wait3A_33, %dma_wait3A_34] : memref<1024x32xf32, #tpu.memory_space<vmem>> -> memref<632x32xf32, #tpu.memory_space<vmem>>
      %dma_wait3A_36 = arith.constant 0 : i32
      %dma_wait3A_37 = tpu.memref_slice %arg8[%mul3A_14, %dma_wait3A_36] : memref<10112x32xf32, #tpu.memory_space<vmem_shared>> -> memref<632x32xf32, #tpu.memory_space<vmem_shared>>
      tpu.wait_dma2 semaphore(%run_scoped3A : memref<!tpu.dma_semaphore, #tpu.memory_space<semaphore_mem>>) src(%dma_wait3A_37 : memref<632x32xf32, #tpu.memory_space<vmem_shared>>) dst(%dma_wait3A_35 : memref<632x32xf32, #tpu.memory_space<vmem>>)
      tpu.yield
    }) : () -> ()
    %mul3A_15 = arith.constant 10112 : i32
    %mul3A_16 = arith.muli %arg0, %mul3A_15 : i32
    %mul3A_17 = arith.constant 632 : i32
    %mul3A_18 = arith.muli %arg1, %mul3A_17 : i32
    %add3A_19 = arith.addi %mul3A_16, %mul3A_18 : i32
    "tpu.region"() ({
      %run_scoped3A = tpu.sem_alloc : memref<!tpu.dma_semaphore, #tpu.memory_space<semaphore_mem>>
      %dma_start3A = arith.constant 0 : i32
      %dma_start3A_20 = arith.constant 0 : i32
      %dma_start3A_21 = tpu.memref_slice %arg7[%dma_start3A, %dma_start3A_20] : memref<1024x32xf32, #tpu.memory_space<vmem>> -> memref<632x32xf32, #tpu.memory_space<vmem>>
      %dma_start3A_22 = arith.constant 0 : i32
      %dma_start3A_23 = tpu.memref_slice %arg5[%add3A_19, %dma_start3A_22] : memref<20224x32xf32, #tpu.memory_space<hbm>> -> memref<632x32xf32, #tpu.memory_space<hbm>>
      %dma_start3A_24 = arith.constant 0 : i32
      %dma_start3A_25 = tpu.memref_slice %arg5[%add3A_19, %dma_start3A_24] : memref<20224x32xf32, #tpu.memory_space<hbm>> -> memref<632x32xf32, #tpu.memory_space<hbm>>
      %dma_start3A_26 = arith.constant 0 : i32
      %dma_start3A_27 = arith.constant 0 : i32
      %dma_start3A_28 = tpu.memref_slice %arg7[%dma_start3A_26, %dma_start3A_27] : memref<1024x32xf32, #tpu.memory_space<vmem>> -> memref<632x32xf32, #tpu.memory_space<vmem>>
      tpu.enqueue_dma source(%dma_start3A_28 : memref<632x32xf32, #tpu.memory_space<vmem>>) target(%dma_start3A_25 : memref<632x32xf32, #tpu.memory_space<hbm>>) target_semaphore(%run_scoped3A : memref<!tpu.dma_semaphore, #tpu.memory_space<semaphore_mem>>)
      %dma_wait3A = arith.constant 0 : i32
      %dma_wait3A_29 = arith.constant 0 : i32
      %dma_wait3A_30 = tpu.memref_slice %arg7[%dma_wait3A, %dma_wait3A_29] : memref<1024x32xf32, #tpu.memory_space<vmem>> -> memref<632x32xf32, #tpu.memory_space<vmem>>
      %dma_wait3A_31 = arith.constant 0 : i32
      %dma_wait3A_32 = tpu.memref_slice %arg5[%add3A_19, %dma_wait3A_31] : memref<20224x32xf32, #tpu.memory_space<hbm>> -> memref<632x32xf32, #tpu.memory_space<hbm>>
      %dma_wait3A_33 = arith.constant 0 : i32
      %dma_wait3A_34 = tpu.memref_slice %arg5[%add3A_19, %dma_wait3A_33] : memref<20224x32xf32, #tpu.memory_space<hbm>> -> memref<632x32xf32, #tpu.memory_space<hbm>>
      %dma_wait3A_35 = arith.constant 0 : i32
      %dma_wait3A_36 = arith.constant 0 : i32
      %dma_wait3A_37 = tpu.memref_slice %arg7[%dma_wait3A_35, %dma_wait3A_36] : memref<1024x32xf32, #tpu.memory_space<vmem>> -> memref<632x32xf32, #tpu.memory_space<vmem>>
      tpu.wait_dma2 semaphore(%run_scoped3A : memref<!tpu.dma_semaphore, #tpu.memory_space<semaphore_mem>>) src(%dma_wait3A_37 : memref<632x32xf32, #tpu.memory_space<vmem>>) dst(%dma_wait3A_34 : memref<632x32xf32, #tpu.memory_space<hbm>>)
      tpu.yield
    }) : () -> ()
    return
  }
}

module attributes {stable_mosaic.version = 14 : i64} {
  func.func @body(%arg0: i32, %arg1: memref<1000x3xf32, #tpu.memory_space<vmem>>, %arg2: memref<1000x3xf32, #tpu.memory_space<vmem>>, %arg3: memref<1000x3xf32, #tpu.memory_space<vmem>>, %arg4: memref<1x4xf32, #tpu.memory_space<vmem>>, %arg5: memref<1x4xf32, #tpu.memory_space<vmem>>, %arg6: memref<4x4xf32, #tpu.memory_space<vmem>>, %arg7: memref<1x4xf32, #tpu.memory_space<vmem>>, %arg8: memref<1x4xf32, #tpu.memory_space<vmem>>, %arg9: memref<1x4xf32, #tpu.memory_space<vmem>>, %arg10: memref<1x4xf32, #tpu.memory_space<vmem>>, %arg11: memref<1x4xf32, #tpu.memory_space<vmem>>, %arg12: memref<4x4xf32, #tpu.memory_space<vmem>>, %arg13: memref<1x4xf32, #tpu.memory_space<vmem>>, %arg14: memref<1x4xf32, #tpu.memory_space<vmem>>, %arg15: memref<1x4xf32, #tpu.memory_space<vmem>>, %arg16: memref<1x4xf32, #tpu.memory_space<vmem>>, %arg17: memref<1x4xf32, #tpu.memory_space<vmem>>, %arg18: memref<4x4xf32, #tpu.memory_space<vmem>>, %arg19: memref<1x4xf32, #tpu.memory_space<vmem>>, %arg20: memref<1x4xf32, #tpu.memory_space<vmem>>, %arg21: memref<1x4xf32, #tpu.memory_space<vmem>>, %arg22: memref<1x4xf32, #tpu.memory_space<vmem>>, %arg23: memref<1x4xf32, #tpu.memory_space<vmem>>, %arg24: memref<4x4xf32, #tpu.memory_space<vmem>>, %arg25: memref<1x4xf32, #tpu.memory_space<vmem>>, %arg26: memref<1x4xf32, #tpu.memory_space<vmem>>, %arg27: memref<1x4xf32, #tpu.memory_space<vmem>>, %arg28: memref<2x4xf32, #tpu.memory_space<vmem>>, %arg29: memref<1x4xf32, #tpu.memory_space<vmem>>, %arg30: memref<4x4xf32, #tpu.memory_space<vmem>>, %arg31: memref<1x4xf32, #tpu.memory_space<vmem>>, %arg32: memref<1x4xf32, #tpu.memory_space<vmem>>, %arg33: memref<1x4xf32, #tpu.memory_space<vmem>>, %arg34: memref<20x32xf32, #tpu.memory_space<vmem>>, %arg35: memref<1x32xf32, #tpu.memory_space<vmem>>, %arg36: memref<32x32xf32, #tpu.memory_space<vmem>>, %arg37: memref<1x32xf32, #tpu.memory_space<vmem>>, %arg38: memref<1x32xf32, #tpu.memory_space<vmem>>, %arg39: memref<1x32xf32, #tpu.memory_space<vmem>>, %arg40: memref<1000x20xf32, #tpu.memory_space<vmem>>, %arg41: memref<1000x48xf32, #tpu.memory_space<vmem>>) attributes {dimension_semantics = [#tpu.dimension_semantics<arbitrary>], iteration_bounds = array<i64: 10>, scalar_prefetch = 0 : i64, scratch_operands = 0 : i64, tpu.core_type = #tpu.core_type<tc>, window_params = [{transform_indices = @transform_0, window_bounds = array<i64: 1000, 3>}, {transform_indices = @transform_1, window_bounds = array<i64: 1000, 3>}, {transform_indices = @transform_2, window_bounds = array<i64: 1000, 3>}, {pipeline_mode = #tpu.pipeline_mode<synchronous>, transform_indices = @transform_3, window_bounds = array<i64: 1, 4>}, {pipeline_mode = #tpu.pipeline_mode<synchronous>, transform_indices = @transform_4, window_bounds = array<i64: 1, 4>}, {pipeline_mode = #tpu.pipeline_mode<synchronous>, transform_indices = @transform_5, window_bounds = array<i64: 4, 4>}, {pipeline_mode = #tpu.pipeline_mode<synchronous>, transform_indices = @transform_6, window_bounds = array<i64: 1, 4>}, {pipeline_mode = #tpu.pipeline_mode<synchronous>, transform_indices = @transform_7, window_bounds = array<i64: 1, 4>}, {pipeline_mode = #tpu.pipeline_mode<synchronous>, transform_indices = @transform_8, window_bounds = array<i64: 1, 4>}, {pipeline_mode = #tpu.pipeline_mode<synchronous>, transform_indices = @transform_9, window_bounds = array<i64: 1, 4>}, {pipeline_mode = #tpu.pipeline_mode<synchronous>, transform_indices = @transform_10, window_bounds = array<i64: 1, 4>}, {pipeline_mode = #tpu.pipeline_mode<synchronous>, transform_indices = @transform_11, window_bounds = array<i64: 4, 4>}, {pipeline_mode = #tpu.pipeline_mode<synchronous>, transform_indices = @transform_12, window_bounds = array<i64: 1, 4>}, {pipeline_mode = #tpu.pipeline_mode<synchronous>, transform_indices = @transform_13, window_bounds = array<i64: 1, 4>}, {pipeline_mode = #tpu.pipeline_mode<synchronous>, transform_indices = @transform_14, window_bounds = array<i64: 1, 4>}, {pipeline_mode = #tpu.pipeline_mode<synchronous>, transform_indices = @transform_15, window_bounds = array<i64: 1, 4>}, {pipeline_mode = #tpu.pipeline_mode<synchronous>, transform_indices = @transform_16, window_bounds = array<i64: 1, 4>}, {pipeline_mode = #tpu.pipeline_mode<synchronous>, transform_indices = @transform_17, window_bounds = array<i64: 4, 4>}, {pipeline_mode = #tpu.pipeline_mode<synchronous>, transform_indices = @transform_18, window_bounds = array<i64: 1, 4>}, {pipeline_mode = #tpu.pipeline_mode<synchronous>, transform_indices = @transform_19, window_bounds = array<i64: 1, 4>}, {pipeline_mode = #tpu.pipeline_mode<synchronous>, transform_indices = @transform_20, window_bounds = array<i64: 1, 4>}, {pipeline_mode = #tpu.pipeline_mode<synchronous>, transform_indices = @transform_21, window_bounds = array<i64: 1, 4>}, {pipeline_mode = #tpu.pipeline_mode<synchronous>, transform_indices = @transform_22, window_bounds = array<i64: 1, 4>}, {pipeline_mode = #tpu.pipeline_mode<synchronous>, transform_indices = @transform_23, window_bounds = array<i64: 4, 4>}, {pipeline_mode = #tpu.pipeline_mode<synchronous>, transform_indices = @transform_24, window_bounds = array<i64: 1, 4>}, {pipeline_mode = #tpu.pipeline_mode<synchronous>, transform_indices = @transform_25, window_bounds = array<i64: 1, 4>}, {pipeline_mode = #tpu.pipeline_mode<synchronous>, transform_indices = @transform_26, window_bounds = array<i64: 1, 4>}, {pipeline_mode = #tpu.pipeline_mode<synchronous>, transform_indices = @transform_27, window_bounds = array<i64: 2, 4>}, {pipeline_mode = #tpu.pipeline_mode<synchronous>, transform_indices = @transform_28, window_bounds = array<i64: 1, 4>}, {pipeline_mode = #tpu.pipeline_mode<synchronous>, transform_indices = @transform_29, window_bounds = array<i64: 4, 4>}, {pipeline_mode = #tpu.pipeline_mode<synchronous>, transform_indices = @transform_30, window_bounds = array<i64: 1, 4>}, {pipeline_mode = #tpu.pipeline_mode<synchronous>, transform_indices = @transform_31, window_bounds = array<i64: 1, 4>}, {pipeline_mode = #tpu.pipeline_mode<synchronous>, transform_indices = @transform_32, window_bounds = array<i64: 1, 4>}, {pipeline_mode = #tpu.pipeline_mode<synchronous>, transform_indices = @transform_33, window_bounds = array<i64: 20, 32>}, {pipeline_mode = #tpu.pipeline_mode<synchronous>, transform_indices = @transform_34, window_bounds = array<i64: 1, 32>}, {pipeline_mode = #tpu.pipeline_mode<synchronous>, transform_indices = @transform_35, window_bounds = array<i64: 32, 32>}, {pipeline_mode = #tpu.pipeline_mode<synchronous>, transform_indices = @transform_36, window_bounds = array<i64: 1, 32>}, {pipeline_mode = #tpu.pipeline_mode<synchronous>, transform_indices = @transform_37, window_bounds = array<i64: 1, 32>}, {pipeline_mode = #tpu.pipeline_mode<synchronous>, transform_indices = @transform_38, window_bounds = array<i64: 1, 32>}, {transform_indices = @transform_39, window_bounds = array<i64: 1000, 20>}, {transform_indices = @transform_40, window_bounds = array<i64: 1000, 48>}]} {
    %get3A = arith.constant 0 : index
    %get3A_0 = arith.constant 0 : index
    %get3A_1 = vector.load %arg2[%get3A, %get3A_0] : memref<1000x3xf32, #tpu.memory_space<vmem>>, vector<1000x1xf32>
    %get3A_2 = arith.constant 0 : index
    %get3A_3 = arith.constant 0 : index
    %get3A_4 = vector.load %arg4[%get3A_2, %get3A_3] : memref<1x4xf32, #tpu.memory_space<vmem>>, vector<1x4xf32>
    %dot_general3A = arith.constant dense<0.000000e+00> : vector<1000x4xf32>
    %dot_general3A_5 = tpu.matmul %get3A_1, %get3A_4, %dot_general3A {dimension_numbers = #tpu.dot_dimension_numbers<[1], [0], [0], [1], [0, 0, 1, 1], [], []>, transpose_lhs_hint = false} : vector<1000x1xf32>, vector<1x4xf32>, vector<1000x4xf32> -> vector<1000x4xf32>
    %get3A_6 = arith.constant 0 : index
    %get3A_7 = arith.constant 0 : index
    %get3A_8 = vector.load %arg5[%get3A_6, %get3A_7] : memref<1x4xf32, #tpu.memory_space<vmem>>, vector<1x4xf32>
    %add3A = vector.broadcast %get3A_8 : vector<1x4xf32> to vector<1000x4xf32>
    %add3A_9 = arith.addf %dot_general3A_5, %add3A : vector<1000x4xf32>
    %max3A = arith.constant 0.000000e+00 : f32
    %max3A_10 = vector.broadcast %max3A : f32 to vector<1000x4xf32>
    %max3A_11 = arith.maximumf %add3A_9, %max3A_10 : vector<1000x4xf32>
    %get3A_12 = arith.constant 0 : index
    %get3A_13 = arith.constant 0 : index
    %get3A_14 = vector.load %arg6[%get3A_12, %get3A_13] : memref<4x4xf32, #tpu.memory_space<vmem>>, vector<4x4xf32>
    %dot_general3A_15 = arith.constant dense<0.000000e+00> : vector<1000x4xf32>
    %dot_general3A_16 = tpu.matmul %max3A_11, %get3A_14, %dot_general3A_15 {dimension_numbers = #tpu.dot_dimension_numbers<[1], [0], [0], [1], [0, 0, 1, 1], [], []>, transpose_lhs_hint = false} : vector<1000x4xf32>, vector<4x4xf32>, vector<1000x4xf32> -> vector<1000x4xf32>
    %get3A_17 = arith.constant 0 : index
    %get3A_18 = arith.constant 0 : index
    %get3A_19 = vector.load %arg7[%get3A_17, %get3A_18] : memref<1x4xf32, #tpu.memory_space<vmem>>, vector<1x4xf32>
    %add3A_20 = vector.broadcast %get3A_19 : vector<1x4xf32> to vector<1000x4xf32>
    %add3A_21 = arith.addf %dot_general3A_16, %add3A_20 : vector<1000x4xf32>
    %get3A_22 = arith.constant 0 : index
    %get3A_23 = arith.constant 0 : index
    %get3A_24 = vector.load %arg8[%get3A_22, %get3A_23] : memref<1x4xf32, #tpu.memory_space<vmem>>, vector<1x4xf32>
    %get3A_25 = arith.constant 0 : index
    %get3A_26 = arith.constant 0 : index
    %get3A_27 = vector.load %arg9[%get3A_25, %get3A_26] : memref<1x4xf32, #tpu.memory_space<vmem>>, vector<1x4xf32>
    %reduce_sum3A = arith.constant dense<0.000000e+00> : vector<1000xf32>
    %reduce_sum3A_28 = vector.multi_reduction <add>, %add3A_21, %reduce_sum3A [1] : vector<1000x4xf32> to vector<1000xf32>
    %broadcast_in_dim3A = vector.shape_cast %reduce_sum3A_28 : vector<1000xf32> to vector<1000x1xf32>
    %div3A = arith.constant 4.000000e+00 : f32
    %div3A_29 = vector.broadcast %div3A : f32 to vector<1000x1xf32>
    %div3A_30 = arith.divf %broadcast_in_dim3A, %div3A_29 : vector<1000x1xf32>
    %sub3A = vector.broadcast %div3A_30 : vector<1000x1xf32> to vector<1000x4xf32>
    %sub3A_31 = arith.subf %add3A_21, %sub3A : vector<1000x4xf32>
    %integer_pow3A = arith.mulf %sub3A_31, %sub3A_31 : vector<1000x4xf32>
    %reduce_sum3A_32 = arith.constant dense<0.000000e+00> : vector<1000xf32>
    %reduce_sum3A_33 = vector.multi_reduction <add>, %integer_pow3A, %reduce_sum3A_32 [1] : vector<1000x4xf32> to vector<1000xf32>
    %broadcast_in_dim3A_34 = vector.shape_cast %reduce_sum3A_33 : vector<1000xf32> to vector<1000x1xf32>
    %div3A_35 = arith.constant 4.000000e+00 : f32
    %div3A_36 = vector.broadcast %div3A_35 : f32 to vector<1000x1xf32>
    %div3A_37 = arith.divf %broadcast_in_dim3A_34, %div3A_36 : vector<1000x1xf32>
    %sub3A_38 = vector.broadcast %div3A_30 : vector<1000x1xf32> to vector<1000x4xf32>
    %sub3A_39 = arith.subf %add3A_21, %sub3A_38 : vector<1000x4xf32>
    %add3A_40 = arith.constant 9.99999974E-6 : f32
    %add3A_41 = vector.broadcast %add3A_40 : f32 to vector<1000x1xf32>
    %add3A_42 = arith.addf %div3A_37, %add3A_41 : vector<1000x1xf32>
    %sqrt3A = math.sqrt %add3A_42 : vector<1000x1xf32>
    %div3A_43 = vector.broadcast %sqrt3A : vector<1000x1xf32> to vector<1000x4xf32>
    %div3A_44 = arith.divf %sub3A_39, %div3A_43 : vector<1000x4xf32>
    %mul3A = vector.broadcast %get3A_24 : vector<1x4xf32> to vector<1000x4xf32>
    %mul3A_45 = arith.mulf %div3A_44, %mul3A : vector<1000x4xf32>
    %add3A_46 = vector.broadcast %get3A_27 : vector<1x4xf32> to vector<1000x4xf32>
    %add3A_47 = arith.addf %mul3A_45, %add3A_46 : vector<1000x4xf32>
    %get3A_48 = arith.constant 0 : index
    %get3A_49 = arith.constant 1 : index
    %get3A_50 = vector.load %arg2[%get3A_48, %get3A_49] : memref<1000x3xf32, #tpu.memory_space<vmem>>, vector<1000x1xf32>
    %get3A_51 = arith.constant 0 : index
    %get3A_52 = arith.constant 0 : index
    %get3A_53 = vector.load %arg10[%get3A_51, %get3A_52] : memref<1x4xf32, #tpu.memory_space<vmem>>, vector<1x4xf32>
    %dot_general3A_54 = arith.constant dense<0.000000e+00> : vector<1000x4xf32>
    %dot_general3A_55 = tpu.matmul %get3A_50, %get3A_53, %dot_general3A_54 {dimension_numbers = #tpu.dot_dimension_numbers<[1], [0], [0], [1], [0, 0, 1, 1], [], []>, transpose_lhs_hint = false} : vector<1000x1xf32>, vector<1x4xf32>, vector<1000x4xf32> -> vector<1000x4xf32>
    %get3A_56 = arith.constant 0 : index
    %get3A_57 = arith.constant 0 : index
    %get3A_58 = vector.load %arg11[%get3A_56, %get3A_57] : memref<1x4xf32, #tpu.memory_space<vmem>>, vector<1x4xf32>
    %add3A_59 = vector.broadcast %get3A_58 : vector<1x4xf32> to vector<1000x4xf32>
    %add3A_60 = arith.addf %dot_general3A_55, %add3A_59 : vector<1000x4xf32>
    %max3A_61 = arith.constant 0.000000e+00 : f32
    %max3A_62 = vector.broadcast %max3A_61 : f32 to vector<1000x4xf32>
    %max3A_63 = arith.maximumf %add3A_60, %max3A_62 : vector<1000x4xf32>
    %get3A_64 = arith.constant 0 : index
    %get3A_65 = arith.constant 0 : index
    %get3A_66 = vector.load %arg12[%get3A_64, %get3A_65] : memref<4x4xf32, #tpu.memory_space<vmem>>, vector<4x4xf32>
    %dot_general3A_67 = arith.constant dense<0.000000e+00> : vector<1000x4xf32>
    %dot_general3A_68 = tpu.matmul %max3A_63, %get3A_66, %dot_general3A_67 {dimension_numbers = #tpu.dot_dimension_numbers<[1], [0], [0], [1], [0, 0, 1, 1], [], []>, transpose_lhs_hint = false} : vector<1000x4xf32>, vector<4x4xf32>, vector<1000x4xf32> -> vector<1000x4xf32>
    %get3A_69 = arith.constant 0 : index
    %get3A_70 = arith.constant 0 : index
    %get3A_71 = vector.load %arg13[%get3A_69, %get3A_70] : memref<1x4xf32, #tpu.memory_space<vmem>>, vector<1x4xf32>
    %add3A_72 = vector.broadcast %get3A_71 : vector<1x4xf32> to vector<1000x4xf32>
    %add3A_73 = arith.addf %dot_general3A_68, %add3A_72 : vector<1000x4xf32>
    %get3A_74 = arith.constant 0 : index
    %get3A_75 = arith.constant 0 : index
    %get3A_76 = vector.load %arg14[%get3A_74, %get3A_75] : memref<1x4xf32, #tpu.memory_space<vmem>>, vector<1x4xf32>
    %get3A_77 = arith.constant 0 : index
    %get3A_78 = arith.constant 0 : index
    %get3A_79 = vector.load %arg15[%get3A_77, %get3A_78] : memref<1x4xf32, #tpu.memory_space<vmem>>, vector<1x4xf32>
    %reduce_sum3A_80 = arith.constant dense<0.000000e+00> : vector<1000xf32>
    %reduce_sum3A_81 = vector.multi_reduction <add>, %add3A_73, %reduce_sum3A_80 [1] : vector<1000x4xf32> to vector<1000xf32>
    %broadcast_in_dim3A_82 = vector.shape_cast %reduce_sum3A_81 : vector<1000xf32> to vector<1000x1xf32>
    %div3A_83 = arith.constant 4.000000e+00 : f32
    %div3A_84 = vector.broadcast %div3A_83 : f32 to vector<1000x1xf32>
    %div3A_85 = arith.divf %broadcast_in_dim3A_82, %div3A_84 : vector<1000x1xf32>
    %sub3A_86 = vector.broadcast %div3A_85 : vector<1000x1xf32> to vector<1000x4xf32>
    %sub3A_87 = arith.subf %add3A_73, %sub3A_86 : vector<1000x4xf32>
    %integer_pow3A_88 = arith.mulf %sub3A_87, %sub3A_87 : vector<1000x4xf32>
    %reduce_sum3A_89 = arith.constant dense<0.000000e+00> : vector<1000xf32>
    %reduce_sum3A_90 = vector.multi_reduction <add>, %integer_pow3A_88, %reduce_sum3A_89 [1] : vector<1000x4xf32> to vector<1000xf32>
    %broadcast_in_dim3A_91 = vector.shape_cast %reduce_sum3A_90 : vector<1000xf32> to vector<1000x1xf32>
    %div3A_92 = arith.constant 4.000000e+00 : f32
    %div3A_93 = vector.broadcast %div3A_92 : f32 to vector<1000x1xf32>
    %div3A_94 = arith.divf %broadcast_in_dim3A_91, %div3A_93 : vector<1000x1xf32>
    %sub3A_95 = vector.broadcast %div3A_85 : vector<1000x1xf32> to vector<1000x4xf32>
    %sub3A_96 = arith.subf %add3A_73, %sub3A_95 : vector<1000x4xf32>
    %add3A_97 = arith.constant 9.99999974E-6 : f32
    %add3A_98 = vector.broadcast %add3A_97 : f32 to vector<1000x1xf32>
    %add3A_99 = arith.addf %div3A_94, %add3A_98 : vector<1000x1xf32>
    %sqrt3A_100 = math.sqrt %add3A_99 : vector<1000x1xf32>
    %div3A_101 = vector.broadcast %sqrt3A_100 : vector<1000x1xf32> to vector<1000x4xf32>
    %div3A_102 = arith.divf %sub3A_96, %div3A_101 : vector<1000x4xf32>
    %mul3A_103 = vector.broadcast %get3A_76 : vector<1x4xf32> to vector<1000x4xf32>
    %mul3A_104 = arith.mulf %div3A_102, %mul3A_103 : vector<1000x4xf32>
    %add3A_105 = vector.broadcast %get3A_79 : vector<1x4xf32> to vector<1000x4xf32>
    %add3A_106 = arith.addf %mul3A_104, %add3A_105 : vector<1000x4xf32>
    %get3A_107 = arith.constant 0 : index
    %get3A_108 = arith.constant 0 : index
    %get3A_109 = vector.load %arg3[%get3A_107, %get3A_108] : memref<1000x3xf32, #tpu.memory_space<vmem>>, vector<1000x1xf32>
    %get3A_110 = arith.constant 0 : index
    %get3A_111 = arith.constant 0 : index
    %get3A_112 = vector.load %arg16[%get3A_110, %get3A_111] : memref<1x4xf32, #tpu.memory_space<vmem>>, vector<1x4xf32>
    %dot_general3A_113 = arith.constant dense<0.000000e+00> : vector<1000x4xf32>
    %dot_general3A_114 = tpu.matmul %get3A_109, %get3A_112, %dot_general3A_113 {dimension_numbers = #tpu.dot_dimension_numbers<[1], [0], [0], [1], [0, 0, 1, 1], [], []>, transpose_lhs_hint = false} : vector<1000x1xf32>, vector<1x4xf32>, vector<1000x4xf32> -> vector<1000x4xf32>
    %get3A_115 = arith.constant 0 : index
    %get3A_116 = arith.constant 0 : index
    %get3A_117 = vector.load %arg17[%get3A_115, %get3A_116] : memref<1x4xf32, #tpu.memory_space<vmem>>, vector<1x4xf32>
    %add3A_118 = vector.broadcast %get3A_117 : vector<1x4xf32> to vector<1000x4xf32>
    %add3A_119 = arith.addf %dot_general3A_114, %add3A_118 : vector<1000x4xf32>
    %max3A_120 = arith.constant 0.000000e+00 : f32
    %max3A_121 = vector.broadcast %max3A_120 : f32 to vector<1000x4xf32>
    %max3A_122 = arith.maximumf %add3A_119, %max3A_121 : vector<1000x4xf32>
    %get3A_123 = arith.constant 0 : index
    %get3A_124 = arith.constant 0 : index
    %get3A_125 = vector.load %arg18[%get3A_123, %get3A_124] : memref<4x4xf32, #tpu.memory_space<vmem>>, vector<4x4xf32>
    %dot_general3A_126 = arith.constant dense<0.000000e+00> : vector<1000x4xf32>
    %dot_general3A_127 = tpu.matmul %max3A_122, %get3A_125, %dot_general3A_126 {dimension_numbers = #tpu.dot_dimension_numbers<[1], [0], [0], [1], [0, 0, 1, 1], [], []>, transpose_lhs_hint = false} : vector<1000x4xf32>, vector<4x4xf32>, vector<1000x4xf32> -> vector<1000x4xf32>
    %get3A_128 = arith.constant 0 : index
    %get3A_129 = arith.constant 0 : index
    %get3A_130 = vector.load %arg19[%get3A_128, %get3A_129] : memref<1x4xf32, #tpu.memory_space<vmem>>, vector<1x4xf32>
    %add3A_131 = vector.broadcast %get3A_130 : vector<1x4xf32> to vector<1000x4xf32>
    %add3A_132 = arith.addf %dot_general3A_127, %add3A_131 : vector<1000x4xf32>
    %get3A_133 = arith.constant 0 : index
    %get3A_134 = arith.constant 0 : index
    %get3A_135 = vector.load %arg20[%get3A_133, %get3A_134] : memref<1x4xf32, #tpu.memory_space<vmem>>, vector<1x4xf32>
    %get3A_136 = arith.constant 0 : index
    %get3A_137 = arith.constant 0 : index
    %get3A_138 = vector.load %arg21[%get3A_136, %get3A_137] : memref<1x4xf32, #tpu.memory_space<vmem>>, vector<1x4xf32>
    %reduce_sum3A_139 = arith.constant dense<0.000000e+00> : vector<1000xf32>
    %reduce_sum3A_140 = vector.multi_reduction <add>, %add3A_132, %reduce_sum3A_139 [1] : vector<1000x4xf32> to vector<1000xf32>
    %broadcast_in_dim3A_141 = vector.shape_cast %reduce_sum3A_140 : vector<1000xf32> to vector<1000x1xf32>
    %div3A_142 = arith.constant 4.000000e+00 : f32
    %div3A_143 = vector.broadcast %div3A_142 : f32 to vector<1000x1xf32>
    %div3A_144 = arith.divf %broadcast_in_dim3A_141, %div3A_143 : vector<1000x1xf32>
    %sub3A_145 = vector.broadcast %div3A_144 : vector<1000x1xf32> to vector<1000x4xf32>
    %sub3A_146 = arith.subf %add3A_132, %sub3A_145 : vector<1000x4xf32>
    %integer_pow3A_147 = arith.mulf %sub3A_146, %sub3A_146 : vector<1000x4xf32>
    %reduce_sum3A_148 = arith.constant dense<0.000000e+00> : vector<1000xf32>
    %reduce_sum3A_149 = vector.multi_reduction <add>, %integer_pow3A_147, %reduce_sum3A_148 [1] : vector<1000x4xf32> to vector<1000xf32>
    %broadcast_in_dim3A_150 = vector.shape_cast %reduce_sum3A_149 : vector<1000xf32> to vector<1000x1xf32>
    %div3A_151 = arith.constant 4.000000e+00 : f32
    %div3A_152 = vector.broadcast %div3A_151 : f32 to vector<1000x1xf32>
    %div3A_153 = arith.divf %broadcast_in_dim3A_150, %div3A_152 : vector<1000x1xf32>
    %sub3A_154 = vector.broadcast %div3A_144 : vector<1000x1xf32> to vector<1000x4xf32>
    %sub3A_155 = arith.subf %add3A_132, %sub3A_154 : vector<1000x4xf32>
    %add3A_156 = arith.constant 9.99999974E-6 : f32
    %add3A_157 = vector.broadcast %add3A_156 : f32 to vector<1000x1xf32>
    %add3A_158 = arith.addf %div3A_153, %add3A_157 : vector<1000x1xf32>
    %sqrt3A_159 = math.sqrt %add3A_158 : vector<1000x1xf32>
    %div3A_160 = vector.broadcast %sqrt3A_159 : vector<1000x1xf32> to vector<1000x4xf32>
    %div3A_161 = arith.divf %sub3A_155, %div3A_160 : vector<1000x4xf32>
    %mul3A_162 = vector.broadcast %get3A_135 : vector<1x4xf32> to vector<1000x4xf32>
    %mul3A_163 = arith.mulf %div3A_161, %mul3A_162 : vector<1000x4xf32>
    %add3A_164 = vector.broadcast %get3A_138 : vector<1x4xf32> to vector<1000x4xf32>
    %add3A_165 = arith.addf %mul3A_163, %add3A_164 : vector<1000x4xf32>
    %get3A_166 = arith.constant 0 : index
    %get3A_167 = arith.constant 1 : index
    %get3A_168 = vector.load %arg3[%get3A_166, %get3A_167] : memref<1000x3xf32, #tpu.memory_space<vmem>>, vector<1000x1xf32>
    %get3A_169 = arith.constant 0 : index
    %get3A_170 = arith.constant 0 : index
    %get3A_171 = vector.load %arg22[%get3A_169, %get3A_170] : memref<1x4xf32, #tpu.memory_space<vmem>>, vector<1x4xf32>
    %dot_general3A_172 = arith.constant dense<0.000000e+00> : vector<1000x4xf32>
    %dot_general3A_173 = tpu.matmul %get3A_168, %get3A_171, %dot_general3A_172 {dimension_numbers = #tpu.dot_dimension_numbers<[1], [0], [0], [1], [0, 0, 1, 1], [], []>, transpose_lhs_hint = false} : vector<1000x1xf32>, vector<1x4xf32>, vector<1000x4xf32> -> vector<1000x4xf32>
    %get3A_174 = arith.constant 0 : index
    %get3A_175 = arith.constant 0 : index
    %get3A_176 = vector.load %arg23[%get3A_174, %get3A_175] : memref<1x4xf32, #tpu.memory_space<vmem>>, vector<1x4xf32>
    %add3A_177 = vector.broadcast %get3A_176 : vector<1x4xf32> to vector<1000x4xf32>
    %add3A_178 = arith.addf %dot_general3A_173, %add3A_177 : vector<1000x4xf32>
    %max3A_179 = arith.constant 0.000000e+00 : f32
    %max3A_180 = vector.broadcast %max3A_179 : f32 to vector<1000x4xf32>
    %max3A_181 = arith.maximumf %add3A_178, %max3A_180 : vector<1000x4xf32>
    %get3A_182 = arith.constant 0 : index
    %get3A_183 = arith.constant 0 : index
    %get3A_184 = vector.load %arg24[%get3A_182, %get3A_183] : memref<4x4xf32, #tpu.memory_space<vmem>>, vector<4x4xf32>
    %dot_general3A_185 = arith.constant dense<0.000000e+00> : vector<1000x4xf32>
    %dot_general3A_186 = tpu.matmul %max3A_181, %get3A_184, %dot_general3A_185 {dimension_numbers = #tpu.dot_dimension_numbers<[1], [0], [0], [1], [0, 0, 1, 1], [], []>, transpose_lhs_hint = false} : vector<1000x4xf32>, vector<4x4xf32>, vector<1000x4xf32> -> vector<1000x4xf32>
    %get3A_187 = arith.constant 0 : index
    %get3A_188 = arith.constant 0 : index
    %get3A_189 = vector.load %arg25[%get3A_187, %get3A_188] : memref<1x4xf32, #tpu.memory_space<vmem>>, vector<1x4xf32>
    %add3A_190 = vector.broadcast %get3A_189 : vector<1x4xf32> to vector<1000x4xf32>
    %add3A_191 = arith.addf %dot_general3A_186, %add3A_190 : vector<1000x4xf32>
    %get3A_192 = arith.constant 0 : index
    %get3A_193 = arith.constant 0 : index
    %get3A_194 = vector.load %arg26[%get3A_192, %get3A_193] : memref<1x4xf32, #tpu.memory_space<vmem>>, vector<1x4xf32>
    %get3A_195 = arith.constant 0 : index
    %get3A_196 = arith.constant 0 : index
    %get3A_197 = vector.load %arg27[%get3A_195, %get3A_196] : memref<1x4xf32, #tpu.memory_space<vmem>>, vector<1x4xf32>
    %reduce_sum3A_198 = arith.constant dense<0.000000e+00> : vector<1000xf32>
    %reduce_sum3A_199 = vector.multi_reduction <add>, %add3A_191, %reduce_sum3A_198 [1] : vector<1000x4xf32> to vector<1000xf32>
    %broadcast_in_dim3A_200 = vector.shape_cast %reduce_sum3A_199 : vector<1000xf32> to vector<1000x1xf32>
    %div3A_201 = arith.constant 4.000000e+00 : f32
    %div3A_202 = vector.broadcast %div3A_201 : f32 to vector<1000x1xf32>
    %div3A_203 = arith.divf %broadcast_in_dim3A_200, %div3A_202 : vector<1000x1xf32>
    %sub3A_204 = vector.broadcast %div3A_203 : vector<1000x1xf32> to vector<1000x4xf32>
    %sub3A_205 = arith.subf %add3A_191, %sub3A_204 : vector<1000x4xf32>
    %integer_pow3A_206 = arith.mulf %sub3A_205, %sub3A_205 : vector<1000x4xf32>
    %reduce_sum3A_207 = arith.constant dense<0.000000e+00> : vector<1000xf32>
    %reduce_sum3A_208 = vector.multi_reduction <add>, %integer_pow3A_206, %reduce_sum3A_207 [1] : vector<1000x4xf32> to vector<1000xf32>
    %broadcast_in_dim3A_209 = vector.shape_cast %reduce_sum3A_208 : vector<1000xf32> to vector<1000x1xf32>
    %div3A_210 = arith.constant 4.000000e+00 : f32
    %div3A_211 = vector.broadcast %div3A_210 : f32 to vector<1000x1xf32>
    %div3A_212 = arith.divf %broadcast_in_dim3A_209, %div3A_211 : vector<1000x1xf32>
    %sub3A_213 = vector.broadcast %div3A_203 : vector<1000x1xf32> to vector<1000x4xf32>
    %sub3A_214 = arith.subf %add3A_191, %sub3A_213 : vector<1000x4xf32>
    %add3A_215 = arith.constant 9.99999974E-6 : f32
    %add3A_216 = vector.broadcast %add3A_215 : f32 to vector<1000x1xf32>
    %add3A_217 = arith.addf %div3A_212, %add3A_216 : vector<1000x1xf32>
    %sqrt3A_218 = math.sqrt %add3A_217 : vector<1000x1xf32>
    %div3A_219 = vector.broadcast %sqrt3A_218 : vector<1000x1xf32> to vector<1000x4xf32>
    %div3A_220 = arith.divf %sub3A_214, %div3A_219 : vector<1000x4xf32>
    %mul3A_221 = vector.broadcast %get3A_194 : vector<1x4xf32> to vector<1000x4xf32>
    %mul3A_222 = arith.mulf %div3A_220, %mul3A_221 : vector<1000x4xf32>
    %add3A_223 = vector.broadcast %get3A_197 : vector<1x4xf32> to vector<1000x4xf32>
    %add3A_224 = arith.addf %mul3A_222, %add3A_223 : vector<1000x4xf32>
    %get3A_225 = arith.constant 0 : index
    %get3A_226 = arith.constant 2 : index
    %get3A_227 = vector.load %arg2[%get3A_225, %get3A_226] : memref<1000x3xf32, #tpu.memory_space<vmem>>, vector<1000x1xf32>
    %get3A_228 = arith.constant 0 : index
    %get3A_229 = arith.constant 2 : index
    %get3A_230 = vector.load %arg3[%get3A_228, %get3A_229] : memref<1000x3xf32, #tpu.memory_space<vmem>>, vector<1000x1xf32>
    %concatenate3A = tpu.concatenate %get3A_227, %get3A_230 in 1 : vector<1000x1xf32>, vector<1000x1xf32> -> vector<1000x2xf32>
    %get3A_231 = arith.constant 0 : index
    %get3A_232 = arith.constant 0 : index
    %get3A_233 = vector.load %arg28[%get3A_231, %get3A_232] : memref<2x4xf32, #tpu.memory_space<vmem>>, vector<2x4xf32>
    %dot_general3A_234 = arith.constant dense<0.000000e+00> : vector<1000x4xf32>
    %dot_general3A_235 = tpu.matmul %concatenate3A, %get3A_233, %dot_general3A_234 {dimension_numbers = #tpu.dot_dimension_numbers<[1], [0], [0], [1], [0, 0, 1, 1], [], []>, transpose_lhs_hint = false} : vector<1000x2xf32>, vector<2x4xf32>, vector<1000x4xf32> -> vector<1000x4xf32>
    %get3A_236 = arith.constant 0 : index
    %get3A_237 = arith.constant 0 : index
    %get3A_238 = vector.load %arg29[%get3A_236, %get3A_237] : memref<1x4xf32, #tpu.memory_space<vmem>>, vector<1x4xf32>
    %add3A_239 = vector.broadcast %get3A_238 : vector<1x4xf32> to vector<1000x4xf32>
    %add3A_240 = arith.addf %dot_general3A_235, %add3A_239 : vector<1000x4xf32>
    %max3A_241 = arith.constant 0.000000e+00 : f32
    %max3A_242 = vector.broadcast %max3A_241 : f32 to vector<1000x4xf32>
    %max3A_243 = arith.maximumf %add3A_240, %max3A_242 : vector<1000x4xf32>
    %get3A_244 = arith.constant 0 : index
    %get3A_245 = arith.constant 0 : index
    %get3A_246 = vector.load %arg30[%get3A_244, %get3A_245] : memref<4x4xf32, #tpu.memory_space<vmem>>, vector<4x4xf32>
    %dot_general3A_247 = arith.constant dense<0.000000e+00> : vector<1000x4xf32>
    %dot_general3A_248 = tpu.matmul %max3A_243, %get3A_246, %dot_general3A_247 {dimension_numbers = #tpu.dot_dimension_numbers<[1], [0], [0], [1], [0, 0, 1, 1], [], []>, transpose_lhs_hint = false} : vector<1000x4xf32>, vector<4x4xf32>, vector<1000x4xf32> -> vector<1000x4xf32>
    %get3A_249 = arith.constant 0 : index
    %get3A_250 = arith.constant 0 : index
    %get3A_251 = vector.load %arg31[%get3A_249, %get3A_250] : memref<1x4xf32, #tpu.memory_space<vmem>>, vector<1x4xf32>
    %add3A_252 = vector.broadcast %get3A_251 : vector<1x4xf32> to vector<1000x4xf32>
    %add3A_253 = arith.addf %dot_general3A_248, %add3A_252 : vector<1000x4xf32>
    %get3A_254 = arith.constant 0 : index
    %get3A_255 = arith.constant 0 : index
    %get3A_256 = vector.load %arg32[%get3A_254, %get3A_255] : memref<1x4xf32, #tpu.memory_space<vmem>>, vector<1x4xf32>
    %get3A_257 = arith.constant 0 : index
    %get3A_258 = arith.constant 0 : index
    %get3A_259 = vector.load %arg33[%get3A_257, %get3A_258] : memref<1x4xf32, #tpu.memory_space<vmem>>, vector<1x4xf32>
    %reduce_sum3A_260 = arith.constant dense<0.000000e+00> : vector<1000xf32>
    %reduce_sum3A_261 = vector.multi_reduction <add>, %add3A_253, %reduce_sum3A_260 [1] : vector<1000x4xf32> to vector<1000xf32>
    %broadcast_in_dim3A_262 = vector.shape_cast %reduce_sum3A_261 : vector<1000xf32> to vector<1000x1xf32>
    %div3A_263 = arith.constant 4.000000e+00 : f32
    %div3A_264 = vector.broadcast %div3A_263 : f32 to vector<1000x1xf32>
    %div3A_265 = arith.divf %broadcast_in_dim3A_262, %div3A_264 : vector<1000x1xf32>
    %sub3A_266 = vector.broadcast %div3A_265 : vector<1000x1xf32> to vector<1000x4xf32>
    %sub3A_267 = arith.subf %add3A_253, %sub3A_266 : vector<1000x4xf32>
    %integer_pow3A_268 = arith.mulf %sub3A_267, %sub3A_267 : vector<1000x4xf32>
    %reduce_sum3A_269 = arith.constant dense<0.000000e+00> : vector<1000xf32>
    %reduce_sum3A_270 = vector.multi_reduction <add>, %integer_pow3A_268, %reduce_sum3A_269 [1] : vector<1000x4xf32> to vector<1000xf32>
    %broadcast_in_dim3A_271 = vector.shape_cast %reduce_sum3A_270 : vector<1000xf32> to vector<1000x1xf32>
    %div3A_272 = arith.constant 4.000000e+00 : f32
    %div3A_273 = vector.broadcast %div3A_272 : f32 to vector<1000x1xf32>
    %div3A_274 = arith.divf %broadcast_in_dim3A_271, %div3A_273 : vector<1000x1xf32>
    %sub3A_275 = vector.broadcast %div3A_265 : vector<1000x1xf32> to vector<1000x4xf32>
    %sub3A_276 = arith.subf %add3A_253, %sub3A_275 : vector<1000x4xf32>
    %add3A_277 = arith.constant 9.99999974E-6 : f32
    %add3A_278 = vector.broadcast %add3A_277 : f32 to vector<1000x1xf32>
    %add3A_279 = arith.addf %div3A_274, %add3A_278 : vector<1000x1xf32>
    %sqrt3A_280 = math.sqrt %add3A_279 : vector<1000x1xf32>
    %div3A_281 = vector.broadcast %sqrt3A_280 : vector<1000x1xf32> to vector<1000x4xf32>
    %div3A_282 = arith.divf %sub3A_276, %div3A_281 : vector<1000x4xf32>
    %mul3A_283 = vector.broadcast %get3A_256 : vector<1x4xf32> to vector<1000x4xf32>
    %mul3A_284 = arith.mulf %div3A_282, %mul3A_283 : vector<1000x4xf32>
    %add3A_285 = vector.broadcast %get3A_259 : vector<1x4xf32> to vector<1000x4xf32>
    %add3A_286 = arith.addf %mul3A_284, %add3A_285 : vector<1000x4xf32>
    %concatenate3A_287 = tpu.concatenate %add3A_47, %add3A_106, %add3A_165, %add3A_224, %add3A_286 in 1 : vector<1000x4xf32>, vector<1000x4xf32>, vector<1000x4xf32>, vector<1000x4xf32>, vector<1000x4xf32> -> vector<1000x20xf32>
    %get3A_288 = arith.constant 0 : index
    %get3A_289 = arith.constant 0 : index
    %get3A_290 = vector.load %arg34[%get3A_288, %get3A_289] : memref<20x32xf32, #tpu.memory_space<vmem>>, vector<20x32xf32>
    %dot_general3A_291 = arith.constant dense<0.000000e+00> : vector<1000x32xf32>
    %dot_general3A_292 = tpu.matmul %concatenate3A_287, %get3A_290, %dot_general3A_291 {dimension_numbers = #tpu.dot_dimension_numbers<[1], [0], [0], [1], [0, 0, 1, 1], [], []>, transpose_lhs_hint = false} : vector<1000x20xf32>, vector<20x32xf32>, vector<1000x32xf32> -> vector<1000x32xf32>
    %get3A_293 = arith.constant 0 : index
    %get3A_294 = arith.constant 0 : index
    %get3A_295 = vector.load %arg35[%get3A_293, %get3A_294] : memref<1x32xf32, #tpu.memory_space<vmem>>, vector<1x32xf32>
    %add3A_296 = vector.broadcast %get3A_295 : vector<1x32xf32> to vector<1000x32xf32>
    %add3A_297 = arith.addf %dot_general3A_292, %add3A_296 : vector<1000x32xf32>
    %max3A_298 = arith.constant 0.000000e+00 : f32
    %max3A_299 = vector.broadcast %max3A_298 : f32 to vector<1000x32xf32>
    %max3A_300 = arith.maximumf %add3A_297, %max3A_299 : vector<1000x32xf32>
    %get3A_301 = arith.constant 0 : index
    %get3A_302 = arith.constant 0 : index
    %get3A_303 = vector.load %arg36[%get3A_301, %get3A_302] : memref<32x32xf32, #tpu.memory_space<vmem>>, vector<32x32xf32>
    %dot_general3A_304 = arith.constant dense<0.000000e+00> : vector<1000x32xf32>
    %dot_general3A_305 = tpu.matmul %max3A_300, %get3A_303, %dot_general3A_304 {dimension_numbers = #tpu.dot_dimension_numbers<[1], [0], [0], [1], [0, 0, 1, 1], [], []>, transpose_lhs_hint = false} : vector<1000x32xf32>, vector<32x32xf32>, vector<1000x32xf32> -> vector<1000x32xf32>
    %get3A_306 = arith.constant 0 : index
    %get3A_307 = arith.constant 0 : index
    %get3A_308 = vector.load %arg37[%get3A_306, %get3A_307] : memref<1x32xf32, #tpu.memory_space<vmem>>, vector<1x32xf32>
    %add3A_309 = vector.broadcast %get3A_308 : vector<1x32xf32> to vector<1000x32xf32>
    %add3A_310 = arith.addf %dot_general3A_305, %add3A_309 : vector<1000x32xf32>
    %get3A_311 = arith.constant 0 : index
    %get3A_312 = arith.constant 0 : index
    %get3A_313 = vector.load %arg38[%get3A_311, %get3A_312] : memref<1x32xf32, #tpu.memory_space<vmem>>, vector<1x32xf32>
    %get3A_314 = arith.constant 0 : index
    %get3A_315 = arith.constant 0 : index
    %get3A_316 = vector.load %arg39[%get3A_314, %get3A_315] : memref<1x32xf32, #tpu.memory_space<vmem>>, vector<1x32xf32>
    %reduce_sum3A_317 = arith.constant dense<0.000000e+00> : vector<1000xf32>
    %reduce_sum3A_318 = vector.multi_reduction <add>, %add3A_310, %reduce_sum3A_317 [1] : vector<1000x32xf32> to vector<1000xf32>
    %broadcast_in_dim3A_319 = vector.shape_cast %reduce_sum3A_318 : vector<1000xf32> to vector<1000x1xf32>
    %div3A_320 = arith.constant 3.200000e+01 : f32
    %div3A_321 = vector.broadcast %div3A_320 : f32 to vector<1000x1xf32>
    %div3A_322 = arith.divf %broadcast_in_dim3A_319, %div3A_321 : vector<1000x1xf32>
    %sub3A_323 = vector.broadcast %div3A_322 : vector<1000x1xf32> to vector<1000x32xf32>
    %sub3A_324 = arith.subf %add3A_310, %sub3A_323 : vector<1000x32xf32>
    %integer_pow3A_325 = arith.mulf %sub3A_324, %sub3A_324 : vector<1000x32xf32>
    %reduce_sum3A_326 = arith.constant dense<0.000000e+00> : vector<1000xf32>
    %reduce_sum3A_327 = vector.multi_reduction <add>, %integer_pow3A_325, %reduce_sum3A_326 [1] : vector<1000x32xf32> to vector<1000xf32>
    %broadcast_in_dim3A_328 = vector.shape_cast %reduce_sum3A_327 : vector<1000xf32> to vector<1000x1xf32>
    %div3A_329 = arith.constant 3.200000e+01 : f32
    %div3A_330 = vector.broadcast %div3A_329 : f32 to vector<1000x1xf32>
    %div3A_331 = arith.divf %broadcast_in_dim3A_328, %div3A_330 : vector<1000x1xf32>
    %sub3A_332 = vector.broadcast %div3A_322 : vector<1000x1xf32> to vector<1000x32xf32>
    %sub3A_333 = arith.subf %add3A_310, %sub3A_332 : vector<1000x32xf32>
    %add3A_334 = arith.constant 9.99999974E-6 : f32
    %add3A_335 = vector.broadcast %add3A_334 : f32 to vector<1000x1xf32>
    %add3A_336 = arith.addf %div3A_331, %add3A_335 : vector<1000x1xf32>
    %sqrt3A_337 = math.sqrt %add3A_336 : vector<1000x1xf32>
    %div3A_338 = vector.broadcast %sqrt3A_337 : vector<1000x1xf32> to vector<1000x32xf32>
    %div3A_339 = arith.divf %sub3A_333, %div3A_338 : vector<1000x32xf32>
    %mul3A_340 = vector.broadcast %get3A_313 : vector<1x32xf32> to vector<1000x32xf32>
    %mul3A_341 = arith.mulf %div3A_339, %mul3A_340 : vector<1000x32xf32>
    %add3A_342 = vector.broadcast %get3A_316 : vector<1x32xf32> to vector<1000x32xf32>
    %add3A_343 = arith.addf %mul3A_341, %add3A_342 : vector<1000x32xf32>
    %swap3A = arith.constant 0 : index
    %swap3A_344 = arith.constant 0 : index
    %swap3A_345 = vector.load %arg40[%swap3A, %swap3A_344] : memref<1000x20xf32, #tpu.memory_space<vmem>>, vector<1000x20xf32>
    tpu.vector_store %arg40[%swap3A, %swap3A_344], %concatenate3A_287 {strides = array<i32>} : memref<1000x20xf32, #tpu.memory_space<vmem>>, vector<1000x20xf32>,
    %broadcast_in_dim3A_346 = arith.constant 0.000000e+00 : f32
    %broadcast_in_dim3A_347 = vector.broadcast %broadcast_in_dim3A_346 : f32 to vector<1000x13xf32>
    %get3A_348 = arith.constant 0 : index
    %get3A_349 = arith.constant 0 : index
    %get3A_350 = vector.load %arg1[%get3A_348, %get3A_349] : memref<1000x3xf32, #tpu.memory_space<vmem>>, vector<1000x3xf32>
    %concatenate3A_351 = tpu.concatenate %get3A_350, %add3A_343, %broadcast_in_dim3A_347 in 1 : vector<1000x3xf32>, vector<1000x32xf32>, vector<1000x13xf32> -> vector<1000x48xf32>
    %swap3A_352 = arith.constant 0 : index
    %swap3A_353 = arith.constant 0 : index
    %swap3A_354 = vector.load %arg41[%swap3A_352, %swap3A_353] : memref<1000x48xf32, #tpu.memory_space<vmem>>, vector<1000x48xf32>
    tpu.vector_store %arg41[%swap3A_352, %swap3A_353], %concatenate3A_351 {strides = array<i32>} : memref<1000x48xf32, #tpu.memory_space<vmem>>, vector<1000x48xf32>,
    return
  }
  func.func @transform_0(%arg0: i32) -> (i32, i32) {
    %c0_i32 = arith.constant 0 : i32
    %c0_i32_0 = arith.constant 0 : i32
    return %arg0, %c0_i32 : i32, i32
  }
  func.func @transform_1(%arg0: i32) -> (i32, i32) {
    %c0_i32 = arith.constant 0 : i32
    %c0_i32_0 = arith.constant 0 : i32
    return %arg0, %c0_i32 : i32, i32
  }
  func.func @transform_2(%arg0: i32) -> (i32, i32) {
    %c0_i32 = arith.constant 0 : i32
    %c0_i32_0 = arith.constant 0 : i32
    return %arg0, %c0_i32 : i32, i32
  }
  func.func @transform_3(%arg0: i32) -> (i32, i32) {
    %c0_i32 = arith.constant 0 : i32
    %c0_i32_0 = arith.constant 0 : i32
    %c0_i32_1 = arith.constant 0 : i32
    return %c0_i32, %c0_i32_0 : i32, i32
  }
  func.func @transform_4(%arg0: i32) -> (i32, i32) {
    %c0_i32 = arith.constant 0 : i32
    %c0_i32_0 = arith.constant 0 : i32
    %c0_i32_1 = arith.constant 0 : i32
    return %c0_i32, %c0_i32_0 : i32, i32
  }
  func.func @transform_5(%arg0: i32) -> (i32, i32) {
    %c0_i32 = arith.constant 0 : i32
    %c0_i32_0 = arith.constant 0 : i32
    %c0_i32_1 = arith.constant 0 : i32
    return %c0_i32, %c0_i32_0 : i32, i32
  }
  func.func @transform_6(%arg0: i32) -> (i32, i32) {
    %c0_i32 = arith.constant 0 : i32
    %c0_i32_0 = arith.constant 0 : i32
    %c0_i32_1 = arith.constant 0 : i32
    return %c0_i32, %c0_i32_0 : i32, i32
  }
  func.func @transform_7(%arg0: i32) -> (i32, i32) {
    %c0_i32 = arith.constant 0 : i32
    %c0_i32_0 = arith.constant 0 : i32
    %c0_i32_1 = arith.constant 0 : i32
    return %c0_i32, %c0_i32_0 : i32, i32
  }
  func.func @transform_8(%arg0: i32) -> (i32, i32) {
    %c0_i32 = arith.constant 0 : i32
    %c0_i32_0 = arith.constant 0 : i32
    %c0_i32_1 = arith.constant 0 : i32
    return %c0_i32, %c0_i32_0 : i32, i32
  }
  func.func @transform_9(%arg0: i32) -> (i32, i32) {
    %c0_i32 = arith.constant 0 : i32
    %c0_i32_0 = arith.constant 0 : i32
    %c0_i32_1 = arith.constant 0 : i32
    return %c0_i32, %c0_i32_0 : i32, i32
  }
  func.func @transform_10(%arg0: i32) -> (i32, i32) {
    %c0_i32 = arith.constant 0 : i32
    %c0_i32_0 = arith.constant 0 : i32
    %c0_i32_1 = arith.constant 0 : i32
    return %c0_i32, %c0_i32_0 : i32, i32
  }
  func.func @transform_11(%arg0: i32) -> (i32, i32) {
    %c0_i32 = arith.constant 0 : i32
    %c0_i32_0 = arith.constant 0 : i32
    %c0_i32_1 = arith.constant 0 : i32
    return %c0_i32, %c0_i32_0 : i32, i32
  }
  func.func @transform_12(%arg0: i32) -> (i32, i32) {
    %c0_i32 = arith.constant 0 : i32
    %c0_i32_0 = arith.constant 0 : i32
    %c0_i32_1 = arith.constant 0 : i32
    return %c0_i32, %c0_i32_0 : i32, i32
  }
  func.func @transform_13(%arg0: i32) -> (i32, i32) {
    %c0_i32 = arith.constant 0 : i32
    %c0_i32_0 = arith.constant 0 : i32
    %c0_i32_1 = arith.constant 0 : i32
    return %c0_i32, %c0_i32_0 : i32, i32
  }
  func.func @transform_14(%arg0: i32) -> (i32, i32) {
    %c0_i32 = arith.constant 0 : i32
    %c0_i32_0 = arith.constant 0 : i32
    %c0_i32_1 = arith.constant 0 : i32
    return %c0_i32, %c0_i32_0 : i32, i32
  }
  func.func @transform_15(%arg0: i32) -> (i32, i32) {
    %c0_i32 = arith.constant 0 : i32
    %c0_i32_0 = arith.constant 0 : i32
    %c0_i32_1 = arith.constant 0 : i32
    return %c0_i32, %c0_i32_0 : i32, i32
  }
  func.func @transform_16(%arg0: i32) -> (i32, i32) {
    %c0_i32 = arith.constant 0 : i32
    %c0_i32_0 = arith.constant 0 : i32
    %c0_i32_1 = arith.constant 0 : i32
    return %c0_i32, %c0_i32_0 : i32, i32
  }
  func.func @transform_17(%arg0: i32) -> (i32, i32) {
    %c0_i32 = arith.constant 0 : i32
    %c0_i32_0 = arith.constant 0 : i32
    %c0_i32_1 = arith.constant 0 : i32
    return %c0_i32, %c0_i32_0 : i32, i32
  }
  func.func @transform_18(%arg0: i32) -> (i32, i32) {
    %c0_i32 = arith.constant 0 : i32
    %c0_i32_0 = arith.constant 0 : i32
    %c0_i32_1 = arith.constant 0 : i32
    return %c0_i32, %c0_i32_0 : i32, i32
  }
  func.func @transform_19(%arg0: i32) -> (i32, i32) {
    %c0_i32 = arith.constant 0 : i32
    %c0_i32_0 = arith.constant 0 : i32
    %c0_i32_1 = arith.constant 0 : i32
    return %c0_i32, %c0_i32_0 : i32, i32
  }
  func.func @transform_20(%arg0: i32) -> (i32, i32) {
    %c0_i32 = arith.constant 0 : i32
    %c0_i32_0 = arith.constant 0 : i32
    %c0_i32_1 = arith.constant 0 : i32
    return %c0_i32, %c0_i32_0 : i32, i32
  }
  func.func @transform_21(%arg0: i32) -> (i32, i32) {
    %c0_i32 = arith.constant 0 : i32
    %c0_i32_0 = arith.constant 0 : i32
    %c0_i32_1 = arith.constant 0 : i32
    return %c0_i32, %c0_i32_0 : i32, i32
  }
  func.func @transform_22(%arg0: i32) -> (i32, i32) {
    %c0_i32 = arith.constant 0 : i32
    %c0_i32_0 = arith.constant 0 : i32
    %c0_i32_1 = arith.constant 0 : i32
    return %c0_i32, %c0_i32_0 : i32, i32
  }
  func.func @transform_23(%arg0: i32) -> (i32, i32) {
    %c0_i32 = arith.constant 0 : i32
    %c0_i32_0 = arith.constant 0 : i32
    %c0_i32_1 = arith.constant 0 : i32
    return %c0_i32, %c0_i32_0 : i32, i32
  }
  func.func @transform_24(%arg0: i32) -> (i32, i32) {
    %c0_i32 = arith.constant 0 : i32
    %c0_i32_0 = arith.constant 0 : i32
    %c0_i32_1 = arith.constant 0 : i32
    return %c0_i32, %c0_i32_0 : i32, i32
  }
  func.func @transform_25(%arg0: i32) -> (i32, i32) {
    %c0_i32 = arith.constant 0 : i32
    %c0_i32_0 = arith.constant 0 : i32
    %c0_i32_1 = arith.constant 0 : i32
    return %c0_i32, %c0_i32_0 : i32, i32
  }
  func.func @transform_26(%arg0: i32) -> (i32, i32) {
    %c0_i32 = arith.constant 0 : i32
    %c0_i32_0 = arith.constant 0 : i32
    %c0_i32_1 = arith.constant 0 : i32
    return %c0_i32, %c0_i32_0 : i32, i32
  }
  func.func @transform_27(%arg0: i32) -> (i32, i32) {
    %c0_i32 = arith.constant 0 : i32
    %c0_i32_0 = arith.constant 0 : i32
    %c0_i32_1 = arith.constant 0 : i32
    return %c0_i32, %c0_i32_0 : i32, i32
  }
  func.func @transform_28(%arg0: i32) -> (i32, i32) {
    %c0_i32 = arith.constant 0 : i32
    %c0_i32_0 = arith.constant 0 : i32
    %c0_i32_1 = arith.constant 0 : i32
    return %c0_i32, %c0_i32_0 : i32, i32
  }
  func.func @transform_29(%arg0: i32) -> (i32, i32) {
    %c0_i32 = arith.constant 0 : i32
    %c0_i32_0 = arith.constant 0 : i32
    %c0_i32_1 = arith.constant 0 : i32
    return %c0_i32, %c0_i32_0 : i32, i32
  }
  func.func @transform_30(%arg0: i32) -> (i32, i32) {
    %c0_i32 = arith.constant 0 : i32
    %c0_i32_0 = arith.constant 0 : i32
    %c0_i32_1 = arith.constant 0 : i32
    return %c0_i32, %c0_i32_0 : i32, i32
  }
  func.func @transform_31(%arg0: i32) -> (i32, i32) {
    %c0_i32 = arith.constant 0 : i32
    %c0_i32_0 = arith.constant 0 : i32
    %c0_i32_1 = arith.constant 0 : i32
    return %c0_i32, %c0_i32_0 : i32, i32
  }
  func.func @transform_32(%arg0: i32) -> (i32, i32) {
    %c0_i32 = arith.constant 0 : i32
    %c0_i32_0 = arith.constant 0 : i32
    %c0_i32_1 = arith.constant 0 : i32
    return %c0_i32, %c0_i32_0 : i32, i32
  }
  func.func @transform_33(%arg0: i32) -> (i32, i32) {
    %c0_i32 = arith.constant 0 : i32
    %c0_i32_0 = arith.constant 0 : i32
    %c0_i32_1 = arith.constant 0 : i32
    return %c0_i32, %c0_i32_0 : i32, i32
  }
  func.func @transform_34(%arg0: i32) -> (i32, i32) {
    %c0_i32 = arith.constant 0 : i32
    %c0_i32_0 = arith.constant 0 : i32
    %c0_i32_1 = arith.constant 0 : i32
    return %c0_i32, %c0_i32_0 : i32, i32
  }
  func.func @transform_35(%arg0: i32) -> (i32, i32) {
    %c0_i32 = arith.constant 0 : i32
    %c0_i32_0 = arith.constant 0 : i32
    %c0_i32_1 = arith.constant 0 : i32
    return %c0_i32, %c0_i32_0 : i32, i32
  }
  func.func @transform_36(%arg0: i32) -> (i32, i32) {
    %c0_i32 = arith.constant 0 : i32
    %c0_i32_0 = arith.constant 0 : i32
    %c0_i32_1 = arith.constant 0 : i32
    return %c0_i32, %c0_i32_0 : i32, i32
  }
  func.func @transform_37(%arg0: i32) -> (i32, i32) {
    %c0_i32 = arith.constant 0 : i32
    %c0_i32_0 = arith.constant 0 : i32
    %c0_i32_1 = arith.constant 0 : i32
    return %c0_i32, %c0_i32_0 : i32, i32
  }
  func.func @transform_38(%arg0: i32) -> (i32, i32) {
    %c0_i32 = arith.constant 0 : i32
    %c0_i32_0 = arith.constant 0 : i32
    %c0_i32_1 = arith.constant 0 : i32
    return %c0_i32, %c0_i32_0 : i32, i32
  }
  func.func @transform_39(%arg0: i32) -> (i32, i32) {
    %c0_i32 = arith.constant 0 : i32
    %c0_i32_0 = arith.constant 0 : i32
    return %arg0, %c0_i32 : i32, i32
  }
  func.func @transform_40(%arg0: i32) -> (i32, i32) {
    %c0_i32 = arith.constant 0 : i32
    %c0_i32_0 = arith.constant 0 : i32
    return %arg0, %c0_i32 : i32, i32
  }
}

module attributes {stable_mosaic.version = 14 : i64} {
  func.func @body(%arg0: i32, %arg1: memref<1024x1xf32, #tpu.memory_space<vmem>>, %arg2: memref<1024x48xf32, #tpu.memory_space<vmem>>, %arg3: memref<48x1024xf32, #tpu.memory_space<vmem>>, %arg4: memref<32x1024xf32, #tpu.memory_space<vmem>>, %arg5: memref<1024x32xf32, #tpu.memory_space<vmem>>, %arg6: memref<48x32xf32, #tpu.memory_space<vmem>>, %arg7: memref<1x32xf32, #tpu.memory_space<vmem>>, %arg8: memref<1x32xf32, #tpu.memory_space<vmem>>, %arg9: memref<1024x32xf32, #tpu.memory_space<vmem>>) attributes {dimension_semantics = [#tpu.dimension_semantics<arbitrary>], iteration_bounds = array<i64: 160>, scalar_prefetch = 0 : i64, scratch_operands = 0 : i64, tpu.core_type = #tpu.core_type<tc>, window_params = [{transform_indices = @transform_0, window_bounds = array<i64: 1024, 1>}, {transform_indices = @transform_1, window_bounds = array<i64: 1024, 48>}, {pipeline_mode = #tpu.pipeline_mode<synchronous>, transform_indices = @transform_2, window_bounds = array<i64: 48, 1024>}, {pipeline_mode = #tpu.pipeline_mode<synchronous>, transform_indices = @transform_3, window_bounds = array<i64: 32, 1024>}, {pipeline_mode = #tpu.pipeline_mode<synchronous>, transform_indices = @transform_4, window_bounds = array<i64: 1024, 32>}, {pipeline_mode = #tpu.pipeline_mode<synchronous>, transform_indices = @transform_5, window_bounds = array<i64: 48, 32>}, {pipeline_mode = #tpu.pipeline_mode<synchronous>, transform_indices = @transform_6, window_bounds = array<i64: 1, 32>}, {pipeline_mode = #tpu.pipeline_mode<synchronous>, transform_indices = @transform_7, window_bounds = array<i64: 1, 32>}, {transform_indices = @transform_8, window_bounds = array<i64: 1024, 32>}]} {
    %get3A = arith.constant 0 : index
    %get3A_0 = arith.constant 0 : index
    %get3A_1 = vector.load %arg1[%get3A, %get3A_0] : memref<1024x1xf32, #tpu.memory_space<vmem>>, vector<1024x1xf32>
    %get3A_2 = arith.constant 0 : index
    %get3A_3 = arith.constant 0 : index
    %get3A_4 = vector.load %arg7[%get3A_2, %get3A_3] : memref<1x32xf32, #tpu.memory_space<vmem>>, vector<1x32xf32>
    %mul3A = vector.broadcast %get3A_1 : vector<1024x1xf32> to vector<1024x32xf32>
    %mul3A_5 = vector.broadcast %get3A_4 : vector<1x32xf32> to vector<1024x32xf32>
    %mul3A_6 = arith.mulf %mul3A, %mul3A_5 : vector<1024x32xf32>
    %get3A_7 = arith.constant 0 : index
    %get3A_8 = arith.constant 0 : index
    %get3A_9 = vector.load %arg8[%get3A_7, %get3A_8] : memref<1x32xf32, #tpu.memory_space<vmem>>, vector<1x32xf32>
    %add3A = vector.broadcast %get3A_9 : vector<1x32xf32> to vector<1024x32xf32>
    %add3A_10 = arith.addf %mul3A_6, %add3A : vector<1024x32xf32>
    %max3A = arith.constant 0.000000e+00 : f32
    %max3A_11 = vector.broadcast %max3A : f32 to vector<1024x32xf32>
    %max3A_12 = arith.maximumf %add3A_10, %max3A_11 : vector<1024x32xf32>
    %get3A_13 = arith.constant 0 : index
    %get3A_14 = arith.constant 0 : index
    %get3A_15 = vector.load %arg2[%get3A_13, %get3A_14] : memref<1024x48xf32, #tpu.memory_space<vmem>>, vector<1024x48xf32>
    %get3A_16 = arith.constant 0 : index
    %get3A_17 = arith.constant 0 : index
    %get3A_18 = vector.load %arg3[%get3A_16, %get3A_17] : memref<48x1024xf32, #tpu.memory_space<vmem>>, vector<48x1024xf32>
    %dot_general3A = arith.constant dense<0.000000e+00> : vector<1024x1024xf32>
    %dot_general3A_19 = tpu.matmul %get3A_15, %get3A_18, %dot_general3A {dimension_numbers = #tpu.dot_dimension_numbers<[1], [0], [0], [1], [0, 0, 1, 1], [], []>, transpose_lhs_hint = false} : vector<1024x48xf32>, vector<48x1024xf32>, vector<1024x1024xf32> -> vector<1024x1024xf32>
    %get3A_20 = arith.constant 0 : index
    %get3A_21 = arith.constant 0 : index
    %get3A_22 = vector.load %arg4[%get3A_20, %get3A_21] : memref<32x1024xf32, #tpu.memory_space<vmem>>, vector<32x1024xf32>
    %dot_general3A_23 = arith.constant dense<0.000000e+00> : vector<1024x1024xf32>
    %dot_general3A_24 = tpu.matmul %max3A_12, %get3A_22, %dot_general3A_23 {dimension_numbers = #tpu.dot_dimension_numbers<[1], [0], [0], [1], [0, 0, 1, 1], [], []>, transpose_lhs_hint = false} : vector<1024x32xf32>, vector<32x1024xf32>, vector<1024x1024xf32> -> vector<1024x1024xf32>
    %mul3A_25 = arith.mulf %dot_general3A_19, %dot_general3A_24 : vector<1024x1024xf32>
    %get3A_26 = arith.constant 0 : index
    %get3A_27 = arith.constant 0 : index
    %get3A_28 = vector.load %arg5[%get3A_26, %get3A_27] : memref<1024x32xf32, #tpu.memory_space<vmem>>, vector<1024x32xf32>
    %dot_general3A_29 = arith.constant dense<0.000000e+00> : vector<1024x32xf32>
    %dot_general3A_30 = tpu.matmul %mul3A_25, %get3A_28, %dot_general3A_29 {dimension_numbers = #tpu.dot_dimension_numbers<[1], [0], [0], [1], [0, 0, 1, 1], [], []>, transpose_lhs_hint = false} : vector<1024x1024xf32>, vector<1024x32xf32>, vector<1024x32xf32> -> vector<1024x32xf32>
    %get3A_31 = arith.constant 0 : index
    %get3A_32 = arith.constant 0 : index
    %get3A_33 = vector.load %arg2[%get3A_31, %get3A_32] : memref<1024x48xf32, #tpu.memory_space<vmem>>, vector<1024x48xf32>
    %get3A_34 = arith.constant 0 : index
    %get3A_35 = arith.constant 0 : index
    %get3A_36 = vector.load %arg6[%get3A_34, %get3A_35] : memref<48x32xf32, #tpu.memory_space<vmem>>, vector<48x32xf32>
    %dot_general3A_37 = arith.constant dense<0.000000e+00> : vector<1024x32xf32>
    %dot_general3A_38 = tpu.matmul %get3A_33, %get3A_36, %dot_general3A_37 {dimension_numbers = #tpu.dot_dimension_numbers<[1], [0], [0], [1], [0, 0, 1, 1], [], []>, transpose_lhs_hint = false} : vector<1024x48xf32>, vector<48x32xf32>, vector<1024x32xf32> -> vector<1024x32xf32>
    %add3A_39 = arith.addf %dot_general3A_30, %dot_general3A_38 : vector<1024x32xf32>
    %swap3A = arith.constant 0 : index
    %swap3A_40 = arith.constant 0 : index
    %swap3A_41 = vector.load %arg9[%swap3A, %swap3A_40] : memref<1024x32xf32, #tpu.memory_space<vmem>>, vector<1024x32xf32>
    tpu.vector_store %arg9[%swap3A, %swap3A_40], %add3A_39 {strides = array<i32>} : memref<1024x32xf32, #tpu.memory_space<vmem>>, vector<1024x32xf32>,
    return
  }
  func.func @transform_0(%arg0: i32) -> (i32, i32) {
    %c0_i32 = arith.constant 0 : i32
    %c0_i32_0 = arith.constant 0 : i32
    return %arg0, %c0_i32 : i32, i32
  }
  func.func @transform_1(%arg0: i32) -> (i32, i32) {
    %c0_i32 = arith.constant 0 : i32
    %c0_i32_0 = arith.constant 0 : i32
    return %arg0, %c0_i32 : i32, i32
  }
  func.func @transform_2(%arg0: i32) -> (i32, i32) {
    %c0_i32 = arith.constant 0 : i32
    %c0_i32_0 = arith.constant 0 : i32
    %c0_i32_1 = arith.constant 0 : i32
    return %c0_i32, %c0_i32_0 : i32, i32
  }
  func.func @transform_3(%arg0: i32) -> (i32, i32) {
    %c0_i32 = arith.constant 0 : i32
    %c0_i32_0 = arith.constant 0 : i32
    %c0_i32_1 = arith.constant 0 : i32
    return %c0_i32, %c0_i32_0 : i32, i32
  }
  func.func @transform_4(%arg0: i32) -> (i32, i32) {
    %c0_i32 = arith.constant 0 : i32
    %c0_i32_0 = arith.constant 0 : i32
    %c0_i32_1 = arith.constant 0 : i32
    return %c0_i32, %c0_i32_0 : i32, i32
  }
  func.func @transform_5(%arg0: i32) -> (i32, i32) {
    %c0_i32 = arith.constant 0 : i32
    %c0_i32_0 = arith.constant 0 : i32
    %c0_i32_1 = arith.constant 0 : i32
    return %c0_i32, %c0_i32_0 : i32, i32
  }
  func.func @transform_6(%arg0: i32) -> (i32, i32) {
    %c0_i32 = arith.constant 0 : i32
    %c0_i32_0 = arith.constant 0 : i32
    %c0_i32_1 = arith.constant 0 : i32
    return %c0_i32, %c0_i32_0 : i32, i32
  }
  func.func @transform_7(%arg0: i32) -> (i32, i32) {
    %c0_i32 = arith.constant 0 : i32
    %c0_i32_0 = arith.constant 0 : i32
    %c0_i32_1 = arith.constant 0 : i32
    return %c0_i32, %c0_i32_0 : i32, i32
  }
  func.func @transform_8(%arg0: i32) -> (i32, i32) {
    %c0_i32 = arith.constant 0 : i32
    %c0_i32_0 = arith.constant 0 : i32
    return %arg0, %c0_i32 : i32, i32
  }
}

module attributes {stable_mosaic.version = 14 : i64} {
  func.func @body(%arg0: i32, %arg1: memref<1000x32xf32, #tpu.memory_space<vmem>>, %arg2: memref<1000x32xf32, #tpu.memory_space<vmem>>, %arg3: memref<1000x1xf32, #tpu.memory_space<vmem>>, %arg4: memref<1000x1xf32, #tpu.memory_space<vmem>>, %arg5: memref<1000x48xf32, #tpu.memory_space<vmem>>, %arg6: memref<48x32xf32, #tpu.memory_space<vmem>>, %arg7: memref<1x32xf32, #tpu.memory_space<vmem>>, %arg8: memref<1x32xf32, #tpu.memory_space<vmem>>, %arg9: memref<1x32xf32, #tpu.memory_space<vmem>>, %arg10: memref<1000x32xf32, #tpu.memory_space<vmem>>) attributes {dimension_semantics = [#tpu.dimension_semantics<arbitrary>], iteration_bounds = array<i64: 10>, scalar_prefetch = 0 : i64, scratch_operands = 0 : i64, tpu.core_type = #tpu.core_type<tc>, window_params = [{transform_indices = @transform_0, window_bounds = array<i64: 1000, 32>}, {transform_indices = @transform_1, window_bounds = array<i64: 1000, 32>}, {transform_indices = @transform_2, window_bounds = array<i64: 1000, 1>}, {transform_indices = @transform_3, window_bounds = array<i64: 1000, 1>}, {transform_indices = @transform_4, window_bounds = array<i64: 1000, 48>}, {pipeline_mode = #tpu.pipeline_mode<synchronous>, transform_indices = @transform_5, window_bounds = array<i64: 48, 32>}, {pipeline_mode = #tpu.pipeline_mode<synchronous>, transform_indices = @transform_6, window_bounds = array<i64: 1, 32>}, {pipeline_mode = #tpu.pipeline_mode<synchronous>, transform_indices = @transform_7, window_bounds = array<i64: 1, 32>}, {pipeline_mode = #tpu.pipeline_mode<synchronous>, transform_indices = @transform_8, window_bounds = array<i64: 1, 32>}, {transform_indices = @transform_9, window_bounds = array<i64: 1000, 32>}]} {
    %get3A = arith.constant 0 : index
    %get3A_0 = arith.constant 0 : index
    %get3A_1 = vector.load %arg3[%get3A, %get3A_0] : memref<1000x1xf32, #tpu.memory_space<vmem>>, vector<1000x1xf32>
    %get3A_2 = arith.constant 0 : index
    %get3A_3 = arith.constant 0 : index
    %get3A_4 = vector.load %arg4[%get3A_2, %get3A_3] : memref<1000x1xf32, #tpu.memory_space<vmem>>, vector<1000x1xf32>
    %add3A = arith.addf %get3A_1, %get3A_4 : vector<1000x1xf32>
    %max3A = arith.constant 1.000000e+00 : f32
    %max3A_5 = vector.broadcast %max3A : f32 to vector<1000x1xf32>
    %max3A_6 = arith.maximumf %add3A, %max3A_5 : vector<1000x1xf32>
    %get3A_7 = arith.constant 0 : index
    %get3A_8 = arith.constant 0 : index
    %get3A_9 = vector.load %arg1[%get3A_7, %get3A_8] : memref<1000x32xf32, #tpu.memory_space<vmem>>, vector<1000x32xf32>
    %get3A_10 = arith.constant 0 : index
    %get3A_11 = arith.constant 0 : index
    %get3A_12 = vector.load %arg2[%get3A_10, %get3A_11] : memref<1000x32xf32, #tpu.memory_space<vmem>>, vector<1000x32xf32>
    %add3A_13 = arith.addf %get3A_9, %get3A_12 : vector<1000x32xf32>
    %div3A = vector.broadcast %max3A_6 : vector<1000x1xf32> to vector<1000x32xf32>
    %div3A_14 = arith.divf %add3A_13, %div3A : vector<1000x32xf32>
    %get3A_15 = arith.constant 0 : index
    %get3A_16 = arith.constant 0 : index
    %get3A_17 = vector.load %arg5[%get3A_15, %get3A_16] : memref<1000x48xf32, #tpu.memory_space<vmem>>, vector<1000x48xf32>
    %get3A_18 = arith.constant 0 : index
    %get3A_19 = arith.constant 0 : index
    %get3A_20 = vector.load %arg6[%get3A_18, %get3A_19] : memref<48x32xf32, #tpu.memory_space<vmem>>, vector<48x32xf32>
    %dot_general3A = arith.constant dense<0.000000e+00> : vector<1000x32xf32>
    %dot_general3A_21 = tpu.matmul %get3A_17, %get3A_20, %dot_general3A {dimension_numbers = #tpu.dot_dimension_numbers<[1], [0], [0], [1], [0, 0, 1, 1], [], []>, transpose_lhs_hint = false} : vector<1000x48xf32>, vector<48x32xf32>, vector<1000x32xf32> -> vector<1000x32xf32>
    %add3A_22 = arith.addf %div3A_14, %dot_general3A_21 : vector<1000x32xf32>
    %get3A_23 = arith.constant 0 : index
    %get3A_24 = arith.constant 0 : index
    %get3A_25 = vector.load %arg7[%get3A_23, %get3A_24] : memref<1x32xf32, #tpu.memory_space<vmem>>, vector<1x32xf32>
    %add3A_26 = vector.broadcast %get3A_25 : vector<1x32xf32> to vector<1000x32xf32>
    %add3A_27 = arith.addf %add3A_22, %add3A_26 : vector<1000x32xf32>
    %get3A_28 = arith.constant 0 : index
    %get3A_29 = arith.constant 0 : index
    %get3A_30 = vector.load %arg8[%get3A_28, %get3A_29] : memref<1x32xf32, #tpu.memory_space<vmem>>, vector<1x32xf32>
    %get3A_31 = arith.constant 0 : index
    %get3A_32 = arith.constant 0 : index
    %get3A_33 = vector.load %arg9[%get3A_31, %get3A_32] : memref<1x32xf32, #tpu.memory_space<vmem>>, vector<1x32xf32>
    %reduce_sum3A = arith.constant dense<0.000000e+00> : vector<1000xf32>
    %reduce_sum3A_34 = vector.multi_reduction <add>, %add3A_27, %reduce_sum3A [1] : vector<1000x32xf32> to vector<1000xf32>
    %broadcast_in_dim3A = vector.shape_cast %reduce_sum3A_34 : vector<1000xf32> to vector<1000x1xf32>
    %div3A_35 = arith.constant 3.200000e+01 : f32
    %div3A_36 = vector.broadcast %div3A_35 : f32 to vector<1000x1xf32>
    %div3A_37 = arith.divf %broadcast_in_dim3A, %div3A_36 : vector<1000x1xf32>
    %sub3A = vector.broadcast %div3A_37 : vector<1000x1xf32> to vector<1000x32xf32>
    %sub3A_38 = arith.subf %add3A_27, %sub3A : vector<1000x32xf32>
    %integer_pow3A = arith.mulf %sub3A_38, %sub3A_38 : vector<1000x32xf32>
    %reduce_sum3A_39 = arith.constant dense<0.000000e+00> : vector<1000xf32>
    %reduce_sum3A_40 = vector.multi_reduction <add>, %integer_pow3A, %reduce_sum3A_39 [1] : vector<1000x32xf32> to vector<1000xf32>
    %broadcast_in_dim3A_41 = vector.shape_cast %reduce_sum3A_40 : vector<1000xf32> to vector<1000x1xf32>
    %div3A_42 = arith.constant 3.200000e+01 : f32
    %div3A_43 = vector.broadcast %div3A_42 : f32 to vector<1000x1xf32>
    %div3A_44 = arith.divf %broadcast_in_dim3A_41, %div3A_43 : vector<1000x1xf32>
    %sub3A_45 = vector.broadcast %div3A_37 : vector<1000x1xf32> to vector<1000x32xf32>
    %sub3A_46 = arith.subf %add3A_27, %sub3A_45 : vector<1000x32xf32>
    %add3A_47 = arith.constant 9.99999974E-6 : f32
    %add3A_48 = vector.broadcast %add3A_47 : f32 to vector<1000x1xf32>
    %add3A_49 = arith.addf %div3A_44, %add3A_48 : vector<1000x1xf32>
    %sqrt3A = math.sqrt %add3A_49 : vector<1000x1xf32>
    %div3A_50 = vector.broadcast %sqrt3A : vector<1000x1xf32> to vector<1000x32xf32>
    %div3A_51 = arith.divf %sub3A_46, %div3A_50 : vector<1000x32xf32>
    %mul3A = vector.broadcast %get3A_30 : vector<1x32xf32> to vector<1000x32xf32>
    %mul3A_52 = arith.mulf %div3A_51, %mul3A : vector<1000x32xf32>
    %add3A_53 = vector.broadcast %get3A_33 : vector<1x32xf32> to vector<1000x32xf32>
    %add3A_54 = arith.addf %mul3A_52, %add3A_53 : vector<1000x32xf32>
    %max3A_55 = arith.constant 0.000000e+00 : f32
    %max3A_56 = vector.broadcast %max3A_55 : f32 to vector<1000x32xf32>
    %max3A_57 = arith.maximumf %add3A_54, %max3A_56 : vector<1000x32xf32>
    %swap3A = arith.constant 0 : index
    %swap3A_58 = arith.constant 0 : index
    %swap3A_59 = vector.load %arg10[%swap3A, %swap3A_58] : memref<1000x32xf32, #tpu.memory_space<vmem>>, vector<1000x32xf32>
    tpu.vector_store %arg10[%swap3A, %swap3A_58], %max3A_57 {strides = array<i32>} : memref<1000x32xf32, #tpu.memory_space<vmem>>, vector<1000x32xf32>,
    return
  }
  func.func @transform_0(%arg0: i32) -> (i32, i32) {
    %c0_i32 = arith.constant 0 : i32
    %c0_i32_0 = arith.constant 0 : i32
    return %arg0, %c0_i32 : i32, i32
  }
  func.func @transform_1(%arg0: i32) -> (i32, i32) {
    %c0_i32 = arith.constant 0 : i32
    %c0_i32_0 = arith.constant 0 : i32
    return %arg0, %c0_i32 : i32, i32
  }
  func.func @transform_2(%arg0: i32) -> (i32, i32) {
    %c0_i32 = arith.constant 0 : i32
    %c0_i32_0 = arith.constant 0 : i32
    return %arg0, %c0_i32 : i32, i32
  }
  func.func @transform_3(%arg0: i32) -> (i32, i32) {
    %c0_i32 = arith.constant 0 : i32
    %c0_i32_0 = arith.constant 0 : i32
    return %arg0, %c0_i32 : i32, i32
  }
  func.func @transform_4(%arg0: i32) -> (i32, i32) {
    %c0_i32 = arith.constant 0 : i32
    %c0_i32_0 = arith.constant 0 : i32
    return %arg0, %c0_i32 : i32, i32
  }
  func.func @transform_5(%arg0: i32) -> (i32, i32) {
    %c0_i32 = arith.constant 0 : i32
    %c0_i32_0 = arith.constant 0 : i32
    %c0_i32_1 = arith.constant 0 : i32
    return %c0_i32, %c0_i32_0 : i32, i32
  }
  func.func @transform_6(%arg0: i32) -> (i32, i32) {
    %c0_i32 = arith.constant 0 : i32
    %c0_i32_0 = arith.constant 0 : i32
    %c0_i32_1 = arith.constant 0 : i32
    return %c0_i32, %c0_i32_0 : i32, i32
  }
  func.func @transform_7(%arg0: i32) -> (i32, i32) {
    %c0_i32 = arith.constant 0 : i32
    %c0_i32_0 = arith.constant 0 : i32
    %c0_i32_1 = arith.constant 0 : i32
    return %c0_i32, %c0_i32_0 : i32, i32
  }
  func.func @transform_8(%arg0: i32) -> (i32, i32) {
    %c0_i32 = arith.constant 0 : i32
    %c0_i32_0 = arith.constant 0 : i32
    %c0_i32_1 = arith.constant 0 : i32
    return %c0_i32, %c0_i32_0 : i32, i32
  }
  func.func @transform_9(%arg0: i32) -> (i32, i32) {
    %c0_i32 = arith.constant 0 : i32
    %c0_i32_0 = arith.constant 0 : i32
    return %arg0, %c0_i32 : i32, i32
  }
}

module attributes {stable_mosaic.version = 14 : i64} {
  func.func @body(%arg0: i32, %arg1: memref<1024x1xf32, #tpu.memory_space<vmem>>, %arg2: memref<1024x32xf32, #tpu.memory_space<vmem>>, %arg3: memref<32x1024xf32, #tpu.memory_space<vmem>>, %arg4: memref<32x1024xf32, #tpu.memory_space<vmem>>, %arg5: memref<1024x32xf32, #tpu.memory_space<vmem>>, %arg6: memref<32x32xf32, #tpu.memory_space<vmem>>, %arg7: memref<1x32xf32, #tpu.memory_space<vmem>>, %arg8: memref<1x32xf32, #tpu.memory_space<vmem>>, %arg9: memref<1024x32xf32, #tpu.memory_space<vmem>>) attributes {dimension_semantics = [#tpu.dimension_semantics<arbitrary>], iteration_bounds = array<i64: 160>, scalar_prefetch = 0 : i64, scratch_operands = 0 : i64, tpu.core_type = #tpu.core_type<tc>, window_params = [{transform_indices = @transform_0, window_bounds = array<i64: 1024, 1>}, {transform_indices = @transform_1, window_bounds = array<i64: 1024, 32>}, {pipeline_mode = #tpu.pipeline_mode<synchronous>, transform_indices = @transform_2, window_bounds = array<i64: 32, 1024>}, {pipeline_mode = #tpu.pipeline_mode<synchronous>, transform_indices = @transform_3, window_bounds = array<i64: 32, 1024>}, {pipeline_mode = #tpu.pipeline_mode<synchronous>, transform_indices = @transform_4, window_bounds = array<i64: 1024, 32>}, {pipeline_mode = #tpu.pipeline_mode<synchronous>, transform_indices = @transform_5, window_bounds = array<i64: 32, 32>}, {pipeline_mode = #tpu.pipeline_mode<synchronous>, transform_indices = @transform_6, window_bounds = array<i64: 1, 32>}, {pipeline_mode = #tpu.pipeline_mode<synchronous>, transform_indices = @transform_7, window_bounds = array<i64: 1, 32>}, {transform_indices = @transform_8, window_bounds = array<i64: 1024, 32>}]} {
    %get3A = arith.constant 0 : index
    %get3A_0 = arith.constant 0 : index
    %get3A_1 = vector.load %arg1[%get3A, %get3A_0] : memref<1024x1xf32, #tpu.memory_space<vmem>>, vector<1024x1xf32>
    %get3A_2 = arith.constant 0 : index
    %get3A_3 = arith.constant 0 : index
    %get3A_4 = vector.load %arg7[%get3A_2, %get3A_3] : memref<1x32xf32, #tpu.memory_space<vmem>>, vector<1x32xf32>
    %mul3A = vector.broadcast %get3A_1 : vector<1024x1xf32> to vector<1024x32xf32>
    %mul3A_5 = vector.broadcast %get3A_4 : vector<1x32xf32> to vector<1024x32xf32>
    %mul3A_6 = arith.mulf %mul3A, %mul3A_5 : vector<1024x32xf32>
    %get3A_7 = arith.constant 0 : index
    %get3A_8 = arith.constant 0 : index
    %get3A_9 = vector.load %arg8[%get3A_7, %get3A_8] : memref<1x32xf32, #tpu.memory_space<vmem>>, vector<1x32xf32>
    %add3A = vector.broadcast %get3A_9 : vector<1x32xf32> to vector<1024x32xf32>
    %add3A_10 = arith.addf %mul3A_6, %add3A : vector<1024x32xf32>
    %max3A = arith.constant 0.000000e+00 : f32
    %max3A_11 = vector.broadcast %max3A : f32 to vector<1024x32xf32>
    %max3A_12 = arith.maximumf %add3A_10, %max3A_11 : vector<1024x32xf32>
    %get3A_13 = arith.constant 0 : index
    %get3A_14 = arith.constant 0 : index
    %get3A_15 = vector.load %arg2[%get3A_13, %get3A_14] : memref<1024x32xf32, #tpu.memory_space<vmem>>, vector<1024x32xf32>
    %get3A_16 = arith.constant 0 : index
    %get3A_17 = arith.constant 0 : index
    %get3A_18 = vector.load %arg3[%get3A_16, %get3A_17] : memref<32x1024xf32, #tpu.memory_space<vmem>>, vector<32x1024xf32>
    %dot_general3A = arith.constant dense<0.000000e+00> : vector<1024x1024xf32>
    %dot_general3A_19 = tpu.matmul %get3A_15, %get3A_18, %dot_general3A {dimension_numbers = #tpu.dot_dimension_numbers<[1], [0], [0], [1], [0, 0, 1, 1], [], []>, transpose_lhs_hint = false} : vector<1024x32xf32>, vector<32x1024xf32>, vector<1024x1024xf32> -> vector<1024x1024xf32>
    %get3A_20 = arith.constant 0 : index
    %get3A_21 = arith.constant 0 : index
    %get3A_22 = vector.load %arg4[%get3A_20, %get3A_21] : memref<32x1024xf32, #tpu.memory_space<vmem>>, vector<32x1024xf32>
    %dot_general3A_23 = arith.constant dense<0.000000e+00> : vector<1024x1024xf32>
    %dot_general3A_24 = tpu.matmul %max3A_12, %get3A_22, %dot_general3A_23 {dimension_numbers = #tpu.dot_dimension_numbers<[1], [0], [0], [1], [0, 0, 1, 1], [], []>, transpose_lhs_hint = false} : vector<1024x32xf32>, vector<32x1024xf32>, vector<1024x1024xf32> -> vector<1024x1024xf32>
    %mul3A_25 = arith.mulf %dot_general3A_19, %dot_general3A_24 : vector<1024x1024xf32>
    %get3A_26 = arith.constant 0 : index
    %get3A_27 = arith.constant 0 : index
    %get3A_28 = vector.load %arg5[%get3A_26, %get3A_27] : memref<1024x32xf32, #tpu.memory_space<vmem>>, vector<1024x32xf32>
    %dot_general3A_29 = arith.constant dense<0.000000e+00> : vector<1024x32xf32>
    %dot_general3A_30 = tpu.matmul %mul3A_25, %get3A_28, %dot_general3A_29 {dimension_numbers = #tpu.dot_dimension_numbers<[1], [0], [0], [1], [0, 0, 1, 1], [], []>, transpose_lhs_hint = false} : vector<1024x1024xf32>, vector<1024x32xf32>, vector<1024x32xf32> -> vector<1024x32xf32>
    %get3A_31 = arith.constant 0 : index
    %get3A_32 = arith.constant 0 : index
    %get3A_33 = vector.load %arg2[%get3A_31, %get3A_32] : memref<1024x32xf32, #tpu.memory_space<vmem>>, vector<1024x32xf32>
    %get3A_34 = arith.constant 0 : index
    %get3A_35 = arith.constant 0 : index
    %get3A_36 = vector.load %arg6[%get3A_34, %get3A_35] : memref<32x32xf32, #tpu.memory_space<vmem>>, vector<32x32xf32>
    %dot_general3A_37 = arith.constant dense<0.000000e+00> : vector<1024x32xf32>
    %dot_general3A_38 = tpu.matmul %get3A_33, %get3A_36, %dot_general3A_37 {dimension_numbers = #tpu.dot_dimension_numbers<[1], [0], [0], [1], [0, 0, 1, 1], [], []>, transpose_lhs_hint = false} : vector<1024x32xf32>, vector<32x32xf32>, vector<1024x32xf32> -> vector<1024x32xf32>
    %add3A_39 = arith.addf %dot_general3A_30, %dot_general3A_38 : vector<1024x32xf32>
    %swap3A = arith.constant 0 : index
    %swap3A_40 = arith.constant 0 : index
    %swap3A_41 = vector.load %arg9[%swap3A, %swap3A_40] : memref<1024x32xf32, #tpu.memory_space<vmem>>, vector<1024x32xf32>
    tpu.vector_store %arg9[%swap3A, %swap3A_40], %add3A_39 {strides = array<i32>} : memref<1024x32xf32, #tpu.memory_space<vmem>>, vector<1024x32xf32>,
    return
  }
  func.func @transform_0(%arg0: i32) -> (i32, i32) {
    %c0_i32 = arith.constant 0 : i32
    %c0_i32_0 = arith.constant 0 : i32
    return %arg0, %c0_i32 : i32, i32
  }
  func.func @transform_1(%arg0: i32) -> (i32, i32) {
    %c0_i32 = arith.constant 0 : i32
    %c0_i32_0 = arith.constant 0 : i32
    return %arg0, %c0_i32 : i32, i32
  }
  func.func @transform_2(%arg0: i32) -> (i32, i32) {
    %c0_i32 = arith.constant 0 : i32
    %c0_i32_0 = arith.constant 0 : i32
    %c0_i32_1 = arith.constant 0 : i32
    return %c0_i32, %c0_i32_0 : i32, i32
  }
  func.func @transform_3(%arg0: i32) -> (i32, i32) {
    %c0_i32 = arith.constant 0 : i32
    %c0_i32_0 = arith.constant 0 : i32
    %c0_i32_1 = arith.constant 0 : i32
    return %c0_i32, %c0_i32_0 : i32, i32
  }
  func.func @transform_4(%arg0: i32) -> (i32, i32) {
    %c0_i32 = arith.constant 0 : i32
    %c0_i32_0 = arith.constant 0 : i32
    %c0_i32_1 = arith.constant 0 : i32
    return %c0_i32, %c0_i32_0 : i32, i32
  }
  func.func @transform_5(%arg0: i32) -> (i32, i32) {
    %c0_i32 = arith.constant 0 : i32
    %c0_i32_0 = arith.constant 0 : i32
    %c0_i32_1 = arith.constant 0 : i32
    return %c0_i32, %c0_i32_0 : i32, i32
  }
  func.func @transform_6(%arg0: i32) -> (i32, i32) {
    %c0_i32 = arith.constant 0 : i32
    %c0_i32_0 = arith.constant 0 : i32
    %c0_i32_1 = arith.constant 0 : i32
    return %c0_i32, %c0_i32_0 : i32, i32
  }
  func.func @transform_7(%arg0: i32) -> (i32, i32) {
    %c0_i32 = arith.constant 0 : i32
    %c0_i32_0 = arith.constant 0 : i32
    %c0_i32_1 = arith.constant 0 : i32
    return %c0_i32, %c0_i32_0 : i32, i32
  }
  func.func @transform_8(%arg0: i32) -> (i32, i32) {
    %c0_i32 = arith.constant 0 : i32
    %c0_i32_0 = arith.constant 0 : i32
    return %arg0, %c0_i32 : i32, i32
  }
}

module attributes {stable_mosaic.version = 14 : i64} {
  func.func @body(%arg0: i32, %arg1: memref<1000x32xf32, #tpu.memory_space<vmem>>, %arg2: memref<1000x32xf32, #tpu.memory_space<vmem>>, %arg3: memref<1000x1xf32, #tpu.memory_space<vmem>>, %arg4: memref<1000x1xf32, #tpu.memory_space<vmem>>, %arg5: memref<1000x32xf32, #tpu.memory_space<vmem>>, %arg6: memref<32x32xf32, #tpu.memory_space<vmem>>, %arg7: memref<1x32xf32, #tpu.memory_space<vmem>>, %arg8: memref<1x32xf32, #tpu.memory_space<vmem>>, %arg9: memref<1x32xf32, #tpu.memory_space<vmem>>, %arg10: memref<1000x32xf32, #tpu.memory_space<vmem>>) attributes {dimension_semantics = [#tpu.dimension_semantics<arbitrary>], iteration_bounds = array<i64: 10>, scalar_prefetch = 0 : i64, scratch_operands = 0 : i64, tpu.core_type = #tpu.core_type<tc>, window_params = [{transform_indices = @transform_0, window_bounds = array<i64: 1000, 32>}, {transform_indices = @transform_1, window_bounds = array<i64: 1000, 32>}, {transform_indices = @transform_2, window_bounds = array<i64: 1000, 1>}, {transform_indices = @transform_3, window_bounds = array<i64: 1000, 1>}, {transform_indices = @transform_4, window_bounds = array<i64: 1000, 32>}, {pipeline_mode = #tpu.pipeline_mode<synchronous>, transform_indices = @transform_5, window_bounds = array<i64: 32, 32>}, {pipeline_mode = #tpu.pipeline_mode<synchronous>, transform_indices = @transform_6, window_bounds = array<i64: 1, 32>}, {pipeline_mode = #tpu.pipeline_mode<synchronous>, transform_indices = @transform_7, window_bounds = array<i64: 1, 32>}, {pipeline_mode = #tpu.pipeline_mode<synchronous>, transform_indices = @transform_8, window_bounds = array<i64: 1, 32>}, {transform_indices = @transform_9, window_bounds = array<i64: 1000, 32>}]} {
    %get3A = arith.constant 0 : index
    %get3A_0 = arith.constant 0 : index
    %get3A_1 = vector.load %arg3[%get3A, %get3A_0] : memref<1000x1xf32, #tpu.memory_space<vmem>>, vector<1000x1xf32>
    %get3A_2 = arith.constant 0 : index
    %get3A_3 = arith.constant 0 : index
    %get3A_4 = vector.load %arg4[%get3A_2, %get3A_3] : memref<1000x1xf32, #tpu.memory_space<vmem>>, vector<1000x1xf32>
    %add3A = arith.addf %get3A_1, %get3A_4 : vector<1000x1xf32>
    %max3A = arith.constant 1.000000e+00 : f32
    %max3A_5 = vector.broadcast %max3A : f32 to vector<1000x1xf32>
    %max3A_6 = arith.maximumf %add3A, %max3A_5 : vector<1000x1xf32>
    %get3A_7 = arith.constant 0 : index
    %get3A_8 = arith.constant 0 : index
    %get3A_9 = vector.load %arg1[%get3A_7, %get3A_8] : memref<1000x32xf32, #tpu.memory_space<vmem>>, vector<1000x32xf32>
    %get3A_10 = arith.constant 0 : index
    %get3A_11 = arith.constant 0 : index
    %get3A_12 = vector.load %arg2[%get3A_10, %get3A_11] : memref<1000x32xf32, #tpu.memory_space<vmem>>, vector<1000x32xf32>
    %add3A_13 = arith.addf %get3A_9, %get3A_12 : vector<1000x32xf32>
    %div3A = vector.broadcast %max3A_6 : vector<1000x1xf32> to vector<1000x32xf32>
    %div3A_14 = arith.divf %add3A_13, %div3A : vector<1000x32xf32>
    %get3A_15 = arith.constant 0 : index
    %get3A_16 = arith.constant 0 : index
    %get3A_17 = vector.load %arg5[%get3A_15, %get3A_16] : memref<1000x32xf32, #tpu.memory_space<vmem>>, vector<1000x32xf32>
    %get3A_18 = arith.constant 0 : index
    %get3A_19 = arith.constant 0 : index
    %get3A_20 = vector.load %arg6[%get3A_18, %get3A_19] : memref<32x32xf32, #tpu.memory_space<vmem>>, vector<32x32xf32>
    %dot_general3A = arith.constant dense<0.000000e+00> : vector<1000x32xf32>
    %dot_general3A_21 = tpu.matmul %get3A_17, %get3A_20, %dot_general3A {dimension_numbers = #tpu.dot_dimension_numbers<[1], [0], [0], [1], [0, 0, 1, 1], [], []>, transpose_lhs_hint = false} : vector<1000x32xf32>, vector<32x32xf32>, vector<1000x32xf32> -> vector<1000x32xf32>
    %add3A_22 = arith.addf %div3A_14, %dot_general3A_21 : vector<1000x32xf32>
    %get3A_23 = arith.constant 0 : index
    %get3A_24 = arith.constant 0 : index
    %get3A_25 = vector.load %arg7[%get3A_23, %get3A_24] : memref<1x32xf32, #tpu.memory_space<vmem>>, vector<1x32xf32>
    %add3A_26 = vector.broadcast %get3A_25 : vector<1x32xf32> to vector<1000x32xf32>
    %add3A_27 = arith.addf %add3A_22, %add3A_26 : vector<1000x32xf32>
    %get3A_28 = arith.constant 0 : index
    %get3A_29 = arith.constant 0 : index
    %get3A_30 = vector.load %arg8[%get3A_28, %get3A_29] : memref<1x32xf32, #tpu.memory_space<vmem>>, vector<1x32xf32>
    %get3A_31 = arith.constant 0 : index
    %get3A_32 = arith.constant 0 : index
    %get3A_33 = vector.load %arg9[%get3A_31, %get3A_32] : memref<1x32xf32, #tpu.memory_space<vmem>>, vector<1x32xf32>
    %reduce_sum3A = arith.constant dense<0.000000e+00> : vector<1000xf32>
    %reduce_sum3A_34 = vector.multi_reduction <add>, %add3A_27, %reduce_sum3A [1] : vector<1000x32xf32> to vector<1000xf32>
    %broadcast_in_dim3A = vector.shape_cast %reduce_sum3A_34 : vector<1000xf32> to vector<1000x1xf32>
    %div3A_35 = arith.constant 3.200000e+01 : f32
    %div3A_36 = vector.broadcast %div3A_35 : f32 to vector<1000x1xf32>
    %div3A_37 = arith.divf %broadcast_in_dim3A, %div3A_36 : vector<1000x1xf32>
    %sub3A = vector.broadcast %div3A_37 : vector<1000x1xf32> to vector<1000x32xf32>
    %sub3A_38 = arith.subf %add3A_27, %sub3A : vector<1000x32xf32>
    %integer_pow3A = arith.mulf %sub3A_38, %sub3A_38 : vector<1000x32xf32>
    %reduce_sum3A_39 = arith.constant dense<0.000000e+00> : vector<1000xf32>
    %reduce_sum3A_40 = vector.multi_reduction <add>, %integer_pow3A, %reduce_sum3A_39 [1] : vector<1000x32xf32> to vector<1000xf32>
    %broadcast_in_dim3A_41 = vector.shape_cast %reduce_sum3A_40 : vector<1000xf32> to vector<1000x1xf32>
    %div3A_42 = arith.constant 3.200000e+01 : f32
    %div3A_43 = vector.broadcast %div3A_42 : f32 to vector<1000x1xf32>
    %div3A_44 = arith.divf %broadcast_in_dim3A_41, %div3A_43 : vector<1000x1xf32>
    %sub3A_45 = vector.broadcast %div3A_37 : vector<1000x1xf32> to vector<1000x32xf32>
    %sub3A_46 = arith.subf %add3A_27, %sub3A_45 : vector<1000x32xf32>
    %add3A_47 = arith.constant 9.99999974E-6 : f32
    %add3A_48 = vector.broadcast %add3A_47 : f32 to vector<1000x1xf32>
    %add3A_49 = arith.addf %div3A_44, %add3A_48 : vector<1000x1xf32>
    %sqrt3A = math.sqrt %add3A_49 : vector<1000x1xf32>
    %div3A_50 = vector.broadcast %sqrt3A : vector<1000x1xf32> to vector<1000x32xf32>
    %div3A_51 = arith.divf %sub3A_46, %div3A_50 : vector<1000x32xf32>
    %mul3A = vector.broadcast %get3A_30 : vector<1x32xf32> to vector<1000x32xf32>
    %mul3A_52 = arith.mulf %div3A_51, %mul3A : vector<1000x32xf32>
    %add3A_53 = vector.broadcast %get3A_33 : vector<1x32xf32> to vector<1000x32xf32>
    %add3A_54 = arith.addf %mul3A_52, %add3A_53 : vector<1000x32xf32>
    %max3A_55 = arith.constant 0.000000e+00 : f32
    %max3A_56 = vector.broadcast %max3A_55 : f32 to vector<1000x32xf32>
    %max3A_57 = arith.maximumf %add3A_54, %max3A_56 : vector<1000x32xf32>
    %get3A_58 = arith.constant 0 : index
    %get3A_59 = arith.constant 0 : index
    %get3A_60 = vector.load %arg5[%get3A_58, %get3A_59] : memref<1000x32xf32, #tpu.memory_space<vmem>>, vector<1000x32xf32>
    %add3A_61 = arith.addf %max3A_57, %get3A_60 : vector<1000x32xf32>
    %swap3A = arith.constant 0 : index
    %swap3A_62 = arith.constant 0 : index
    %swap3A_63 = vector.load %arg10[%swap3A, %swap3A_62] : memref<1000x32xf32, #tpu.memory_space<vmem>>, vector<1000x32xf32>
    tpu.vector_store %arg10[%swap3A, %swap3A_62], %add3A_61 {strides = array<i32>} : memref<1000x32xf32, #tpu.memory_space<vmem>>, vector<1000x32xf32>,
    return
  }
  func.func @transform_0(%arg0: i32) -> (i32, i32) {
    %c0_i32 = arith.constant 0 : i32
    %c0_i32_0 = arith.constant 0 : i32
    return %arg0, %c0_i32 : i32, i32
  }
  func.func @transform_1(%arg0: i32) -> (i32, i32) {
    %c0_i32 = arith.constant 0 : i32
    %c0_i32_0 = arith.constant 0 : i32
    return %arg0, %c0_i32 : i32, i32
  }
  func.func @transform_2(%arg0: i32) -> (i32, i32) {
    %c0_i32 = arith.constant 0 : i32
    %c0_i32_0 = arith.constant 0 : i32
    return %arg0, %c0_i32 : i32, i32
  }
  func.func @transform_3(%arg0: i32) -> (i32, i32) {
    %c0_i32 = arith.constant 0 : i32
    %c0_i32_0 = arith.constant 0 : i32
    return %arg0, %c0_i32 : i32, i32
  }
  func.func @transform_4(%arg0: i32) -> (i32, i32) {
    %c0_i32 = arith.constant 0 : i32
    %c0_i32_0 = arith.constant 0 : i32
    return %arg0, %c0_i32 : i32, i32
  }
  func.func @transform_5(%arg0: i32) -> (i32, i32) {
    %c0_i32 = arith.constant 0 : i32
    %c0_i32_0 = arith.constant 0 : i32
    %c0_i32_1 = arith.constant 0 : i32
    return %c0_i32, %c0_i32_0 : i32, i32
  }
  func.func @transform_6(%arg0: i32) -> (i32, i32) {
    %c0_i32 = arith.constant 0 : i32
    %c0_i32_0 = arith.constant 0 : i32
    %c0_i32_1 = arith.constant 0 : i32
    return %c0_i32, %c0_i32_0 : i32, i32
  }
  func.func @transform_7(%arg0: i32) -> (i32, i32) {
    %c0_i32 = arith.constant 0 : i32
    %c0_i32_0 = arith.constant 0 : i32
    %c0_i32_1 = arith.constant 0 : i32
    return %c0_i32, %c0_i32_0 : i32, i32
  }
  func.func @transform_8(%arg0: i32) -> (i32, i32) {
    %c0_i32 = arith.constant 0 : i32
    %c0_i32_0 = arith.constant 0 : i32
    %c0_i32_1 = arith.constant 0 : i32
    return %c0_i32, %c0_i32_0 : i32, i32
  }
  func.func @transform_9(%arg0: i32) -> (i32, i32) {
    %c0_i32 = arith.constant 0 : i32
    %c0_i32_0 = arith.constant 0 : i32
    return %arg0, %c0_i32 : i32, i32
  }
}

module attributes {stable_mosaic.version = 14 : i64} {
  func.func @body(%arg0: i32, %arg1: memref<1000x32xf32, #tpu.memory_space<vmem>>, %arg2: memref<1000x32xf32, #tpu.memory_space<vmem>>, %arg3: memref<1000x1xf32, #tpu.memory_space<vmem>>, %arg4: memref<1000x1xf32, #tpu.memory_space<vmem>>, %arg5: memref<1000x32xf32, #tpu.memory_space<vmem>>, %arg6: memref<32x32xf32, #tpu.memory_space<vmem>>, %arg7: memref<1x32xf32, #tpu.memory_space<vmem>>, %arg8: memref<1000x20xf32, #tpu.memory_space<vmem>>, %arg9: memref<1000x3xf32, #tpu.memory_space<vmem>>, %arg10: memref<52x32xf32, #tpu.memory_space<vmem>>, %arg11: memref<1x32xf32, #tpu.memory_space<vmem>>, %arg12: memref<32x16xf32, #tpu.memory_space<vmem>>, %arg13: memref<1x16xf32, #tpu.memory_space<vmem>>, %arg14: memref<16x8xf32, #tpu.memory_space<vmem>>, %arg15: memref<1x8xf32, #tpu.memory_space<vmem>>, %arg16: memref<8x4xf32, #tpu.memory_space<vmem>>, %arg17: memref<1x4xf32, #tpu.memory_space<vmem>>, %arg18: memref<4x3xf32, #tpu.memory_space<vmem>>, %arg19: memref<1x3xf32, #tpu.memory_space<vmem>>, %arg20: memref<1000x3xf32, #tpu.memory_space<vmem>>) attributes {dimension_semantics = [#tpu.dimension_semantics<arbitrary>], iteration_bounds = array<i64: 10>, scalar_prefetch = 0 : i64, scratch_operands = 0 : i64, tpu.core_type = #tpu.core_type<tc>, window_params = [{transform_indices = @transform_0, window_bounds = array<i64: 1000, 32>}, {transform_indices = @transform_1, window_bounds = array<i64: 1000, 32>}, {transform_indices = @transform_2, window_bounds = array<i64: 1000, 1>}, {transform_indices = @transform_3, window_bounds = array<i64: 1000, 1>}, {transform_indices = @transform_4, window_bounds = array<i64: 1000, 32>}, {pipeline_mode = #tpu.pipeline_mode<synchronous>, transform_indices = @transform_5, window_bounds = array<i64: 32, 32>}, {pipeline_mode = #tpu.pipeline_mode<synchronous>, transform_indices = @transform_6, window_bounds = array<i64: 1, 32>}, {transform_indices = @transform_7, window_bounds = array<i64: 1000, 20>}, {transform_indices = @transform_8, window_bounds = array<i64: 1000, 3>}, {pipeline_mode = #tpu.pipeline_mode<synchronous>, transform_indices = @transform_9, window_bounds = array<i64: 52, 32>}, {pipeline_mode = #tpu.pipeline_mode<synchronous>, transform_indices = @transform_10, window_bounds = array<i64: 1, 32>}, {pipeline_mode = #tpu.pipeline_mode<synchronous>, transform_indices = @transform_11, window_bounds = array<i64: 32, 16>}, {pipeline_mode = #tpu.pipeline_mode<synchronous>, transform_indices = @transform_12, window_bounds = array<i64: 1, 16>}, {pipeline_mode = #tpu.pipeline_mode<synchronous>, transform_indices = @transform_13, window_bounds = array<i64: 16, 8>}, {pipeline_mode = #tpu.pipeline_mode<synchronous>, transform_indices = @transform_14, window_bounds = array<i64: 1, 8>}, {pipeline_mode = #tpu.pipeline_mode<synchronous>, transform_indices = @transform_15, window_bounds = array<i64: 8, 4>}, {pipeline_mode = #tpu.pipeline_mode<synchronous>, transform_indices = @transform_16, window_bounds = array<i64: 1, 4>}, {pipeline_mode = #tpu.pipeline_mode<synchronous>, transform_indices = @transform_17, window_bounds = array<i64: 4, 3>}, {pipeline_mode = #tpu.pipeline_mode<synchronous>, transform_indices = @transform_18, window_bounds = array<i64: 1, 3>}, {transform_indices = @transform_19, window_bounds = array<i64: 1000, 3>}]} {
    %get3A = arith.constant 0 : index
    %get3A_0 = arith.constant 0 : index
    %get3A_1 = vector.load %arg3[%get3A, %get3A_0] : memref<1000x1xf32, #tpu.memory_space<vmem>>, vector<1000x1xf32>
    %get3A_2 = arith.constant 0 : index
    %get3A_3 = arith.constant 0 : index
    %get3A_4 = vector.load %arg4[%get3A_2, %get3A_3] : memref<1000x1xf32, #tpu.memory_space<vmem>>, vector<1000x1xf32>
    %add3A = arith.addf %get3A_1, %get3A_4 : vector<1000x1xf32>
    %max3A = arith.constant 1.000000e+00 : f32
    %max3A_5 = vector.broadcast %max3A : f32 to vector<1000x1xf32>
    %max3A_6 = arith.maximumf %add3A, %max3A_5 : vector<1000x1xf32>
    %get3A_7 = arith.constant 0 : index
    %get3A_8 = arith.constant 0 : index
    %get3A_9 = vector.load %arg1[%get3A_7, %get3A_8] : memref<1000x32xf32, #tpu.memory_space<vmem>>, vector<1000x32xf32>
    %get3A_10 = arith.constant 0 : index
    %get3A_11 = arith.constant 0 : index
    %get3A_12 = vector.load %arg2[%get3A_10, %get3A_11] : memref<1000x32xf32, #tpu.memory_space<vmem>>, vector<1000x32xf32>
    %add3A_13 = arith.addf %get3A_9, %get3A_12 : vector<1000x32xf32>
    %div3A = vector.broadcast %max3A_6 : vector<1000x1xf32> to vector<1000x32xf32>
    %div3A_14 = arith.divf %add3A_13, %div3A : vector<1000x32xf32>
    %get3A_15 = arith.constant 0 : index
    %get3A_16 = arith.constant 0 : index
    %get3A_17 = vector.load %arg5[%get3A_15, %get3A_16] : memref<1000x32xf32, #tpu.memory_space<vmem>>, vector<1000x32xf32>
    %get3A_18 = arith.constant 0 : index
    %get3A_19 = arith.constant 0 : index
    %get3A_20 = vector.load %arg6[%get3A_18, %get3A_19] : memref<32x32xf32, #tpu.memory_space<vmem>>, vector<32x32xf32>
    %dot_general3A = arith.constant dense<0.000000e+00> : vector<1000x32xf32>
    %dot_general3A_21 = tpu.matmul %get3A_17, %get3A_20, %dot_general3A {dimension_numbers = #tpu.dot_dimension_numbers<[1], [0], [0], [1], [0, 0, 1, 1], [], []>, transpose_lhs_hint = false} : vector<1000x32xf32>, vector<32x32xf32>, vector<1000x32xf32> -> vector<1000x32xf32>
    %add3A_22 = arith.addf %div3A_14, %dot_general3A_21 : vector<1000x32xf32>
    %get3A_23 = arith.constant 0 : index
    %get3A_24 = arith.constant 0 : index
    %get3A_25 = vector.load %arg7[%get3A_23, %get3A_24] : memref<1x32xf32, #tpu.memory_space<vmem>>, vector<1x32xf32>
    %add3A_26 = vector.broadcast %get3A_25 : vector<1x32xf32> to vector<1000x32xf32>
    %add3A_27 = arith.addf %add3A_22, %add3A_26 : vector<1000x32xf32>
    %get3A_28 = arith.constant 0 : index
    %get3A_29 = arith.constant 0 : index
    %get3A_30 = vector.load %arg8[%get3A_28, %get3A_29] : memref<1000x20xf32, #tpu.memory_space<vmem>>, vector<1000x20xf32>
    %concatenate3A = tpu.concatenate %add3A_27, %get3A_30 in 1 : vector<1000x32xf32>, vector<1000x20xf32> -> vector<1000x52xf32>
    %get3A_31 = arith.constant 0 : index
    %get3A_32 = arith.constant 0 : index
    %get3A_33 = vector.load %arg10[%get3A_31, %get3A_32] : memref<52x32xf32, #tpu.memory_space<vmem>>, vector<52x32xf32>
    %dot_general3A_34 = arith.constant dense<0.000000e+00> : vector<1000x32xf32>
    %dot_general3A_35 = tpu.matmul %concatenate3A, %get3A_33, %dot_general3A_34 {dimension_numbers = #tpu.dot_dimension_numbers<[1], [0], [0], [1], [0, 0, 1, 1], [], []>, transpose_lhs_hint = false} : vector<1000x52xf32>, vector<52x32xf32>, vector<1000x32xf32> -> vector<1000x32xf32>
    %get3A_36 = arith.constant 0 : index
    %get3A_37 = arith.constant 0 : index
    %get3A_38 = vector.load %arg11[%get3A_36, %get3A_37] : memref<1x32xf32, #tpu.memory_space<vmem>>, vector<1x32xf32>
    %add3A_39 = vector.broadcast %get3A_38 : vector<1x32xf32> to vector<1000x32xf32>
    %add3A_40 = arith.addf %dot_general3A_35, %add3A_39 : vector<1000x32xf32>
    %max3A_41 = arith.constant 0.000000e+00 : f32
    %max3A_42 = vector.broadcast %max3A_41 : f32 to vector<1000x32xf32>
    %max3A_43 = arith.maximumf %add3A_40, %max3A_42 : vector<1000x32xf32>
    %get3A_44 = arith.constant 0 : index
    %get3A_45 = arith.constant 0 : index
    %get3A_46 = vector.load %arg12[%get3A_44, %get3A_45] : memref<32x16xf32, #tpu.memory_space<vmem>>, vector<32x16xf32>
    %dot_general3A_47 = arith.constant dense<0.000000e+00> : vector<1000x16xf32>
    %dot_general3A_48 = tpu.matmul %max3A_43, %get3A_46, %dot_general3A_47 {dimension_numbers = #tpu.dot_dimension_numbers<[1], [0], [0], [1], [0, 0, 1, 1], [], []>, transpose_lhs_hint = false} : vector<1000x32xf32>, vector<32x16xf32>, vector<1000x16xf32> -> vector<1000x16xf32>
    %get3A_49 = arith.constant 0 : index
    %get3A_50 = arith.constant 0 : index
    %get3A_51 = vector.load %arg13[%get3A_49, %get3A_50] : memref<1x16xf32, #tpu.memory_space<vmem>>, vector<1x16xf32>
    %add3A_52 = vector.broadcast %get3A_51 : vector<1x16xf32> to vector<1000x16xf32>
    %add3A_53 = arith.addf %dot_general3A_48, %add3A_52 : vector<1000x16xf32>
    %max3A_54 = arith.constant 0.000000e+00 : f32
    %max3A_55 = vector.broadcast %max3A_54 : f32 to vector<1000x16xf32>
    %max3A_56 = arith.maximumf %add3A_53, %max3A_55 : vector<1000x16xf32>
    %get3A_57 = arith.constant 0 : index
    %get3A_58 = arith.constant 0 : index
    %get3A_59 = vector.load %arg14[%get3A_57, %get3A_58] : memref<16x8xf32, #tpu.memory_space<vmem>>, vector<16x8xf32>
    %dot_general3A_60 = arith.constant dense<0.000000e+00> : vector<1000x8xf32>
    %dot_general3A_61 = tpu.matmul %max3A_56, %get3A_59, %dot_general3A_60 {dimension_numbers = #tpu.dot_dimension_numbers<[1], [0], [0], [1], [0, 0, 1, 1], [], []>, transpose_lhs_hint = false} : vector<1000x16xf32>, vector<16x8xf32>, vector<1000x8xf32> -> vector<1000x8xf32>
    %get3A_62 = arith.constant 0 : index
    %get3A_63 = arith.constant 0 : index
    %get3A_64 = vector.load %arg15[%get3A_62, %get3A_63] : memref<1x8xf32, #tpu.memory_space<vmem>>, vector<1x8xf32>
    %add3A_65 = vector.broadcast %get3A_64 : vector<1x8xf32> to vector<1000x8xf32>
    %add3A_66 = arith.addf %dot_general3A_61, %add3A_65 : vector<1000x8xf32>
    %max3A_67 = arith.constant 0.000000e+00 : f32
    %max3A_68 = vector.broadcast %max3A_67 : f32 to vector<1000x8xf32>
    %max3A_69 = arith.maximumf %add3A_66, %max3A_68 : vector<1000x8xf32>
    %get3A_70 = arith.constant 0 : index
    %get3A_71 = arith.constant 0 : index
    %get3A_72 = vector.load %arg16[%get3A_70, %get3A_71] : memref<8x4xf32, #tpu.memory_space<vmem>>, vector<8x4xf32>
    %dot_general3A_73 = arith.constant dense<0.000000e+00> : vector<1000x4xf32>
    %dot_general3A_74 = tpu.matmul %max3A_69, %get3A_72, %dot_general3A_73 {dimension_numbers = #tpu.dot_dimension_numbers<[1], [0], [0], [1], [0, 0, 1, 1], [], []>, transpose_lhs_hint = false} : vector<1000x8xf32>, vector<8x4xf32>, vector<1000x4xf32> -> vector<1000x4xf32>
    %get3A_75 = arith.constant 0 : index
    %get3A_76 = arith.constant 0 : index
    %get3A_77 = vector.load %arg17[%get3A_75, %get3A_76] : memref<1x4xf32, #tpu.memory_space<vmem>>, vector<1x4xf32>
    %add3A_78 = vector.broadcast %get3A_77 : vector<1x4xf32> to vector<1000x4xf32>
    %add3A_79 = arith.addf %dot_general3A_74, %add3A_78 : vector<1000x4xf32>
    %max3A_80 = arith.constant 0.000000e+00 : f32
    %max3A_81 = vector.broadcast %max3A_80 : f32 to vector<1000x4xf32>
    %max3A_82 = arith.maximumf %add3A_79, %max3A_81 : vector<1000x4xf32>
    %get3A_83 = arith.constant 0 : index
    %get3A_84 = arith.constant 0 : index
    %get3A_85 = vector.load %arg18[%get3A_83, %get3A_84] : memref<4x3xf32, #tpu.memory_space<vmem>>, vector<4x3xf32>
    %dot_general3A_86 = arith.constant dense<0.000000e+00> : vector<1000x3xf32>
    %dot_general3A_87 = tpu.matmul %max3A_82, %get3A_85, %dot_general3A_86 {dimension_numbers = #tpu.dot_dimension_numbers<[1], [0], [0], [1], [0, 0, 1, 1], [], []>, transpose_lhs_hint = false} : vector<1000x4xf32>, vector<4x3xf32>, vector<1000x3xf32> -> vector<1000x3xf32>
    %get3A_88 = arith.constant 0 : index
    %get3A_89 = arith.constant 0 : index
    %get3A_90 = vector.load %arg19[%get3A_88, %get3A_89] : memref<1x3xf32, #tpu.memory_space<vmem>>, vector<1x3xf32>
    %add3A_91 = vector.broadcast %get3A_90 : vector<1x3xf32> to vector<1000x3xf32>
    %add3A_92 = arith.addf %dot_general3A_87, %add3A_91 : vector<1000x3xf32>
    %get3A_93 = arith.constant 0 : index
    %get3A_94 = arith.constant 0 : index
    %get3A_95 = vector.load %arg9[%get3A_93, %get3A_94] : memref<1000x3xf32, #tpu.memory_space<vmem>>, vector<1000x3xf32>
    %add3A_96 = arith.addf %get3A_95, %add3A_92 : vector<1000x3xf32>
    %swap3A = arith.constant 0 : index
    %swap3A_97 = arith.constant 0 : index
    %swap3A_98 = vector.load %arg20[%swap3A, %swap3A_97] : memref<1000x3xf32, #tpu.memory_space<vmem>>, vector<1000x3xf32>
    tpu.vector_store %arg20[%swap3A, %swap3A_97], %add3A_96 {strides = array<i32>} : memref<1000x3xf32, #tpu.memory_space<vmem>>, vector<1000x3xf32>,
    return
  }
  func.func @transform_0(%arg0: i32) -> (i32, i32) {
    %c0_i32 = arith.constant 0 : i32
    %c0_i32_0 = arith.constant 0 : i32
    return %arg0, %c0_i32 : i32, i32
  }
  func.func @transform_1(%arg0: i32) -> (i32, i32) {
    %c0_i32 = arith.constant 0 : i32
    %c0_i32_0 = arith.constant 0 : i32
    return %arg0, %c0_i32 : i32, i32
  }
  func.func @transform_2(%arg0: i32) -> (i32, i32) {
    %c0_i32 = arith.constant 0 : i32
    %c0_i32_0 = arith.constant 0 : i32
    return %arg0, %c0_i32 : i32, i32
  }
  func.func @transform_3(%arg0: i32) -> (i32, i32) {
    %c0_i32 = arith.constant 0 : i32
    %c0_i32_0 = arith.constant 0 : i32
    return %arg0, %c0_i32 : i32, i32
  }
  func.func @transform_4(%arg0: i32) -> (i32, i32) {
    %c0_i32 = arith.constant 0 : i32
    %c0_i32_0 = arith.constant 0 : i32
    return %arg0, %c0_i32 : i32, i32
  }
  func.func @transform_5(%arg0: i32) -> (i32, i32) {
    %c0_i32 = arith.constant 0 : i32
    %c0_i32_0 = arith.constant 0 : i32
    %c0_i32_1 = arith.constant 0 : i32
    return %c0_i32, %c0_i32_0 : i32, i32
  }
  func.func @transform_6(%arg0: i32) -> (i32, i32) {
    %c0_i32 = arith.constant 0 : i32
    %c0_i32_0 = arith.constant 0 : i32
    %c0_i32_1 = arith.constant 0 : i32
    return %c0_i32, %c0_i32_0 : i32, i32
  }
  func.func @transform_7(%arg0: i32) -> (i32, i32) {
    %c0_i32 = arith.constant 0 : i32
    %c0_i32_0 = arith.constant 0 : i32
    return %arg0, %c0_i32 : i32, i32
  }
  func.func @transform_8(%arg0: i32) -> (i32, i32) {
    %c0_i32 = arith.constant 0 : i32
    %c0_i32_0 = arith.constant 0 : i32
    return %arg0, %c0_i32 : i32, i32
  }
  func.func @transform_9(%arg0: i32) -> (i32, i32) {
    %c0_i32 = arith.constant 0 : i32
    %c0_i32_0 = arith.constant 0 : i32
    %c0_i32_1 = arith.constant 0 : i32
    return %c0_i32, %c0_i32_0 : i32, i32
  }
  func.func @transform_10(%arg0: i32) -> (i32, i32) {
    %c0_i32 = arith.constant 0 : i32
    %c0_i32_0 = arith.constant 0 : i32
    %c0_i32_1 = arith.constant 0 : i32
    return %c0_i32, %c0_i32_0 : i32, i32
  }
  func.func @transform_11(%arg0: i32) -> (i32, i32) {
    %c0_i32 = arith.constant 0 : i32
    %c0_i32_0 = arith.constant 0 : i32
    %c0_i32_1 = arith.constant 0 : i32
    return %c0_i32, %c0_i32_0 : i32, i32
  }
  func.func @transform_12(%arg0: i32) -> (i32, i32) {
    %c0_i32 = arith.constant 0 : i32
    %c0_i32_0 = arith.constant 0 : i32
    %c0_i32_1 = arith.constant 0 : i32
    return %c0_i32, %c0_i32_0 : i32, i32
  }
  func.func @transform_13(%arg0: i32) -> (i32, i32) {
    %c0_i32 = arith.constant 0 : i32
    %c0_i32_0 = arith.constant 0 : i32
    %c0_i32_1 = arith.constant 0 : i32
    return %c0_i32, %c0_i32_0 : i32, i32
  }
  func.func @transform_14(%arg0: i32) -> (i32, i32) {
    %c0_i32 = arith.constant 0 : i32
    %c0_i32_0 = arith.constant 0 : i32
    %c0_i32_1 = arith.constant 0 : i32
    return %c0_i32, %c0_i32_0 : i32, i32
  }
  func.func @transform_15(%arg0: i32) -> (i32, i32) {
    %c0_i32 = arith.constant 0 : i32
    %c0_i32_0 = arith.constant 0 : i32
    %c0_i32_1 = arith.constant 0 : i32
    return %c0_i32, %c0_i32_0 : i32, i32
  }
  func.func @transform_16(%arg0: i32) -> (i32, i32) {
    %c0_i32 = arith.constant 0 : i32
    %c0_i32_0 = arith.constant 0 : i32
    %c0_i32_1 = arith.constant 0 : i32
    return %c0_i32, %c0_i32_0 : i32, i32
  }
  func.func @transform_17(%arg0: i32) -> (i32, i32) {
    %c0_i32 = arith.constant 0 : i32
    %c0_i32_0 = arith.constant 0 : i32
    %c0_i32_1 = arith.constant 0 : i32
    return %c0_i32, %c0_i32_0 : i32, i32
  }
  func.func @transform_18(%arg0: i32) -> (i32, i32) {
    %c0_i32 = arith.constant 0 : i32
    %c0_i32_0 = arith.constant 0 : i32
    %c0_i32_1 = arith.constant 0 : i32
    return %c0_i32, %c0_i32_0 : i32, i32
  }
  func.func @transform_19(%arg0: i32) -> (i32, i32) {
    %c0_i32 = arith.constant 0 : i32
    %c0_i32_0 = arith.constant 0 : i32
    return %arg0, %c0_i32 : i32, i32
  }
}

</mosaic_0001>

<sc_bundles>
// kernel: kernel.15.cloned.1.call-start
scs
__scs_entry_jumppad:
0x0: {  	(pc) =	sbr.rel $0x88, $3  }
0x1: {  	(tag) =	ssettag $0x0;
	lr =	simm.s32 $0x1  }
0x2: {  	[smem:$0x3F58] =	sst lr;
	_ =	strace $0xD0000000  }
0x3: {  	_ = 	snop  }
0x4: {  	_ = 	snop  }
0x5: {  	_ = 	snop  }
0x6: {  	_ = 	snop  }
0x7: {  	_ = 	snop  }
__scs_overlays_trampoline_lowered:
0x8: {  	[smem:$0x3F67] =	sst s0  }
0x9: {  	[smem:$0x3F68] =	sst s1  }
0xa: {  	[smem:$0x3F69] =	sst s2  }
0xb: {  	[smem:$0x3F6A] =	sst s3  }
0xc: {  	[smem:$0x3F6B] =	sst s4  }
0xd: {  	[smem:$0x3F6C] =	sst s5  }
0xe: {  	[smem:$0x3F6D] =	sst s6  }
0xf: {  	[smem:$0x3F6E] =	sst s7  }
0x10: {  	[smem:$0x3F6F] =	sst s8  }
0x11: {  	[smem:$0x3F70] =	sst s9;
	s0 =	simm.s32 @!p0 $0x0  }
0x12: {  	s1 =	sld [smem:$0x3F56];
	s0 =	simm.s32 @p0 $0x1  }
0x13: {  	[smem:$0x3F71] =	sst s0;
	s0 =	simm.s32 @!p1 $0x0  }
0x14: {  	s2 =	sld [smem:$0x3F55];
	s0 =	simm.s32 @p1 $0x1  }
0x15: {  	[smem:$0x3F72] =	sst s0;
	s0 =	simm.s32 @!p2 $0x0  }
0x16: {  	s3 =	sld [smem:$0x3FDB];
	s0 =	simm.s32 @p2 $0x1  }
0x17: {  	s4 =	simm.s32 $0x1BF5;
	[smem:$0x3F74] =	sst s0  }
0x18: {  	s0 =	sld [smem:$0x3F57];
	_ =	swait.ge [sflag:s4], $0x0  }
0x19: {  	s7 =	sld [smem:$0x3F58]  }
0x1a: {  	s8 =	sadd.s32 $0xFFFFE003, lr  }
0x1b: {  	s9 =	sadd.s32 $0xFFFFFEF7, lr;
	s5 =	simm.s32 $0xFFFFFFFF;
	p2 =	slt.u32 s8, $0xFFFFF086  }
0x1c: {  	p1 =	slt.u32 s9, $0xF7A;
	s5 =	simm.s32 @!p2 $0x0  }
0x1d: {  	s5 =	simm.s32 @p1 $0x1;
	p0 =	seq.s32 s7, s2  }
0x1e: {  	s7 =	smul.u32 @!p0 $0xF7A, s2;
	p2 =	seq.s32 @!p0 s5, $0x0  }
0x1f: {  	s9 =	smul.u32 $0xF7A, s1;
	s8 =	simm.s32 @!p0 $0x1BF5;
	p2 =	por !p2, p0  }
0x20: {  	[sflag:s8] =	ssyncset.s32 @!p0 $0xFFFFF086;
	s6 =	sadd.s32 @!p0 s3, s7;
	s7 =	simm.s32 @!p0 $0x108  }
0x21: {  	s3 =	sadd.s32 s3, s9;
	s6 =	sadd.s32 @!p0 $0x88, s6;
	s7 =	simm.s32 @p2 $0x1082  }
0x22: {  	[simem:s7], [sflag:s8] =	dma.local @!p0 [hbm:s6], $0xF7A  }
0x23: {  	s9 =	sor.u32 $0xD0000000, s2;
	s6 =	simm.s32 $0x108;
	_ =	swait.ge @!p0 [sflag:s8], $0x0  }
0x24: {  	s3 =	sadd.s32 $0x88, s3;
	s6 =	simm.s32 @!p1 $0x1082;
	[sflag:s4] =	ssyncset.s32 $0xFFFFF086  }
0x25: {  	[simem:s6], [sflag:s4] =	dma.local [hbm:s3], $0xF7A  }
0x26: {  	[smem:$0x3F58] =	sst s1;
	(tag) =	ssettag s2;
	_ =	strace s9  }
0x27: {  	s1 =	sld [smem:$0x3F68]  }
0x28: {  	s2 =	sld [smem:$0x3F69]  }
0x29: {  	s4 =	sld [smem:$0x3F6B]  }
0x2a: {  	p0 =	seq.s32 s5, $0x0;
	s5 =	sld [smem:$0x3F6C]  }
0x2b: {  	s6 =	sld [smem:$0x3F6D]  }
0x2c: {  	s7 =	sld [smem:$0x3F6E]  }
0x2d: {  	s3 =	simm.s32 $0x108;
	s8 =	sld [smem:$0x3F6F]  }
0x2e: {  	s3 =	simm.s32 @!p0 $0x1082;
	s9 =	sld [smem:$0x3F70]  }
0x2f: {  	lr =	sadd.s32 s0, s3;
	s0 =	sld [smem:$0x3F67]  }
0x30: {  	s3 =	sld [smem:$0x3F6A]  }
0x31: {  	[smem:$0x3F73] =	sst s10  }
0x32: {  	s10 =	sld [smem:$0x3F71];
	_ =	sdelay $0x3  }
0x33: {  	p0 =	seq.s32 s10, $0x1;
	s10 =	sld [smem:$0x3F73];
	_ =	sdelay $0x3  }
0x34: {  	[smem:$0x3F73] =	sst s10  }
0x35: {  	s10 =	sld [smem:$0x3F72];
	_ =	sdelay $0x3  }
0x36: {  	p1 =	seq.s32 s10, $0x1;
	s10 =	sld [smem:$0x3F73];
	_ =	sdelay $0x3  }
0x37: {  	[smem:$0x3F73] =	sst s10  }
0x38: {  	s10 =	sld [smem:$0x3F74]  }
0x39: {  	_ = 	snop;
	(pc) =	sbr.ind lr, $3  }
0x3a: {  	_ = 	snop  }
0x3b: {  	_ = 	snop  }
0x3c: {  	p2 =	seq.s32 s10, $0x1;
	s10 =	sld [smem:$0x3F73]  }
0x3d: {  	_ =	shalt  }
0x3e: {  	_ =	shalt  }
0x3f: {  	_ =	shalt  }
0x40: {  	_ =	shalt  }
0x41: {  	_ =	shalt  }
0x42: {  	_ =	shalt  }
0x43: {  	_ =	shalt  }
0x44: {  	_ =	shalt  }
0x45: {  	_ =	shalt  }
0x46: {  	_ =	shalt  }
0x47: {  	_ =	shalt  }
0x48: {  	_ =	shalt  }
0x49: {  	_ =	shalt  }
0x4a: {  	_ =	shalt  }
0x4b: {  	_ =	shalt  }
0x4c: {  	_ =	shalt  }
0x4d: {  	_ =	shalt  }
0x4e: {  	_ =	shalt  }
0x4f: {  	_ =	shalt  }
0x50: {  	_ =	shalt  }
0x51: {  	_ =	shalt  }
0x52: {  	_ =	shalt  }
0x53: {  	_ =	shalt  }
0x54: {  	_ =	shalt  }
0x55: {  	_ =	shalt  }
0x56: {  	_ =	shalt  }
0x57: {  	_ =	shalt  }
0x58: {  	_ =	shalt  }
0x59: {  	_ =	shalt  }
0x5a: {  	_ =	shalt  }
0x5b: {  	_ =	shalt  }
0x5c: {  	_ =	shalt  }
0x5d: {  	_ =	shalt  }
0x5e: {  	_ =	shalt  }
0x5f: {  	_ =	shalt  }
0x60: {  	_ =	shalt  }
0x61: {  	_ =	shalt  }
0x62: {  	_ =	shalt  }
0x63: {  	_ =	shalt  }
0x64: {  	_ =	shalt  }
0x65: {  	_ =	shalt  }
0x66: {  	_ =	shalt  }
0x67: {  	_ =	shalt  }
0x68: {  	_ =	shalt  }
0x69: {  	_ =	shalt  }
0x6a: {  	_ =	shalt  }
0x6b: {  	_ =	shalt  }
0x6c: {  	_ =	shalt  }
0x6d: {  	_ =	shalt  }
0x6e: {  	_ =	shalt  }
0x6f: {  	_ =	shalt  }
0x70: {  	_ =	shalt  }
0x71: {  	_ =	shalt  }
0x72: {  	_ =	shalt  }
0x73: {  	_ =	shalt  }
0x74: {  	_ =	shalt  }
0x75: {  	_ =	shalt  }
0x76: {  	_ =	shalt  }
0x77: {  	_ =	shalt  }
0x78: {  	_ =	shalt  }
0x79: {  	_ =	shalt  }
0x7a: {  	_ =	shalt  }
0x7b: {  	_ =	shalt  }
0x7c: {  	_ =	shalt  }
0x7d: {  	_ =	shalt  }
0x7e: {  	_ =	shalt  }
0x7f: {  	_ =	shalt  }
0x80: {  	_ =	shalt  }
0x81: {  	_ =	shalt  }
0x82: {  	_ =	shalt  }
0x83: {  	_ =	shalt  }
0x84: {  	_ =	shalt  }
0x85: {  	_ =	shalt  }
0x86: {  	_ =	shalt  }
0x87: {  	_ =	shalt  }
.Lfunc_end0:
.L_simem_size_0:
called_computation_lowered:
.L_overlay_start_0:
0x88: {  	s2 =	sld [smem:$0x3FD9]  }
0x89: {  	s3 =	sld [smem:$0x3FFE];
	_ =	sdelay $0x1  }
0x8a: {  	s1 =	srdreg.scid  }
0x8b: {  	s0 =	sand.u32 $0x1, s1  }
0x8c: {  	s16 =	sshll.u32 s0, $0xA;
	s2 =	sadd.s32 s3, s2  }
0x8d: {  	s2 =	sadd.s32 s2, s16  }
0x8e: {  	[smem:$0x3F7F] =	sst s2  }
0x8f: {  	_ = 	snop  }
0x90: {  	(tm) =	ssettm $0x1  }
0x91: {  	s17 =	sld [smem:$0x3FFB];
	_ =	sdelay $0x3  }
0x92: {  	_ =	strace s17  }
0x93: {  	s2 =	sld [smem:$0x3FFC];
	_ =	sdelay $0x3  }
0x94: {  	_ =	strace s2  }
0x95: {  	s2 =	sld [smem:$0x3FFD];
	_ =	sdelay $0x3  }
0x96: {  	_ =	strace s2  }
0x97: {  	_ =	strace $0x8FFFFFFF  }
0x98: {  	s18 =	sld [smem:$0x3FDB];
	_ =	sdelay $0x1  }
0x99: {  	s19 =	simm.s32 $_scs_section_size  }
0x9a: {  	s4 =	simm.s32 $_size__tile_overlayer_lowered;
	s5 =	simm.s32 $_tile_overlayer_lowered  }
0x9b: {  	s22 =	simm.s32 $0x1BFF;
	s21 =	sshll.u32 s5, $0x1;
	s2 =	sadd.s32 s19, s18  }
0x9c: {  	s6 =	simm.s32 $0x0;
	s20 =	sshll.u32 s4, $0x1;
	s4 =	sadd.s32 s21, s2  }
0x9d: {  	[timem:s6], [sflag:s22] =	dma.local [hbm:s4], s20  }
0x9e: {  	_ =	swait.ge [sflag:s22], s20  }
0x9f: {  	s3 =	ssub.s32 $0x0, s20;
	[sflag:s22] =	ssyncset.done $0x0  }
0xa0: {  	[sflag:s22] =	ssyncadd.s32 s3;
	_ =	sdelay $0x1  }
0xa1: {  	s23 =	simm.s32 $0x1B8B  }
0xa2: {  	_ =	swait.ge [sflag:s23], $0x1  }
0xa3: {  	[sflag:s23] =	ssyncset.done $0x0  }
0xa4: {  	s25 =	simm.s32 $0x1B8E;
	s24 =	sld [smem:$0x3FFE];
	[sflag:s23] =	ssyncadd.s32 $0xFFFFFFFF  }
0xa5: {  	s26 =	simm.s32 $execute0_lowered;
	[smem:$0x3FD2] =	sst s25  }
0xa6: {  	s4 =	sshll.u32 s26, $0x1;
	_ =	strace $0x80000046;
	[dreg:$0x1] =	wrdreg $0xFFFFFFFF  }
0xa7: {  	s28 =	simm.s32 $_size_execute0_lowered;
	s2 =	sadd.s32 s2, s4;
	[dreg:$0x0] =	wrdreg $0x0  }
0xa8: {  	s4 =	sshll.u32 s28, $0x1;
	[dreg:$0x2] =	wrdreg s2  }
0xa9: {  	[dreg:$0x3] =	wrdreg s4  }
0xaa: {  	[dreg:$0x4] =	wrdreg $0xC0  }
0xab: {  	_ =	task [dreg:s6], $0x5FFFF  }
0xac: {  	[dreg:$0x1] =	wrdreg $0xFFFFFFFF  }
0xad: {  	[dreg:$0x0] =	wrdreg $0x60  }
0xae: {  	[dreg:$0x2] =	wrdreg s24  }
0xaf: {  	[dreg:$0x3] =	wrdreg $0x9  }
0xb0: {  	_ =	task.clear_ibuf [dreg:s6], $0x4FFFF;
	_ =	strace $0x90000046  }
0xb1: {  	s29 =	simm.s32 $0x9;
	_ =	strace $0x80000048  }
0xb2: {  	_ =	swait.ge [sflag:s29], $0x1  }
0xb3: {  	[sflag:s29] =	ssyncadd.s32 $0xFFFFFFFF  }
0xb4: {  	_ =	strace $0x90000048  }
0xb5: {  	_ =	sfence  }
0xb6: {  	s30 =	sld [smem:$0x0];
	_ =	sdelay $0x2  }
0xb7: {  	s31 =	sshll.u32 s1, $0xD;
	s1 =	sshrl.u32 s1, $0x2  }
0xb8: {  	s3 =	sand.u32 $0x4000, s31;
	s1 =	sadd.s32 s1, s30  }
0xb9: {  	s0 =	sor.u32 s3, s0;
	s1 =	sshll.u32 s1, $0x11  }
0xba: {  	s0 =	sor.u32 s1, s0  }
0xbb: {  	s0 =	sadd.s32 $0x8F2B, s0  }
0xbc: {  	[sflag:s0] =	ssyncadd.remote.s32 $0x1  }
0xbd: {  	_ =	sfence.sel $0xFFFF  }
0xbe: {  	[dreg:$0x0] =	wrdreg $0xFFFFFFFF;
	(pc) =	sbr.abs _section_cstart, $3  }
0xbf: {  	[dreg:$0x1] =	wrdreg $0xFFFFFFFF  }
0xc0: {  	_ =	task.clear_ibuf [dreg:s6], $0x2FFFF;
	_ =	strace $0x9FFFFFFF  }
0xc1: {  	(tm) =	ssettm $0x7FFFFFFF  }
tec
execute0_lowered:
.L_overlay_start_1:
0x0: {  	(tag) =	ssettag $0x1  }
0x1: {  	s1 =	srdreg.scid;
	s0 =	stileid.u32  }
0x2: {  	s4 =	rddreg [dreg:$0x0];
	s2 =	simm.s32 $0x0;
	s10 =	simm.s32 $0x2C00  }
0x3: {  	s11 =	simm.s32 $0x4400;
	s12 =	simm.s32 $0x5C00;
	s13 =	simm.s32 $0x7400  }
0x4: {  	s14 =	simm.s32 $0x8C00;
	s15 =	simm.s32 $0xA400;
	s16 =	simm.s32 $0xBC00  }
0x5: {  	s17 =	simm.s32 $0x1;
	s3 =	sand.u32 $0x1, s1;
	s1 =	rddreg [dreg:$0x1]  }
0x6: {  	s18 =	simm.s32 $0x0;
	s30 =	sshll.u32 s0, $0x1;
	[smem:$0x7FF] =	sst s2  }
0x7: {  	s6 =	smul.u32 $0xF000, s0;
	s5 =	sor.u32 s3, s30;
	_ =	strace $0x80000047  }
0x8: {  	s7 =	ssub.s32 $0x2, s3;
	s8 =	smul.u32 $0x7800, s3;
	s3 =	sadd.s32 $0x82200, s4  }
0x9: {  	s5 =	smul.u32 $0x280, s5;
	s6 =	sadd.s32 s6, s4;
	s9 =	sshrl.u32 s7, $0x1  }
0xa: {  	s31 =	ssub.s32 s7, s9;
	s6 =	sadd.s32 s8, s6;
	s7 =	simm.s32 $0x2  }
0xb: {  	s8 =	simm.s32 $0x80;
	s9 =	simm.s32 $0x1400;
	s4 =	sadd.s32 s5, s4  }
0xc: {  	s5 =	smax.u32 s31, $0x1;
	s6 =	sadd.s32 $0x95E00, s6;
	s4 =	sadd.s32 $0x90E00, s4  }
.LBB2_1:
0xd: {  	[tilespmem:s2], [sflag:$0x2] =	stream.linear.gather [hbm4b:s4+s2], $0x1400, $0x38;
	[tilespmem:$0xD400] =	vst v63  }
0xe: {  	_ =	swait.ge [sflag:s7], $0x1400  }
0xf: {  	[sflag:s7] =	ssyncset.done $0x0  }
0x10: {  	s19 =	simm.s32 $0x0;
	[sflag:s7] =	ssyncadd.s32 $0xFFFFEC00  }
0x11: {  	[tilespmem:s9], [sflag:$0x1] =	stream.indirect.gather [hbm4b:s3+s8], $0x30, s19, s8, $0xb8;
	[tilespmem:$0xD400] =	vst v63  }
0x12: {  	s24 =	simm.s32 $0x80  }
0x13: {  	[tilespmem:s10], [sflag:$0x1] =	stream.indirect.gather [hbm4b:s3+s8], $0x30, s24, s8, $0xb8;
	[tilespmem:$0xD400] =	vst v63  }
0x14: {  	s25 =	simm.s32 $0x100  }
0x15: {  	[tilespmem:s11], [sflag:$0x1] =	stream.indirect.gather [hbm4b:s3+s8], $0x30, s25, s8, $0xb8;
	[tilespmem:$0xD400] =	vst v63  }
0x16: {  	s26 =	simm.s32 $0x180  }
0x17: {  	[tilespmem:s12], [sflag:$0x1] =	stream.indirect.gather [hbm4b:s3+s8], $0x30, s26, s8, $0xb8;
	[tilespmem:$0xD400] =	vst v63  }
0x18: {  	s28 =	simm.s32 $0x200  }
0x19: {  	[tilespmem:s13], [sflag:$0x1] =	stream.indirect.gather [hbm4b:s3+s8], $0x30, s28, s8, $0xb8;
	[tilespmem:$0xD400] =	vst v63  }
0x1a: {  	s29 =	simm.s32 $0x280  }
0x1b: {  	[tilespmem:s14], [sflag:$0x1] =	stream.indirect.gather [hbm4b:s3+s8], $0x30, s29, s8, $0xb8;
	[tilespmem:$0xD400] =	vst v63  }
0x1c: {  	s30 =	simm.s32 $0x300  }
0x1d: {  	[tilespmem:s15], [sflag:$0x1] =	stream.indirect.gather [hbm4b:s3+s8], $0x30, s30, s8, $0xb8;
	[tilespmem:$0xD400] =	vst v63  }
0x1e: {  	s31 =	simm.s32 $0x380  }
0x1f: {  	[tilespmem:s16], [sflag:$0x1] =	stream.indirect.gather [hbm4b:s3+s8], $0x30, s31, s8, $0xb8;
	[tilespmem:$0xD400] =	vst v63  }
0x20: {  	_ =	swait.ge [sflag:s17], $0x1800  }
0x21: {  	[sflag:s17] =	ssyncset.done $0x0  }
0x22: {  	[sflag:s17] =	ssyncadd.s32 $0xFFFFE800  }
0x23: {  	_ =	swait.ge [sflag:s17], $0x1800  }
0x24: {  	[sflag:s17] =	ssyncset.done $0x0  }
0x25: {  	[sflag:s17] =	ssyncadd.s32 $0xFFFFE800  }
0x26: {  	_ =	swait.ge [sflag:s17], $0x1800  }
0x27: {  	[sflag:s17] =	ssyncset.done $0x0  }
0x28: {  	[sflag:s17] =	ssyncadd.s32 $0xFFFFE800  }
0x29: {  	_ =	swait.ge [sflag:s17], $0x1800  }
0x2a: {  	[sflag:s17] =	ssyncset.done $0x0  }
0x2b: {  	[sflag:s17] =	ssyncadd.s32 $0xFFFFE800  }
0x2c: {  	_ =	swait.ge [sflag:s17], $0x1800  }
0x2d: {  	[sflag:s17] =	ssyncset.done $0x0  }
0x2e: {  	[sflag:s17] =	ssyncadd.s32 $0xFFFFE800  }
0x2f: {  	_ =	swait.ge [sflag:s17], $0x1800  }
0x30: {  	[sflag:s17] =	ssyncset.done $0x0  }
0x31: {  	[sflag:s17] =	ssyncadd.s32 $0xFFFFE800  }
0x32: {  	_ =	swait.ge [sflag:s17], $0x1800  }
0x33: {  	[sflag:s17] =	ssyncset.done $0x0  }
0x34: {  	[sflag:s17] =	ssyncadd.s32 $0xFFFFE800  }
0x35: {  	_ =	swait.ge [sflag:s17], $0x1800  }
0x36: {  	[sflag:s17] =	ssyncset.done $0x0  }
0x37: {  	[sflag:s17] =	ssyncadd.s32 $0xFFFFE800  }
0x38: {  	[hbm4b:s6+s2] =	stream.linear.scatter [tilespmem:s9], [sflag:$0x2], $0xC000, $0x38;
	[tilespmem:$0xD400] =	vst v63  }
0x39: {  	s20 =	simm.s32 $0x1000;
	_ =	swait.ge [sflag:s7], $0xC000  }
0x3a: {  	s22 =	simm.s32 $0x2000;
	s19 =	sadd.s32 $0x1800, s6;
	[sflag:s7] =	ssyncset.done $0x0  }
.LBB2_2:
0x3b: {  	s23 =	sshra.s32 s20, $0x2  }
0x3c: {  	[sflag:s7] =	ssyncadd.s32 $0xFFFF4000;
	s20 =	smov.u32 s22;
	s21 =	sadd.s32 $0x1000, s22  }
0x3d: {  	[tilespmem:s9], [sflag:$0x1] =	stream.indirect.gather [hbm4b:s3+s8], $0x30, s23, s8, $0xb8;
	[tilespmem:$0xD400] =	vst v63  }
0x3e: {  	p0 =	sne.s32 s22, $0x4000;
	s22 =	sadd.s32 $0x80, s23  }
0x3f: {  	[tilespmem:s10], [sflag:$0x1] =	stream.indirect.gather [hbm4b:s3+s8], $0x30, s22, s8, $0xb8;
	[tilespmem:$0xD400] =	vst v63  }
0x40: {  	s22 =	sadd.s32 $0x100, s23  }
0x41: {  	[tilespmem:s11], [sflag:$0x1] =	stream.indirect.gather [hbm4b:s3+s8], $0x30, s22, s8, $0xb8;
	[tilespmem:$0xD400] =	vst v63  }
0x42: {  	s22 =	sadd.s32 $0x180, s23  }
0x43: {  	[tilespmem:s12], [sflag:$0x1] =	stream.indirect.gather [hbm4b:s3+s8], $0x30, s22, s8, $0xb8;
	[tilespmem:$0xD400] =	vst v63  }
0x44: {  	s22 =	sadd.s32 $0x200, s23  }
0x45: {  	[tilespmem:s13], [sflag:$0x1] =	stream.indirect.gather [hbm4b:s3+s8], $0x30, s22, s8, $0xb8;
	[tilespmem:$0xD400] =	vst v63  }
0x46: {  	s22 =	sadd.s32 $0x280, s23  }
0x47: {  	[tilespmem:s14], [sflag:$0x1] =	stream.indirect.gather [hbm4b:s3+s8], $0x30, s22, s8, $0xb8;
	[tilespmem:$0xD400] =	vst v63  }
0x48: {  	s22 =	sadd.s32 $0x300, s23  }
0x49: {  	[tilespmem:s15], [sflag:$0x1] =	stream.indirect.gather [hbm4b:s3+s8], $0x30, s22, s8, $0xb8;
	[tilespmem:$0xD400] =	vst v63  }
0x4a: {  	s22 =	sadd.s32 $0x380, s23  }
0x4b: {  	[tilespmem:s16], [sflag:$0x1] =	stream.indirect.gather [hbm4b:s3+s8], $0x30, s22, s8, $0xb8;
	[tilespmem:$0xD400] =	vst v63  }
0x4c: {  	_ =	swait.ge [sflag:s17], $0x1800  }
0x4d: {  	[sflag:s17] =	ssyncset.done $0x0  }
0x4e: {  	[sflag:s17] =	ssyncadd.s32 $0xFFFFE800  }
0x4f: {  	_ =	swait.ge [sflag:s17], $0x1800  }
0x50: {  	[sflag:s17] =	ssyncset.done $0x0  }
0x51: {  	[sflag:s17] =	ssyncadd.s32 $0xFFFFE800  }
0x52: {  	_ =	swait.ge [sflag:s17], $0x1800  }
0x53: {  	[sflag:s17] =	ssyncset.done $0x0  }
0x54: {  	[sflag:s17] =	ssyncadd.s32 $0xFFFFE800  }
0x55: {  	_ =	swait.ge [sflag:s17], $0x1800  }
0x56: {  	[sflag:s17] =	ssyncset.done $0x0  }
0x57: {  	[sflag:s17] =	ssyncadd.s32 $0xFFFFE800  }
0x58: {  	_ =	swait.ge [sflag:s17], $0x1800  }
0x59: {  	[sflag:s17] =	ssyncset.done $0x0  }
0x5a: {  	[sflag:s17] =	ssyncadd.s32 $0xFFFFE800  }
0x5b: {  	_ =	swait.ge [sflag:s17], $0x1800  }
0x5c: {  	[sflag:s17] =	ssyncset.done $0x0  }
0x5d: {  	[sflag:s17] =	ssyncadd.s32 $0xFFFFE800  }
0x5e: {  	_ =	swait.ge [sflag:s17], $0x1800  }
0x5f: {  	[sflag:s17] =	ssyncset.done $0x0  }
0x60: {  	[sflag:s17] =	ssyncadd.s32 $0xFFFFE800  }
0x61: {  	_ =	swait.ge [sflag:s17], $0x1800  }
.Ltmp0:
0x62: {  	[sflag:s17] =	ssyncset.done $0x0;
	(pc) =	sbr.rel @p0 .LBB2_2-.Ltmp0, $4  }
0x63: {  	[sflag:s17] =	ssyncadd.s32 $0xFFFFE800  }
0x64: {  	[hbm4b:s19+s2] =	stream.linear.scatter [tilespmem:s9], [sflag:$0x2], $0xC000, $0x38;
	[tilespmem:$0xD400] =	vst v63  }
0x65: {  	_ =	swait.ge [sflag:s7], $0xC000  }
0x66: {  	s22 =	smov.u32 s21;
	s19 =	sadd.s32 $0x1800, s19;
	[sflag:s7] =	ssyncset.done $0x0  }
0x67: {  	s20 =	sshra.s32 s20, $0x2;
	[sflag:s7] =	ssyncadd.s32 $0xFFFF4000  }
0x68: {  	[tilespmem:s9], [sflag:$0x1] =	stream.indirect.gather [hbm4b:s3+s8], $0x30, s20, s8, $0xb8;
	[tilespmem:$0xD400] =	vst v63  }
0x69: {  	s21 =	sadd.s32 $0x80, s20  }
0x6a: {  	[tilespmem:s10], [sflag:$0x1] =	stream.indirect.gather [hbm4b:s3+s8], $0x30, s21, s8, $0xb8;
	[tilespmem:$0xD400] =	vst v63  }
0x6b: {  	s26 =	sadd.s32 $0x100, s20  }
0x6c: {  	[tilespmem:s11], [sflag:$0x1] =	stream.indirect.gather [hbm4b:s3+s8], $0x30, s26, s8, $0xb8;
	[tilespmem:$0xD400] =	vst v63  }
0x6d: {  	s28 =	sadd.s32 $0x180, s20  }
0x6e: {  	[tilespmem:s12], [sflag:$0x1] =	stream.indirect.gather [hbm4b:s3+s8], $0x30, s28, s8, $0xb8;
	[tilespmem:$0xD400] =	vst v63  }
0x6f: {  	s29 =	sadd.s32 $0x200, s20  }
0x70: {  	[tilespmem:s13], [sflag:$0x1] =	stream.indirect.gather [hbm4b:s3+s8], $0x30, s29, s8, $0xb8;
	[tilespmem:$0xD400] =	vst v63  }
0x71: {  	s30 =	sadd.s32 $0x280, s20  }
0x72: {  	[tilespmem:s14], [sflag:$0x1] =	stream.indirect.gather [hbm4b:s3+s8], $0x30, s30, s8, $0xb8;
	[tilespmem:$0xD400] =	vst v63  }
0x73: {  	s31 =	sadd.s32 $0x300, s20  }
0x74: {  	[tilespmem:s15], [sflag:$0x1] =	stream.indirect.gather [hbm4b:s3+s8], $0x30, s31, s8, $0xb8;
	[tilespmem:$0xD400] =	vst v63  }
0x75: {  	s20 =	sadd.s32 $0x380, s20  }
0x76: {  	[tilespmem:s16], [sflag:$0x1] =	stream.indirect.gather [hbm4b:s3+s8], $0x30, s20, s8, $0xb8;
	[tilespmem:$0xD400] =	vst v63  }
0x77: {  	_ =	swait.ge [sflag:s17], $0x1800  }
0x78: {  	[sflag:s17] =	ssyncset.done $0x0  }
0x79: {  	[sflag:s17] =	ssyncadd.s32 $0xFFFFE800  }
0x7a: {  	_ =	swait.ge [sflag:s17], $0x1800  }
0x7b: {  	[sflag:s17] =	ssyncset.done $0x0  }
0x7c: {  	[sflag:s17] =	ssyncadd.s32 $0xFFFFE800  }
0x7d: {  	_ =	swait.ge [sflag:s17], $0x1800  }
0x7e: {  	[sflag:s17] =	ssyncset.done $0x0  }
0x7f: {  	[sflag:s17] =	ssyncadd.s32 $0xFFFFE800  }
0x80: {  	_ =	swait.ge [sflag:s17], $0x1800  }
0x81: {  	[sflag:s17] =	ssyncset.done $0x0  }
0x82: {  	[sflag:s17] =	ssyncadd.s32 $0xFFFFE800  }
0x83: {  	_ =	swait.ge [sflag:s17], $0x1800  }
0x84: {  	[sflag:s17] =	ssyncset.done $0x0  }
0x85: {  	[sflag:s17] =	ssyncadd.s32 $0xFFFFE800  }
0x86: {  	_ =	swait.ge [sflag:s17], $0x1800  }
0x87: {  	[sflag:s17] =	ssyncset.done $0x0  }
0x88: {  	[sflag:s17] =	ssyncadd.s32 $0xFFFFE800  }
0x89: {  	_ =	swait.ge [sflag:s17], $0x1800  }
0x8a: {  	[sflag:s17] =	ssyncset.done $0x0  }
0x8b: {  	[sflag:s17] =	ssyncadd.s32 $0xFFFFE800  }
0x8c: {  	s18 =	sadd.s32 $0x1, s18;
	_ =	swait.ge [sflag:s17], $0x1800  }
0x8d: {  	p0 =	sne.s32 s18, s5;
	[sflag:s17] =	ssyncset.done $0x0  }
.Ltmp1:
0x8e: {  	[sflag:s17] =	ssyncadd.s32 $0xFFFFE800;
	(pc) =	sbr.rel @p0 .LBB2_1-.Ltmp1, $4  }
0x8f: {  	[hbm4b:s19+s2] =	stream.linear.scatter [tilespmem:s9], [sflag:$0x2], $0xC000, $0x38;
	[tilespmem:$0xD400] =	vst v63  }
0x90: {  	_ =	swait.ge [sflag:s7], $0xC000  }
0x91: {  	[sflag:s7] =	ssyncset.done $0x0  }
0x92: {  	[sflag:s7] =	ssyncadd.s32 $0xFFFF4000  }
0x93: {  	_ =	sfence.sel $0x180000  }
0x94: {  	[bflag:$0x0] =	sbarrier.arrive $0xFFFF  }
0x95: {  	p0 =	sne.s32 s0, $0x0;
	_ =	strace $0x90000047  }
0x96: {  	s0 =	sadd.s32 @!p0 $0x100000, s1;
	[bflag:$0x2] =	sbarrier.arrive $0xFFFF  }
0x97: {  	[sflag:s0] =	ssyncadd.tile.s32 @!p0 $0x1;
	_ =	shalt  }
.Lfunc_end2:
_tile_overlayer_lowered:
.L_overlay_start_2:
0x98: {  	(tag) =	ssettag $0x2  }
0x99: {  	s0 =	rddreg [dreg:$0x0];
	s2 =	stileid.u32  }
0x9a: {  	s1 =	rddreg [dreg:$0x1];
	p0 =	sne.s32 s2, $0x0  }
0x9b: {  	s3 =	rddreg [dreg:$0x2];
	[bflag:$0x3] =	sbarrier.arrive $0xFFFF;
	s2 =	simm.s32 @!p0 $0x1C02  }
0x9c: {  	[timem:s3], [sflag:s2] =	dma.local @!p0 [hbm:s0], s1  }
0x9d: {  	s0 =	simm.s32 @!p0 $0x2  }
0x9e: {  	_ =	swait.ge @!p0 [sflag:s0], s1  }
0x9f: {  	s1 =	ssub.s32 @!p0 $0x0, s1;
	[sflag:s0] =	ssyncset.done @!p0 $0x0  }
0xa0: {  	[sflag:s0] =	ssyncadd.s32 @!p0 s1  }
0xa1: {  	[bflag:$0x3] =	sbarrier.arrive $0xFFFF  }
0xa2: {  	_ =	shalt  }

// kernel: kernel.18.cloned.1.call-start
scs
__scs_entry_jumppad:
0x0: {  	(pc) =	sbr.rel $0x88, $3  }
0x1: {  	(tag) =	ssettag $0x0;
	lr =	simm.s32 $0x1  }
0x2: {  	[smem:$0x3F58] =	sst lr;
	_ =	strace $0xD0000000  }
0x3: {  	_ = 	snop  }
0x4: {  	_ = 	snop  }
0x5: {  	_ = 	snop  }
0x6: {  	_ = 	snop  }
0x7: {  	_ = 	snop  }
__scs_overlays_trampoline_lowered:
0x8: {  	[smem:$0x3F67] =	sst s0  }
0x9: {  	[smem:$0x3F68] =	sst s1  }
0xa: {  	[smem:$0x3F69] =	sst s2  }
0xb: {  	[smem:$0x3F6A] =	sst s3  }
0xc: {  	[smem:$0x3F6B] =	sst s4  }
0xd: {  	[smem:$0x3F6C] =	sst s5  }
0xe: {  	[smem:$0x3F6D] =	sst s6  }
0xf: {  	[smem:$0x3F6E] =	sst s7  }
0x10: {  	[smem:$0x3F6F] =	sst s8  }
0x11: {  	[smem:$0x3F70] =	sst s9;
	s0 =	simm.s32 @!p0 $0x0  }
0x12: {  	s1 =	sld [smem:$0x3F56];
	s0 =	simm.s32 @p0 $0x1  }
0x13: {  	[smem:$0x3F71] =	sst s0;
	s0 =	simm.s32 @!p1 $0x0  }
0x14: {  	s2 =	sld [smem:$0x3F55];
	s0 =	simm.s32 @p1 $0x1  }
0x15: {  	[smem:$0x3F72] =	sst s0;
	s0 =	simm.s32 @!p2 $0x0  }
0x16: {  	s3 =	sld [smem:$0x3FDB];
	s0 =	simm.s32 @p2 $0x1  }
0x17: {  	s4 =	simm.s32 $0x1BF5;
	[smem:$0x3F74] =	sst s0  }
0x18: {  	s0 =	sld [smem:$0x3F57];
	_ =	swait.ge [sflag:s4], $0x0  }
0x19: {  	s7 =	sld [smem:$0x3F58]  }
0x1a: {  	s8 =	sadd.s32 $0xFFFFE003, lr  }
0x1b: {  	s9 =	sadd.s32 $0xFFFFFEF7, lr;
	s5 =	simm.s32 $0xFFFFFFFF;
	p2 =	slt.u32 s8, $0xFFFFF086  }
0x1c: {  	p1 =	slt.u32 s9, $0xF7A;
	s5 =	simm.s32 @!p2 $0x0  }
0x1d: {  	s5 =	simm.s32 @p1 $0x1;
	p0 =	seq.s32 s7, s2  }
0x1e: {  	s7 =	smul.u32 @!p0 $0xF7A, s2;
	p2 =	seq.s32 @!p0 s5, $0x0  }
0x1f: {  	s9 =	smul.u32 $0xF7A, s1;
	s8 =	simm.s32 @!p0 $0x1BF5;
	p2 =	por !p2, p0  }
0x20: {  	[sflag:s8] =	ssyncset.s32 @!p0 $0xFFFFF086;
	s6 =	sadd.s32 @!p0 s3, s7;
	s7 =	simm.s32 @!p0 $0x108  }
0x21: {  	s3 =	sadd.s32 s3, s9;
	s6 =	sadd.s32 @!p0 $0x88, s6;
	s7 =	simm.s32 @p2 $0x1082  }
0x22: {  	[simem:s7], [sflag:s8] =	dma.local @!p0 [hbm:s6], $0xF7A  }
0x23: {  	s9 =	sor.u32 $0xD0000000, s2;
	s6 =	simm.s32 $0x108;
	_ =	swait.ge @!p0 [sflag:s8], $0x0  }
0x24: {  	s3 =	sadd.s32 $0x88, s3;
	s6 =	simm.s32 @!p1 $0x1082;
	[sflag:s4] =	ssyncset.s32 $0xFFFFF086  }
0x25: {  	[simem:s6], [sflag:s4] =	dma.local [hbm:s3], $0xF7A  }
0x26: {  	[smem:$0x3F58] =	sst s1;
	(tag) =	ssettag s2;
	_ =	strace s9  }
0x27: {  	s1 =	sld [smem:$0x3F68]  }
0x28: {  	s2 =	sld [smem:$0x3F69]  }
0x29: {  	s4 =	sld [smem:$0x3F6B]  }
0x2a: {  	p0 =	seq.s32 s5, $0x0;
	s5 =	sld [smem:$0x3F6C]  }
0x2b: {  	s6 =	sld [smem:$0x3F6D]  }
0x2c: {  	s7 =	sld [smem:$0x3F6E]  }
0x2d: {  	s3 =	simm.s32 $0x108;
	s8 =	sld [smem:$0x3F6F]  }
0x2e: {  	s3 =	simm.s32 @!p0 $0x1082;
	s9 =	sld [smem:$0x3F70]  }
0x2f: {  	lr =	sadd.s32 s0, s3;
	s0 =	sld [smem:$0x3F67]  }
0x30: {  	s3 =	sld [smem:$0x3F6A]  }
0x31: {  	[smem:$0x3F73] =	sst s10  }
0x32: {  	s10 =	sld [smem:$0x3F71];
	_ =	sdelay $0x3  }
0x33: {  	p0 =	seq.s32 s10, $0x1;
	s10 =	sld [smem:$0x3F73];
	_ =	sdelay $0x3  }
0x34: {  	[smem:$0x3F73] =	sst s10  }
0x35: {  	s10 =	sld [smem:$0x3F72];
	_ =	sdelay $0x3  }
0x36: {  	p1 =	seq.s32 s10, $0x1;
	s10 =	sld [smem:$0x3F73];
	_ =	sdelay $0x3  }
0x37: {  	[smem:$0x3F73] =	sst s10  }
0x38: {  	s10 =	sld [smem:$0x3F74]  }
0x39: {  	_ = 	snop;
	(pc) =	sbr.ind lr, $3  }
0x3a: {  	_ = 	snop  }
0x3b: {  	_ = 	snop  }
0x3c: {  	p2 =	seq.s32 s10, $0x1;
	s10 =	sld [smem:$0x3F73]  }
0x3d: {  	_ =	shalt  }
0x3e: {  	_ =	shalt  }
0x3f: {  	_ =	shalt  }
0x40: {  	_ =	shalt  }
0x41: {  	_ =	shalt  }
0x42: {  	_ =	shalt  }
0x43: {  	_ =	shalt  }
0x44: {  	_ =	shalt  }
0x45: {  	_ =	shalt  }
0x46: {  	_ =	shalt  }
0x47: {  	_ =	shalt  }
0x48: {  	_ =	shalt  }
0x49: {  	_ =	shalt  }
0x4a: {  	_ =	shalt  }
0x4b: {  	_ =	shalt  }
0x4c: {  	_ =	shalt  }
0x4d: {  	_ =	shalt  }
0x4e: {  	_ =	shalt  }
0x4f: {  	_ =	shalt  }
0x50: {  	_ =	shalt  }
0x51: {  	_ =	shalt  }
0x52: {  	_ =	shalt  }
0x53: {  	_ =	shalt  }
0x54: {  	_ =	shalt  }
0x55: {  	_ =	shalt  }
0x56: {  	_ =	shalt  }
0x57: {  	_ =	shalt  }
0x58: {  	_ =	shalt  }
0x59: {  	_ =	shalt  }
0x5a: {  	_ =	shalt  }
0x5b: {  	_ =	shalt  }
0x5c: {  	_ =	shalt  }
0x5d: {  	_ =	shalt  }
0x5e: {  	_ =	shalt  }
0x5f: {  	_ =	shalt  }
0x60: {  	_ =	shalt  }
0x61: {  	_ =	shalt  }
0x62: {  	_ =	shalt  }
0x63: {  	_ =	shalt  }
0x64: {  	_ =	shalt  }
0x65: {  	_ =	shalt  }
0x66: {  	_ =	shalt  }
0x67: {  	_ =	shalt  }
0x68: {  	_ =	shalt  }
0x69: {  	_ =	shalt  }
0x6a: {  	_ =	shalt  }
0x6b: {  	_ =	shalt  }
0x6c: {  	_ =	shalt  }
0x6d: {  	_ =	shalt  }
0x6e: {  	_ =	shalt  }
0x6f: {  	_ =	shalt  }
0x70: {  	_ =	shalt  }
0x71: {  	_ =	shalt  }
0x72: {  	_ =	shalt  }
0x73: {  	_ =	shalt  }
0x74: {  	_ =	shalt  }
0x75: {  	_ =	shalt  }
0x76: {  	_ =	shalt  }
0x77: {  	_ =	shalt  }
0x78: {  	_ =	shalt  }
0x79: {  	_ =	shalt  }
0x7a: {  	_ =	shalt  }
0x7b: {  	_ =	shalt  }
0x7c: {  	_ =	shalt  }
0x7d: {  	_ =	shalt  }
0x7e: {  	_ =	shalt  }
0x7f: {  	_ =	shalt  }
0x80: {  	_ =	shalt  }
0x81: {  	_ =	shalt  }
0x82: {  	_ =	shalt  }
0x83: {  	_ =	shalt  }
0x84: {  	_ =	shalt  }
0x85: {  	_ =	shalt  }
0x86: {  	_ =	shalt  }
0x87: {  	_ =	shalt  }
.Lfunc_end0:
.L_simem_size_0:
called_computation.1_lowered:
.L_overlay_start_0:
0x88: {  	s2 =	sld [smem:$0x3FD9]  }
0x89: {  	s3 =	sld [smem:$0x3FFE];
	_ =	sdelay $0x1  }
0x8a: {  	s1 =	srdreg.scid  }
0x8b: {  	s0 =	sand.u32 $0x1, s1  }
0x8c: {  	s17 =	sshll.u32 s0, $0xA;
	s2 =	sadd.s32 s3, s2  }
0x8d: {  	s2 =	sadd.s32 s2, s17  }
0x8e: {  	[smem:$0x3F7F] =	sst s2  }
0x8f: {  	_ = 	snop  }
0x90: {  	s2 =	sld [smem:$0x3FD0];
	(tm) =	ssettm $0x1  }
0x91: {  	s18 =	sld [smem:$0x3FFB];
	_ =	sdelay $0x3  }
0x92: {  	_ =	strace s18  }
0x93: {  	s3 =	sld [smem:$0x3FFC];
	_ =	sdelay $0x3  }
0x94: {  	_ =	strace s3  }
0x95: {  	s3 =	sld [smem:$0x3FFD];
	_ =	sdelay $0x3  }
0x96: {  	_ =	strace s3  }
0x97: {  	_ =	strace $0x8FFFFFFF  }
0x98: {  	s19 =	sld [smem:$0x3FDB];
	_ =	sdelay $0x1  }
0x99: {  	s4 =	simm.s32 $_scs_section_size  }
0x9a: {  	s5 =	simm.s32 $_size__tile_overlayer_lowered;
	s6 =	simm.s32 $_tile_overlayer_lowered  }
0x9b: {  	s22 =	simm.s32 $0x1BFF;
	s21 =	sshll.u32 s6, $0x1;
	s3 =	sadd.s32 s4, s19  }
0x9c: {  	s7 =	simm.s32 $0x0;
	s20 =	sshll.u32 s5, $0x1;
	s5 =	sadd.s32 s21, s3  }
0x9d: {  	[timem:s7], [sflag:s22] =	dma.local [hbm:s5], s20  }
0x9e: {  	_ =	swait.ge [sflag:s22], s20  }
0x9f: {  	s4 =	ssub.s32 $0x0, s20;
	[sflag:s22] =	ssyncset.done $0x0  }
0xa0: {  	[sflag:s22] =	ssyncadd.s32 s4;
	_ =	sdelay $0x1  }
0xa1: {  	s23 =	simm.s32 $0x1B8B  }
0xa2: {  	_ =	swait.ge [sflag:s23], $0x1  }
0xa3: {  	[sflag:s23] =	ssyncset.done $0x0  }
0xa4: {  	s25 =	simm.s32 $0x1B8E;
	s24 =	sld [smem:$0x3FFE];
	[sflag:s23] =	ssyncadd.s32 $0xFFFFFFFF  }
0xa5: {  	s26 =	simm.s32 $execute0_lowered;
	[smem:$0x3FD2] =	sst s25  }
0xa6: {  	s5 =	sshll.u32 s26, $0x1;
	_ =	strace $0x80000049;
	[dreg:$0x1] =	wrdreg $0xFFFFFFFF  }
0xa7: {  	s28 =	simm.s32 $_size_execute0_lowered;
	s3 =	sadd.s32 s3, s5;
	[dreg:$0x0] =	wrdreg $0x0  }
0xa8: {  	s5 =	sshll.u32 s28, $0x1;
	[dreg:$0x2] =	wrdreg s3  }
0xa9: {  	[dreg:$0x3] =	wrdreg s5  }
0xaa: {  	[dreg:$0x4] =	wrdreg $0xC0  }
0xab: {  	_ =	task [dreg:s7], $0x5FFFF  }
0xac: {  	[dreg:$0x1] =	wrdreg $0xFFFFFFFF  }
0xad: {  	[dreg:$0x0] =	wrdreg $0x60  }
0xae: {  	[dreg:$0x2] =	wrdreg s24  }
0xaf: {  	[dreg:$0x3] =	wrdreg s2  }
0xb0: {  	[dreg:$0x4] =	wrdreg $0x94000  }
0xb1: {  	[dreg:$0x5] =	wrdreg $0x112800  }
0xb2: {  	[dreg:$0x6] =	wrdreg $0x9  }
0xb3: {  	_ =	task.clear_ibuf [dreg:s7], $0x7FFFF;
	_ =	strace $0x90000049  }
0xb4: {  	s29 =	simm.s32 $0x9;
	_ =	strace $0x8000004B  }
0xb5: {  	_ =	swait.ge [sflag:s29], $0x1  }
0xb6: {  	[sflag:s29] =	ssyncadd.s32 $0xFFFFFFFF  }
0xb7: {  	_ =	strace $0x9000004B  }
0xb8: {  	_ =	sfence  }
0xb9: {  	s30 =	sld [smem:$0x0];
	_ =	sdelay $0x2  }
0xba: {  	s31 =	sshll.u32 s1, $0xD;
	s1 =	sshrl.u32 s1, $0x2  }
0xbb: {  	s3 =	sand.u32 $0x4000, s31;
	s1 =	sadd.s32 s1, s30  }
0xbc: {  	s0 =	sor.u32 s3, s0;
	s1 =	sshll.u32 s1, $0x11  }
0xbd: {  	s0 =	sor.u32 s1, s0  }
0xbe: {  	s0 =	sadd.s32 $0x8F2B, s0  }
0xbf: {  	[sflag:s0] =	ssyncadd.remote.s32 $0x1  }
0xc0: {  	_ =	sfence.sel $0xFFFF  }
0xc1: {  	[dreg:$0x0] =	wrdreg $0xFFFFFFFF;
	(pc) =	sbr.abs _section_cstart, $3  }
0xc2: {  	[dreg:$0x1] =	wrdreg $0xFFFFFFFF  }
0xc3: {  	_ =	task.clear_ibuf [dreg:s7], $0x2FFFF;
	_ =	strace $0x9FFFFFFF  }
0xc4: {  	(tm) =	ssettm $0x7FFFFFFF  }
0xc5: {  	_ =	shalt  }
tec
execute0_lowered:
.L_overlay_start_1:
0x0: {  	(tag) =	ssettag $0x1  }
0x1: {  	s6 =	rddreg [dreg:$0x0]  }
0x2: {  	s1 =	srdreg.scid;
	s3 =	rddreg [dreg:$0x2]  }
0x3: {  	s0 =	stileid.u32;
	s4 =	rddreg [dreg:$0x3];
	s5 =	simm.s32 $0x0  }
0x4: {  	s18 =	simm.s32 $0xE300;
	s19 =	simm.s32 $0x80;
	s20 =	simm.s32 $0x2400  }
0x5: {  	s21 =	simm.s32 $0x3400;
	s22 =	simm.s32 $0x4400;
	s8 =	smul.u32 $0x50000, s0  }
0x6: {  	s23 =	simm.s32 $0x5400;
	s24 =	simm.s32 $0x6400;
	s11 =	smul.u32 $0x4F00, s0  }
0x7: {  	s25 =	simm.s32 $0x7400;
	s28 =	simm.s32 $0x0;
	s12 =	smul.u32 $0x2780, s0  }
0x8: {  	s7 =	sand.u32 $0x1, s1;
	s1 =	rddreg [dreg:$0x1];
	s26 =	smul.u32 $0x278, s0  }
0x9: {  	s2 =	sshll.u32 s0, $0x1;
	[smem:$0x7FF] =	sst s5;
	s9 =	smul.u32 $0x28000, s7  }
0xa: {  	s2 =	sor.u32 s7, s2;
	_ =	strace $0x8000004A;
	s13 =	smul.u32 $0x2780, s7  }
0xb: {  	s7 =	ssub.s32 $0x2, s7;
	s10 =	smul.u32 $0x280, s2;
	s29 =	sshrl.u32 s11, $0x3  }
0xc: {  	s15 =	sshrl.u32 s12, $0x3;
	s16 =	sshrl.u32 s7, $0x1;
	s8 =	sadd.s32 s9, s8  }
0xd: {  	s9 =	sadd.s32 s26, s13;
	s30 =	sadd.s32 s15, s6;
	s16 =	ssub.s32 s7, s16  }
0xe: {  	s7 =	sadd.s32 s11, s3;
	s26 =	simm.s32 $0x8400;
	s8 =	sshrl.u32 s8, $0x3  }
0xf: {  	s10 =	sadd.s32 s10, s6;
	s31 =	sshll.u32 s9, $0x2;
	s9 =	sshll.u32 s9, $0x1  }
0x10: {  	s13 =	smax.u32 s16, $0x1;
	s16 =	simm.s32 $0x1;
	s14 =	sadd.s32 s8, s6  }
0x11: {  	s8 =	sadd.s32 s29, s6;
	s17 =	sadd.s32 s9, s6;
	s9 =	sadd.s32 $0x185E00, s10  }
0x12: {  	s15 =	sadd.s32 s31, s6;
	s6 =	sadd.s32 $0x82200, s8;
	s8 =	sadd.s32 $0x135E00, s30  }
0x13: {  	s10 =	sadd.s32 s12, s4;
	s11 =	sadd.s32 $0x144C00, s15;
	s12 =	sadd.s32 $0x13AE00, s17  }
0x14: {  	s14 =	sadd.s32 $0x95E00, s14;
	s15 =	simm.s32 $0x1400;
	s17 =	simm.s32 $0xEB00  }
.LBB2_1:
0x15: {  	[tilespmem:s15], [sflag:$0x1] =	stream.linear.gather [hbm4b:s6+s5], $0x4F00, $0x38;
	[tilespmem:$0x13A00] =	vst v63  }
0x16: {  	_ =	swait.ge [sflag:s16], $0x4F00  }
0x17: {  	[sflag:s16] =	ssyncset.done $0x0  }
0x18: {  	[sflag:s16] =	ssyncadd.s32 $0xFFFFB100  }
0x19: {  	[spmem:s7] =	stream.linear.scatter [tilespmem:s15], [sflag:$0x1], $0x4F00, $0x38;
	[tilespmem:$0x13A00] =	vst v63  }
0x1a: {  	_ =	swait.ge [sflag:s16], $0x4F00  }
0x1b: {  	[sflag:s16] =	ssyncset.done $0x0  }
0x1c: {  	[sflag:s16] =	ssyncadd.s32 $0xFFFFB100  }
0x1d: {  	[tilespmem:s17], [sflag:$0x1] =	stream.linear.gather [hbm4b:s8+s5], $0x2780, $0x38;
	[tilespmem:$0x13A00] =	vst v63  }
0x1e: {  	_ =	swait.ge [sflag:s16], $0x2780  }
0x1f: {  	[sflag:s16] =	ssyncset.done $0x0  }
0x20: {  	[sflag:s16] =	ssyncadd.s32 $0xFFFFD880  }
0x21: {  	[spmem:s10] =	stream.linear.scatter [tilespmem:s17], [sflag:$0x1], $0x2780, $0x38;
	[tilespmem:$0x13A00] =	vst v63  }
0x22: {  	_ =	swait.ge [sflag:s16], $0x2780  }
0x23: {  	[sflag:s16] =	ssyncset.done $0x0  }
0x24: {  	[sflag:s16] =	ssyncadd.s32 $0xFFFFD880  }
0x25: {  	[tilespmem:s18], [sflag:$0x1] =	stream.linear.gather [hbm4b:s1+s5], $0x800, $0x38;
	[tilespmem:$0x13A00] =	vst v63  }
0x26: {  	_ =	swait.ge [sflag:s16], $0x800  }
0x27: {  	[sflag:s16] =	ssyncset.done $0x0  }
0x28: {  	[sflag:s16] =	ssyncadd.s32 $0xFFFFF800  }
0x29: {  	[bflag:$0x0] =	sbarrier.arrive $0xFFFF  }
0x2a: {  	[tilespmem:s5], [sflag:$0x1] =	stream.linear.gather [hbm4b:s9+s5], $0x1400, $0x38;
	[tilespmem:$0x13A00] =	vst v63  }
0x2b: {  	_ =	swait.ge [sflag:s16], $0x1400  }
0x2c: {  	[sflag:s16] =	ssyncset.done $0x0  }
0x2d: {  	s29 =	sadd.s32 $0x0, s14;
	[sflag:s16] =	ssyncadd.s32 $0xFFFFEC00  }
0x2e: {  	[tilespmem:s15], [sflag:$0x1] =	stream.linear.gather [hbm4b:s29+s5], $0x8000, $0x38;
	[tilespmem:$0x13A00] =	vst v63  }
0x2f: {  	_ =	swait.ge [sflag:s16], $0x8000  }
0x30: {  	[sflag:s16] =	ssyncset.done $0x0  }
0x31: {  	s29 =	simm.s32 $0x0;
	[sflag:s16] =	ssyncadd.s32 $0xFFFF8000  }
0x32: {  	[spmem:s3] =	stream.indirect.scatter.add.f32 [tilespmem:s15], [sflag:$0x1], $0x20, s29, s19, $0xb8;
	[tilespmem:$0x13A00] =	vst v63  }
0x33: {  	_ =	swait.ge [sflag:s16], $0x1000  }
0x34: {  	[sflag:s16] =	ssyncset.done $0x0  }
0x35: {  	[sflag:s16] =	ssyncadd.s32 $0xFFFFF000  }
0x36: {  	[spmem:s4] =	stream.indirect.scatter.add.f32 [tilespmem:s18], [sflag:$0x1], $0x10, s29, s19, $0xb8;
	[tilespmem:$0x13A00] =	vst v63  }
0x37: {  	_ =	swait.ge [sflag:s16], $0x800  }
0x38: {  	[sflag:s16] =	ssyncset.done $0x0  }
0x39: {  	s29 =	simm.s32 $0x80;
	[sflag:s16] =	ssyncadd.s32 $0xFFFFF800  }
0x3a: {  	[spmem:s3] =	stream.indirect.scatter.add.f32 [tilespmem:s20], [sflag:$0x1], $0x20, s29, s19, $0xb8;
	[tilespmem:$0x13A00] =	vst v63  }
0x3b: {  	_ =	swait.ge [sflag:s16], $0x1000  }
0x3c: {  	[sflag:s16] =	ssyncset.done $0x0  }
0x3d: {  	[sflag:s16] =	ssyncadd.s32 $0xFFFFF000  }
0x3e: {  	[spmem:s4] =	stream.indirect.scatter.add.f32 [tilespmem:s18], [sflag:$0x1], $0x10, s29, s19, $0xb8;
	[tilespmem:$0x13A00] =	vst v63  }
0x3f: {  	_ =	swait.ge [sflag:s16], $0x800  }
0x40: {  	[sflag:s16] =	ssyncset.done $0x0  }
0x41: {  	s29 =	simm.s32 $0x100;
	[sflag:s16] =	ssyncadd.s32 $0xFFFFF800  }
0x42: {  	[spmem:s3] =	stream.indirect.scatter.add.f32 [tilespmem:s21], [sflag:$0x1], $0x20, s29, s19, $0xb8;
	[tilespmem:$0x13A00] =	vst v63  }
0x43: {  	_ =	swait.ge [sflag:s16], $0x1000  }
0x44: {  	[sflag:s16] =	ssyncset.done $0x0  }
0x45: {  	[sflag:s16] =	ssyncadd.s32 $0xFFFFF000  }
0x46: {  	[spmem:s4] =	stream.indirect.scatter.add.f32 [tilespmem:s18], [sflag:$0x1], $0x10, s29, s19, $0xb8;
	[tilespmem:$0x13A00] =	vst v63  }
0x47: {  	_ =	swait.ge [sflag:s16], $0x800  }
0x48: {  	[sflag:s16] =	ssyncset.done $0x0  }
0x49: {  	s29 =	simm.s32 $0x180;
	[sflag:s16] =	ssyncadd.s32 $0xFFFFF800  }
0x4a: {  	[spmem:s3] =	stream.indirect.scatter.add.f32 [tilespmem:s22], [sflag:$0x1], $0x20, s29, s19, $0xb8;
	[tilespmem:$0x13A00] =	vst v63  }
0x4b: {  	_ =	swait.ge [sflag:s16], $0x1000  }
0x4c: {  	[sflag:s16] =	ssyncset.done $0x0  }
0x4d: {  	[sflag:s16] =	ssyncadd.s32 $0xFFFFF000  }
0x4e: {  	[spmem:s4] =	stream.indirect.scatter.add.f32 [tilespmem:s18], [sflag:$0x1], $0x10, s29, s19, $0xb8;
	[tilespmem:$0x13A00] =	vst v63  }
0x4f: {  	_ =	swait.ge [sflag:s16], $0x800  }
0x50: {  	[sflag:s16] =	ssyncset.done $0x0  }
0x51: {  	s29 =	simm.s32 $0x200;
	[sflag:s16] =	ssyncadd.s32 $0xFFFFF800  }
0x52: {  	[spmem:s3] =	stream.indirect.scatter.add.f32 [tilespmem:s23], [sflag:$0x1], $0x20, s29, s19, $0xb8;
	[tilespmem:$0x13A00] =	vst v63  }
0x53: {  	_ =	swait.ge [sflag:s16], $0x1000  }
0x54: {  	[sflag:s16] =	ssyncset.done $0x0  }
0x55: {  	[sflag:s16] =	ssyncadd.s32 $0xFFFFF000  }
0x56: {  	[spmem:s4] =	stream.indirect.scatter.add.f32 [tilespmem:s18], [sflag:$0x1], $0x10, s29, s19, $0xb8;
	[tilespmem:$0x13A00] =	vst v63  }
0x57: {  	_ =	swait.ge [sflag:s16], $0x800  }
0x58: {  	[sflag:s16] =	ssyncset.done $0x0  }
0x59: {  	s29 =	simm.s32 $0x280;
	[sflag:s16] =	ssyncadd.s32 $0xFFFFF800  }
0x5a: {  	[spmem:s3] =	stream.indirect.scatter.add.f32 [tilespmem:s24], [sflag:$0x1], $0x20, s29, s19, $0xb8;
	[tilespmem:$0x13A00] =	vst v63  }
0x5b: {  	_ =	swait.ge [sflag:s16], $0x1000  }
0x5c: {  	[sflag:s16] =	ssyncset.done $0x0  }
0x5d: {  	[sflag:s16] =	ssyncadd.s32 $0xFFFFF000  }
0x5e: {  	[spmem:s4] =	stream.indirect.scatter.add.f32 [tilespmem:s18], [sflag:$0x1], $0x10, s29, s19, $0xb8;
	[tilespmem:$0x13A00] =	vst v63  }
0x5f: {  	_ =	swait.ge [sflag:s16], $0x800  }
0x60: {  	[sflag:s16] =	ssyncset.done $0x0  }
0x61: {  	s29 =	simm.s32 $0x300;
	[sflag:s16] =	ssyncadd.s32 $0xFFFFF800  }
0x62: {  	[spmem:s3] =	stream.indirect.scatter.add.f32 [tilespmem:s25], [sflag:$0x1], $0x20, s29, s19, $0xb8;
	[tilespmem:$0x13A00] =	vst v63  }
0x63: {  	_ =	swait.ge [sflag:s16], $0x1000  }
0x64: {  	[sflag:s16] =	ssyncset.done $0x0  }
0x65: {  	[sflag:s16] =	ssyncadd.s32 $0xFFFFF000  }
0x66: {  	[spmem:s4] =	stream.indirect.scatter.add.f32 [tilespmem:s18], [sflag:$0x1], $0x10, s29, s19, $0xb8;
	[tilespmem:$0x13A00] =	vst v63  }
0x67: {  	_ =	swait.ge [sflag:s16], $0x800  }
0x68: {  	[sflag:s16] =	ssyncset.done $0x0  }
0x69: {  	s29 =	simm.s32 $0x380;
	[sflag:s16] =	ssyncadd.s32 $0xFFFFF800  }
0x6a: {  	[spmem:s3] =	stream.indirect.scatter.add.f32 [tilespmem:s26], [sflag:$0x1], $0x20, s29, s19, $0xb8;
	[tilespmem:$0x13A00] =	vst v63  }
0x6b: {  	_ =	swait.ge [sflag:s16], $0x1000  }
0x6c: {  	[sflag:s16] =	ssyncset.done $0x0  }
0x6d: {  	[sflag:s16] =	ssyncadd.s32 $0xFFFFF000  }
0x6e: {  	[spmem:s4] =	stream.indirect.scatter.add.f32 [tilespmem:s18], [sflag:$0x1], $0x10, s29, s19, $0xb8;
	[tilespmem:$0x13A00] =	vst v63  }
0x6f: {  	_ =	swait.ge [sflag:s16], $0x800  }
0x70: {  	s31 =	simm.s32 $0x2000;
	s29 =	simm.s32 $0x1000;
	[sflag:s16] =	ssyncset.done $0x0  }
.LBB2_2:
0x71: {  	s2 =	sadd.s32 s29, s14  }
0x72: {  	[sflag:s16] =	ssyncadd.s32 $0xFFFFF800;
	s0 =	smov.u32 s31;
	s30 =	sadd.s32 $0x1000, s31  }
0x73: {  	[tilespmem:s15], [sflag:$0x1] =	stream.linear.gather [hbm4b:s2+s5], $0x8000, $0x38;
	[tilespmem:$0x13A00] =	vst v63  }
0x74: {  	p0 =	sne.s32 s31, $0x4000;
	_ =	swait.ge [sflag:s16], $0x8000  }
0x75: {  	[sflag:s16] =	ssyncset.done $0x0  }
0x76: {  	s31 =	sshra.s32 s29, $0x2;
	s29 =	smov.u32 s0;
	[sflag:s16] =	ssyncadd.s32 $0xFFFF8000  }
0x77: {  	[spmem:s3] =	stream.indirect.scatter.add.f32 [tilespmem:s15], [sflag:$0x1], $0x20, s31, s19, $0xb8;
	[tilespmem:$0x13A00] =	vst v63  }
0x78: {  	_ =	swait.ge [sflag:s16], $0x1000  }
0x79: {  	[sflag:s16] =	ssyncset.done $0x0  }
0x7a: {  	[sflag:s16] =	ssyncadd.s32 $0xFFFFF000  }
0x7b: {  	[spmem:s4] =	stream.indirect.scatter.add.f32 [tilespmem:s18], [sflag:$0x1], $0x10, s31, s19, $0xb8;
	[tilespmem:$0x13A00] =	vst v63  }
0x7c: {  	_ =	swait.ge [sflag:s16], $0x800  }
0x7d: {  	[sflag:s16] =	ssyncset.done $0x0  }
0x7e: {  	s0 =	sadd.s32 $0x80, s31;
	[sflag:s16] =	ssyncadd.s32 $0xFFFFF800  }
0x7f: {  	[spmem:s3] =	stream.indirect.scatter.add.f32 [tilespmem:s20], [sflag:$0x1], $0x20, s0, s19, $0xb8;
	[tilespmem:$0x13A00] =	vst v63  }
0x80: {  	_ =	swait.ge [sflag:s16], $0x1000  }
0x81: {  	[sflag:s16] =	ssyncset.done $0x0  }
0x82: {  	[sflag:s16] =	ssyncadd.s32 $0xFFFFF000  }
0x83: {  	[spmem:s4] =	stream.indirect.scatter.add.f32 [tilespmem:s18], [sflag:$0x1], $0x10, s0, s19, $0xb8;
	[tilespmem:$0x13A00] =	vst v63  }
0x84: {  	_ =	swait.ge [sflag:s16], $0x800  }
0x85: {  	[sflag:s16] =	ssyncset.done $0x0  }
0x86: {  	s0 =	sadd.s32 $0x100, s31;
	[sflag:s16] =	ssyncadd.s32 $0xFFFFF800  }
0x87: {  	[spmem:s3] =	stream.indirect.scatter.add.f32 [tilespmem:s21], [sflag:$0x1], $0x20, s0, s19, $0xb8;
	[tilespmem:$0x13A00] =	vst v63  }
0x88: {  	_ =	swait.ge [sflag:s16], $0x1000  }
0x89: {  	[sflag:s16] =	ssyncset.done $0x0  }
0x8a: {  	[sflag:s16] =	ssyncadd.s32 $0xFFFFF000  }
0x8b: {  	[spmem:s4] =	stream.indirect.scatter.add.f32 [tilespmem:s18], [sflag:$0x1], $0x10, s0, s19, $0xb8;
	[tilespmem:$0x13A00] =	vst v63  }
0x8c: {  	_ =	swait.ge [sflag:s16], $0x800  }
0x8d: {  	[sflag:s16] =	ssyncset.done $0x0  }
0x8e: {  	s0 =	sadd.s32 $0x180, s31;
	[sflag:s16] =	ssyncadd.s32 $0xFFFFF800  }
0x8f: {  	[spmem:s3] =	stream.indirect.scatter.add.f32 [tilespmem:s22], [sflag:$0x1], $0x20, s0, s19, $0xb8;
	[tilespmem:$0x13A00] =	vst v63  }
0x90: {  	_ =	swait.ge [sflag:s16], $0x1000  }
0x91: {  	[sflag:s16] =	ssyncset.done $0x0  }
0x92: {  	[sflag:s16] =	ssyncadd.s32 $0xFFFFF000  }
0x93: {  	[spmem:s4] =	stream.indirect.scatter.add.f32 [tilespmem:s18], [sflag:$0x1], $0x10, s0, s19, $0xb8;
	[tilespmem:$0x13A00] =	vst v63  }
0x94: {  	_ =	swait.ge [sflag:s16], $0x800  }
0x95: {  	[sflag:s16] =	ssyncset.done $0x0  }
0x96: {  	s0 =	sadd.s32 $0x200, s31;
	[sflag:s16] =	ssyncadd.s32 $0xFFFFF800  }
0x97: {  	[spmem:s3] =	stream.indirect.scatter.add.f32 [tilespmem:s23], [sflag:$0x1], $0x20, s0, s19, $0xb8;
	[tilespmem:$0x13A00] =	vst v63  }
0x98: {  	_ =	swait.ge [sflag:s16], $0x1000  }
0x99: {  	[sflag:s16] =	ssyncset.done $0x0  }
0x9a: {  	[sflag:s16] =	ssyncadd.s32 $0xFFFFF000  }
0x9b: {  	[spmem:s4] =	stream.indirect.scatter.add.f32 [tilespmem:s18], [sflag:$0x1], $0x10, s0, s19, $0xb8;
	[tilespmem:$0x13A00] =	vst v63  }
0x9c: {  	_ =	swait.ge [sflag:s16], $0x800  }
0x9d: {  	[sflag:s16] =	ssyncset.done $0x0  }
0x9e: {  	s0 =	sadd.s32 $0x280, s31;
	[sflag:s16] =	ssyncadd.s32 $0xFFFFF800  }
0x9f: {  	[spmem:s3] =	stream.indirect.scatter.add.f32 [tilespmem:s24], [sflag:$0x1], $0x20, s0, s19, $0xb8;
	[tilespmem:$0x13A00] =	vst v63  }
0xa0: {  	_ =	swait.ge [sflag:s16], $0x1000  }
0xa1: {  	[sflag:s16] =	ssyncset.done $0x0  }
0xa2: {  	[sflag:s16] =	ssyncadd.s32 $0xFFFFF000  }
0xa3: {  	[spmem:s4] =	stream.indirect.scatter.add.f32 [tilespmem:s18], [sflag:$0x1], $0x10, s0, s19, $0xb8;
	[tilespmem:$0x13A00] =	vst v63  }
0xa4: {  	_ =	swait.ge [sflag:s16], $0x800  }
0xa5: {  	[sflag:s16] =	ssyncset.done $0x0  }
0xa6: {  	s0 =	sadd.s32 $0x300, s31;
	[sflag:s16] =	ssyncadd.s32 $0xFFFFF800  }
0xa7: {  	[spmem:s3] =	stream.indirect.scatter.add.f32 [tilespmem:s25], [sflag:$0x1], $0x20, s0, s19, $0xb8;
	[tilespmem:$0x13A00] =	vst v63  }
0xa8: {  	_ =	swait.ge [sflag:s16], $0x1000  }
0xa9: {  	[sflag:s16] =	ssyncset.done $0x0  }
0xaa: {  	[sflag:s16] =	ssyncadd.s32 $0xFFFFF000  }
0xab: {  	[spmem:s4] =	stream.indirect.scatter.add.f32 [tilespmem:s18], [sflag:$0x1], $0x10, s0, s19, $0xb8;
	[tilespmem:$0x13A00] =	vst v63  }
0xac: {  	_ =	swait.ge [sflag:s16], $0x800  }
0xad: {  	[sflag:s16] =	ssyncset.done $0x0  }
0xae: {  	s0 =	sadd.s32 $0x380, s31;
	[sflag:s16] =	ssyncadd.s32 $0xFFFFF800  }
0xaf: {  	[spmem:s3] =	stream.indirect.scatter.add.f32 [tilespmem:s26], [sflag:$0x1], $0x20, s0, s19, $0xb8;
	[tilespmem:$0x13A00] =	vst v63  }
0xb0: {  	_ =	swait.ge [sflag:s16], $0x1000  }
.Ltmp0:
0xb1: {  	[sflag:s16] =	ssyncset.done $0x0;
	(pc) =	sbr.rel @p0 .LBB2_2-.Ltmp0, $4  }
0xb2: {  	[sflag:s16] =	ssyncadd.s32 $0xFFFFF000  }
0xb3: {  	[spmem:s4] =	stream.indirect.scatter.add.f32 [tilespmem:s18], [sflag:$0x1], $0x10, s0, s19, $0xb8;
	[tilespmem:$0x13A00] =	vst v63  }
0xb4: {  	_ =	swait.ge [sflag:s16], $0x800  }
0xb5: {  	s31 =	smov.u32 s30;
	[sflag:s16] =	ssyncset.done $0x0  }
0xb6: {  	s0 =	sadd.s32 s29, s14;
	[sflag:s16] =	ssyncadd.s32 $0xFFFFF800  }
0xb7: {  	[tilespmem:s15], [sflag:$0x1] =	stream.linear.gather [hbm4b:s0+s5], $0x8000, $0x38;
	[tilespmem:$0x13A00] =	vst v63  }
0xb8: {  	_ =	swait.ge [sflag:s16], $0x8000  }
0xb9: {  	[sflag:s16] =	ssyncset.done $0x0  }
0xba: {  	s29 =	sshra.s32 s29, $0x2;
	[sflag:s16] =	ssyncadd.s32 $0xFFFF8000  }
0xbb: {  	[spmem:s3] =	stream.indirect.scatter.add.f32 [tilespmem:s15], [sflag:$0x1], $0x20, s29, s19, $0xb8;
	[tilespmem:$0x13A00] =	vst v63  }
0xbc: {  	_ =	swait.ge [sflag:s16], $0x1000  }
0xbd: {  	[sflag:s16] =	ssyncset.done $0x0  }
0xbe: {  	[sflag:s16] =	ssyncadd.s32 $0xFFFFF000  }
0xbf: {  	[spmem:s4] =	stream.indirect.scatter.add.f32 [tilespmem:s18], [sflag:$0x1], $0x10, s29, s19, $0xb8;
	[tilespmem:$0x13A00] =	vst v63  }
0xc0: {  	_ =	swait.ge [sflag:s16], $0x800  }
0xc1: {  	[sflag:s16] =	ssyncset.done $0x0  }
0xc2: {  	s31 =	sadd.s32 $0x80, s29;
	[sflag:s16] =	ssyncadd.s32 $0xFFFFF800  }
0xc3: {  	[spmem:s3] =	stream.indirect.scatter.add.f32 [tilespmem:s20], [sflag:$0x1], $0x20, s31, s19, $0xb8;
	[tilespmem:$0x13A00] =	vst v63  }
0xc4: {  	_ =	swait.ge [sflag:s16], $0x1000  }
0xc5: {  	[sflag:s16] =	ssyncset.done $0x0  }
0xc6: {  	[sflag:s16] =	ssyncadd.s32 $0xFFFFF000  }
0xc7: {  	[spmem:s4] =	stream.indirect.scatter.add.f32 [tilespmem:s18], [sflag:$0x1], $0x10, s31, s19, $0xb8;
	[tilespmem:$0x13A00] =	vst v63  }
0xc8: {  	_ =	swait.ge [sflag:s16], $0x800  }
0xc9: {  	[sflag:s16] =	ssyncset.done $0x0  }
0xca: {  	s2 =	sadd.s32 $0x100, s29;
	[sflag:s16] =	ssyncadd.s32 $0xFFFFF800  }
0xcb: {  	[spmem:s3] =	stream.indirect.scatter.add.f32 [tilespmem:s21], [sflag:$0x1], $0x20, s2, s19, $0xb8;
	[tilespmem:$0x13A00] =	vst v63  }
0xcc: {  	_ =	swait.ge [sflag:s16], $0x1000  }
0xcd: {  	[sflag:s16] =	ssyncset.done $0x0  }
0xce: {  	[sflag:s16] =	ssyncadd.s32 $0xFFFFF000  }
0xcf: {  	[spmem:s4] =	stream.indirect.scatter.add.f32 [tilespmem:s18], [sflag:$0x1], $0x10, s2, s19, $0xb8;
	[tilespmem:$0x13A00] =	vst v63  }
0xd0: {  	_ =	swait.ge [sflag:s16], $0x800  }
0xd1: {  	[sflag:s16] =	ssyncset.done $0x0  }
0xd2: {  	s30 =	sadd.s32 $0x180, s29;
	[sflag:s16] =	ssyncadd.s32 $0xFFFFF800  }
0xd3: {  	[spmem:s3] =	stream.indirect.scatter.add.f32 [tilespmem:s22], [sflag:$0x1], $0x20, s30, s19, $0xb8;
	[tilespmem:$0x13A00] =	vst v63  }
0xd4: {  	_ =	swait.ge [sflag:s16], $0x1000  }
0xd5: {  	[sflag:s16] =	ssyncset.done $0x0  }
0xd6: {  	[sflag:s16] =	ssyncadd.s32 $0xFFFFF000  }
0xd7: {  	[spmem:s4] =	stream.indirect.scatter.add.f32 [tilespmem:s18], [sflag:$0x1], $0x10, s30, s19, $0xb8;
	[tilespmem:$0x13A00] =	vst v63  }
0xd8: {  	_ =	swait.ge [sflag:s16], $0x800  }
0xd9: {  	[sflag:s16] =	ssyncset.done $0x0  }
0xda: {  	s31 =	sadd.s32 $0x200, s29;
	[sflag:s16] =	ssyncadd.s32 $0xFFFFF800  }
0xdb: {  	[spmem:s3] =	stream.indirect.scatter.add.f32 [tilespmem:s23], [sflag:$0x1], $0x20, s31, s19, $0xb8;
	[tilespmem:$0x13A00] =	vst v63  }
0xdc: {  	_ =	swait.ge [sflag:s16], $0x1000  }
0xdd: {  	[sflag:s16] =	ssyncset.done $0x0  }
0xde: {  	[sflag:s16] =	ssyncadd.s32 $0xFFFFF000  }
0xdf: {  	[spmem:s4] =	stream.indirect.scatter.add.f32 [tilespmem:s18], [sflag:$0x1], $0x10, s31, s19, $0xb8;
	[tilespmem:$0x13A00] =	vst v63  }
0xe0: {  	_ =	swait.ge [sflag:s16], $0x800  }
0xe1: {  	[sflag:s16] =	ssyncset.done $0x0  }
0xe2: {  	s2 =	sadd.s32 $0x280, s29;
	[sflag:s16] =	ssyncadd.s32 $0xFFFFF800  }
0xe3: {  	[spmem:s3] =	stream.indirect.scatter.add.f32 [tilespmem:s24], [sflag:$0x1], $0x20, s2, s19, $0xb8;
	[tilespmem:$0x13A00] =	vst v63  }
0xe4: {  	_ =	swait.ge [sflag:s16], $0x1000  }
0xe5: {  	[sflag:s16] =	ssyncset.done $0x0  }
0xe6: {  	[sflag:s16] =	ssyncadd.s32 $0xFFFFF000  }
0xe7: {  	[spmem:s4] =	stream.indirect.scatter.add.f32 [tilespmem:s18], [sflag:$0x1], $0x10, s2, s19, $0xb8;
	[tilespmem:$0x13A00] =	vst v63  }
0xe8: {  	_ =	swait.ge [sflag:s16], $0x800  }
0xe9: {  	[sflag:s16] =	ssyncset.done $0x0  }
0xea: {  	s30 =	sadd.s32 $0x300, s29;
	[sflag:s16] =	ssyncadd.s32 $0xFFFFF800  }
0xeb: {  	[spmem:s3] =	stream.indirect.scatter.add.f32 [tilespmem:s25], [sflag:$0x1], $0x20, s30, s19, $0xb8;
	[tilespmem:$0x13A00] =	vst v63  }
0xec: {  	_ =	swait.ge [sflag:s16], $0x1000  }
0xed: {  	[sflag:s16] =	ssyncset.done $0x0  }
0xee: {  	[sflag:s16] =	ssyncadd.s32 $0xFFFFF000  }
0xef: {  	[spmem:s4] =	stream.indirect.scatter.add.f32 [tilespmem:s18], [sflag:$0x1], $0x10, s30, s19, $0xb8;
	[tilespmem:$0x13A00] =	vst v63  }
0xf0: {  	_ =	swait.ge [sflag:s16], $0x800  }
0xf1: {  	[sflag:s16] =	ssyncset.done $0x0  }
0xf2: {  	s31 =	sadd.s32 $0x380, s29;
	[sflag:s16] =	ssyncadd.s32 $0xFFFFF800  }
0xf3: {  	[spmem:s3] =	stream.indirect.scatter.add.f32 [tilespmem:s26], [sflag:$0x1], $0x20, s31, s19, $0xb8;
	[tilespmem:$0x13A00] =	vst v63  }
0xf4: {  	_ =	swait.ge [sflag:s16], $0x1000  }
0xf5: {  	[sflag:s16] =	ssyncset.done $0x0  }
0xf6: {  	[sflag:s16] =	ssyncadd.s32 $0xFFFFF000  }
0xf7: {  	[spmem:s4] =	stream.indirect.scatter.add.f32 [tilespmem:s18], [sflag:$0x1], $0x10, s31, s19, $0xb8;
	[tilespmem:$0x13A00] =	vst v63  }
0xf8: {  	_ =	swait.ge [sflag:s16], $0x800  }
0xf9: {  	[sflag:s16] =	ssyncset.done $0x0  }
0xfa: {  	[sflag:s16] =	ssyncadd.s32 $0xFFFFF800  }
0xfb: {  	[bflag:$0x0] =	sbarrier.arrive $0xFFFF  }
0xfc: {  	[tilespmem:s15], [sflag:$0x1] =	stream.linear.gather [spmem:s7], $0x4F00, $0x38;
	[tilespmem:$0x13A00] =	vst v63  }
0xfd: {  	_ =	swait.ge [sflag:s16], $0x4F00  }
0xfe: {  	[sflag:s16] =	ssyncset.done $0x0  }
0xff: {  	[sflag:s16] =	ssyncadd.s32 $0xFFFFB100  }
0x100: {  	[hbm4b:s11+s5] =	stream.linear.scatter [tilespmem:s15], [sflag:$0x1], $0x4F00, $0x38;
	[tilespmem:$0x13A00] =	vst v63  }
0x101: {  	_ =	swait.ge [sflag:s16], $0x4F00  }
0x102: {  	[sflag:s16] =	ssyncset.done $0x0  }
0x103: {  	[sflag:s16] =	ssyncadd.s32 $0xFFFFB100  }
0x104: {  	[tilespmem:s17], [sflag:$0x1] =	stream.linear.gather [spmem:s10], $0x2780, $0x38;
	[tilespmem:$0x13A00] =	vst v63  }
0x105: {  	s28 =	sadd.s32 $0x1, s28;
	_ =	swait.ge [sflag:s16], $0x2780  }
0x106: {  	p0 =	sne.s32 s28, s13;
	[sflag:s16] =	ssyncset.done $0x0  }
.Ltmp1:
0x107: {  	[sflag:s16] =	ssyncadd.s32 $0xFFFFD880;
	(pc) =	sbr.rel @p0 .LBB2_1-.Ltmp1, $4  }
0x108: {  	[hbm4b:s12+s5] =	stream.linear.scatter [tilespmem:s17], [sflag:$0x1], $0x2780, $0x38;
	[tilespmem:$0x13A00] =	vst v63  }
0x109: {  	_ =	swait.ge [sflag:s16], $0x2780  }
0x10a: {  	[sflag:s16] =	ssyncset.done $0x0  }
0x10b: {  	[sflag:s16] =	ssyncadd.s32 $0xFFFFD880  }
0x10c: {  	_ =	sfence.sel $0x180000  }
0x10d: {  	[bflag:$0x0] =	sbarrier.arrive $0xFFFF  }
0x10e: {  	_ =	strace $0x9000004A  }
0x10f: {  	s0 =	stileid.u32;
	[bflag:$0x2] =	sbarrier.arrive $0xFFFF  }
0x110: {  	p0 =	sne.s32 s0, $0x0;
	s0 =	rddreg [dreg:$0x4]  }
0x111: {  	s0 =	sadd.s32 @!p0 $0x100000, s0  }
0x112: {  	[sflag:s0] =	ssyncadd.tile.s32 @!p0 $0x1;
	_ =	shalt  }
.Lfunc_end2:
_tile_overlayer_lowered:
.L_overlay_start_2:
0x113: {  	(tag) =	ssettag $0x2  }
0x114: {  	s0 =	rddreg [dreg:$0x0];
	s2 =	stileid.u32  }
0x115: {  	s1 =	rddreg [dreg:$0x1];
	p0 =	sne.s32 s2, $0x0  }
0x116: {  	s3 =	rddreg [dreg:$0x2];
	[bflag:$0x3] =	sbarrier.arrive $0xFFFF;
	s2 =	simm.s32 @!p0 $0x1C01  }
0x117: {  	[timem:s3], [sflag:s2] =	dma.local @!p0 [hbm:s0], s1  }
0x118: {  	s0 =	simm.s32 @!p0 $0x1  }
0x119: {  	_ =	swait.ge @!p0 [sflag:s0], s1  }
0x11a: {  	s1 =	ssub.s32 @!p0 $0x0, s1;
	[sflag:s0] =	ssyncset.done @!p0 $0x0  }
0x11b: {  	[sflag:s0] =	ssyncadd.s32 @!p0 s1  }
0x11c: {  	[bflag:$0x3] =	sbarrier.arrive $0xFFFF  }
0x11d: {  	_ =	shalt  }

// kernel: kernel.21.cloned.1.call-start
scs
__scs_entry_jumppad:
0x0: {  	(pc) =	sbr.rel $0x88, $3  }
0x1: {  	(tag) =	ssettag $0x0;
	lr =	simm.s32 $0x1  }
0x2: {  	[smem:$0x3F58] =	sst lr;
	_ =	strace $0xD0000000  }
0x3: {  	_ = 	snop  }
0x4: {  	_ = 	snop  }
0x5: {  	_ = 	snop  }
0x6: {  	_ = 	snop  }
0x7: {  	_ = 	snop  }
__scs_overlays_trampoline_lowered:
0x8: {  	[smem:$0x3F67] =	sst s0  }
0x9: {  	[smem:$0x3F68] =	sst s1  }
0xa: {  	[smem:$0x3F69] =	sst s2  }
0xb: {  	[smem:$0x3F6A] =	sst s3  }
0xc: {  	[smem:$0x3F6B] =	sst s4  }
0xd: {  	[smem:$0x3F6C] =	sst s5  }
0xe: {  	[smem:$0x3F6D] =	sst s6  }
0xf: {  	[smem:$0x3F6E] =	sst s7  }
0x10: {  	[smem:$0x3F6F] =	sst s8  }
0x11: {  	[smem:$0x3F70] =	sst s9;
	s0 =	simm.s32 @!p0 $0x0  }
0x12: {  	s1 =	sld [smem:$0x3F56];
	s0 =	simm.s32 @p0 $0x1  }
0x13: {  	[smem:$0x3F71] =	sst s0;
	s0 =	simm.s32 @!p1 $0x0  }
0x14: {  	s2 =	sld [smem:$0x3F55];
	s0 =	simm.s32 @p1 $0x1  }
0x15: {  	[smem:$0x3F72] =	sst s0;
	s0 =	simm.s32 @!p2 $0x0  }
0x16: {  	s3 =	sld [smem:$0x3FDB];
	s0 =	simm.s32 @p2 $0x1  }
0x17: {  	s4 =	simm.s32 $0x1BF5;
	[smem:$0x3F74] =	sst s0  }
0x18: {  	s0 =	sld [smem:$0x3F57];
	_ =	swait.ge [sflag:s4], $0x0  }
0x19: {  	s7 =	sld [smem:$0x3F58]  }
0x1a: {  	s8 =	sadd.s32 $0xFFFFE003, lr  }
0x1b: {  	s9 =	sadd.s32 $0xFFFFFEF7, lr;
	s5 =	simm.s32 $0xFFFFFFFF;
	p2 =	slt.u32 s8, $0xFFFFF086  }
0x1c: {  	p1 =	slt.u32 s9, $0xF7A;
	s5 =	simm.s32 @!p2 $0x0  }
0x1d: {  	s5 =	simm.s32 @p1 $0x1;
	p0 =	seq.s32 s7, s2  }
0x1e: {  	s7 =	smul.u32 @!p0 $0xF7A, s2;
	p2 =	seq.s32 @!p0 s5, $0x0  }
0x1f: {  	s9 =	smul.u32 $0xF7A, s1;
	s8 =	simm.s32 @!p0 $0x1BF5;
	p2 =	por !p2, p0  }
0x20: {  	[sflag:s8] =	ssyncset.s32 @!p0 $0xFFFFF086;
	s6 =	sadd.s32 @!p0 s3, s7;
	s7 =	simm.s32 @!p0 $0x108  }
0x21: {  	s3 =	sadd.s32 s3, s9;
	s6 =	sadd.s32 @!p0 $0x88, s6;
	s7 =	simm.s32 @p2 $0x1082  }
0x22: {  	[simem:s7], [sflag:s8] =	dma.local @!p0 [hbm:s6], $0xF7A  }
0x23: {  	s9 =	sor.u32 $0xD0000000, s2;
	s6 =	simm.s32 $0x108;
	_ =	swait.ge @!p0 [sflag:s8], $0x0  }
0x24: {  	s3 =	sadd.s32 $0x88, s3;
	s6 =	simm.s32 @!p1 $0x1082;
	[sflag:s4] =	ssyncset.s32 $0xFFFFF086  }
0x25: {  	[simem:s6], [sflag:s4] =	dma.local [hbm:s3], $0xF7A  }
0x26: {  	[smem:$0x3F58] =	sst s1;
	(tag) =	ssettag s2;
	_ =	strace s9  }
0x27: {  	s1 =	sld [smem:$0x3F68]  }
0x28: {  	s2 =	sld [smem:$0x3F69]  }
0x29: {  	s4 =	sld [smem:$0x3F6B]  }
0x2a: {  	p0 =	seq.s32 s5, $0x0;
	s5 =	sld [smem:$0x3F6C]  }
0x2b: {  	s6 =	sld [smem:$0x3F6D]  }
0x2c: {  	s7 =	sld [smem:$0x3F6E]  }
0x2d: {  	s3 =	simm.s32 $0x108;
	s8 =	sld [smem:$0x3F6F]  }
0x2e: {  	s3 =	simm.s32 @!p0 $0x1082;
	s9 =	sld [smem:$0x3F70]  }
0x2f: {  	lr =	sadd.s32 s0, s3;
	s0 =	sld [smem:$0x3F67]  }
0x30: {  	s3 =	sld [smem:$0x3F6A]  }
0x31: {  	[smem:$0x3F73] =	sst s10  }
0x32: {  	s10 =	sld [smem:$0x3F71];
	_ =	sdelay $0x3  }
0x33: {  	p0 =	seq.s32 s10, $0x1;
	s10 =	sld [smem:$0x3F73];
	_ =	sdelay $0x3  }
0x34: {  	[smem:$0x3F73] =	sst s10  }
0x35: {  	s10 =	sld [smem:$0x3F72];
	_ =	sdelay $0x3  }
0x36: {  	p1 =	seq.s32 s10, $0x1;
	s10 =	sld [smem:$0x3F73];
	_ =	sdelay $0x3  }
0x37: {  	[smem:$0x3F73] =	sst s10  }
0x38: {  	s10 =	sld [smem:$0x3F74]  }
0x39: {  	_ = 	snop;
	(pc) =	sbr.ind lr, $3  }
0x3a: {  	_ = 	snop  }
0x3b: {  	_ = 	snop  }
0x3c: {  	p2 =	seq.s32 s10, $0x1;
	s10 =	sld [smem:$0x3F73]  }
0x3d: {  	_ =	shalt  }
0x3e: {  	_ =	shalt  }
0x3f: {  	_ =	shalt  }
0x40: {  	_ =	shalt  }
0x41: {  	_ =	shalt  }
0x42: {  	_ =	shalt  }
0x43: {  	_ =	shalt  }
0x44: {  	_ =	shalt  }
0x45: {  	_ =	shalt  }
0x46: {  	_ =	shalt  }
0x47: {  	_ =	shalt  }
0x48: {  	_ =	shalt  }
0x49: {  	_ =	shalt  }
0x4a: {  	_ =	shalt  }
0x4b: {  	_ =	shalt  }
0x4c: {  	_ =	shalt  }
0x4d: {  	_ =	shalt  }
0x4e: {  	_ =	shalt  }
0x4f: {  	_ =	shalt  }
0x50: {  	_ =	shalt  }
0x51: {  	_ =	shalt  }
0x52: {  	_ =	shalt  }
0x53: {  	_ =	shalt  }
0x54: {  	_ =	shalt  }
0x55: {  	_ =	shalt  }
0x56: {  	_ =	shalt  }
0x57: {  	_ =	shalt  }
0x58: {  	_ =	shalt  }
0x59: {  	_ =	shalt  }
0x5a: {  	_ =	shalt  }
0x5b: {  	_ =	shalt  }
0x5c: {  	_ =	shalt  }
0x5d: {  	_ =	shalt  }
0x5e: {  	_ =	shalt  }
0x5f: {  	_ =	shalt  }
0x60: {  	_ =	shalt  }
0x61: {  	_ =	shalt  }
0x62: {  	_ =	shalt  }
0x63: {  	_ =	shalt  }
0x64: {  	_ =	shalt  }
0x65: {  	_ =	shalt  }
0x66: {  	_ =	shalt  }
0x67: {  	_ =	shalt  }
0x68: {  	_ =	shalt  }
0x69: {  	_ =	shalt  }
0x6a: {  	_ =	shalt  }
0x6b: {  	_ =	shalt  }
0x6c: {  	_ =	shalt  }
0x6d: {  	_ =	shalt  }
0x6e: {  	_ =	shalt  }
0x6f: {  	_ =	shalt  }
0x70: {  	_ =	shalt  }
0x71: {  	_ =	shalt  }
0x72: {  	_ =	shalt  }
0x73: {  	_ =	shalt  }
0x74: {  	_ =	shalt  }
0x75: {  	_ =	shalt  }
0x76: {  	_ =	shalt  }
0x77: {  	_ =	shalt  }
0x78: {  	_ =	shalt  }
0x79: {  	_ =	shalt  }
0x7a: {  	_ =	shalt  }
0x7b: {  	_ =	shalt  }
0x7c: {  	_ =	shalt  }
0x7d: {  	_ =	shalt  }
0x7e: {  	_ =	shalt  }
0x7f: {  	_ =	shalt  }
0x80: {  	_ =	shalt  }
0x81: {  	_ =	shalt  }
0x82: {  	_ =	shalt  }
0x83: {  	_ =	shalt  }
0x84: {  	_ =	shalt  }
0x85: {  	_ =	shalt  }
0x86: {  	_ =	shalt  }
0x87: {  	_ =	shalt  }
.Lfunc_end0:
.L_simem_size_0:
called_computation.2_lowered:
.L_overlay_start_0:
0x88: {  	s2 =	sld [smem:$0x3FD9]  }
0x89: {  	s3 =	sld [smem:$0x3FFE];
	_ =	sdelay $0x1  }
0x8a: {  	s1 =	srdreg.scid  }
0x8b: {  	s0 =	sand.u32 $0x1, s1  }
0x8c: {  	s16 =	sshll.u32 s0, $0xA;
	s2 =	sadd.s32 s3, s2  }
0x8d: {  	s2 =	sadd.s32 s2, s16  }
0x8e: {  	[smem:$0x3F7F] =	sst s2  }
0x8f: {  	_ = 	snop  }
0x90: {  	(tm) =	ssettm $0x1  }
0x91: {  	s17 =	sld [smem:$0x3FFB];
	_ =	sdelay $0x3  }
0x92: {  	_ =	strace s17  }
0x93: {  	s2 =	sld [smem:$0x3FFC];
	_ =	sdelay $0x3  }
0x94: {  	_ =	strace s2  }
0x95: {  	s2 =	sld [smem:$0x3FFD];
	_ =	sdelay $0x3  }
0x96: {  	_ =	strace s2  }
0x97: {  	_ =	strace $0x8FFFFFFF  }
0x98: {  	s18 =	sld [smem:$0x3FDB];
	_ =	sdelay $0x1  }
0x99: {  	s19 =	simm.s32 $_scs_section_size  }
0x9a: {  	s4 =	simm.s32 $_size__tile_overlayer_lowered;
	s5 =	simm.s32 $_tile_overlayer_lowered  }
0x9b: {  	s22 =	simm.s32 $0x1BFF;
	s21 =	sshll.u32 s5, $0x1;
	s2 =	sadd.s32 s19, s18  }
0x9c: {  	s6 =	simm.s32 $0x0;
	s20 =	sshll.u32 s4, $0x1;
	s4 =	sadd.s32 s21, s2  }
0x9d: {  	[timem:s6], [sflag:s22] =	dma.local [hbm:s4], s20  }
0x9e: {  	_ =	swait.ge [sflag:s22], s20  }
0x9f: {  	s3 =	ssub.s32 $0x0, s20;
	[sflag:s22] =	ssyncset.done $0x0  }
0xa0: {  	[sflag:s22] =	ssyncadd.s32 s3;
	_ =	sdelay $0x1  }
0xa1: {  	s23 =	simm.s32 $0x1B8B  }
0xa2: {  	_ =	swait.ge [sflag:s23], $0x1  }
0xa3: {  	[sflag:s23] =	ssyncset.done $0x0  }
0xa4: {  	s25 =	simm.s32 $0x1B8E;
	s24 =	sld [smem:$0x3FFE];
	[sflag:s23] =	ssyncadd.s32 $0xFFFFFFFF  }
0xa5: {  	s26 =	simm.s32 $execute0_lowered;
	[smem:$0x3FD2] =	sst s25  }
0xa6: {  	s4 =	sshll.u32 s26, $0x1;
	_ =	strace $0x8000004C;
	[dreg:$0x1] =	wrdreg $0xFFFFFFFF  }
0xa7: {  	s28 =	simm.s32 $_size_execute0_lowered;
	s2 =	sadd.s32 s2, s4;
	[dreg:$0x0] =	wrdreg $0x0  }
0xa8: {  	s4 =	sshll.u32 s28, $0x1;
	[dreg:$0x2] =	wrdreg s2  }
0xa9: {  	[dreg:$0x3] =	wrdreg s4  }
0xaa: {  	[dreg:$0x4] =	wrdreg $0xC0  }
0xab: {  	_ =	task [dreg:s6], $0x5FFFF  }
0xac: {  	[dreg:$0x1] =	wrdreg $0xFFFFFFFF  }
0xad: {  	[dreg:$0x0] =	wrdreg $0x60  }
0xae: {  	[dreg:$0x2] =	wrdreg s24  }
0xaf: {  	[dreg:$0x3] =	wrdreg $0x9  }
0xb0: {  	_ =	task.clear_ibuf [dreg:s6], $0x4FFFF;
	_ =	strace $0x9000004C  }
0xb1: {  	s29 =	simm.s32 $0x9;
	_ =	strace $0x8000004E  }
0xb2: {  	_ =	swait.ge [sflag:s29], $0x1  }
0xb3: {  	[sflag:s29] =	ssyncadd.s32 $0xFFFFFFFF  }
0xb4: {  	_ =	strace $0x9000004E  }
0xb5: {  	_ =	sfence  }
0xb6: {  	s30 =	sld [smem:$0x0];
	_ =	sdelay $0x2  }
0xb7: {  	s31 =	sshll.u32 s1, $0xD;
	s1 =	sshrl.u32 s1, $0x2  }
0xb8: {  	s3 =	sand.u32 $0x4000, s31;
	s1 =	sadd.s32 s1, s30  }
0xb9: {  	s0 =	sor.u32 s3, s0;
	s1 =	sshll.u32 s1, $0x11  }
0xba: {  	s0 =	sor.u32 s1, s0  }
0xbb: {  	s0 =	sadd.s32 $0x8F2B, s0  }
0xbc: {  	[sflag:s0] =	ssyncadd.remote.s32 $0x1  }
0xbd: {  	_ =	sfence.sel $0xFFFF  }
0xbe: {  	[dreg:$0x0] =	wrdreg $0xFFFFFFFF;
	(pc) =	sbr.abs _section_cstart, $3  }
0xbf: {  	[dreg:$0x1] =	wrdreg $0xFFFFFFFF  }
0xc0: {  	_ =	task.clear_ibuf [dreg:s6], $0x2FFFF;
	_ =	strace $0x9FFFFFFF  }
0xc1: {  	(tm) =	ssettm $0x7FFFFFFF  }
tec
execute0_lowered:
.L_overlay_start_1:
0x0: {  	(tag) =	ssettag $0x1  }
0x1: {  	s4 =	rddreg [dreg:$0x0]  }
0x2: {  	s0 =	rddreg [dreg:$0x1];
	s3 =	srdreg.scid  }
0x3: {  	s1 =	stileid.u32;
	s2 =	simm.s32 $0x0;
	s10 =	simm.s32 $0x2400  }
0x4: {  	s11 =	simm.s32 $0x3400;
	s12 =	simm.s32 $0x4400;
	s13 =	simm.s32 $0x5400  }
0x5: {  	s14 =	simm.s32 $0x6400;
	s15 =	simm.s32 $0x7400;
	s16 =	simm.s32 $0x8400  }
0x6: {  	s17 =	simm.s32 $0x1;
	s18 =	simm.s32 $0x0;
	s3 =	sand.u32 $0x1, s3  }
0x7: {  	s5 =	smul.u32 $0x50000, s1;
	[smem:$0x7FF] =	sst s2;
	s6 =	sshll.u32 s1, $0x1  }
0x8: {  	s7 =	smul.u32 $0x28000, s3;
	s6 =	sor.u32 s3, s6;
	s30 =	ssub.s32 $0x2, s3  }
0x9: {  	_ =	strace $0x8000004D;
	s6 =	smul.u32 $0x280, s6;
	s8 =	sshrl.u32 s30, $0x1  }
0xa: {  	s3 =	sadd.s32 $0xBD000, s4;
	s5 =	sadd.s32 s7, s5;
	s31 =	ssub.s32 s30, s8  }
0xb: {  	s7 =	simm.s32 $0x2;
	s5 =	sshrl.u32 s5, $0x3;
	s6 =	sadd.s32 s6, s4  }
0xc: {  	s8 =	simm.s32 $0x80;
	s9 =	sadd.s32 s5, s4;
	s4 =	sadd.s32 $0x90E00, s6  }
0xd: {  	s5 =	smax.u32 s31, $0x1;
	s6 =	sadd.s32 $0x18AE00, s9;
	s9 =	simm.s32 $0x1400  }
.LBB2_1:
0xe: {  	[tilespmem:s2], [sflag:$0x2] =	stream.linear.gather [hbm4b:s4+s2], $0x1400, $0x38;
	[tilespmem:$0x9400] =	vst v63  }
0xf: {  	_ =	swait.ge [sflag:s7], $0x1400  }
0x10: {  	[sflag:s7] =	ssyncset.done $0x0  }
0x11: {  	s19 =	simm.s32 $0x0;
	[sflag:s7] =	ssyncadd.s32 $0xFFFFEC00  }
0x12: {  	[tilespmem:s9], [sflag:$0x1] =	stream.indirect.gather [hbm4b:s3+s8], $0x20, s19, s8, $0xb8;
	[tilespmem:$0x9400] =	vst v63  }
0x13: {  	s23 =	simm.s32 $0x80  }
0x14: {  	[tilespmem:s10], [sflag:$0x1] =	stream.indirect.gather [hbm4b:s3+s8], $0x20, s23, s8, $0xb8;
	[tilespmem:$0x9400] =	vst v63  }
0x15: {  	s24 =	simm.s32 $0x100  }
0x16: {  	[tilespmem:s11], [sflag:$0x1] =	stream.indirect.gather [hbm4b:s3+s8], $0x20, s24, s8, $0xb8;
	[tilespmem:$0x9400] =	vst v63  }
0x17: {  	s25 =	simm.s32 $0x180  }
0x18: {  	[tilespmem:s12], [sflag:$0x1] =	stream.indirect.gather [hbm4b:s3+s8], $0x20, s25, s8, $0xb8;
	[tilespmem:$0x9400] =	vst v63  }
0x19: {  	s26 =	simm.s32 $0x200  }
0x1a: {  	[tilespmem:s13], [sflag:$0x1] =	stream.indirect.gather [hbm4b:s3+s8], $0x20, s26, s8, $0xb8;
	[tilespmem:$0x9400] =	vst v63  }
0x1b: {  	s28 =	simm.s32 $0x280  }
0x1c: {  	[tilespmem:s14], [sflag:$0x1] =	stream.indirect.gather [hbm4b:s3+s8], $0x20, s28, s8, $0xb8;
	[tilespmem:$0x9400] =	vst v63  }
0x1d: {  	s29 =	simm.s32 $0x300  }
0x1e: {  	[tilespmem:s15], [sflag:$0x1] =	stream.indirect.gather [hbm4b:s3+s8], $0x20, s29, s8, $0xb8;
	[tilespmem:$0x9400] =	vst v63  }
0x1f: {  	s30 =	simm.s32 $0x380  }
0x20: {  	[tilespmem:s16], [sflag:$0x1] =	stream.indirect.gather [hbm4b:s3+s8], $0x20, s30, s8, $0xb8;
	[tilespmem:$0x9400] =	vst v63  }
0x21: {  	_ =	swait.ge [sflag:s17], $0x1000  }
0x22: {  	[sflag:s17] =	ssyncset.done $0x0  }
0x23: {  	[sflag:s17] =	ssyncadd.s32 $0xFFFFF000  }
0x24: {  	_ =	swait.ge [sflag:s17], $0x1000  }
0x25: {  	[sflag:s17] =	ssyncset.done $0x0  }
0x26: {  	[sflag:s17] =	ssyncadd.s32 $0xFFFFF000  }
0x27: {  	_ =	swait.ge [sflag:s17], $0x1000  }
0x28: {  	[sflag:s17] =	ssyncset.done $0x0  }
0x29: {  	[sflag:s17] =	ssyncadd.s32 $0xFFFFF000  }
0x2a: {  	_ =	swait.ge [sflag:s17], $0x1000  }
0x2b: {  	[sflag:s17] =	ssyncset.done $0x0  }
0x2c: {  	[sflag:s17] =	ssyncadd.s32 $0xFFFFF000  }
0x2d: {  	_ =	swait.ge [sflag:s17], $0x1000  }
0x2e: {  	[sflag:s17] =	ssyncset.done $0x0  }
0x2f: {  	[sflag:s17] =	ssyncadd.s32 $0xFFFFF000  }
0x30: {  	_ =	swait.ge [sflag:s17], $0x1000  }
0x31: {  	[sflag:s17] =	ssyncset.done $0x0  }
0x32: {  	[sflag:s17] =	ssyncadd.s32 $0xFFFFF000  }
0x33: {  	_ =	swait.ge [sflag:s17], $0x1000  }
0x34: {  	[sflag:s17] =	ssyncset.done $0x0  }
0x35: {  	[sflag:s17] =	ssyncadd.s32 $0xFFFFF000  }
0x36: {  	_ =	swait.ge [sflag:s17], $0x1000  }
0x37: {  	[sflag:s17] =	ssyncset.done $0x0  }
0x38: {  	s31 =	sadd.s32 $0x0, s6;
	[sflag:s17] =	ssyncadd.s32 $0xFFFFF000  }
0x39: {  	[hbm4b:s31+s2] =	stream.linear.scatter [tilespmem:s9], [sflag:$0x2], $0x8000, $0x38;
	[tilespmem:$0x9400] =	vst v63  }
0x3a: {  	_ =	swait.ge [sflag:s7], $0x8000  }
0x3b: {  	s22 =	simm.s32 $0x2000;
	s19 =	simm.s32 $0x1000;
	[sflag:s7] =	ssyncset.done $0x0  }
.LBB2_2:
0x3c: {  	s23 =	sshra.s32 s19, $0x2  }
0x3d: {  	[sflag:s7] =	ssyncadd.s32 $0xFFFF8000;
	s21 =	smov.u32 s22;
	s20 =	sadd.s32 $0x1000, s22  }
0x3e: {  	[tilespmem:s9], [sflag:$0x1] =	stream.indirect.gather [hbm4b:s3+s8], $0x20, s23, s8, $0xb8;
	[tilespmem:$0x9400] =	vst v63  }
0x3f: {  	p0 =	sne.s32 s22, $0x4000;
	s22 =	sadd.s32 $0x80, s23  }
0x40: {  	[tilespmem:s10], [sflag:$0x1] =	stream.indirect.gather [hbm4b:s3+s8], $0x20, s22, s8, $0xb8;
	[tilespmem:$0x9400] =	vst v63  }
0x41: {  	s22 =	sadd.s32 $0x100, s23  }
0x42: {  	[tilespmem:s11], [sflag:$0x1] =	stream.indirect.gather [hbm4b:s3+s8], $0x20, s22, s8, $0xb8;
	[tilespmem:$0x9400] =	vst v63  }
0x43: {  	s22 =	sadd.s32 $0x180, s23  }
0x44: {  	[tilespmem:s12], [sflag:$0x1] =	stream.indirect.gather [hbm4b:s3+s8], $0x20, s22, s8, $0xb8;
	[tilespmem:$0x9400] =	vst v63  }
0x45: {  	s22 =	sadd.s32 $0x200, s23  }
0x46: {  	[tilespmem:s13], [sflag:$0x1] =	stream.indirect.gather [hbm4b:s3+s8], $0x20, s22, s8, $0xb8;
	[tilespmem:$0x9400] =	vst v63  }
0x47: {  	s22 =	sadd.s32 $0x280, s23  }
0x48: {  	[tilespmem:s14], [sflag:$0x1] =	stream.indirect.gather [hbm4b:s3+s8], $0x20, s22, s8, $0xb8;
	[tilespmem:$0x9400] =	vst v63  }
0x49: {  	s22 =	sadd.s32 $0x300, s23  }
0x4a: {  	[tilespmem:s15], [sflag:$0x1] =	stream.indirect.gather [hbm4b:s3+s8], $0x20, s22, s8, $0xb8;
	[tilespmem:$0x9400] =	vst v63  }
0x4b: {  	s22 =	sadd.s32 $0x380, s23  }
0x4c: {  	[tilespmem:s16], [sflag:$0x1] =	stream.indirect.gather [hbm4b:s3+s8], $0x20, s22, s8, $0xb8;
	[tilespmem:$0x9400] =	vst v63  }
0x4d: {  	_ =	swait.ge [sflag:s17], $0x1000  }
0x4e: {  	[sflag:s17] =	ssyncset.done $0x0  }
0x4f: {  	[sflag:s17] =	ssyncadd.s32 $0xFFFFF000  }
0x50: {  	_ =	swait.ge [sflag:s17], $0x1000  }
0x51: {  	[sflag:s17] =	ssyncset.done $0x0  }
0x52: {  	[sflag:s17] =	ssyncadd.s32 $0xFFFFF000  }
0x53: {  	_ =	swait.ge [sflag:s17], $0x1000  }
0x54: {  	[sflag:s17] =	ssyncset.done $0x0  }
0x55: {  	[sflag:s17] =	ssyncadd.s32 $0xFFFFF000  }
0x56: {  	_ =	swait.ge [sflag:s17], $0x1000  }
0x57: {  	[sflag:s17] =	ssyncset.done $0x0  }
0x58: {  	[sflag:s17] =	ssyncadd.s32 $0xFFFFF000  }
0x59: {  	_ =	swait.ge [sflag:s17], $0x1000  }
0x5a: {  	[sflag:s17] =	ssyncset.done $0x0  }
0x5b: {  	[sflag:s17] =	ssyncadd.s32 $0xFFFFF000  }
0x5c: {  	_ =	swait.ge [sflag:s17], $0x1000  }
0x5d: {  	[sflag:s17] =	ssyncset.done $0x0  }
0x5e: {  	[sflag:s17] =	ssyncadd.s32 $0xFFFFF000  }
0x5f: {  	_ =	swait.ge [sflag:s17], $0x1000  }
0x60: {  	[sflag:s17] =	ssyncset.done $0x0  }
0x61: {  	[sflag:s17] =	ssyncadd.s32 $0xFFFFF000  }
0x62: {  	_ =	swait.ge [sflag:s17], $0x1000  }
.Ltmp0:
0x63: {  	[sflag:s17] =	ssyncset.done $0x0;
	(pc) =	sbr.rel @p0 .LBB2_2-.Ltmp0, $4  }
0x64: {  	s22 =	sadd.s32 s19, s6;
	s19 =	smov.u32 s21;
	[sflag:s17] =	ssyncadd.s32 $0xFFFFF000  }
0x65: {  	[hbm4b:s22+s2] =	stream.linear.scatter [tilespmem:s9], [sflag:$0x2], $0x8000, $0x38;
	[tilespmem:$0x9400] =	vst v63  }
0x66: {  	_ =	swait.ge [sflag:s7], $0x8000  }
0x67: {  	s22 =	smov.u32 s20;
	[sflag:s7] =	ssyncset.done $0x0  }
0x68: {  	s20 =	sshra.s32 s19, $0x2;
	[sflag:s7] =	ssyncadd.s32 $0xFFFF8000  }
0x69: {  	[tilespmem:s9], [sflag:$0x1] =	stream.indirect.gather [hbm4b:s3+s8], $0x20, s20, s8, $0xb8;
	[tilespmem:$0x9400] =	vst v63  }
0x6a: {  	s21 =	sadd.s32 $0x80, s20  }
0x6b: {  	[tilespmem:s10], [sflag:$0x1] =	stream.indirect.gather [hbm4b:s3+s8], $0x20, s21, s8, $0xb8;
	[tilespmem:$0x9400] =	vst v63  }
0x6c: {  	s25 =	sadd.s32 $0x100, s20  }
0x6d: {  	[tilespmem:s11], [sflag:$0x1] =	stream.indirect.gather [hbm4b:s3+s8], $0x20, s25, s8, $0xb8;
	[tilespmem:$0x9400] =	vst v63  }
0x6e: {  	s26 =	sadd.s32 $0x180, s20  }
0x6f: {  	[tilespmem:s12], [sflag:$0x1] =	stream.indirect.gather [hbm4b:s3+s8], $0x20, s26, s8, $0xb8;
	[tilespmem:$0x9400] =	vst v63  }
0x70: {  	s28 =	sadd.s32 $0x200, s20  }
0x71: {  	[tilespmem:s13], [sflag:$0x1] =	stream.indirect.gather [hbm4b:s3+s8], $0x20, s28, s8, $0xb8;
	[tilespmem:$0x9400] =	vst v63  }
0x72: {  	s29 =	sadd.s32 $0x280, s20  }
0x73: {  	[tilespmem:s14], [sflag:$0x1] =	stream.indirect.gather [hbm4b:s3+s8], $0x20, s29, s8, $0xb8;
	[tilespmem:$0x9400] =	vst v63  }
0x74: {  	s30 =	sadd.s32 $0x300, s20  }
0x75: {  	[tilespmem:s15], [sflag:$0x1] =	stream.indirect.gather [hbm4b:s3+s8], $0x20, s30, s8, $0xb8;
	[tilespmem:$0x9400] =	vst v63  }
0x76: {  	s20 =	sadd.s32 $0x380, s20  }
0x77: {  	[tilespmem:s16], [sflag:$0x1] =	stream.indirect.gather [hbm4b:s3+s8], $0x20, s20, s8, $0xb8;
	[tilespmem:$0x9400] =	vst v63  }
0x78: {  	_ =	swait.ge [sflag:s17], $0x1000  }
0x79: {  	[sflag:s17] =	ssyncset.done $0x0  }
0x7a: {  	[sflag:s17] =	ssyncadd.s32 $0xFFFFF000  }
0x7b: {  	_ =	swait.ge [sflag:s17], $0x1000  }
0x7c: {  	[sflag:s17] =	ssyncset.done $0x0  }
0x7d: {  	[sflag:s17] =	ssyncadd.s32 $0xFFFFF000  }
0x7e: {  	_ =	swait.ge [sflag:s17], $0x1000  }
0x7f: {  	[sflag:s17] =	ssyncset.done $0x0  }
0x80: {  	[sflag:s17] =	ssyncadd.s32 $0xFFFFF000  }
0x81: {  	_ =	swait.ge [sflag:s17], $0x1000  }
0x82: {  	[sflag:s17] =	ssyncset.done $0x0  }
0x83: {  	[sflag:s17] =	ssyncadd.s32 $0xFFFFF000  }
0x84: {  	_ =	swait.ge [sflag:s17], $0x1000  }
0x85: {  	[sflag:s17] =	ssyncset.done $0x0  }
0x86: {  	[sflag:s17] =	ssyncadd.s32 $0xFFFFF000  }
0x87: {  	_ =	swait.ge [sflag:s17], $0x1000  }
0x88: {  	[sflag:s17] =	ssyncset.done $0x0  }
0x89: {  	[sflag:s17] =	ssyncadd.s32 $0xFFFFF000  }
0x8a: {  	_ =	swait.ge [sflag:s17], $0x1000  }
0x8b: {  	[sflag:s17] =	ssyncset.done $0x0  }
0x8c: {  	[sflag:s17] =	ssyncadd.s32 $0xFFFFF000  }
0x8d: {  	s18 =	sadd.s32 $0x1, s18;
	_ =	swait.ge [sflag:s17], $0x1000  }
0x8e: {  	p0 =	sne.s32 s18, s5;
	[sflag:s17] =	ssyncset.done $0x0  }
.Ltmp1:
0x8f: {  	s31 =	sadd.s32 s19, s6;
	[sflag:s17] =	ssyncadd.s32 $0xFFFFF000;
	(pc) =	sbr.rel @p0 .LBB2_1-.Ltmp1, $4  }
0x90: {  	[hbm4b:s31+s2] =	stream.linear.scatter [tilespmem:s9], [sflag:$0x2], $0x8000, $0x38;
	[tilespmem:$0x9400] =	vst v63  }
0x91: {  	_ =	swait.ge [sflag:s7], $0x8000  }
0x92: {  	[sflag:s7] =	ssyncset.done $0x0  }
0x93: {  	[sflag:s7] =	ssyncadd.s32 $0xFFFF8000  }
0x94: {  	_ =	sfence.sel $0x180000  }
0x95: {  	[bflag:$0x0] =	sbarrier.arrive $0xFFFF  }
0x96: {  	p0 =	sne.s32 s1, $0x0;
	_ =	strace $0x9000004D  }
0x97: {  	s0 =	sadd.s32 @!p0 $0x100000, s0;
	[bflag:$0x2] =	sbarrier.arrive $0xFFFF  }
0x98: {  	[sflag:s0] =	ssyncadd.tile.s32 @!p0 $0x1;
	_ =	shalt  }
.Lfunc_end2:
_tile_overlayer_lowered:
.L_overlay_start_2:
0x99: {  	(tag) =	ssettag $0x2  }
0x9a: {  	s0 =	rddreg [dreg:$0x0];
	s2 =	stileid.u32  }
0x9b: {  	s1 =	rddreg [dreg:$0x1];
	p0 =	sne.s32 s2, $0x0  }
0x9c: {  	s3 =	rddreg [dreg:$0x2];
	[bflag:$0x3] =	sbarrier.arrive $0xFFFF;
	s2 =	simm.s32 @!p0 $0x1C02  }
0x9d: {  	[timem:s3], [sflag:s2] =	dma.local @!p0 [hbm:s0], s1  }
0x9e: {  	s0 =	simm.s32 @!p0 $0x2  }
0x9f: {  	_ =	swait.ge @!p0 [sflag:s0], s1  }
0xa0: {  	s1 =	ssub.s32 @!p0 $0x0, s1;
	[sflag:s0] =	ssyncset.done @!p0 $0x0  }
0xa1: {  	[sflag:s0] =	ssyncadd.s32 @!p0 s1  }
0xa2: {  	[bflag:$0x3] =	sbarrier.arrive $0xFFFF  }
0xa3: {  	_ =	shalt  }

// kernel: kernel.24.cloned.1.call-start
scs
__scs_entry_jumppad:
0x0: {  	(pc) =	sbr.rel $0x88, $3  }
0x1: {  	(tag) =	ssettag $0x0;
	lr =	simm.s32 $0x1  }
0x2: {  	[smem:$0x3F58] =	sst lr;
	_ =	strace $0xD0000000  }
0x3: {  	_ = 	snop  }
0x4: {  	_ = 	snop  }
0x5: {  	_ = 	snop  }
0x6: {  	_ = 	snop  }
0x7: {  	_ = 	snop  }
__scs_overlays_trampoline_lowered:
0x8: {  	[smem:$0x3F67] =	sst s0  }
0x9: {  	[smem:$0x3F68] =	sst s1  }
0xa: {  	[smem:$0x3F69] =	sst s2  }
0xb: {  	[smem:$0x3F6A] =	sst s3  }
0xc: {  	[smem:$0x3F6B] =	sst s4  }
0xd: {  	[smem:$0x3F6C] =	sst s5  }
0xe: {  	[smem:$0x3F6D] =	sst s6  }
0xf: {  	[smem:$0x3F6E] =	sst s7  }
0x10: {  	[smem:$0x3F6F] =	sst s8  }
0x11: {  	[smem:$0x3F70] =	sst s9;
	s0 =	simm.s32 @!p0 $0x0  }
0x12: {  	s1 =	sld [smem:$0x3F56];
	s0 =	simm.s32 @p0 $0x1  }
0x13: {  	[smem:$0x3F71] =	sst s0;
	s0 =	simm.s32 @!p1 $0x0  }
0x14: {  	s2 =	sld [smem:$0x3F55];
	s0 =	simm.s32 @p1 $0x1  }
0x15: {  	[smem:$0x3F72] =	sst s0;
	s0 =	simm.s32 @!p2 $0x0  }
0x16: {  	s3 =	sld [smem:$0x3FDB];
	s0 =	simm.s32 @p2 $0x1  }
0x17: {  	s4 =	simm.s32 $0x1BF5;
	[smem:$0x3F74] =	sst s0  }
0x18: {  	s0 =	sld [smem:$0x3F57];
	_ =	swait.ge [sflag:s4], $0x0  }
0x19: {  	s7 =	sld [smem:$0x3F58]  }
0x1a: {  	s8 =	sadd.s32 $0xFFFFE003, lr  }
0x1b: {  	s9 =	sadd.s32 $0xFFFFFEF7, lr;
	s5 =	simm.s32 $0xFFFFFFFF;
	p2 =	slt.u32 s8, $0xFFFFF086  }
0x1c: {  	p1 =	slt.u32 s9, $0xF7A;
	s5 =	simm.s32 @!p2 $0x0  }
0x1d: {  	s5 =	simm.s32 @p1 $0x1;
	p0 =	seq.s32 s7, s2  }
0x1e: {  	s7 =	smul.u32 @!p0 $0xF7A, s2;
	p2 =	seq.s32 @!p0 s5, $0x0  }
0x1f: {  	s9 =	smul.u32 $0xF7A, s1;
	s8 =	simm.s32 @!p0 $0x1BF5;
	p2 =	por !p2, p0  }
0x20: {  	[sflag:s8] =	ssyncset.s32 @!p0 $0xFFFFF086;
	s6 =	sadd.s32 @!p0 s3, s7;
	s7 =	simm.s32 @!p0 $0x108  }
0x21: {  	s3 =	sadd.s32 s3, s9;
	s6 =	sadd.s32 @!p0 $0x88, s6;
	s7 =	simm.s32 @p2 $0x1082  }
0x22: {  	[simem:s7], [sflag:s8] =	dma.local @!p0 [hbm:s6], $0xF7A  }
0x23: {  	s9 =	sor.u32 $0xD0000000, s2;
	s6 =	simm.s32 $0x108;
	_ =	swait.ge @!p0 [sflag:s8], $0x0  }
0x24: {  	s3 =	sadd.s32 $0x88, s3;
	s6 =	simm.s32 @!p1 $0x1082;
	[sflag:s4] =	ssyncset.s32 $0xFFFFF086  }
0x25: {  	[simem:s6], [sflag:s4] =	dma.local [hbm:s3], $0xF7A  }
0x26: {  	[smem:$0x3F58] =	sst s1;
	(tag) =	ssettag s2;
	_ =	strace s9  }
0x27: {  	s1 =	sld [smem:$0x3F68]  }
0x28: {  	s2 =	sld [smem:$0x3F69]  }
0x29: {  	s4 =	sld [smem:$0x3F6B]  }
0x2a: {  	p0 =	seq.s32 s5, $0x0;
	s5 =	sld [smem:$0x3F6C]  }
0x2b: {  	s6 =	sld [smem:$0x3F6D]  }
0x2c: {  	s7 =	sld [smem:$0x3F6E]  }
0x2d: {  	s3 =	simm.s32 $0x108;
	s8 =	sld [smem:$0x3F6F]  }
0x2e: {  	s3 =	simm.s32 @!p0 $0x1082;
	s9 =	sld [smem:$0x3F70]  }
0x2f: {  	lr =	sadd.s32 s0, s3;
	s0 =	sld [smem:$0x3F67]  }
0x30: {  	s3 =	sld [smem:$0x3F6A]  }
0x31: {  	[smem:$0x3F73] =	sst s10  }
0x32: {  	s10 =	sld [smem:$0x3F71];
	_ =	sdelay $0x3  }
0x33: {  	p0 =	seq.s32 s10, $0x1;
	s10 =	sld [smem:$0x3F73];
	_ =	sdelay $0x3  }
0x34: {  	[smem:$0x3F73] =	sst s10  }
0x35: {  	s10 =	sld [smem:$0x3F72];
	_ =	sdelay $0x3  }
0x36: {  	p1 =	seq.s32 s10, $0x1;
	s10 =	sld [smem:$0x3F73];
	_ =	sdelay $0x3  }
0x37: {  	[smem:$0x3F73] =	sst s10  }
0x38: {  	s10 =	sld [smem:$0x3F74]  }
0x39: {  	_ = 	snop;
	(pc) =	sbr.ind lr, $3  }
0x3a: {  	_ = 	snop  }
0x3b: {  	_ = 	snop  }
0x3c: {  	p2 =	seq.s32 s10, $0x1;
	s10 =	sld [smem:$0x3F73]  }
0x3d: {  	_ =	shalt  }
0x3e: {  	_ =	shalt  }
0x3f: {  	_ =	shalt  }
0x40: {  	_ =	shalt  }
0x41: {  	_ =	shalt  }
0x42: {  	_ =	shalt  }
0x43: {  	_ =	shalt  }
0x44: {  	_ =	shalt  }
0x45: {  	_ =	shalt  }
0x46: {  	_ =	shalt  }
0x47: {  	_ =	shalt  }
0x48: {  	_ =	shalt  }
0x49: {  	_ =	shalt  }
0x4a: {  	_ =	shalt  }
0x4b: {  	_ =	shalt  }
0x4c: {  	_ =	shalt  }
0x4d: {  	_ =	shalt  }
0x4e: {  	_ =	shalt  }
0x4f: {  	_ =	shalt  }
0x50: {  	_ =	shalt  }
0x51: {  	_ =	shalt  }
0x52: {  	_ =	shalt  }
0x53: {  	_ =	shalt  }
0x54: {  	_ =	shalt  }
0x55: {  	_ =	shalt  }
0x56: {  	_ =	shalt  }
0x57: {  	_ =	shalt  }
0x58: {  	_ =	shalt  }
0x59: {  	_ =	shalt  }
0x5a: {  	_ =	shalt  }
0x5b: {  	_ =	shalt  }
0x5c: {  	_ =	shalt  }
0x5d: {  	_ =	shalt  }
0x5e: {  	_ =	shalt  }
0x5f: {  	_ =	shalt  }
0x60: {  	_ =	shalt  }
0x61: {  	_ =	shalt  }
0x62: {  	_ =	shalt  }
0x63: {  	_ =	shalt  }
0x64: {  	_ =	shalt  }
0x65: {  	_ =	shalt  }
0x66: {  	_ =	shalt  }
0x67: {  	_ =	shalt  }
0x68: {  	_ =	shalt  }
0x69: {  	_ =	shalt  }
0x6a: {  	_ =	shalt  }
0x6b: {  	_ =	shalt  }
0x6c: {  	_ =	shalt  }
0x6d: {  	_ =	shalt  }
0x6e: {  	_ =	shalt  }
0x6f: {  	_ =	shalt  }
0x70: {  	_ =	shalt  }
0x71: {  	_ =	shalt  }
0x72: {  	_ =	shalt  }
0x73: {  	_ =	shalt  }
0x74: {  	_ =	shalt  }
0x75: {  	_ =	shalt  }
0x76: {  	_ =	shalt  }
0x77: {  	_ =	shalt  }
0x78: {  	_ =	shalt  }
0x79: {  	_ =	shalt  }
0x7a: {  	_ =	shalt  }
0x7b: {  	_ =	shalt  }
0x7c: {  	_ =	shalt  }
0x7d: {  	_ =	shalt  }
0x7e: {  	_ =	shalt  }
0x7f: {  	_ =	shalt  }
0x80: {  	_ =	shalt  }
0x81: {  	_ =	shalt  }
0x82: {  	_ =	shalt  }
0x83: {  	_ =	shalt  }
0x84: {  	_ =	shalt  }
0x85: {  	_ =	shalt  }
0x86: {  	_ =	shalt  }
0x87: {  	_ =	shalt  }
.Lfunc_end0:
.L_simem_size_0:
called_computation.3_lowered:
.L_overlay_start_0:
0x88: {  	s2 =	sld [smem:$0x3FD9]  }
0x89: {  	s3 =	sld [smem:$0x3FFE];
	_ =	sdelay $0x1  }
0x8a: {  	s1 =	srdreg.scid  }
0x8b: {  	s0 =	sand.u32 $0x1, s1  }
0x8c: {  	s16 =	sshll.u32 s0, $0xA;
	s2 =	sadd.s32 s3, s2  }
0x8d: {  	s2 =	sadd.s32 s2, s16  }
0x8e: {  	[smem:$0x3F7F] =	sst s2  }
0x8f: {  	_ = 	snop  }
0x90: {  	(tm) =	ssettm $0x1  }
0x91: {  	s17 =	sld [smem:$0x3FFB];
	_ =	sdelay $0x3  }
0x92: {  	_ =	strace s17  }
0x93: {  	s2 =	sld [smem:$0x3FFC];
	_ =	sdelay $0x3  }
0x94: {  	_ =	strace s2  }
0x95: {  	s2 =	sld [smem:$0x3FFD];
	_ =	sdelay $0x3  }
0x96: {  	_ =	strace s2  }
0x97: {  	_ =	strace $0x8FFFFFFF  }
0x98: {  	s18 =	sld [smem:$0x3FDB];
	_ =	sdelay $0x1  }
0x99: {  	s19 =	simm.s32 $_scs_section_size  }
0x9a: {  	s4 =	simm.s32 $_size__tile_overlayer_lowered;
	s5 =	simm.s32 $_tile_overlayer_lowered  }
0x9b: {  	s22 =	simm.s32 $0x1BFF;
	s21 =	sshll.u32 s5, $0x1;
	s2 =	sadd.s32 s19, s18  }
0x9c: {  	s6 =	simm.s32 $0x0;
	s20 =	sshll.u32 s4, $0x1;
	s4 =	sadd.s32 s21, s2  }
0x9d: {  	[timem:s6], [sflag:s22] =	dma.local [hbm:s4], s20  }
0x9e: {  	_ =	swait.ge [sflag:s22], s20  }
0x9f: {  	s3 =	ssub.s32 $0x0, s20;
	[sflag:s22] =	ssyncset.done $0x0  }
0xa0: {  	[sflag:s22] =	ssyncadd.s32 s3;
	_ =	sdelay $0x1  }
0xa1: {  	s23 =	simm.s32 $0x1B8B  }
0xa2: {  	_ =	swait.ge [sflag:s23], $0x1  }
0xa3: {  	[sflag:s23] =	ssyncset.done $0x0  }
0xa4: {  	s25 =	simm.s32 $0x1B8E;
	s24 =	sld [smem:$0x3FFE];
	[sflag:s23] =	ssyncadd.s32 $0xFFFFFFFF  }
0xa5: {  	s26 =	simm.s32 $execute0_lowered;
	[smem:$0x3FD2] =	sst s25  }
0xa6: {  	s4 =	sshll.u32 s26, $0x1;
	_ =	strace $0x8000004F;
	[dreg:$0x1] =	wrdreg $0xFFFFFFFF  }
0xa7: {  	s28 =	simm.s32 $_size_execute0_lowered;
	s2 =	sadd.s32 s2, s4;
	[dreg:$0x0] =	wrdreg $0x0  }
0xa8: {  	s4 =	sshll.u32 s28, $0x1;
	[dreg:$0x2] =	wrdreg s2  }
0xa9: {  	[dreg:$0x3] =	wrdreg s4  }
0xaa: {  	[dreg:$0x4] =	wrdreg $0xC0  }
0xab: {  	_ =	task [dreg:s6], $0x5FFFF  }
0xac: {  	[dreg:$0x1] =	wrdreg $0xFFFFFFFF  }
0xad: {  	[dreg:$0x0] =	wrdreg $0x60  }
0xae: {  	[dreg:$0x2] =	wrdreg s24  }
0xaf: {  	[dreg:$0x3] =	wrdreg $0x94000  }
0xb0: {  	[dreg:$0x4] =	wrdreg $0x9  }
0xb1: {  	_ =	task.clear_ibuf [dreg:s6], $0x5FFFF;
	_ =	strace $0x9000004F  }
0xb2: {  	s29 =	simm.s32 $0x9;
	_ =	strace $0x80000051  }
0xb3: {  	_ =	swait.ge [sflag:s29], $0x1  }
0xb4: {  	[sflag:s29] =	ssyncadd.s32 $0xFFFFFFFF  }
0xb5: {  	_ =	strace $0x90000051  }
0xb6: {  	_ =	sfence  }
0xb7: {  	s30 =	sld [smem:$0x0];
	_ =	sdelay $0x2  }
0xb8: {  	s31 =	sshll.u32 s1, $0xD;
	s1 =	sshrl.u32 s1, $0x2  }
0xb9: {  	s3 =	sand.u32 $0x4000, s31;
	s1 =	sadd.s32 s1, s30  }
0xba: {  	s0 =	sor.u32 s3, s0;
	s1 =	sshll.u32 s1, $0x11  }
0xbb: {  	s0 =	sor.u32 s1, s0  }
0xbc: {  	s0 =	sadd.s32 $0x8F2B, s0  }
0xbd: {  	[sflag:s0] =	ssyncadd.remote.s32 $0x1  }
0xbe: {  	_ =	sfence.sel $0xFFFF  }
0xbf: {  	[dreg:$0x0] =	wrdreg $0xFFFFFFFF;
	(pc) =	sbr.abs _section_cstart, $3  }
0xc0: {  	[dreg:$0x1] =	wrdreg $0xFFFFFFFF  }
0xc1: {  	_ =	task.clear_ibuf [dreg:s6], $0x2FFFF;
	_ =	strace $0x9FFFFFFF  }
0xc2: {  	(tm) =	ssettm $0x7FFFFFFF  }
0xc3: {  	_ =	shalt  }
tec
execute0_lowered:
.L_overlay_start_1:
0x0: {  	(tag) =	ssettag $0x1  }
0x1: {  	s1 =	srdreg.scid  }
0x2: {  	s0 =	stileid.u32;
	s6 =	rddreg [dreg:$0x0]  }
0x3: {  	s2 =	rddreg [dreg:$0x1];
	s3 =	simm.s32 $0x0;
	s12 =	simm.s32 $0x80  }
0x4: {  	s13 =	simm.s32 $0x2400;
	s14 =	simm.s32 $0x3400;
	s15 =	simm.s32 $0x4400  }
0x5: {  	s16 =	simm.s32 $0x5400;
	s17 =	simm.s32 $0x6400;
	s5 =	smul.u32 $0x50000, s0  }
0x6: {  	s18 =	simm.s32 $0x7400;
	s19 =	simm.s32 $0x8400;
	s9 =	smul.u32 $0x4F00, s0  }
0x7: {  	s20 =	simm.s32 $0x0;
	s4 =	sand.u32 $0x1, s1;
	s28 =	smul.u32 $0x9E0, s0  }
0x8: {  	s26 =	sshll.u32 s0, $0x1;
	[smem:$0x7FF] =	sst s3;
	s7 =	smul.u32 $0x28000, s4  }
0x9: {  	s1 =	sor.u32 s4, s26;
	s10 =	smul.u32 $0x9E00, s4;
	s4 =	ssub.s32 $0x2, s4  }
0xa: {  	s8 =	smul.u32 $0x280, s1;
	s1 =	rddreg [dreg:$0x2];
	_ =	strace $0x80000050  }
0xb: {  	s29 =	sshrl.u32 s9, $0x3;
	s30 =	sshrl.u32 s4, $0x1;
	s5 =	sadd.s32 s7, s5  }
0xc: {  	s7 =	sadd.s32 s28, s10;
	s31 =	ssub.s32 s4, s30;
	s10 =	simm.s32 $0x1400  }
0xd: {  	s5 =	sshrl.u32 s5, $0x3;
	s8 =	sadd.s32 s8, s6;
	s7 =	sadd.s32 s7, s6  }
0xe: {  	s11 =	sadd.s32 s5, s6;
	s5 =	sadd.s32 s29, s6;
	s6 =	sadd.s32 $0x185E00, s8  }
0xf: {  	s7 =	sadd.s32 $0xBD000, s7;
	s8 =	smax.u32 s31, $0x1;
	s4 =	sadd.s32 $0x82200, s5  }
0x10: {  	s5 =	sadd.s32 s9, s2;
	s9 =	sadd.s32 $0x18AE00, s11;
	s11 =	simm.s32 $0x1  }
.LBB2_1:
0x11: {  	[tilespmem:s10], [sflag:$0x1] =	stream.linear.gather [hbm4b:s4+s3], $0x4F00, $0x38;
	[tilespmem:$0xE300] =	vst v63  }
0x12: {  	_ =	swait.ge [sflag:s11], $0x4F00  }
0x13: {  	[sflag:s11] =	ssyncset.done $0x0  }
0x14: {  	[sflag:s11] =	ssyncadd.s32 $0xFFFFB100  }
0x15: {  	[spmem:s5] =	stream.linear.scatter [tilespmem:s10], [sflag:$0x1], $0x4F00, $0x38;
	[tilespmem:$0xE300] =	vst v63  }
0x16: {  	_ =	swait.ge [sflag:s11], $0x4F00  }
0x17: {  	[sflag:s11] =	ssyncset.done $0x0  }
0x18: {  	[sflag:s11] =	ssyncadd.s32 $0xFFFFB100  }
0x19: {  	[bflag:$0x0] =	sbarrier.arrive $0xFFFF  }
0x1a: {  	[tilespmem:s3], [sflag:$0x1] =	stream.linear.gather [hbm4b:s6+s3], $0x1400, $0x38;
	[tilespmem:$0xE300] =	vst v63  }
0x1b: {  	_ =	swait.ge [sflag:s11], $0x1400  }
0x1c: {  	[sflag:s11] =	ssyncset.done $0x0  }
0x1d: {  	s21 =	sadd.s32 $0x0, s9;
	[sflag:s11] =	ssyncadd.s32 $0xFFFFEC00  }
0x1e: {  	[tilespmem:s10], [sflag:$0x1] =	stream.linear.gather [hbm4b:s21+s3], $0x8000, $0x38;
	[tilespmem:$0xE300] =	vst v63  }
0x1f: {  	_ =	swait.ge [sflag:s11], $0x8000  }
0x20: {  	[sflag:s11] =	ssyncset.done $0x0  }
0x21: {  	s23 =	simm.s32 $0x0;
	[sflag:s11] =	ssyncadd.s32 $0xFFFF8000  }
0x22: {  	[spmem:s2] =	stream.indirect.scatter.add.f32 [tilespmem:s10], [sflag:$0x1], $0x20, s23, s12, $0xb8;
	[tilespmem:$0xE300] =	vst v63  }
0x23: {  	_ =	swait.ge [sflag:s11], $0x1000  }
0x24: {  	[sflag:s11] =	ssyncset.done $0x0  }
0x25: {  	s24 =	simm.s32 $0x80;
	[sflag:s11] =	ssyncadd.s32 $0xFFFFF000  }
0x26: {  	[spmem:s2] =	stream.indirect.scatter.add.f32 [tilespmem:s13], [sflag:$0x1], $0x20, s24, s12, $0xb8;
	[tilespmem:$0xE300] =	vst v63  }
0x27: {  	_ =	swait.ge [sflag:s11], $0x1000  }
0x28: {  	[sflag:s11] =	ssyncset.done $0x0  }
0x29: {  	s25 =	simm.s32 $0x100;
	[sflag:s11] =	ssyncadd.s32 $0xFFFFF000  }
0x2a: {  	[spmem:s2] =	stream.indirect.scatter.add.f32 [tilespmem:s14], [sflag:$0x1], $0x20, s25, s12, $0xb8;
	[tilespmem:$0xE300] =	vst v63  }
0x2b: {  	_ =	swait.ge [sflag:s11], $0x1000  }
0x2c: {  	[sflag:s11] =	ssyncset.done $0x0  }
0x2d: {  	s26 =	simm.s32 $0x180;
	[sflag:s11] =	ssyncadd.s32 $0xFFFFF000  }
0x2e: {  	[spmem:s2] =	stream.indirect.scatter.add.f32 [tilespmem:s15], [sflag:$0x1], $0x20, s26, s12, $0xb8;
	[tilespmem:$0xE300] =	vst v63  }
0x2f: {  	_ =	swait.ge [sflag:s11], $0x1000  }
0x30: {  	[sflag:s11] =	ssyncset.done $0x0  }
0x31: {  	s28 =	simm.s32 $0x200;
	[sflag:s11] =	ssyncadd.s32 $0xFFFFF000  }
0x32: {  	[spmem:s2] =	stream.indirect.scatter.add.f32 [tilespmem:s16], [sflag:$0x1], $0x20, s28, s12, $0xb8;
	[tilespmem:$0xE300] =	vst v63  }
0x33: {  	_ =	swait.ge [sflag:s11], $0x1000  }
0x34: {  	[sflag:s11] =	ssyncset.done $0x0  }
0x35: {  	s29 =	simm.s32 $0x280;
	[sflag:s11] =	ssyncadd.s32 $0xFFFFF000  }
0x36: {  	[spmem:s2] =	stream.indirect.scatter.add.f32 [tilespmem:s17], [sflag:$0x1], $0x20, s29, s12, $0xb8;
	[tilespmem:$0xE300] =	vst v63  }
0x37: {  	_ =	swait.ge [sflag:s11], $0x1000  }
0x38: {  	[sflag:s11] =	ssyncset.done $0x0  }
0x39: {  	s30 =	simm.s32 $0x300;
	[sflag:s11] =	ssyncadd.s32 $0xFFFFF000  }
0x3a: {  	[spmem:s2] =	stream.indirect.scatter.add.f32 [tilespmem:s18], [sflag:$0x1], $0x20, s30, s12, $0xb8;
	[tilespmem:$0xE300] =	vst v63  }
0x3b: {  	_ =	swait.ge [sflag:s11], $0x1000  }
0x3c: {  	[sflag:s11] =	ssyncset.done $0x0  }
0x3d: {  	s31 =	simm.s32 $0x380;
	[sflag:s11] =	ssyncadd.s32 $0xFFFFF000  }
0x3e: {  	[spmem:s2] =	stream.indirect.scatter.add.f32 [tilespmem:s19], [sflag:$0x1], $0x20, s31, s12, $0xb8;
	[tilespmem:$0xE300] =	vst v63  }
0x3f: {  	_ =	swait.ge [sflag:s11], $0x1000  }
0x40: {  	s21 =	simm.s32 $0x1000;
	s23 =	simm.s32 $0x2000;
	[sflag:s11] =	ssyncset.done $0x0  }
.LBB2_2:
0x41: {  	s24 =	sadd.s32 s21, s9  }
0x42: {  	[sflag:s11] =	ssyncadd.s32 $0xFFFFF000;
	s25 =	smov.u32 s23;
	s22 =	sadd.s32 $0x1000, s23  }
0x43: {  	[tilespmem:s10], [sflag:$0x1] =	stream.linear.gather [hbm4b:s24+s3], $0x8000, $0x38;
	[tilespmem:$0xE300] =	vst v63  }
0x44: {  	p0 =	sne.s32 s23, $0x4000;
	_ =	swait.ge [sflag:s11], $0x8000  }
0x45: {  	[sflag:s11] =	ssyncset.done $0x0  }
0x46: {  	s23 =	sshra.s32 s21, $0x2;
	s21 =	smov.u32 s25;
	[sflag:s11] =	ssyncadd.s32 $0xFFFF8000  }
0x47: {  	[spmem:s2] =	stream.indirect.scatter.add.f32 [tilespmem:s10], [sflag:$0x1], $0x20, s23, s12, $0xb8;
	[tilespmem:$0xE300] =	vst v63  }
0x48: {  	_ =	swait.ge [sflag:s11], $0x1000  }
0x49: {  	[sflag:s11] =	ssyncset.done $0x0  }
0x4a: {  	s24 =	sadd.s32 $0x80, s23;
	[sflag:s11] =	ssyncadd.s32 $0xFFFFF000  }
0x4b: {  	[spmem:s2] =	stream.indirect.scatter.add.f32 [tilespmem:s13], [sflag:$0x1], $0x20, s24, s12, $0xb8;
	[tilespmem:$0xE300] =	vst v63  }
0x4c: {  	_ =	swait.ge [sflag:s11], $0x1000  }
0x4d: {  	[sflag:s11] =	ssyncset.done $0x0  }
0x4e: {  	s24 =	sadd.s32 $0x100, s23;
	[sflag:s11] =	ssyncadd.s32 $0xFFFFF000  }
0x4f: {  	[spmem:s2] =	stream.indirect.scatter.add.f32 [tilespmem:s14], [sflag:$0x1], $0x20, s24, s12, $0xb8;
	[tilespmem:$0xE300] =	vst v63  }
0x50: {  	_ =	swait.ge [sflag:s11], $0x1000  }
0x51: {  	[sflag:s11] =	ssyncset.done $0x0  }
0x52: {  	s24 =	sadd.s32 $0x180, s23;
	[sflag:s11] =	ssyncadd.s32 $0xFFFFF000  }
0x53: {  	[spmem:s2] =	stream.indirect.scatter.add.f32 [tilespmem:s15], [sflag:$0x1], $0x20, s24, s12, $0xb8;
	[tilespmem:$0xE300] =	vst v63  }
0x54: {  	_ =	swait.ge [sflag:s11], $0x1000  }
0x55: {  	[sflag:s11] =	ssyncset.done $0x0  }
0x56: {  	s24 =	sadd.s32 $0x200, s23;
	[sflag:s11] =	ssyncadd.s32 $0xFFFFF000  }
0x57: {  	[spmem:s2] =	stream.indirect.scatter.add.f32 [tilespmem:s16], [sflag:$0x1], $0x20, s24, s12, $0xb8;
	[tilespmem:$0xE300] =	vst v63  }
0x58: {  	_ =	swait.ge [sflag:s11], $0x1000  }
0x59: {  	[sflag:s11] =	ssyncset.done $0x0  }
0x5a: {  	s24 =	sadd.s32 $0x280, s23;
	[sflag:s11] =	ssyncadd.s32 $0xFFFFF000  }
0x5b: {  	[spmem:s2] =	stream.indirect.scatter.add.f32 [tilespmem:s17], [sflag:$0x1], $0x20, s24, s12, $0xb8;
	[tilespmem:$0xE300] =	vst v63  }
0x5c: {  	_ =	swait.ge [sflag:s11], $0x1000  }
0x5d: {  	[sflag:s11] =	ssyncset.done $0x0  }
0x5e: {  	s24 =	sadd.s32 $0x300, s23;
	[sflag:s11] =	ssyncadd.s32 $0xFFFFF000  }
0x5f: {  	[spmem:s2] =	stream.indirect.scatter.add.f32 [tilespmem:s18], [sflag:$0x1], $0x20, s24, s12, $0xb8;
	[tilespmem:$0xE300] =	vst v63  }
0x60: {  	_ =	swait.ge [sflag:s11], $0x1000  }
.Ltmp0:
0x61: {  	[sflag:s11] =	ssyncset.done $0x0;
	(pc) =	sbr.rel @p0 .LBB2_2-.Ltmp0, $4  }
0x62: {  	s23 =	sadd.s32 $0x380, s23;
	[sflag:s11] =	ssyncadd.s32 $0xFFFFF000  }
0x63: {  	[spmem:s2] =	stream.indirect.scatter.add.f32 [tilespmem:s19], [sflag:$0x1], $0x20, s23, s12, $0xb8;
	[tilespmem:$0xE300] =	vst v63  }
0x64: {  	_ =	swait.ge [sflag:s11], $0x1000  }
0x65: {  	s23 =	smov.u32 s22;
	[sflag:s11] =	ssyncset.done $0x0  }
0x66: {  	s22 =	sadd.s32 s21, s9;
	[sflag:s11] =	ssyncadd.s32 $0xFFFFF000  }
0x67: {  	[tilespmem:s10], [sflag:$0x1] =	stream.linear.gather [hbm4b:s22+s3], $0x8000, $0x38;
	[tilespmem:$0xE300] =	vst v63  }
0x68: {  	_ =	swait.ge [sflag:s11], $0x8000  }
0x69: {  	[sflag:s11] =	ssyncset.done $0x0  }
0x6a: {  	s24 =	sshra.s32 s21, $0x2;
	[sflag:s11] =	ssyncadd.s32 $0xFFFF8000  }
0x6b: {  	[spmem:s2] =	stream.indirect.scatter.add.f32 [tilespmem:s10], [sflag:$0x1], $0x20, s24, s12, $0xb8;
	[tilespmem:$0xE300] =	vst v63  }
0x6c: {  	_ =	swait.ge [sflag:s11], $0x1000  }
0x6d: {  	[sflag:s11] =	ssyncset.done $0x0  }
0x6e: {  	s25 =	sadd.s32 $0x80, s24;
	[sflag:s11] =	ssyncadd.s32 $0xFFFFF000  }
0x6f: {  	[spmem:s2] =	stream.indirect.scatter.add.f32 [tilespmem:s13], [sflag:$0x1], $0x20, s25, s12, $0xb8;
	[tilespmem:$0xE300] =	vst v63  }
0x70: {  	_ =	swait.ge [sflag:s11], $0x1000  }
0x71: {  	[sflag:s11] =	ssyncset.done $0x0  }
0x72: {  	s26 =	sadd.s32 $0x100, s24;
	[sflag:s11] =	ssyncadd.s32 $0xFFFFF000  }
0x73: {  	[spmem:s2] =	stream.indirect.scatter.add.f32 [tilespmem:s14], [sflag:$0x1], $0x20, s26, s12, $0xb8;
	[tilespmem:$0xE300] =	vst v63  }
0x74: {  	_ =	swait.ge [sflag:s11], $0x1000  }
0x75: {  	[sflag:s11] =	ssyncset.done $0x0  }
0x76: {  	s28 =	sadd.s32 $0x180, s24;
	[sflag:s11] =	ssyncadd.s32 $0xFFFFF000  }
0x77: {  	[spmem:s2] =	stream.indirect.scatter.add.f32 [tilespmem:s15], [sflag:$0x1], $0x20, s28, s12, $0xb8;
	[tilespmem:$0xE300] =	vst v63  }
0x78: {  	_ =	swait.ge [sflag:s11], $0x1000  }
0x79: {  	[sflag:s11] =	ssyncset.done $0x0  }
0x7a: {  	s29 =	sadd.s32 $0x200, s24;
	[sflag:s11] =	ssyncadd.s32 $0xFFFFF000  }
0x7b: {  	[spmem:s2] =	stream.indirect.scatter.add.f32 [tilespmem:s16], [sflag:$0x1], $0x20, s29, s12, $0xb8;
	[tilespmem:$0xE300] =	vst v63  }
0x7c: {  	_ =	swait.ge [sflag:s11], $0x1000  }
0x7d: {  	[sflag:s11] =	ssyncset.done $0x0  }
0x7e: {  	s30 =	sadd.s32 $0x280, s24;
	[sflag:s11] =	ssyncadd.s32 $0xFFFFF000  }
0x7f: {  	[spmem:s2] =	stream.indirect.scatter.add.f32 [tilespmem:s17], [sflag:$0x1], $0x20, s30, s12, $0xb8;
	[tilespmem:$0xE300] =	vst v63  }
0x80: {  	_ =	swait.ge [sflag:s11], $0x1000  }
0x81: {  	[sflag:s11] =	ssyncset.done $0x0  }
0x82: {  	s31 =	sadd.s32 $0x300, s24;
	[sflag:s11] =	ssyncadd.s32 $0xFFFFF000  }
0x83: {  	[spmem:s2] =	stream.indirect.scatter.add.f32 [tilespmem:s18], [sflag:$0x1], $0x20, s31, s12, $0xb8;
	[tilespmem:$0xE300] =	vst v63  }
0x84: {  	_ =	swait.ge [sflag:s11], $0x1000  }
0x85: {  	[sflag:s11] =	ssyncset.done $0x0  }
0x86: {  	s21 =	sadd.s32 $0x380, s24;
	[sflag:s11] =	ssyncadd.s32 $0xFFFFF000  }
0x87: {  	[spmem:s2] =	stream.indirect.scatter.add.f32 [tilespmem:s19], [sflag:$0x1], $0x20, s21, s12, $0xb8;
	[tilespmem:$0xE300] =	vst v63  }
0x88: {  	_ =	swait.ge [sflag:s11], $0x1000  }
0x89: {  	[sflag:s11] =	ssyncset.done $0x0  }
0x8a: {  	[sflag:s11] =	ssyncadd.s32 $0xFFFFF000  }
0x8b: {  	[bflag:$0x0] =	sbarrier.arrive $0xFFFF  }
0x8c: {  	[tilespmem:s10], [sflag:$0x1] =	stream.linear.gather [spmem:s5], $0x4F00, $0x38;
	[tilespmem:$0xE300] =	vst v63  }
0x8d: {  	s20 =	sadd.s32 $0x1, s20;
	_ =	swait.ge [sflag:s11], $0x4F00  }
0x8e: {  	p0 =	sne.s32 s20, s8;
	[sflag:s11] =	ssyncset.done $0x0  }
.Ltmp1:
0x8f: {  	[sflag:s11] =	ssyncadd.s32 $0xFFFFB100;
	(pc) =	sbr.rel @p0 .LBB2_1-.Ltmp1, $4  }
0x90: {  	[hbm4b:s7+s3] =	stream.linear.scatter [tilespmem:s10], [sflag:$0x1], $0x4F00, $0x38;
	[tilespmem:$0xE300] =	vst v63  }
0x91: {  	_ =	swait.ge [sflag:s11], $0x4F00  }
0x92: {  	[sflag:s11] =	ssyncset.done $0x0  }
0x93: {  	[sflag:s11] =	ssyncadd.s32 $0xFFFFB100  }
0x94: {  	_ =	sfence.sel $0x180000  }
0x95: {  	[bflag:$0x0] =	sbarrier.arrive $0xFFFF  }
0x96: {  	p0 =	sne.s32 s0, $0x0;
	_ =	strace $0x90000050  }
0x97: {  	s0 =	sadd.s32 @!p0 $0x100000, s1;
	[bflag:$0x2] =	sbarrier.arrive $0xFFFF  }
0x98: {  	[sflag:s0] =	ssyncadd.tile.s32 @!p0 $0x1;
	_ =	shalt  }
.Lfunc_end2:
_tile_overlayer_lowered:
.L_overlay_start_2:
0x99: {  	(tag) =	ssettag $0x2  }
0x9a: {  	s0 =	rddreg [dreg:$0x0];
	s2 =	stileid.u32  }
0x9b: {  	s1 =	rddreg [dreg:$0x1];
	p0 =	sne.s32 s2, $0x0  }
0x9c: {  	s3 =	rddreg [dreg:$0x2];
	[bflag:$0x3] =	sbarrier.arrive $0xFFFF;
	s2 =	simm.s32 @!p0 $0x1C01  }
0x9d: {  	[timem:s3], [sflag:s2] =	dma.local @!p0 [hbm:s0], s1  }
0x9e: {  	s0 =	simm.s32 @!p0 $0x1  }
0x9f: {  	_ =	swait.ge @!p0 [sflag:s0], s1  }
0xa0: {  	s1 =	ssub.s32 @!p0 $0x0, s1;
	[sflag:s0] =	ssyncset.done @!p0 $0x0  }
0xa1: {  	[sflag:s0] =	ssyncadd.s32 @!p0 s1  }
0xa2: {  	[bflag:$0x3] =	sbarrier.arrive $0xFFFF  }
0xa3: {  	_ =	shalt  }

// kernel: kernel.27.cloned.1.call-start
scs
__scs_entry_jumppad:
0x0: {  	(pc) =	sbr.rel $0x88, $3  }
0x1: {  	(tag) =	ssettag $0x0;
	lr =	simm.s32 $0x1  }
0x2: {  	[smem:$0x3F58] =	sst lr;
	_ =	strace $0xD0000000  }
0x3: {  	_ = 	snop  }
0x4: {  	_ = 	snop  }
0x5: {  	_ = 	snop  }
0x6: {  	_ = 	snop  }
0x7: {  	_ = 	snop  }
__scs_overlays_trampoline_lowered:
0x8: {  	[smem:$0x3F67] =	sst s0  }
0x9: {  	[smem:$0x3F68] =	sst s1  }
0xa: {  	[smem:$0x3F69] =	sst s2  }
0xb: {  	[smem:$0x3F6A] =	sst s3  }
0xc: {  	[smem:$0x3F6B] =	sst s4  }
0xd: {  	[smem:$0x3F6C] =	sst s5  }
0xe: {  	[smem:$0x3F6D] =	sst s6  }
0xf: {  	[smem:$0x3F6E] =	sst s7  }
0x10: {  	[smem:$0x3F6F] =	sst s8  }
0x11: {  	[smem:$0x3F70] =	sst s9;
	s0 =	simm.s32 @!p0 $0x0  }
0x12: {  	s1 =	sld [smem:$0x3F56];
	s0 =	simm.s32 @p0 $0x1  }
0x13: {  	[smem:$0x3F71] =	sst s0;
	s0 =	simm.s32 @!p1 $0x0  }
0x14: {  	s2 =	sld [smem:$0x3F55];
	s0 =	simm.s32 @p1 $0x1  }
0x15: {  	[smem:$0x3F72] =	sst s0;
	s0 =	simm.s32 @!p2 $0x0  }
0x16: {  	s3 =	sld [smem:$0x3FDB];
	s0 =	simm.s32 @p2 $0x1  }
0x17: {  	s4 =	simm.s32 $0x1BF5;
	[smem:$0x3F74] =	sst s0  }
0x18: {  	s0 =	sld [smem:$0x3F57];
	_ =	swait.ge [sflag:s4], $0x0  }
0x19: {  	s7 =	sld [smem:$0x3F58]  }
0x1a: {  	s8 =	sadd.s32 $0xFFFFE003, lr  }
0x1b: {  	s9 =	sadd.s32 $0xFFFFFEF7, lr;
	s5 =	simm.s32 $0xFFFFFFFF;
	p2 =	slt.u32 s8, $0xFFFFF086  }
0x1c: {  	p1 =	slt.u32 s9, $0xF7A;
	s5 =	simm.s32 @!p2 $0x0  }
0x1d: {  	s5 =	simm.s32 @p1 $0x1;
	p0 =	seq.s32 s7, s2  }
0x1e: {  	s7 =	smul.u32 @!p0 $0xF7A, s2;
	p2 =	seq.s32 @!p0 s5, $0x0  }
0x1f: {  	s9 =	smul.u32 $0xF7A, s1;
	s8 =	simm.s32 @!p0 $0x1BF5;
	p2 =	por !p2, p0  }
0x20: {  	[sflag:s8] =	ssyncset.s32 @!p0 $0xFFFFF086;
	s6 =	sadd.s32 @!p0 s3, s7;
	s7 =	simm.s32 @!p0 $0x108  }
0x21: {  	s3 =	sadd.s32 s3, s9;
	s6 =	sadd.s32 @!p0 $0x88, s6;
	s7 =	simm.s32 @p2 $0x1082  }
0x22: {  	[simem:s7], [sflag:s8] =	dma.local @!p0 [hbm:s6], $0xF7A  }
0x23: {  	s9 =	sor.u32 $0xD0000000, s2;
	s6 =	simm.s32 $0x108;
	_ =	swait.ge @!p0 [sflag:s8], $0x0  }
0x24: {  	s3 =	sadd.s32 $0x88, s3;
	s6 =	simm.s32 @!p1 $0x1082;
	[sflag:s4] =	ssyncset.s32 $0xFFFFF086  }
0x25: {  	[simem:s6], [sflag:s4] =	dma.local [hbm:s3], $0xF7A  }
0x26: {  	[smem:$0x3F58] =	sst s1;
	(tag) =	ssettag s2;
	_ =	strace s9  }
0x27: {  	s1 =	sld [smem:$0x3F68]  }
0x28: {  	s2 =	sld [smem:$0x3F69]  }
0x29: {  	s4 =	sld [smem:$0x3F6B]  }
0x2a: {  	p0 =	seq.s32 s5, $0x0;
	s5 =	sld [smem:$0x3F6C]  }
0x2b: {  	s6 =	sld [smem:$0x3F6D]  }
0x2c: {  	s7 =	sld [smem:$0x3F6E]  }
0x2d: {  	s3 =	simm.s32 $0x108;
	s8 =	sld [smem:$0x3F6F]  }
0x2e: {  	s3 =	simm.s32 @!p0 $0x1082;
	s9 =	sld [smem:$0x3F70]  }
0x2f: {  	lr =	sadd.s32 s0, s3;
	s0 =	sld [smem:$0x3F67]  }
0x30: {  	s3 =	sld [smem:$0x3F6A]  }
0x31: {  	[smem:$0x3F73] =	sst s10  }
0x32: {  	s10 =	sld [smem:$0x3F71];
	_ =	sdelay $0x3  }
0x33: {  	p0 =	seq.s32 s10, $0x1;
	s10 =	sld [smem:$0x3F73];
	_ =	sdelay $0x3  }
0x34: {  	[smem:$0x3F73] =	sst s10  }
0x35: {  	s10 =	sld [smem:$0x3F72];
	_ =	sdelay $0x3  }
0x36: {  	p1 =	seq.s32 s10, $0x1;
	s10 =	sld [smem:$0x3F73];
	_ =	sdelay $0x3  }
0x37: {  	[smem:$0x3F73] =	sst s10  }
0x38: {  	s10 =	sld [smem:$0x3F74]  }
0x39: {  	_ = 	snop;
	(pc) =	sbr.ind lr, $3  }
0x3a: {  	_ = 	snop  }
0x3b: {  	_ = 	snop  }
0x3c: {  	p2 =	seq.s32 s10, $0x1;
	s10 =	sld [smem:$0x3F73]  }
0x3d: {  	_ =	shalt  }
0x3e: {  	_ =	shalt  }
0x3f: {  	_ =	shalt  }
0x40: {  	_ =	shalt  }
0x41: {  	_ =	shalt  }
0x42: {  	_ =	shalt  }
0x43: {  	_ =	shalt  }
0x44: {  	_ =	shalt  }
0x45: {  	_ =	shalt  }
0x46: {  	_ =	shalt  }
0x47: {  	_ =	shalt  }
0x48: {  	_ =	shalt  }
0x49: {  	_ =	shalt  }
0x4a: {  	_ =	shalt  }
0x4b: {  	_ =	shalt  }
0x4c: {  	_ =	shalt  }
0x4d: {  	_ =	shalt  }
0x4e: {  	_ =	shalt  }
0x4f: {  	_ =	shalt  }
0x50: {  	_ =	shalt  }
0x51: {  	_ =	shalt  }
0x52: {  	_ =	shalt  }
0x53: {  	_ =	shalt  }
0x54: {  	_ =	shalt  }
0x55: {  	_ =	shalt  }
0x56: {  	_ =	shalt  }
0x57: {  	_ =	shalt  }
0x58: {  	_ =	shalt  }
0x59: {  	_ =	shalt  }
0x5a: {  	_ =	shalt  }
0x5b: {  	_ =	shalt  }
0x5c: {  	_ =	shalt  }
0x5d: {  	_ =	shalt  }
0x5e: {  	_ =	shalt  }
0x5f: {  	_ =	shalt  }
0x60: {  	_ =	shalt  }
0x61: {  	_ =	shalt  }
0x62: {  	_ =	shalt  }
0x63: {  	_ =	shalt  }
0x64: {  	_ =	shalt  }
0x65: {  	_ =	shalt  }
0x66: {  	_ =	shalt  }
0x67: {  	_ =	shalt  }
0x68: {  	_ =	shalt  }
0x69: {  	_ =	shalt  }
0x6a: {  	_ =	shalt  }
0x6b: {  	_ =	shalt  }
0x6c: {  	_ =	shalt  }
0x6d: {  	_ =	shalt  }
0x6e: {  	_ =	shalt  }
0x6f: {  	_ =	shalt  }
0x70: {  	_ =	shalt  }
0x71: {  	_ =	shalt  }
0x72: {  	_ =	shalt  }
0x73: {  	_ =	shalt  }
0x74: {  	_ =	shalt  }
0x75: {  	_ =	shalt  }
0x76: {  	_ =	shalt  }
0x77: {  	_ =	shalt  }
0x78: {  	_ =	shalt  }
0x79: {  	_ =	shalt  }
0x7a: {  	_ =	shalt  }
0x7b: {  	_ =	shalt  }
0x7c: {  	_ =	shalt  }
0x7d: {  	_ =	shalt  }
0x7e: {  	_ =	shalt  }
0x7f: {  	_ =	shalt  }
0x80: {  	_ =	shalt  }
0x81: {  	_ =	shalt  }
0x82: {  	_ =	shalt  }
0x83: {  	_ =	shalt  }
0x84: {  	_ =	shalt  }
0x85: {  	_ =	shalt  }
0x86: {  	_ =	shalt  }
0x87: {  	_ =	shalt  }
.Lfunc_end0:
.L_simem_size_0:
called_computation.4_lowered:
.L_overlay_start_0:
0x88: {  	s2 =	sld [smem:$0x3FD9]  }
0x89: {  	s3 =	sld [smem:$0x3FFE];
	_ =	sdelay $0x1  }
0x8a: {  	s1 =	srdreg.scid  }
0x8b: {  	s0 =	sand.u32 $0x1, s1  }
0x8c: {  	s16 =	sshll.u32 s0, $0xA;
	s2 =	sadd.s32 s3, s2  }
0x8d: {  	s2 =	sadd.s32 s2, s16  }
0x8e: {  	[smem:$0x3F7F] =	sst s2  }
0x8f: {  	_ = 	snop  }
0x90: {  	(tm) =	ssettm $0x1  }
0x91: {  	s17 =	sld [smem:$0x3FFB];
	_ =	sdelay $0x3  }
0x92: {  	_ =	strace s17  }
0x93: {  	s2 =	sld [smem:$0x3FFC];
	_ =	sdelay $0x3  }
0x94: {  	_ =	strace s2  }
0x95: {  	s2 =	sld [smem:$0x3FFD];
	_ =	sdelay $0x3  }
0x96: {  	_ =	strace s2  }
0x97: {  	_ =	strace $0x8FFFFFFF  }
0x98: {  	s18 =	sld [smem:$0x3FDB];
	_ =	sdelay $0x1  }
0x99: {  	s19 =	simm.s32 $_scs_section_size  }
0x9a: {  	s4 =	simm.s32 $_size__tile_overlayer_lowered;
	s5 =	simm.s32 $_tile_overlayer_lowered  }
0x9b: {  	s22 =	simm.s32 $0x1BFF;
	s21 =	sshll.u32 s5, $0x1;
	s2 =	sadd.s32 s19, s18  }
0x9c: {  	s6 =	simm.s32 $0x0;
	s20 =	sshll.u32 s4, $0x1;
	s4 =	sadd.s32 s21, s2  }
0x9d: {  	[timem:s6], [sflag:s22] =	dma.local [hbm:s4], s20  }
0x9e: {  	_ =	swait.ge [sflag:s22], s20  }
0x9f: {  	s3 =	ssub.s32 $0x0, s20;
	[sflag:s22] =	ssyncset.done $0x0  }
0xa0: {  	[sflag:s22] =	ssyncadd.s32 s3;
	_ =	sdelay $0x1  }
0xa1: {  	s23 =	simm.s32 $0x1B8B  }
0xa2: {  	_ =	swait.ge [sflag:s23], $0x1  }
0xa3: {  	[sflag:s23] =	ssyncset.done $0x0  }
0xa4: {  	s25 =	simm.s32 $0x1B8E;
	s24 =	sld [smem:$0x3FFE];
	[sflag:s23] =	ssyncadd.s32 $0xFFFFFFFF  }
0xa5: {  	s26 =	simm.s32 $execute0_lowered;
	[smem:$0x3FD2] =	sst s25  }
0xa6: {  	s4 =	sshll.u32 s26, $0x1;
	_ =	strace $0x80000052;
	[dreg:$0x1] =	wrdreg $0xFFFFFFFF  }
0xa7: {  	s28 =	simm.s32 $_size_execute0_lowered;
	s2 =	sadd.s32 s2, s4;
	[dreg:$0x0] =	wrdreg $0x0  }
0xa8: {  	s4 =	sshll.u32 s28, $0x1;
	[dreg:$0x2] =	wrdreg s2  }
0xa9: {  	[dreg:$0x3] =	wrdreg s4  }
0xaa: {  	[dreg:$0x4] =	wrdreg $0xC0  }
0xab: {  	_ =	task [dreg:s6], $0x5FFFF  }
0xac: {  	[dreg:$0x1] =	wrdreg $0xFFFFFFFF  }
0xad: {  	[dreg:$0x0] =	wrdreg $0x60  }
0xae: {  	[dreg:$0x2] =	wrdreg s24  }
0xaf: {  	[dreg:$0x3] =	wrdreg $0x9  }
0xb0: {  	_ =	task.clear_ibuf [dreg:s6], $0x4FFFF;
	_ =	strace $0x90000052  }
0xb1: {  	s29 =	simm.s32 $0x9;
	_ =	strace $0x80000054  }
0xb2: {  	_ =	swait.ge [sflag:s29], $0x1  }
0xb3: {  	[sflag:s29] =	ssyncadd.s32 $0xFFFFFFFF  }
0xb4: {  	_ =	strace $0x90000054  }
0xb5: {  	_ =	sfence  }
0xb6: {  	s30 =	sld [smem:$0x0];
	_ =	sdelay $0x2  }
0xb7: {  	s31 =	sshll.u32 s1, $0xD;
	s1 =	sshrl.u32 s1, $0x2  }
0xb8: {  	s3 =	sand.u32 $0x4000, s31;
	s1 =	sadd.s32 s1, s30  }
0xb9: {  	s0 =	sor.u32 s3, s0;
	s1 =	sshll.u32 s1, $0x11  }
0xba: {  	s0 =	sor.u32 s1, s0  }
0xbb: {  	s0 =	sadd.s32 $0x8F2B, s0  }
0xbc: {  	[sflag:s0] =	ssyncadd.remote.s32 $0x1  }
0xbd: {  	_ =	sfence.sel $0xFFFF  }
0xbe: {  	[dreg:$0x0] =	wrdreg $0xFFFFFFFF;
	(pc) =	sbr.abs _section_cstart, $3  }
0xbf: {  	[dreg:$0x1] =	wrdreg $0xFFFFFFFF  }
0xc0: {  	_ =	task.clear_ibuf [dreg:s6], $0x2FFFF;
	_ =	strace $0x9FFFFFFF  }
0xc1: {  	(tm) =	ssettm $0x7FFFFFFF  }
tec
execute0_lowered:
.L_overlay_start_1:
0x0: {  	(tag) =	ssettag $0x1  }
0x1: {  	s4 =	rddreg [dreg:$0x0]  }
0x2: {  	s0 =	rddreg [dreg:$0x1];
	s3 =	srdreg.scid  }
0x3: {  	s1 =	stileid.u32;
	s2 =	simm.s32 $0x0;
	s10 =	simm.s32 $0x2400  }
0x4: {  	s11 =	simm.s32 $0x3400;
	s12 =	simm.s32 $0x4400;
	s13 =	simm.s32 $0x5400  }
0x5: {  	s14 =	simm.s32 $0x6400;
	s15 =	simm.s32 $0x7400;
	s16 =	simm.s32 $0x8400  }
0x6: {  	s17 =	simm.s32 $0x1;
	s18 =	simm.s32 $0x0;
	s3 =	sand.u32 $0x1, s3  }
0x7: {  	s5 =	smul.u32 $0x50000, s1;
	[smem:$0x7FF] =	sst s2;
	s6 =	sshll.u32 s1, $0x1  }
0x8: {  	s7 =	smul.u32 $0x28000, s3;
	s6 =	sor.u32 s3, s6;
	s30 =	ssub.s32 $0x2, s3  }
0x9: {  	_ =	strace $0x80000053;
	s6 =	smul.u32 $0x280, s6;
	s8 =	sshrl.u32 s30, $0x1  }
0xa: {  	s3 =	sadd.s32 $0xBD000, s4;
	s5 =	sadd.s32 s7, s5;
	s31 =	ssub.s32 s30, s8  }
0xb: {  	s7 =	simm.s32 $0x2;
	s5 =	sshrl.u32 s5, $0x3;
	s6 =	sadd.s32 s6, s4  }
0xc: {  	s8 =	simm.s32 $0x80;
	s9 =	sadd.s32 s5, s4;
	s4 =	sadd.s32 $0x90E00, s6  }
0xd: {  	s5 =	smax.u32 s31, $0x1;
	s6 =	sadd.s32 $0x18AE00, s9;
	s9 =	simm.s32 $0x1400  }
.LBB2_1:
0xe: {  	[tilespmem:s2], [sflag:$0x2] =	stream.linear.gather [hbm4b:s4+s2], $0x1400, $0x38;
	[tilespmem:$0x9400] =	vst v63  }
0xf: {  	_ =	swait.ge [sflag:s7], $0x1400  }
0x10: {  	[sflag:s7] =	ssyncset.done $0x0  }
0x11: {  	s19 =	simm.s32 $0x0;
	[sflag:s7] =	ssyncadd.s32 $0xFFFFEC00  }
0x12: {  	[tilespmem:s9], [sflag:$0x1] =	stream.indirect.gather [hbm4b:s3+s8], $0x20, s19, s8, $0xb8;
	[tilespmem:$0x9400] =	vst v63  }
0x13: {  	s23 =	simm.s32 $0x80  }
0x14: {  	[tilespmem:s10], [sflag:$0x1] =	stream.indirect.gather [hbm4b:s3+s8], $0x20, s23, s8, $0xb8;
	[tilespmem:$0x9400] =	vst v63  }
0x15: {  	s24 =	simm.s32 $0x100  }
0x16: {  	[tilespmem:s11], [sflag:$0x1] =	stream.indirect.gather [hbm4b:s3+s8], $0x20, s24, s8, $0xb8;
	[tilespmem:$0x9400] =	vst v63  }
0x17: {  	s25 =	simm.s32 $0x180  }
0x18: {  	[tilespmem:s12], [sflag:$0x1] =	stream.indirect.gather [hbm4b:s3+s8], $0x20, s25, s8, $0xb8;
	[tilespmem:$0x9400] =	vst v63  }
0x19: {  	s26 =	simm.s32 $0x200  }
0x1a: {  	[tilespmem:s13], [sflag:$0x1] =	stream.indirect.gather [hbm4b:s3+s8], $0x20, s26, s8, $0xb8;
	[tilespmem:$0x9400] =	vst v63  }
0x1b: {  	s28 =	simm.s32 $0x280  }
0x1c: {  	[tilespmem:s14], [sflag:$0x1] =	stream.indirect.gather [hbm4b:s3+s8], $0x20, s28, s8, $0xb8;
	[tilespmem:$0x9400] =	vst v63  }
0x1d: {  	s29 =	simm.s32 $0x300  }
0x1e: {  	[tilespmem:s15], [sflag:$0x1] =	stream.indirect.gather [hbm4b:s3+s8], $0x20, s29, s8, $0xb8;
	[tilespmem:$0x9400] =	vst v63  }
0x1f: {  	s30 =	simm.s32 $0x380  }
0x20: {  	[tilespmem:s16], [sflag:$0x1] =	stream.indirect.gather [hbm4b:s3+s8], $0x20, s30, s8, $0xb8;
	[tilespmem:$0x9400] =	vst v63  }
0x21: {  	_ =	swait.ge [sflag:s17], $0x1000  }
0x22: {  	[sflag:s17] =	ssyncset.done $0x0  }
0x23: {  	[sflag:s17] =	ssyncadd.s32 $0xFFFFF000  }
0x24: {  	_ =	swait.ge [sflag:s17], $0x1000  }
0x25: {  	[sflag:s17] =	ssyncset.done $0x0  }
0x26: {  	[sflag:s17] =	ssyncadd.s32 $0xFFFFF000  }
0x27: {  	_ =	swait.ge [sflag:s17], $0x1000  }
0x28: {  	[sflag:s17] =	ssyncset.done $0x0  }
0x29: {  	[sflag:s17] =	ssyncadd.s32 $0xFFFFF000  }
0x2a: {  	_ =	swait.ge [sflag:s17], $0x1000  }
0x2b: {  	[sflag:s17] =	ssyncset.done $0x0  }
0x2c: {  	[sflag:s17] =	ssyncadd.s32 $0xFFFFF000  }
0x2d: {  	_ =	swait.ge [sflag:s17], $0x1000  }
0x2e: {  	[sflag:s17] =	ssyncset.done $0x0  }
0x2f: {  	[sflag:s17] =	ssyncadd.s32 $0xFFFFF000  }
0x30: {  	_ =	swait.ge [sflag:s17], $0x1000  }
0x31: {  	[sflag:s17] =	ssyncset.done $0x0  }
0x32: {  	[sflag:s17] =	ssyncadd.s32 $0xFFFFF000  }
0x33: {  	_ =	swait.ge [sflag:s17], $0x1000  }
0x34: {  	[sflag:s17] =	ssyncset.done $0x0  }
0x35: {  	[sflag:s17] =	ssyncadd.s32 $0xFFFFF000  }
0x36: {  	_ =	swait.ge [sflag:s17], $0x1000  }
0x37: {  	[sflag:s17] =	ssyncset.done $0x0  }
0x38: {  	s31 =	sadd.s32 $0x0, s6;
	[sflag:s17] =	ssyncadd.s32 $0xFFFFF000  }
0x39: {  	[hbm4b:s31+s2] =	stream.linear.scatter [tilespmem:s9], [sflag:$0x2], $0x8000, $0x38;
	[tilespmem:$0x9400] =	vst v63  }
0x3a: {  	_ =	swait.ge [sflag:s7], $0x8000  }
0x3b: {  	s22 =	simm.s32 $0x2000;
	s19 =	simm.s32 $0x1000;
	[sflag:s7] =	ssyncset.done $0x0  }
.LBB2_2:
0x3c: {  	s23 =	sshra.s32 s19, $0x2  }
0x3d: {  	[sflag:s7] =	ssyncadd.s32 $0xFFFF8000;
	s21 =	smov.u32 s22;
	s20 =	sadd.s32 $0x1000, s22  }
0x3e: {  	[tilespmem:s9], [sflag:$0x1] =	stream.indirect.gather [hbm4b:s3+s8], $0x20, s23, s8, $0xb8;
	[tilespmem:$0x9400] =	vst v63  }
0x3f: {  	p0 =	sne.s32 s22, $0x4000;
	s22 =	sadd.s32 $0x80, s23  }
0x40: {  	[tilespmem:s10], [sflag:$0x1] =	stream.indirect.gather [hbm4b:s3+s8], $0x20, s22, s8, $0xb8;
	[tilespmem:$0x9400] =	vst v63  }
0x41: {  	s22 =	sadd.s32 $0x100, s23  }
0x42: {  	[tilespmem:s11], [sflag:$0x1] =	stream.indirect.gather [hbm4b:s3+s8], $0x20, s22, s8, $0xb8;
	[tilespmem:$0x9400] =	vst v63  }
0x43: {  	s22 =	sadd.s32 $0x180, s23  }
0x44: {  	[tilespmem:s12], [sflag:$0x1] =	stream.indirect.gather [hbm4b:s3+s8], $0x20, s22, s8, $0xb8;
	[tilespmem:$0x9400] =	vst v63  }
0x45: {  	s22 =	sadd.s32 $0x200, s23  }
0x46: {  	[tilespmem:s13], [sflag:$0x1] =	stream.indirect.gather [hbm4b:s3+s8], $0x20, s22, s8, $0xb8;
	[tilespmem:$0x9400] =	vst v63  }
0x47: {  	s22 =	sadd.s32 $0x280, s23  }
0x48: {  	[tilespmem:s14], [sflag:$0x1] =	stream.indirect.gather [hbm4b:s3+s8], $0x20, s22, s8, $0xb8;
	[tilespmem:$0x9400] =	vst v63  }
0x49: {  	s22 =	sadd.s32 $0x300, s23  }
0x4a: {  	[tilespmem:s15], [sflag:$0x1] =	stream.indirect.gather [hbm4b:s3+s8], $0x20, s22, s8, $0xb8;
	[tilespmem:$0x9400] =	vst v63  }
0x4b: {  	s22 =	sadd.s32 $0x380, s23  }
0x4c: {  	[tilespmem:s16], [sflag:$0x1] =	stream.indirect.gather [hbm4b:s3+s8], $0x20, s22, s8, $0xb8;
	[tilespmem:$0x9400] =	vst v63  }
0x4d: {  	_ =	swait.ge [sflag:s17], $0x1000  }
0x4e: {  	[sflag:s17] =	ssyncset.done $0x0  }
0x4f: {  	[sflag:s17] =	ssyncadd.s32 $0xFFFFF000  }
0x50: {  	_ =	swait.ge [sflag:s17], $0x1000  }
0x51: {  	[sflag:s17] =	ssyncset.done $0x0  }
0x52: {  	[sflag:s17] =	ssyncadd.s32 $0xFFFFF000  }
0x53: {  	_ =	swait.ge [sflag:s17], $0x1000  }
0x54: {  	[sflag:s17] =	ssyncset.done $0x0  }
0x55: {  	[sflag:s17] =	ssyncadd.s32 $0xFFFFF000  }
0x56: {  	_ =	swait.ge [sflag:s17], $0x1000  }
0x57: {  	[sflag:s17] =	ssyncset.done $0x0  }
0x58: {  	[sflag:s17] =	ssyncadd.s32 $0xFFFFF000  }
0x59: {  	_ =	swait.ge [sflag:s17], $0x1000  }
0x5a: {  	[sflag:s17] =	ssyncset.done $0x0  }
0x5b: {  	[sflag:s17] =	ssyncadd.s32 $0xFFFFF000  }
0x5c: {  	_ =	swait.ge [sflag:s17], $0x1000  }
0x5d: {  	[sflag:s17] =	ssyncset.done $0x0  }
0x5e: {  	[sflag:s17] =	ssyncadd.s32 $0xFFFFF000  }
0x5f: {  	_ =	swait.ge [sflag:s17], $0x1000  }
0x60: {  	[sflag:s17] =	ssyncset.done $0x0  }
0x61: {  	[sflag:s17] =	ssyncadd.s32 $0xFFFFF000  }
0x62: {  	_ =	swait.ge [sflag:s17], $0x1000  }
.Ltmp0:
0x63: {  	[sflag:s17] =	ssyncset.done $0x0;
	(pc) =	sbr.rel @p0 .LBB2_2-.Ltmp0, $4  }
0x64: {  	s22 =	sadd.s32 s19, s6;
	s19 =	smov.u32 s21;
	[sflag:s17] =	ssyncadd.s32 $0xFFFFF000  }
0x65: {  	[hbm4b:s22+s2] =	stream.linear.scatter [tilespmem:s9], [sflag:$0x2], $0x8000, $0x38;
	[tilespmem:$0x9400] =	vst v63  }
0x66: {  	_ =	swait.ge [sflag:s7], $0x8000  }
0x67: {  	s22 =	smov.u32 s20;
	[sflag:s7] =	ssyncset.done $0x0  }
0x68: {  	s20 =	sshra.s32 s19, $0x2;
	[sflag:s7] =	ssyncadd.s32 $0xFFFF8000  }
0x69: {  	[tilespmem:s9], [sflag:$0x1] =	stream.indirect.gather [hbm4b:s3+s8], $0x20, s20, s8, $0xb8;
	[tilespmem:$0x9400] =	vst v63  }
0x6a: {  	s21 =	sadd.s32 $0x80, s20  }
0x6b: {  	[tilespmem:s10], [sflag:$0x1] =	stream.indirect.gather [hbm4b:s3+s8], $0x20, s21, s8, $0xb8;
	[tilespmem:$0x9400] =	vst v63  }
0x6c: {  	s25 =	sadd.s32 $0x100, s20  }
0x6d: {  	[tilespmem:s11], [sflag:$0x1] =	stream.indirect.gather [hbm4b:s3+s8], $0x20, s25, s8, $0xb8;
	[tilespmem:$0x9400] =	vst v63  }
0x6e: {  	s26 =	sadd.s32 $0x180, s20  }
0x6f: {  	[tilespmem:s12], [sflag:$0x1] =	stream.indirect.gather [hbm4b:s3+s8], $0x20, s26, s8, $0xb8;
	[tilespmem:$0x9400] =	vst v63  }
0x70: {  	s28 =	sadd.s32 $0x200, s20  }
0x71: {  	[tilespmem:s13], [sflag:$0x1] =	stream.indirect.gather [hbm4b:s3+s8], $0x20, s28, s8, $0xb8;
	[tilespmem:$0x9400] =	vst v63  }
0x72: {  	s29 =	sadd.s32 $0x280, s20  }
0x73: {  	[tilespmem:s14], [sflag:$0x1] =	stream.indirect.gather [hbm4b:s3+s8], $0x20, s29, s8, $0xb8;
	[tilespmem:$0x9400] =	vst v63  }
0x74: {  	s30 =	sadd.s32 $0x300, s20  }
0x75: {  	[tilespmem:s15], [sflag:$0x1] =	stream.indirect.gather [hbm4b:s3+s8], $0x20, s30, s8, $0xb8;
	[tilespmem:$0x9400] =	vst v63  }
0x76: {  	s20 =	sadd.s32 $0x380, s20  }
0x77: {  	[tilespmem:s16], [sflag:$0x1] =	stream.indirect.gather [hbm4b:s3+s8], $0x20, s20, s8, $0xb8;
	[tilespmem:$0x9400] =	vst v63  }
0x78: {  	_ =	swait.ge [sflag:s17], $0x1000  }
0x79: {  	[sflag:s17] =	ssyncset.done $0x0  }
0x7a: {  	[sflag:s17] =	ssyncadd.s32 $0xFFFFF000  }
0x7b: {  	_ =	swait.ge [sflag:s17], $0x1000  }
0x7c: {  	[sflag:s17] =	ssyncset.done $0x0  }
0x7d: {  	[sflag:s17] =	ssyncadd.s32 $0xFFFFF000  }
0x7e: {  	_ =	swait.ge [sflag:s17], $0x1000  }
0x7f: {  	[sflag:s17] =	ssyncset.done $0x0  }
0x80: {  	[sflag:s17] =	ssyncadd.s32 $0xFFFFF000  }
0x81: {  	_ =	swait.ge [sflag:s17], $0x1000  }
0x82: {  	[sflag:s17] =	ssyncset.done $0x0  }
0x83: {  	[sflag:s17] =	ssyncadd.s32 $0xFFFFF000  }
0x84: {  	_ =	swait.ge [sflag:s17], $0x1000  }
0x85: {  	[sflag:s17] =	ssyncset.done $0x0  }
0x86: {  	[sflag:s17] =	ssyncadd.s32 $0xFFFFF000  }
0x87: {  	_ =	swait.ge [sflag:s17], $0x1000  }
0x88: {  	[sflag:s17] =	ssyncset.done $0x0  }
0x89: {  	[sflag:s17] =	ssyncadd.s32 $0xFFFFF000  }
0x8a: {  	_ =	swait.ge [sflag:s17], $0x1000  }
0x8b: {  	[sflag:s17] =	ssyncset.done $0x0  }
0x8c: {  	[sflag:s17] =	ssyncadd.s32 $0xFFFFF000  }
0x8d: {  	s18 =	sadd.s32 $0x1, s18;
	_ =	swait.ge [sflag:s17], $0x1000  }
0x8e: {  	p0 =	sne.s32 s18, s5;
	[sflag:s17] =	ssyncset.done $0x0  }
.Ltmp1:
0x8f: {  	s31 =	sadd.s32 s19, s6;
	[sflag:s17] =	ssyncadd.s32 $0xFFFFF000;
	(pc) =	sbr.rel @p0 .LBB2_1-.Ltmp1, $4  }
0x90: {  	[hbm4b:s31+s2] =	stream.linear.scatter [tilespmem:s9], [sflag:$0x2], $0x8000, $0x38;
	[tilespmem:$0x9400] =	vst v63  }
0x91: {  	_ =	swait.ge [sflag:s7], $0x8000  }
0x92: {  	[sflag:s7] =	ssyncset.done $0x0  }
0x93: {  	[sflag:s7] =	ssyncadd.s32 $0xFFFF8000  }
0x94: {  	_ =	sfence.sel $0x180000  }
0x95: {  	[bflag:$0x0] =	sbarrier.arrive $0xFFFF  }
0x96: {  	p0 =	sne.s32 s1, $0x0;
	_ =	strace $0x90000053  }
0x97: {  	s0 =	sadd.s32 @!p0 $0x100000, s0;
	[bflag:$0x2] =	sbarrier.arrive $0xFFFF  }
0x98: {  	[sflag:s0] =	ssyncadd.tile.s32 @!p0 $0x1;
	_ =	shalt  }
.Lfunc_end2:
_tile_overlayer_lowered:
.L_overlay_start_2:
0x99: {  	(tag) =	ssettag $0x2  }
0x9a: {  	s0 =	rddreg [dreg:$0x0];
	s2 =	stileid.u32  }
0x9b: {  	s1 =	rddreg [dreg:$0x1];
	p0 =	sne.s32 s2, $0x0  }
0x9c: {  	s3 =	rddreg [dreg:$0x2];
	[bflag:$0x3] =	sbarrier.arrive $0xFFFF;
	s2 =	simm.s32 @!p0 $0x1C02  }
0x9d: {  	[timem:s3], [sflag:s2] =	dma.local @!p0 [hbm:s0], s1  }
0x9e: {  	s0 =	simm.s32 @!p0 $0x2  }
0x9f: {  	_ =	swait.ge @!p0 [sflag:s0], s1  }
0xa0: {  	s1 =	ssub.s32 @!p0 $0x0, s1;
	[sflag:s0] =	ssyncset.done @!p0 $0x0  }
0xa1: {  	[sflag:s0] =	ssyncadd.s32 @!p0 s1  }
0xa2: {  	[bflag:$0x3] =	sbarrier.arrive $0xFFFF  }
0xa3: {  	_ =	shalt  }

// kernel: kernel.30.cloned.1.call-start
scs
__scs_entry_jumppad:
0x0: {  	(pc) =	sbr.rel $0x88, $3  }
0x1: {  	(tag) =	ssettag $0x0;
	lr =	simm.s32 $0x1  }
0x2: {  	[smem:$0x3F58] =	sst lr;
	_ =	strace $0xD0000000  }
0x3: {  	_ = 	snop  }
0x4: {  	_ = 	snop  }
0x5: {  	_ = 	snop  }
0x6: {  	_ = 	snop  }
0x7: {  	_ = 	snop  }
__scs_overlays_trampoline_lowered:
0x8: {  	[smem:$0x3F67] =	sst s0  }
0x9: {  	[smem:$0x3F68] =	sst s1  }
0xa: {  	[smem:$0x3F69] =	sst s2  }
0xb: {  	[smem:$0x3F6A] =	sst s3  }
0xc: {  	[smem:$0x3F6B] =	sst s4  }
0xd: {  	[smem:$0x3F6C] =	sst s5  }
0xe: {  	[smem:$0x3F6D] =	sst s6  }
0xf: {  	[smem:$0x3F6E] =	sst s7  }
0x10: {  	[smem:$0x3F6F] =	sst s8  }
0x11: {  	[smem:$0x3F70] =	sst s9;
	s0 =	simm.s32 @!p0 $0x0  }
0x12: {  	s1 =	sld [smem:$0x3F56];
	s0 =	simm.s32 @p0 $0x1  }
0x13: {  	[smem:$0x3F71] =	sst s0;
	s0 =	simm.s32 @!p1 $0x0  }
0x14: {  	s2 =	sld [smem:$0x3F55];
	s0 =	simm.s32 @p1 $0x1  }
0x15: {  	[smem:$0x3F72] =	sst s0;
	s0 =	simm.s32 @!p2 $0x0  }
0x16: {  	s3 =	sld [smem:$0x3FDB];
	s0 =	simm.s32 @p2 $0x1  }
0x17: {  	s4 =	simm.s32 $0x1BF5;
	[smem:$0x3F74] =	sst s0  }
0x18: {  	s0 =	sld [smem:$0x3F57];
	_ =	swait.ge [sflag:s4], $0x0  }
0x19: {  	s7 =	sld [smem:$0x3F58]  }
0x1a: {  	s8 =	sadd.s32 $0xFFFFE003, lr  }
0x1b: {  	s9 =	sadd.s32 $0xFFFFFEF7, lr;
	s5 =	simm.s32 $0xFFFFFFFF;
	p2 =	slt.u32 s8, $0xFFFFF086  }
0x1c: {  	p1 =	slt.u32 s9, $0xF7A;
	s5 =	simm.s32 @!p2 $0x0  }
0x1d: {  	s5 =	simm.s32 @p1 $0x1;
	p0 =	seq.s32 s7, s2  }
0x1e: {  	s7 =	smul.u32 @!p0 $0xF7A, s2;
	p2 =	seq.s32 @!p0 s5, $0x0  }
0x1f: {  	s9 =	smul.u32 $0xF7A, s1;
	s8 =	simm.s32 @!p0 $0x1BF5;
	p2 =	por !p2, p0  }
0x20: {  	[sflag:s8] =	ssyncset.s32 @!p0 $0xFFFFF086;
	s6 =	sadd.s32 @!p0 s3, s7;
	s7 =	simm.s32 @!p0 $0x108  }
0x21: {  	s3 =	sadd.s32 s3, s9;
	s6 =	sadd.s32 @!p0 $0x88, s6;
	s7 =	simm.s32 @p2 $0x1082  }
0x22: {  	[simem:s7], [sflag:s8] =	dma.local @!p0 [hbm:s6], $0xF7A  }
0x23: {  	s9 =	sor.u32 $0xD0000000, s2;
	s6 =	simm.s32 $0x108;
	_ =	swait.ge @!p0 [sflag:s8], $0x0  }
0x24: {  	s3 =	sadd.s32 $0x88, s3;
	s6 =	simm.s32 @!p1 $0x1082;
	[sflag:s4] =	ssyncset.s32 $0xFFFFF086  }
0x25: {  	[simem:s6], [sflag:s4] =	dma.local [hbm:s3], $0xF7A  }
0x26: {  	[smem:$0x3F58] =	sst s1;
	(tag) =	ssettag s2;
	_ =	strace s9  }
0x27: {  	s1 =	sld [smem:$0x3F68]  }
0x28: {  	s2 =	sld [smem:$0x3F69]  }
0x29: {  	s4 =	sld [smem:$0x3F6B]  }
0x2a: {  	p0 =	seq.s32 s5, $0x0;
	s5 =	sld [smem:$0x3F6C]  }
0x2b: {  	s6 =	sld [smem:$0x3F6D]  }
0x2c: {  	s7 =	sld [smem:$0x3F6E]  }
0x2d: {  	s3 =	simm.s32 $0x108;
	s8 =	sld [smem:$0x3F6F]  }
0x2e: {  	s3 =	simm.s32 @!p0 $0x1082;
	s9 =	sld [smem:$0x3F70]  }
0x2f: {  	lr =	sadd.s32 s0, s3;
	s0 =	sld [smem:$0x3F67]  }
0x30: {  	s3 =	sld [smem:$0x3F6A]  }
0x31: {  	[smem:$0x3F73] =	sst s10  }
0x32: {  	s10 =	sld [smem:$0x3F71];
	_ =	sdelay $0x3  }
0x33: {  	p0 =	seq.s32 s10, $0x1;
	s10 =	sld [smem:$0x3F73];
	_ =	sdelay $0x3  }
0x34: {  	[smem:$0x3F73] =	sst s10  }
0x35: {  	s10 =	sld [smem:$0x3F72];
	_ =	sdelay $0x3  }
0x36: {  	p1 =	seq.s32 s10, $0x1;
	s10 =	sld [smem:$0x3F73];
	_ =	sdelay $0x3  }
0x37: {  	[smem:$0x3F73] =	sst s10  }
0x38: {  	s10 =	sld [smem:$0x3F74]  }
0x39: {  	_ = 	snop;
	(pc) =	sbr.ind lr, $3  }
0x3a: {  	_ = 	snop  }
0x3b: {  	_ = 	snop  }
0x3c: {  	p2 =	seq.s32 s10, $0x1;
	s10 =	sld [smem:$0x3F73]  }
0x3d: {  	_ =	shalt  }
0x3e: {  	_ =	shalt  }
0x3f: {  	_ =	shalt  }
0x40: {  	_ =	shalt  }
0x41: {  	_ =	shalt  }
0x42: {  	_ =	shalt  }
0x43: {  	_ =	shalt  }
0x44: {  	_ =	shalt  }
0x45: {  	_ =	shalt  }
0x46: {  	_ =	shalt  }
0x47: {  	_ =	shalt  }
0x48: {  	_ =	shalt  }
0x49: {  	_ =	shalt  }
0x4a: {  	_ =	shalt  }
0x4b: {  	_ =	shalt  }
0x4c: {  	_ =	shalt  }
0x4d: {  	_ =	shalt  }
0x4e: {  	_ =	shalt  }
0x4f: {  	_ =	shalt  }
0x50: {  	_ =	shalt  }
0x51: {  	_ =	shalt  }
0x52: {  	_ =	shalt  }
0x53: {  	_ =	shalt  }
0x54: {  	_ =	shalt  }
0x55: {  	_ =	shalt  }
0x56: {  	_ =	shalt  }
0x57: {  	_ =	shalt  }
0x58: {  	_ =	shalt  }
0x59: {  	_ =	shalt  }
0x5a: {  	_ =	shalt  }
0x5b: {  	_ =	shalt  }
0x5c: {  	_ =	shalt  }
0x5d: {  	_ =	shalt  }
0x5e: {  	_ =	shalt  }
0x5f: {  	_ =	shalt  }
0x60: {  	_ =	shalt  }
0x61: {  	_ =	shalt  }
0x62: {  	_ =	shalt  }
0x63: {  	_ =	shalt  }
0x64: {  	_ =	shalt  }
0x65: {  	_ =	shalt  }
0x66: {  	_ =	shalt  }
0x67: {  	_ =	shalt  }
0x68: {  	_ =	shalt  }
0x69: {  	_ =	shalt  }
0x6a: {  	_ =	shalt  }
0x6b: {  	_ =	shalt  }
0x6c: {  	_ =	shalt  }
0x6d: {  	_ =	shalt  }
0x6e: {  	_ =	shalt  }
0x6f: {  	_ =	shalt  }
0x70: {  	_ =	shalt  }
0x71: {  	_ =	shalt  }
0x72: {  	_ =	shalt  }
0x73: {  	_ =	shalt  }
0x74: {  	_ =	shalt  }
0x75: {  	_ =	shalt  }
0x76: {  	_ =	shalt  }
0x77: {  	_ =	shalt  }
0x78: {  	_ =	shalt  }
0x79: {  	_ =	shalt  }
0x7a: {  	_ =	shalt  }
0x7b: {  	_ =	shalt  }
0x7c: {  	_ =	shalt  }
0x7d: {  	_ =	shalt  }
0x7e: {  	_ =	shalt  }
0x7f: {  	_ =	shalt  }
0x80: {  	_ =	shalt  }
0x81: {  	_ =	shalt  }
0x82: {  	_ =	shalt  }
0x83: {  	_ =	shalt  }
0x84: {  	_ =	shalt  }
0x85: {  	_ =	shalt  }
0x86: {  	_ =	shalt  }
0x87: {  	_ =	shalt  }
.Lfunc_end0:
.L_simem_size_0:
called_computation.5_lowered:
.L_overlay_start_0:
0x88: {  	s2 =	sld [smem:$0x3FD9]  }
0x89: {  	s3 =	sld [smem:$0x3FFE];
	_ =	sdelay $0x1  }
0x8a: {  	s1 =	srdreg.scid  }
0x8b: {  	s0 =	sand.u32 $0x1, s1  }
0x8c: {  	s16 =	sshll.u32 s0, $0xA;
	s2 =	sadd.s32 s3, s2  }
0x8d: {  	s2 =	sadd.s32 s2, s16  }
0x8e: {  	[smem:$0x3F7F] =	sst s2  }
0x8f: {  	_ = 	snop  }
0x90: {  	(tm) =	ssettm $0x1  }
0x91: {  	s17 =	sld [smem:$0x3FFB];
	_ =	sdelay $0x3  }
0x92: {  	_ =	strace s17  }
0x93: {  	s2 =	sld [smem:$0x3FFC];
	_ =	sdelay $0x3  }
0x94: {  	_ =	strace s2  }
0x95: {  	s2 =	sld [smem:$0x3FFD];
	_ =	sdelay $0x3  }
0x96: {  	_ =	strace s2  }
0x97: {  	_ =	strace $0x8FFFFFFF  }
0x98: {  	s18 =	sld [smem:$0x3FDB];
	_ =	sdelay $0x1  }
0x99: {  	s19 =	simm.s32 $_scs_section_size  }
0x9a: {  	s4 =	simm.s32 $_size__tile_overlayer_lowered;
	s5 =	simm.s32 $_tile_overlayer_lowered  }
0x9b: {  	s22 =	simm.s32 $0x1BFF;
	s21 =	sshll.u32 s5, $0x1;
	s2 =	sadd.s32 s19, s18  }
0x9c: {  	s6 =	simm.s32 $0x0;
	s20 =	sshll.u32 s4, $0x1;
	s4 =	sadd.s32 s21, s2  }
0x9d: {  	[timem:s6], [sflag:s22] =	dma.local [hbm:s4], s20  }
0x9e: {  	_ =	swait.ge [sflag:s22], s20  }
0x9f: {  	s3 =	ssub.s32 $0x0, s20;
	[sflag:s22] =	ssyncset.done $0x0  }
0xa0: {  	[sflag:s22] =	ssyncadd.s32 s3;
	_ =	sdelay $0x1  }
0xa1: {  	s23 =	simm.s32 $0x1B8B  }
0xa2: {  	_ =	swait.ge [sflag:s23], $0x1  }
0xa3: {  	[sflag:s23] =	ssyncset.done $0x0  }
0xa4: {  	s25 =	simm.s32 $0x1B8E;
	s24 =	sld [smem:$0x3FFE];
	[sflag:s23] =	ssyncadd.s32 $0xFFFFFFFF  }
0xa5: {  	s26 =	simm.s32 $execute0_lowered;
	[smem:$0x3FD2] =	sst s25  }
0xa6: {  	s4 =	sshll.u32 s26, $0x1;
	_ =	strace $0x80000055;
	[dreg:$0x1] =	wrdreg $0xFFFFFFFF  }
0xa7: {  	s28 =	simm.s32 $_size_execute0_lowered;
	s2 =	sadd.s32 s2, s4;
	[dreg:$0x0] =	wrdreg $0x0  }
0xa8: {  	s4 =	sshll.u32 s28, $0x1;
	[dreg:$0x2] =	wrdreg s2  }
0xa9: {  	[dreg:$0x3] =	wrdreg s4  }
0xaa: {  	[dreg:$0x4] =	wrdreg $0xC0  }
0xab: {  	_ =	task [dreg:s6], $0x5FFFF  }
0xac: {  	[dreg:$0x1] =	wrdreg $0xFFFFFFFF  }
0xad: {  	[dreg:$0x0] =	wrdreg $0x60  }
0xae: {  	[dreg:$0x2] =	wrdreg s24  }
0xaf: {  	[dreg:$0x3] =	wrdreg $0x94000  }
0xb0: {  	[dreg:$0x4] =	wrdreg $0x9  }
0xb1: {  	_ =	task.clear_ibuf [dreg:s6], $0x5FFFF;
	_ =	strace $0x90000055  }
0xb2: {  	s29 =	simm.s32 $0x9;
	_ =	strace $0x80000057  }
0xb3: {  	_ =	swait.ge [sflag:s29], $0x1  }
0xb4: {  	[sflag:s29] =	ssyncadd.s32 $0xFFFFFFFF  }
0xb5: {  	_ =	strace $0x90000057  }
0xb6: {  	_ =	sfence  }
0xb7: {  	s30 =	sld [smem:$0x0];
	_ =	sdelay $0x2  }
0xb8: {  	s31 =	sshll.u32 s1, $0xD;
	s1 =	sshrl.u32 s1, $0x2  }
0xb9: {  	s3 =	sand.u32 $0x4000, s31;
	s1 =	sadd.s32 s1, s30  }
0xba: {  	s0 =	sor.u32 s3, s0;
	s1 =	sshll.u32 s1, $0x11  }
0xbb: {  	s0 =	sor.u32 s1, s0  }
0xbc: {  	s0 =	sadd.s32 $0x8F2B, s0  }
0xbd: {  	[sflag:s0] =	ssyncadd.remote.s32 $0x1  }
0xbe: {  	_ =	sfence.sel $0xFFFF  }
0xbf: {  	[dreg:$0x0] =	wrdreg $0xFFFFFFFF;
	(pc) =	sbr.abs _section_cstart, $3  }
0xc0: {  	[dreg:$0x1] =	wrdreg $0xFFFFFFFF  }
0xc1: {  	_ =	task.clear_ibuf [dreg:s6], $0x2FFFF;
	_ =	strace $0x9FFFFFFF  }
0xc2: {  	(tm) =	ssettm $0x7FFFFFFF  }
0xc3: {  	_ =	shalt  }
tec
execute0_lowered:
.L_overlay_start_1:
0x0: {  	(tag) =	ssettag $0x1  }
0x1: {  	s1 =	srdreg.scid  }
0x2: {  	s0 =	stileid.u32;
	s6 =	rddreg [dreg:$0x0]  }
0x3: {  	s2 =	rddreg [dreg:$0x1];
	s3 =	simm.s32 $0x0;
	s12 =	simm.s32 $0x80  }
0x4: {  	s13 =	simm.s32 $0x2400;
	s14 =	simm.s32 $0x3400;
	s15 =	simm.s32 $0x4400  }
0x5: {  	s16 =	simm.s32 $0x5400;
	s17 =	simm.s32 $0x6400;
	s5 =	smul.u32 $0x50000, s0  }
0x6: {  	s18 =	simm.s32 $0x7400;
	s19 =	simm.s32 $0x8400;
	s9 =	smul.u32 $0x4F00, s0  }
0x7: {  	s20 =	simm.s32 $0x0;
	s4 =	sand.u32 $0x1, s1;
	s28 =	smul.u32 $0x9E0, s0  }
0x8: {  	s26 =	sshll.u32 s0, $0x1;
	[smem:$0x7FF] =	sst s3;
	s7 =	smul.u32 $0x28000, s4  }
0x9: {  	s1 =	sor.u32 s4, s26;
	s10 =	smul.u32 $0x9E00, s4;
	s4 =	ssub.s32 $0x2, s4  }
0xa: {  	s8 =	smul.u32 $0x280, s1;
	s1 =	rddreg [dreg:$0x2];
	_ =	strace $0x80000056  }
0xb: {  	s29 =	sshrl.u32 s9, $0x3;
	s30 =	sshrl.u32 s4, $0x1;
	s5 =	sadd.s32 s7, s5  }
0xc: {  	s7 =	sadd.s32 s28, s10;
	s31 =	ssub.s32 s4, s30;
	s10 =	simm.s32 $0x1400  }
0xd: {  	s5 =	sshrl.u32 s5, $0x3;
	s8 =	sadd.s32 s8, s6;
	s7 =	sadd.s32 s7, s6  }
0xe: {  	s11 =	sadd.s32 s5, s6;
	s5 =	sadd.s32 s29, s6;
	s6 =	sadd.s32 $0x185E00, s8  }
0xf: {  	s7 =	sadd.s32 $0xBD000, s7;
	s8 =	smax.u32 s31, $0x1;
	s4 =	sadd.s32 $0x82200, s5  }
0x10: {  	s5 =	sadd.s32 s9, s2;
	s9 =	sadd.s32 $0x18AE00, s11;
	s11 =	simm.s32 $0x1  }
.LBB2_1:
0x11: {  	[tilespmem:s10], [sflag:$0x1] =	stream.linear.gather [hbm4b:s4+s3], $0x4F00, $0x38;
	[tilespmem:$0xE300] =	vst v63  }
0x12: {  	_ =	swait.ge [sflag:s11], $0x4F00  }
0x13: {  	[sflag:s11] =	ssyncset.done $0x0  }
0x14: {  	[sflag:s11] =	ssyncadd.s32 $0xFFFFB100  }
0x15: {  	[spmem:s5] =	stream.linear.scatter [tilespmem:s10], [sflag:$0x1], $0x4F00, $0x38;
	[tilespmem:$0xE300] =	vst v63  }
0x16: {  	_ =	swait.ge [sflag:s11], $0x4F00  }
0x17: {  	[sflag:s11] =	ssyncset.done $0x0  }
0x18: {  	[sflag:s11] =	ssyncadd.s32 $0xFFFFB100  }
0x19: {  	[bflag:$0x0] =	sbarrier.arrive $0xFFFF  }
0x1a: {  	[tilespmem:s3], [sflag:$0x1] =	stream.linear.gather [hbm4b:s6+s3], $0x1400, $0x38;
	[tilespmem:$0xE300] =	vst v63  }
0x1b: {  	_ =	swait.ge [sflag:s11], $0x1400  }
0x1c: {  	[sflag:s11] =	ssyncset.done $0x0  }
0x1d: {  	s21 =	sadd.s32 $0x0, s9;
	[sflag:s11] =	ssyncadd.s32 $0xFFFFEC00  }
0x1e: {  	[tilespmem:s10], [sflag:$0x1] =	stream.linear.gather [hbm4b:s21+s3], $0x8000, $0x38;
	[tilespmem:$0xE300] =	vst v63  }
0x1f: {  	_ =	swait.ge [sflag:s11], $0x8000  }
0x20: {  	[sflag:s11] =	ssyncset.done $0x0  }
0x21: {  	s23 =	simm.s32 $0x0;
	[sflag:s11] =	ssyncadd.s32 $0xFFFF8000  }
0x22: {  	[spmem:s2] =	stream.indirect.scatter.add.f32 [tilespmem:s10], [sflag:$0x1], $0x20, s23, s12, $0xb8;
	[tilespmem:$0xE300] =	vst v63  }
0x23: {  	_ =	swait.ge [sflag:s11], $0x1000  }
0x24: {  	[sflag:s11] =	ssyncset.done $0x0  }
0x25: {  	s24 =	simm.s32 $0x80;
	[sflag:s11] =	ssyncadd.s32 $0xFFFFF000  }
0x26: {  	[spmem:s2] =	stream.indirect.scatter.add.f32 [tilespmem:s13], [sflag:$0x1], $0x20, s24, s12, $0xb8;
	[tilespmem:$0xE300] =	vst v63  }
0x27: {  	_ =	swait.ge [sflag:s11], $0x1000  }
0x28: {  	[sflag:s11] =	ssyncset.done $0x0  }
0x29: {  	s25 =	simm.s32 $0x100;
	[sflag:s11] =	ssyncadd.s32 $0xFFFFF000  }
0x2a: {  	[spmem:s2] =	stream.indirect.scatter.add.f32 [tilespmem:s14], [sflag:$0x1], $0x20, s25, s12, $0xb8;
	[tilespmem:$0xE300] =	vst v63  }
0x2b: {  	_ =	swait.ge [sflag:s11], $0x1000  }
0x2c: {  	[sflag:s11] =	ssyncset.done $0x0  }
0x2d: {  	s26 =	simm.s32 $0x180;
	[sflag:s11] =	ssyncadd.s32 $0xFFFFF000  }
0x2e: {  	[spmem:s2] =	stream.indirect.scatter.add.f32 [tilespmem:s15], [sflag:$0x1], $0x20, s26, s12, $0xb8;
	[tilespmem:$0xE300] =	vst v63  }
0x2f: {  	_ =	swait.ge [sflag:s11], $0x1000  }
0x30: {  	[sflag:s11] =	ssyncset.done $0x0  }
0x31: {  	s28 =	simm.s32 $0x200;
	[sflag:s11] =	ssyncadd.s32 $0xFFFFF000  }
0x32: {  	[spmem:s2] =	stream.indirect.scatter.add.f32 [tilespmem:s16], [sflag:$0x1], $0x20, s28, s12, $0xb8;
	[tilespmem:$0xE300] =	vst v63  }
0x33: {  	_ =	swait.ge [sflag:s11], $0x1000  }
0x34: {  	[sflag:s11] =	ssyncset.done $0x0  }
0x35: {  	s29 =	simm.s32 $0x280;
	[sflag:s11] =	ssyncadd.s32 $0xFFFFF000  }
0x36: {  	[spmem:s2] =	stream.indirect.scatter.add.f32 [tilespmem:s17], [sflag:$0x1], $0x20, s29, s12, $0xb8;
	[tilespmem:$0xE300] =	vst v63  }
0x37: {  	_ =	swait.ge [sflag:s11], $0x1000  }
0x38: {  	[sflag:s11] =	ssyncset.done $0x0  }
0x39: {  	s30 =	simm.s32 $0x300;
	[sflag:s11] =	ssyncadd.s32 $0xFFFFF000  }
0x3a: {  	[spmem:s2] =	stream.indirect.scatter.add.f32 [tilespmem:s18], [sflag:$0x1], $0x20, s30, s12, $0xb8;
	[tilespmem:$0xE300] =	vst v63  }
0x3b: {  	_ =	swait.ge [sflag:s11], $0x1000  }
0x3c: {  	[sflag:s11] =	ssyncset.done $0x0  }
0x3d: {  	s31 =	simm.s32 $0x380;
	[sflag:s11] =	ssyncadd.s32 $0xFFFFF000  }
0x3e: {  	[spmem:s2] =	stream.indirect.scatter.add.f32 [tilespmem:s19], [sflag:$0x1], $0x20, s31, s12, $0xb8;
	[tilespmem:$0xE300] =	vst v63  }
0x3f: {  	_ =	swait.ge [sflag:s11], $0x1000  }
0x40: {  	s21 =	simm.s32 $0x1000;
	s23 =	simm.s32 $0x2000;
	[sflag:s11] =	ssyncset.done $0x0  }
.LBB2_2:
0x41: {  	s24 =	sadd.s32 s21, s9  }
0x42: {  	[sflag:s11] =	ssyncadd.s32 $0xFFFFF000;
	s25 =	smov.u32 s23;
	s22 =	sadd.s32 $0x1000, s23  }
0x43: {  	[tilespmem:s10], [sflag:$0x1] =	stream.linear.gather [hbm4b:s24+s3], $0x8000, $0x38;
	[tilespmem:$0xE300] =	vst v63  }
0x44: {  	p0 =	sne.s32 s23, $0x4000;
	_ =	swait.ge [sflag:s11], $0x8000  }
0x45: {  	[sflag:s11] =	ssyncset.done $0x0  }
0x46: {  	s23 =	sshra.s32 s21, $0x2;
	s21 =	smov.u32 s25;
	[sflag:s11] =	ssyncadd.s32 $0xFFFF8000  }
0x47: {  	[spmem:s2] =	stream.indirect.scatter.add.f32 [tilespmem:s10], [sflag:$0x1], $0x20, s23, s12, $0xb8;
	[tilespmem:$0xE300] =	vst v63  }
0x48: {  	_ =	swait.ge [sflag:s11], $0x1000  }
0x49: {  	[sflag:s11] =	ssyncset.done $0x0  }
0x4a: {  	s24 =	sadd.s32 $0x80, s23;
	[sflag:s11] =	ssyncadd.s32 $0xFFFFF000  }
0x4b: {  	[spmem:s2] =	stream.indirect.scatter.add.f32 [tilespmem:s13], [sflag:$0x1], $0x20, s24, s12, $0xb8;
	[tilespmem:$0xE300] =	vst v63  }
0x4c: {  	_ =	swait.ge [sflag:s11], $0x1000  }
0x4d: {  	[sflag:s11] =	ssyncset.done $0x0  }
0x4e: {  	s24 =	sadd.s32 $0x100, s23;
	[sflag:s11] =	ssyncadd.s32 $0xFFFFF000  }
0x4f: {  	[spmem:s2] =	stream.indirect.scatter.add.f32 [tilespmem:s14], [sflag:$0x1], $0x20, s24, s12, $0xb8;
	[tilespmem:$0xE300] =	vst v63  }
0x50: {  	_ =	swait.ge [sflag:s11], $0x1000  }
0x51: {  	[sflag:s11] =	ssyncset.done $0x0  }
0x52: {  	s24 =	sadd.s32 $0x180, s23;
	[sflag:s11] =	ssyncadd.s32 $0xFFFFF000  }
0x53: {  	[spmem:s2] =	stream.indirect.scatter.add.f32 [tilespmem:s15], [sflag:$0x1], $0x20, s24, s12, $0xb8;
	[tilespmem:$0xE300] =	vst v63  }
0x54: {  	_ =	swait.ge [sflag:s11], $0x1000  }
0x55: {  	[sflag:s11] =	ssyncset.done $0x0  }
0x56: {  	s24 =	sadd.s32 $0x200, s23;
	[sflag:s11] =	ssyncadd.s32 $0xFFFFF000  }
0x57: {  	[spmem:s2] =	stream.indirect.scatter.add.f32 [tilespmem:s16], [sflag:$0x1], $0x20, s24, s12, $0xb8;
	[tilespmem:$0xE300] =	vst v63  }
0x58: {  	_ =	swait.ge [sflag:s11], $0x1000  }
0x59: {  	[sflag:s11] =	ssyncset.done $0x0  }
0x5a: {  	s24 =	sadd.s32 $0x280, s23;
	[sflag:s11] =	ssyncadd.s32 $0xFFFFF000  }
0x5b: {  	[spmem:s2] =	stream.indirect.scatter.add.f32 [tilespmem:s17], [sflag:$0x1], $0x20, s24, s12, $0xb8;
	[tilespmem:$0xE300] =	vst v63  }
0x5c: {  	_ =	swait.ge [sflag:s11], $0x1000  }
0x5d: {  	[sflag:s11] =	ssyncset.done $0x0  }
0x5e: {  	s24 =	sadd.s32 $0x300, s23;
	[sflag:s11] =	ssyncadd.s32 $0xFFFFF000  }
0x5f: {  	[spmem:s2] =	stream.indirect.scatter.add.f32 [tilespmem:s18], [sflag:$0x1], $0x20, s24, s12, $0xb8;
	[tilespmem:$0xE300] =	vst v63  }
0x60: {  	_ =	swait.ge [sflag:s11], $0x1000  }
.Ltmp0:
0x61: {  	[sflag:s11] =	ssyncset.done $0x0;
	(pc) =	sbr.rel @p0 .LBB2_2-.Ltmp0, $4  }
0x62: {  	s23 =	sadd.s32 $0x380, s23;
	[sflag:s11] =	ssyncadd.s32 $0xFFFFF000  }
0x63: {  	[spmem:s2] =	stream.indirect.scatter.add.f32 [tilespmem:s19], [sflag:$0x1], $0x20, s23, s12, $0xb8;
	[tilespmem:$0xE300] =	vst v63  }
0x64: {  	_ =	swait.ge [sflag:s11], $0x1000  }
0x65: {  	s23 =	smov.u32 s22;
	[sflag:s11] =	ssyncset.done $0x0  }
0x66: {  	s22 =	sadd.s32 s21, s9;
	[sflag:s11] =	ssyncadd.s32 $0xFFFFF000  }
0x67: {  	[tilespmem:s10], [sflag:$0x1] =	stream.linear.gather [hbm4b:s22+s3], $0x8000, $0x38;
	[tilespmem:$0xE300] =	vst v63  }
0x68: {  	_ =	swait.ge [sflag:s11], $0x8000  }
0x69: {  	[sflag:s11] =	ssyncset.done $0x0  }
0x6a: {  	s24 =	sshra.s32 s21, $0x2;
	[sflag:s11] =	ssyncadd.s32 $0xFFFF8000  }
0x6b: {  	[spmem:s2] =	stream.indirect.scatter.add.f32 [tilespmem:s10], [sflag:$0x1], $0x20, s24, s12, $0xb8;
	[tilespmem:$0xE300] =	vst v63  }
0x6c: {  	_ =	swait.ge [sflag:s11], $0x1000  }
0x6d: {  	[sflag:s11] =	ssyncset.done $0x0  }
0x6e: {  	s25 =	sadd.s32 $0x80, s24;
	[sflag:s11] =	ssyncadd.s32 $0xFFFFF000  }
0x6f: {  	[spmem:s2] =	stream.indirect.scatter.add.f32 [tilespmem:s13], [sflag:$0x1], $0x20, s25, s12, $0xb8;
	[tilespmem:$0xE300] =	vst v63  }
0x70: {  	_ =	swait.ge [sflag:s11], $0x1000  }
0x71: {  	[sflag:s11] =	ssyncset.done $0x0  }
0x72: {  	s26 =	sadd.s32 $0x100, s24;
	[sflag:s11] =	ssyncadd.s32 $0xFFFFF000  }
0x73: {  	[spmem:s2] =	stream.indirect.scatter.add.f32 [tilespmem:s14], [sflag:$0x1], $0x20, s26, s12, $0xb8;
	[tilespmem:$0xE300] =	vst v63  }
0x74: {  	_ =	swait.ge [sflag:s11], $0x1000  }
0x75: {  	[sflag:s11] =	ssyncset.done $0x0  }
0x76: {  	s28 =	sadd.s32 $0x180, s24;
	[sflag:s11] =	ssyncadd.s32 $0xFFFFF000  }
0x77: {  	[spmem:s2] =	stream.indirect.scatter.add.f32 [tilespmem:s15], [sflag:$0x1], $0x20, s28, s12, $0xb8;
	[tilespmem:$0xE300] =	vst v63  }
0x78: {  	_ =	swait.ge [sflag:s11], $0x1000  }
0x79: {  	[sflag:s11] =	ssyncset.done $0x0  }
0x7a: {  	s29 =	sadd.s32 $0x200, s24;
	[sflag:s11] =	ssyncadd.s32 $0xFFFFF000  }
0x7b: {  	[spmem:s2] =	stream.indirect.scatter.add.f32 [tilespmem:s16], [sflag:$0x1], $0x20, s29, s12, $0xb8;
	[tilespmem:$0xE300] =	vst v63  }
0x7c: {  	_ =	swait.ge [sflag:s11], $0x1000  }
0x7d: {  	[sflag:s11] =	ssyncset.done $0x0  }
0x7e: {  	s30 =	sadd.s32 $0x280, s24;
	[sflag:s11] =	ssyncadd.s32 $0xFFFFF000  }
0x7f: {  	[spmem:s2] =	stream.indirect.scatter.add.f32 [tilespmem:s17], [sflag:$0x1], $0x20, s30, s12, $0xb8;
	[tilespmem:$0xE300] =	vst v63  }
0x80: {  	_ =	swait.ge [sflag:s11], $0x1000  }
0x81: {  	[sflag:s11] =	ssyncset.done $0x0  }
0x82: {  	s31 =	sadd.s32 $0x300, s24;
	[sflag:s11] =	ssyncadd.s32 $0xFFFFF000  }
0x83: {  	[spmem:s2] =	stream.indirect.scatter.add.f32 [tilespmem:s18], [sflag:$0x1], $0x20, s31, s12, $0xb8;
	[tilespmem:$0xE300] =	vst v63  }
0x84: {  	_ =	swait.ge [sflag:s11], $0x1000  }
0x85: {  	[sflag:s11] =	ssyncset.done $0x0  }
0x86: {  	s21 =	sadd.s32 $0x380, s24;
	[sflag:s11] =	ssyncadd.s32 $0xFFFFF000  }
0x87: {  	[spmem:s2] =	stream.indirect.scatter.add.f32 [tilespmem:s19], [sflag:$0x1], $0x20, s21, s12, $0xb8;
	[tilespmem:$0xE300] =	vst v63  }
0x88: {  	_ =	swait.ge [sflag:s11], $0x1000  }
0x89: {  	[sflag:s11] =	ssyncset.done $0x0  }
0x8a: {  	[sflag:s11] =	ssyncadd.s32 $0xFFFFF000  }
0x8b: {  	[bflag:$0x0] =	sbarrier.arrive $0xFFFF  }
0x8c: {  	[tilespmem:s10], [sflag:$0x1] =	stream.linear.gather [spmem:s5], $0x4F00, $0x38;
	[tilespmem:$0xE300] =	vst v63  }
0x8d: {  	s20 =	sadd.s32 $0x1, s20;
	_ =	swait.ge [sflag:s11], $0x4F00  }
0x8e: {  	p0 =	sne.s32 s20, s8;
	[sflag:s11] =	ssyncset.done $0x0  }
.Ltmp1:
0x8f: {  	[sflag:s11] =	ssyncadd.s32 $0xFFFFB100;
	(pc) =	sbr.rel @p0 .LBB2_1-.Ltmp1, $4  }
0x90: {  	[hbm4b:s7+s3] =	stream.linear.scatter [tilespmem:s10], [sflag:$0x1], $0x4F00, $0x38;
	[tilespmem:$0xE300] =	vst v63  }
0x91: {  	_ =	swait.ge [sflag:s11], $0x4F00  }
0x92: {  	[sflag:s11] =	ssyncset.done $0x0  }
0x93: {  	[sflag:s11] =	ssyncadd.s32 $0xFFFFB100  }
0x94: {  	_ =	sfence.sel $0x180000  }
0x95: {  	[bflag:$0x0] =	sbarrier.arrive $0xFFFF  }
0x96: {  	p0 =	sne.s32 s0, $0x0;
	_ =	strace $0x90000056  }
0x97: {  	s0 =	sadd.s32 @!p0 $0x100000, s1;
	[bflag:$0x2] =	sbarrier.arrive $0xFFFF  }
0x98: {  	[sflag:s0] =	ssyncadd.tile.s32 @!p0 $0x1;
	_ =	shalt  }
.Lfunc_end2:
_tile_overlayer_lowered:
.L_overlay_start_2:
0x99: {  	(tag) =	ssettag $0x2  }
0x9a: {  	s0 =	rddreg [dreg:$0x0];
	s2 =	stileid.u32  }
0x9b: {  	s1 =	rddreg [dreg:$0x1];
	p0 =	sne.s32 s2, $0x0  }
0x9c: {  	s3 =	rddreg [dreg:$0x2];
	[bflag:$0x3] =	sbarrier.arrive $0xFFFF;
	s2 =	simm.s32 @!p0 $0x1C01  }
0x9d: {  	[timem:s3], [sflag:s2] =	dma.local @!p0 [hbm:s0], s1  }
0x9e: {  	s0 =	simm.s32 @!p0 $0x1  }
0x9f: {  	_ =	swait.ge @!p0 [sflag:s0], s1  }
0xa0: {  	s1 =	ssub.s32 @!p0 $0x0, s1;
	[sflag:s0] =	ssyncset.done @!p0 $0x0  }
0xa1: {  	[sflag:s0] =	ssyncadd.s32 @!p0 s1  }
0xa2: {  	[bflag:$0x3] =	sbarrier.arrive $0xFFFF  }
0xa3: {  	_ =	shalt  }

</sc_bundles>
